<compile_context>
chip_gen: v7x
topology: tpu7x:2x2x1
jax: 0.10.2.dev20260603
libtpu: 0.0.44.dev20260713+nightly
codegen_flags: <defaults>
</compile_context>

<pallas_src>
import jax
import jax.numpy as jnp
from jax import lax
from jax.experimental import pallas as pl
from jax.experimental.pallas import tpu as pltpu
from jax.experimental.pallas import tpu_sc as plsc

_NUM_ENTITIES = 1000000
_NUM_RELATIONS = 100000
_DIM = 16
_NPAIR = _DIM // 2
_B = 16384
_MARGIN = 1.0
_WEIGHT_SOFT = 0.25

_NC = 2
_NS = 16
_NW = _NC * _NS
_PAIRS_PER_W = _B // _NW
_GSIZE = 16
_NGRP = _PAIRS_PER_W // _GSIZE

_EBLK = 65536
_EGRID = 16
_RBLK = 65536
_RGRID = 2



def _sc_relgather_kernel(pri_h, nri_h, *rest):
    rel_h = rest[:_NPAIR]
    nrm_h = rest[_NPAIR:2 * _NPAIR]
    out_h = rest[2 * _NPAIR]
    pri_v, nri_v, rp, npv, rn, nnv, sem = rest[2 * _NPAIR + 1:]

    wid = lax.axis_index("s") * _NC + lax.axis_index("c")
    base = wid * _PAIRS_PER_W
    pltpu.sync_copy(pri_h.at[pl.ds(base, _PAIRS_PER_W)], pri_v)
    pltpu.sync_copy(nri_h.at[pl.ds(base, _PAIRS_PER_W)], nri_v)
    copies = []
    for tbls, raw, dst in ((rel_h, pri_v, rp), (nrm_h, pri_v, npv),
                           (rel_h, nri_v, rn), (nrm_h, nri_v, nnv)):
        for dp in range(_NPAIR):
            copies.append(pltpu.async_copy(tbls[dp].at[raw], dst.at[dp], sem))
    for cp in copies:
        cp.wait()
    for k, buf in enumerate((rp, npv, rn, nnv)):
        pltpu.sync_copy(buf, out_h.at[wid, k])


def _sc_relgather(pri, nri, rel_pk, nrm_pk):
    mesh = plsc.VectorSubcoreMesh(core_axis_name="c", subcore_axis_name="s")
    kern = pl.kernel(
        _sc_relgather_kernel,
        out_type=jax.ShapeDtypeStruct((_NW, 4, _NPAIR, _PAIRS_PER_W),
                                      jnp.uint32),
        mesh=mesh,
        compiler_params=pltpu.CompilerParams(use_tc_tiling_on_sc=False),
        scratch_types=(
            [pltpu.VMEM((_PAIRS_PER_W,), jnp.int32) for _ in range(2)]
            + [pltpu.VMEM((_NPAIR, _PAIRS_PER_W), jnp.uint32) for _ in range(4)]
            + [pltpu.SemaphoreType.DMA]
        ),
    )
    return kern(pri, nri, *rel_pk, *nrm_pk)


def _sc_margin_kernel(phi_h, pti_h, nhi_h, nti_h, relcols_h, *rest):
    ent_h = rest[:_NPAIR]
    out_h = rest[_NPAIR]
    (phi_v, pti_v, nhi_v, nti_v,
     hp, tp, hn, tn, rp, npv, rn, nnv, acc_v, sem) = rest[_NPAIR + 1:]

    wid = lax.axis_index("s") * _NC + lax.axis_index("c")
    base = wid * _PAIRS_PER_W

    for src, dst in ((phi_h, phi_v), (pti_h, pti_v),
                     (nhi_h, nhi_v), (nti_h, nti_v)):
        pltpu.sync_copy(src.at[pl.ds(base, _PAIRS_PER_W)], dst)
    for k, buf in enumerate((rp, npv, rn, nnv)):
        pltpu.sync_copy(relcols_h.at[wid, k], buf)

    copies = []
    for raw, dst in ((phi_v, hp), (pti_v, tp), (nhi_v, hn), (nti_v, tn)):
        for dp in range(_NPAIR):
            copies.append(pltpu.async_copy(ent_h[dp].at[raw], dst.at[dp], sem))
    for cp in copies:
        cp.wait()

    hi_mask = jnp.full((_GSIZE,), 0xFFFF0000, jnp.uint32)

    def _unpack(v):
        lo = lax.bitcast_convert_type(jnp.left_shift(v, jnp.uint32(16)), jnp.float32)
        hi = lax.bitcast_convert_type(v & hi_mask, jnp.float32)
        return lo, hi

    def _side(h_v, t_v, r_v, n_v, g):
        z = jnp.zeros((_GSIZE,), jnp.float32)
        nn = z; nd = z; dd = z; dr = z; nr_ = z; rr = z
        for dp in range(_NPAIR):
            sl = pl.ds(g * _GSIZE, _GSIZE)
            hv = _unpack(h_v[dp, sl])
            tv = _unpack(t_v[dp, sl])
            rv = _unpack(r_v[dp, sl])
            nv = _unpack(n_v[dp, sl])
            for k in (0, 1):
                hj, tj, rj, nj = hv[k], tv[k], rv[k], nv[k]
                dj = hj - tj
                nn = nn + nj * nj
                nd = nd + nj * dj
                dd = dd + dj * dj
                dr = dr + dj * rj
                nr_ = nr_ + nj * rj
                rr = rr + rj * rj
        return dd - nd * nd / nn + rr + 2.0 * dr - 2.0 * nd * nr_ / nn

    def group_body(g, a):
        pos = _side(hp, tp, rp, npv, g)
        neg = _side(hn, tn, rn, nnv, g)
        return a + jnp.maximum(pos - neg + _MARGIN, 0.0)

    acc = lax.fori_loop(0, _NGRP, group_body, jnp.zeros((_GSIZE,), jnp.float32))
    acc_v[...] = acc
    pltpu.sync_copy(acc_v, out_h.at[wid])


def _sc_margin(idx4, relcols, ent_pk):
    mesh = plsc.VectorSubcoreMesh(core_axis_name="c", subcore_axis_name="s")
    kern = pl.kernel(
        _sc_margin_kernel,
        out_type=jax.ShapeDtypeStruct((_NW, _GSIZE), jnp.float32),
        mesh=mesh,
        compiler_params=pltpu.CompilerParams(use_tc_tiling_on_sc=False),
        scratch_types=(
            [pltpu.VMEM((_PAIRS_PER_W,), jnp.int32) for _ in range(4)]
            + [pltpu.VMEM((_NPAIR, _PAIRS_PER_W), jnp.uint32) for _ in range(8)]
            + [pltpu.VMEM((_GSIZE,), jnp.float32), pltpu.SemaphoreType.DMA]
        ),
    )
    return kern(*idx4, relcols, *ent_pk)


def _pack_pairs(x):
    xu = lax.bitcast_convert_type(x, jnp.uint32)
    out = []
    for dp in range(_NPAIR):
        lo = jnp.right_shift(xu[2 * dp], jnp.uint32(16))
        hi = xu[2 * dp + 1] & jnp.uint32(0xFFFF0000)
        out.append(lo | hi)
    return out


def _tc_entity_kernel(orth_ref, e_ref, *out_refs):
    pk_refs = out_refs[:_NPAIR]
    out_ref = out_refs[_NPAIR]
    i = pl.program_id(0)
    x = e_ref[...]
    for dp, pk in enumerate(_pack_pairs(x)):
        pk_refs[dp][...] = pk
    col = lax.broadcasted_iota(jnp.int32, (1, _EBLK), 1) + i * _EBLK
    sq = jnp.where(col < _NUM_ENTITIES,
                   jnp.sum(x * x, axis=0, keepdims=True), 0.0)

    @pl.when(i == 0)
    def _():
        out_ref[0, 0] = 0.0

    out_ref[0, 0] += jnp.sum(sq)

    @pl.when(i == _EGRID - 1)
    def _():
        out_ref[0, 0] = orth_ref[0] + _WEIGHT_SOFT * (
            float(_NUM_ENTITIES) * float(_NUM_ENTITIES) - out_ref[0, 0])


def _tc_entity(ent_t, orth_term):
    return pl.pallas_call(
        _tc_entity_kernel,
        grid=(_EGRID,),
        in_specs=[pl.BlockSpec(memory_space=pltpu.SMEM),
                  pl.BlockSpec((_DIM, _EBLK), lambda i: (0, i))],
        out_specs=(
            [pl.BlockSpec((_EBLK,), lambda i: (i,)) for _ in range(_NPAIR)]
            + [pl.BlockSpec((1, 1), lambda i: (0, 0),
                            memory_space=pltpu.SMEM)]
        ),
        out_shape=(
            [jax.ShapeDtypeStruct((_EGRID * _EBLK,), jnp.uint32)
             for _ in range(_NPAIR)]
            + [jax.ShapeDtypeStruct((1, 1), jnp.float32)]
        ),
    )(orth_term.reshape(1), ent_t)


def _tc_rel_kernel(eps_ref, r_ref, n_ref, *out_refs):
    rpk_refs = out_refs[:_NPAIR]
    npk_refs = out_refs[_NPAIR:2 * _NPAIR]
    out_ref = out_refs[2 * _NPAIR]
    i = pl.program_id(0)
    r = r_ref[...]
    n = n_ref[...]
    for dp, pk in enumerate(_pack_pairs(r)):
        rpk_refs[dp][...] = pk
    for dp, pk in enumerate(_pack_pairs(n)):
        npk_refs[dp][...] = pk
    nr = jnp.sum(n * r, axis=0, keepdims=True)
    nn = jnp.sum(n * n, axis=0, keepdims=True)
    rr = jnp.sum(r * r, axis=0, keepdims=True)
    col = i * _RBLK + lax.broadcasted_iota(jnp.int32, (1, _RBLK), 1)
    term = jnp.where(col < _NUM_RELATIONS,
                     jnp.abs(nr * nr / (nn * rr) - _NUM_RELATIONS * eps_ref[0]),
                     0.0)

    @pl.when(i == 0)
    def _():
        out_ref[0, 0] = 0.0

    out_ref[0, 0] += _WEIGHT_SOFT * jnp.sum(term)


def _tc_rel(rel_t, nrm_t, epsilon):
    return pl.pallas_call(
        _tc_rel_kernel,
        grid=(_RGRID,),
        in_specs=[
            pl.BlockSpec(memory_space=pltpu.SMEM),
            pl.BlockSpec((_DIM, _RBLK), lambda i: (0, i)),
            pl.BlockSpec((_DIM, _RBLK), lambda i: (0, i)),
        ],
        out_specs=(
            [pl.BlockSpec((_RBLK,), lambda i: (i,)) for _ in range(2 * _NPAIR)]
            + [pl.BlockSpec((1, 1), lambda i: (0, 0),
                            memory_space=pltpu.SMEM)]
        ),
        out_shape=(
            [jax.ShapeDtypeStruct((_RGRID * _RBLK,), jnp.uint32)
             for _ in range(2 * _NPAIR)]
            + [jax.ShapeDtypeStruct((1, 1), jnp.float32)]
        ),
    )(epsilon.reshape(1), rel_t, nrm_t)


def kernel(batch_positives, batch_negatives, entity_w, relation_w, normal_w, epsilon):
    idx6 = (batch_positives[:, 0], batch_positives[:, 1], batch_positives[:, 2],
            batch_negatives[:, 0], batch_negatives[:, 1], batch_negatives[:, 2])
    ent_t = entity_w.T
    rel_t = relation_w.T
    nrm_t = normal_w.T
    *relnrm_pk, orth_term = _tc_rel(rel_t, nrm_t, epsilon)
    relcols = _sc_relgather(idx6[1], idx6[4],
                            relnrm_pk[:_NPAIR], relnrm_pk[_NPAIR:])
    *ent_pk, soft_term = _tc_entity(ent_t, orth_term[0, 0])
    idx4 = (idx6[0], idx6[2], idx6[3], idx6[5])
    margin_partials = _sc_margin(idx4, relcols, ent_pk)
    return jnp.sum(margin_partials) + soft_term[0, 0]

# --- scband reference (transcript-rebuilt; emitter-appended) ---
"""Pipeline reference for scband-trans-h-20418274525890 (READ-ONLY COPY).

The authoritative reference and input builder live on the scoring server;
editing this copy changes nothing except your own understanding.
"""

import jax, jax.numpy as jnp
import numpy as np

NUM_ENTITIES = 1000000
NUM_RELATIONS = 100000
DIM = 16
B = 16384
MARGIN = 1.0
WEIGHT_SOFT = 0.25


def setup_inputs(seed: int = 0) -> dict:
    key = jax.random.key(seed)
    ks = jax.random.split(key, 12)
    def triples(k1, k2, k3):
        h = jax.random.randint(k1, (B, 1), 0, NUM_ENTITIES, dtype=jnp.int32)
        r = jax.random.randint(k2, (B, 1), 0, NUM_RELATIONS, dtype=jnp.int32)
        t = jax.random.randint(k3, (B, 1), 0, NUM_ENTITIES, dtype=jnp.int32)
        return jnp.concatenate([h, r, t], axis=1)
    batch_positives = triples(ks[0], ks[1], ks[2])
    batch_negatives = triples(ks[3], ks[4], ks[5])
    entity_w = jax.random.normal(ks[6], (NUM_ENTITIES, DIM), dtype=jnp.float32) * 0.1
    relation_w = jax.random.normal(ks[7], (NUM_RELATIONS, DIM), dtype=jnp.float32) * 0.1
    normal_w = jax.random.normal(ks[8], (NUM_RELATIONS, DIM), dtype=jnp.float32) * 0.1
    epsilon = jnp.asarray(0.005, dtype=jnp.float32)
    return {"batch_positives": batch_positives, "batch_negatives": batch_negatives,
            "entity_w": entity_w, "relation_w": relation_w, "normal_w": normal_w,
            "epsilon": epsilon}


def _project_to_hyperplane(entity_embs, normal_vec_embs):
    # entity_embs, normal_vec_embs: (B, 1, D)
    scaling = jnp.sum(normal_vec_embs * entity_embs, axis=-1)[:, :, None]  # (B,1,1)
    proj_on_normal = scaling * normal_vec_embs
    return (entity_embs - proj_on_normal).reshape(-1, DIM)


def _compute_scores(h_embs, r_embs, t_embs):
    sum_res = h_embs + r_embs - t_embs
    norms = jnp.linalg.norm(sum_res, ord=2, axis=1).reshape(-1)
    return norms * norms


def _soft_constraint(entity_w, relation_w, normal_w, epsilon):
    ent_norm = jnp.linalg.norm(entity_w, ord=2, axis=1)
    sq = ent_norm * ent_norm
    entity_constraint = jnp.sum(jnp.abs(sq - NUM_ENTITIES * 1.0))
    num = jnp.sum(normal_w * relation_w, axis=1)
    num = num * num
    den = jnp.linalg.norm(relation_w, ord=2, axis=1)
    den = den * den
    orth = jnp.sum(jnp.abs(num / den - NUM_RELATIONS * epsilon))
    return WEIGHT_SOFT * (entity_constraint + orth)


def reference(batch_positives, batch_negatives, entity_w, relation_w, normal_w, epsilon):
    # in-place .data normalization of normal vectors (torch forward preamble)
    norms = jnp.linalg.norm(normal_w, ord=2, axis=1, keepdims=True)
    normal_w = normal_w / norms

    pos_heads = batch_positives[:, 0:1]
    pos_rels = batch_positives[:, 1:2]
    pos_tails = batch_positives[:, 2:3]
    neg_heads = batch_negatives[:, 0:1]
    neg_rels = batch_negatives[:, 1:2]
    neg_tails = batch_negatives[:, 2:3]

    pos_head_embs = jnp.take(entity_w, pos_heads, axis=0)      # (B,1,D)
    pos_rel_embs = jnp.take(relation_w, pos_rels, axis=0).reshape(-1, DIM)
    pos_tail_embs = jnp.take(entity_w, pos_tails, axis=0)
    pos_normal_embs = jnp.take(normal_w, pos_rels, axis=0)
    neg_head_embs = jnp.take(entity_w, neg_heads, axis=0)
    neg_rel_embs = jnp.take(relation_w, neg_rels, axis=0).reshape(-1, DIM)
    neg_tail_embs = jnp.take(entity_w, neg_tails, axis=0)
    neg_normal_embs = jnp.take(normal_w, neg_rels, axis=0)

    ph = _project_to_hyperplane(pos_head_embs, pos_normal_embs)
    pt = _project_to_hyperplane(pos_tail_embs, pos_normal_embs)
    nh = _project_to_hyperplane(neg_head_embs, neg_normal_embs)
    nt = _project_to_hyperplane(neg_tail_embs, neg_normal_embs)

    pos_scores = _compute_scores(ph, pos_rel_embs, pt)
    neg_scores = _compute_scores(nh, neg_rel_embs, nt)

    # torch re-wraps scores in torch.tensor(...) => detached
    pos_scores = jax.lax.stop_gradient(pos_scores)
    neg_scores = jax.lax.stop_gradient(neg_scores)
    # MarginRankingLoss(margin, size_average=False) with y = -1: sum(max(0, (pos-neg)+margin))
    margin_loss = jnp.sum(jnp.maximum(0.0, (pos_scores - neg_scores) + MARGIN))
    soft = _soft_constraint(entity_w, relation_w, normal_w, epsilon)
    return margin_loss + soft

if __name__ == "__main__":
    import jax
    _d = setup_inputs()
    print(jax.jit(kernel)(*tuple(_d.values())))

</pallas_src>

<mosaic_0001>
#map = affine_map<(d0, d1) -> (0)>
#map1 = affine_map<(d0, d1) -> (0, 0, 0, 0)>
#map2 = affine_map<(d0, d1) -> (0, 0)>
module attributes {stable_mosaic.version = 14 : i64} {
  func.func @_sc_margin_kernel(%arg0: i32, %arg1: i32, %arg2: memref<16384xi32, #tpu.memory_space<hbm>>, %arg3: memref<16384xi32, #tpu.memory_space<hbm>>, %arg4: memref<16384xi32, #tpu.memory_space<hbm>>, %arg5: memref<16384xi32, #tpu.memory_space<hbm>>, %arg6: memref<32x4x8x512xi32, #tpu.memory_space<hbm>>, %arg7: memref<1048576xi32, #tpu.memory_space<hbm>>, %arg8: memref<1048576xi32, #tpu.memory_space<hbm>>, %arg9: memref<1048576xi32, #tpu.memory_space<hbm>>, %arg10: memref<1048576xi32, #tpu.memory_space<hbm>>, %arg11: memref<1048576xi32, #tpu.memory_space<hbm>>, %arg12: memref<1048576xi32, #tpu.memory_space<hbm>>, %arg13: memref<1048576xi32, #tpu.memory_space<hbm>>, %arg14: memref<1048576xi32, #tpu.memory_space<hbm>>, %arg15: memref<32x16xf32, #tpu.memory_space<hbm>>, %arg16: memref<512xi32, #tpu.memory_space<vmem>>, %arg17: memref<512xi32, #tpu.memory_space<vmem>>, %arg18: memref<512xi32, #tpu.memory_space<vmem>>, %arg19: memref<512xi32, #tpu.memory_space<vmem>>, %arg20: memref<8x512xi32, #tpu.memory_space<vmem>>, %arg21: memref<8x512xi32, #tpu.memory_space<vmem>>, %arg22: memref<8x512xi32, #tpu.memory_space<vmem>>, %arg23: memref<8x512xi32, #tpu.memory_space<vmem>>, %arg24: memref<8x512xi32, #tpu.memory_space<vmem>>, %arg25: memref<8x512xi32, #tpu.memory_space<vmem>>, %arg26: memref<8x512xi32, #tpu.memory_space<vmem>>, %arg27: memref<8x512xi32, #tpu.memory_space<vmem>>, %arg28: memref<16xf32, #tpu.memory_space<vmem>>, %arg29: memref<!tpu.dma_semaphore, #tpu.memory_space<semaphore_mem>>) attributes {dimension_semantics = [#tpu.dimension_semantics<core_parallel>, #tpu.dimension_semantics<subcore_parallel>], iteration_bounds = array<i64: 2, 16>, scalar_prefetch = 0 : i64, scratch_operands = 14 : i64, tpu.core_type = #tpu.core_type<sc_vector_subcore>, window_params = [{transform_indices = #map}, {transform_indices = #map}, {transform_indices = #map}, {transform_indices = #map}, {transform_indices = #map1}, {transform_indices = #map}, {transform_indices = #map}, {transform_indices = #map}, {transform_indices = #map}, {transform_indices = #map}, {transform_indices = #map}, {transform_indices = #map}, {transform_indices = #map}, {transform_indices = #map2}]} {
    %mul3A = arith.constant 2 : i32
    %mul3A_0 = arith.muli %arg1, %mul3A : i32
    %add3A = arith.addi %mul3A_0, %arg0 : i32
    %mul3A_1 = arith.constant 512 : i32
    %mul3A_2 = arith.muli %add3A, %mul3A_1 : i32
    "tpu.region"() ({
      %run_scoped3A_399 = tpu.sem_alloc : memref<!tpu.dma_semaphore, #tpu.memory_space<semaphore_mem>>
      %dma_start3A_400 = tpu.memref_slice %arg2[%mul3A_2] : memref<16384xi32, #tpu.memory_space<hbm>> -> memref<512xi32, #tpu.memory_space<hbm>>
      %dma_start3A_401 = tpu.memref_slice %arg2[%mul3A_2] : memref<16384xi32, #tpu.memory_space<hbm>> -> memref<512xi32, #tpu.memory_space<hbm>>
      tpu.enqueue_dma source(%dma_start3A_401 : memref<512xi32, #tpu.memory_space<hbm>>) target(%arg16 : memref<512xi32, #tpu.memory_space<vmem>>) target_semaphore(%run_scoped3A_399 : memref<!tpu.dma_semaphore, #tpu.memory_space<semaphore_mem>>)
      %dma_wait3A_402 = tpu.memref_slice %arg2[%mul3A_2] : memref<16384xi32, #tpu.memory_space<hbm>> -> memref<512xi32, #tpu.memory_space<hbm>>
      %dma_wait3A_403 = tpu.memref_slice %arg2[%mul3A_2] : memref<16384xi32, #tpu.memory_space<hbm>> -> memref<512xi32, #tpu.memory_space<hbm>>
      tpu.wait_dma2 semaphore(%run_scoped3A_399 : memref<!tpu.dma_semaphore, #tpu.memory_space<semaphore_mem>>) src(%dma_wait3A_403 : memref<512xi32, #tpu.memory_space<hbm>>) dst(%arg16 : memref<512xi32, #tpu.memory_space<vmem>>)
      tpu.yield
    }) : () -> ()
    "tpu.region"() ({
      %run_scoped3A_399 = tpu.sem_alloc : memref<!tpu.dma_semaphore, #tpu.memory_space<semaphore_mem>>
      %dma_start3A_400 = tpu.memref_slice %arg3[%mul3A_2] : memref<16384xi32, #tpu.memory_space<hbm>> -> memref<512xi32, #tpu.memory_space<hbm>>
      %dma_start3A_401 = tpu.memref_slice %arg3[%mul3A_2] : memref<16384xi32, #tpu.memory_space<hbm>> -> memref<512xi32, #tpu.memory_space<hbm>>
      tpu.enqueue_dma source(%dma_start3A_401 : memref<512xi32, #tpu.memory_space<hbm>>) target(%arg17 : memref<512xi32, #tpu.memory_space<vmem>>) target_semaphore(%run_scoped3A_399 : memref<!tpu.dma_semaphore, #tpu.memory_space<semaphore_mem>>)
      %dma_wait3A_402 = tpu.memref_slice %arg3[%mul3A_2] : memref<16384xi32, #tpu.memory_space<hbm>> -> memref<512xi32, #tpu.memory_space<hbm>>
      %dma_wait3A_403 = tpu.memref_slice %arg3[%mul3A_2] : memref<16384xi32, #tpu.memory_space<hbm>> -> memref<512xi32, #tpu.memory_space<hbm>>
      tpu.wait_dma2 semaphore(%run_scoped3A_399 : memref<!tpu.dma_semaphore, #tpu.memory_space<semaphore_mem>>) src(%dma_wait3A_403 : memref<512xi32, #tpu.memory_space<hbm>>) dst(%arg17 : memref<512xi32, #tpu.memory_space<vmem>>)
      tpu.yield
    }) : () -> ()
    "tpu.region"() ({
      %run_scoped3A_399 = tpu.sem_alloc : memref<!tpu.dma_semaphore, #tpu.memory_space<semaphore_mem>>
      %dma_start3A_400 = tpu.memref_slice %arg4[%mul3A_2] : memref<16384xi32, #tpu.memory_space<hbm>> -> memref<512xi32, #tpu.memory_space<hbm>>
      %dma_start3A_401 = tpu.memref_slice %arg4[%mul3A_2] : memref<16384xi32, #tpu.memory_space<hbm>> -> memref<512xi32, #tpu.memory_space<hbm>>
      tpu.enqueue_dma source(%dma_start3A_401 : memref<512xi32, #tpu.memory_space<hbm>>) target(%arg18 : memref<512xi32, #tpu.memory_space<vmem>>) target_semaphore(%run_scoped3A_399 : memref<!tpu.dma_semaphore, #tpu.memory_space<semaphore_mem>>)
      %dma_wait3A_402 = tpu.memref_slice %arg4[%mul3A_2] : memref<16384xi32, #tpu.memory_space<hbm>> -> memref<512xi32, #tpu.memory_space<hbm>>
      %dma_wait3A_403 = tpu.memref_slice %arg4[%mul3A_2] : memref<16384xi32, #tpu.memory_space<hbm>> -> memref<512xi32, #tpu.memory_space<hbm>>
      tpu.wait_dma2 semaphore(%run_scoped3A_399 : memref<!tpu.dma_semaphore, #tpu.memory_space<semaphore_mem>>) src(%dma_wait3A_403 : memref<512xi32, #tpu.memory_space<hbm>>) dst(%arg18 : memref<512xi32, #tpu.memory_space<vmem>>)
      tpu.yield
    }) : () -> ()
    "tpu.region"() ({
      %run_scoped3A_399 = tpu.sem_alloc : memref<!tpu.dma_semaphore, #tpu.memory_space<semaphore_mem>>
      %dma_start3A_400 = tpu.memref_slice %arg5[%mul3A_2] : memref<16384xi32, #tpu.memory_space<hbm>> -> memref<512xi32, #tpu.memory_space<hbm>>
      %dma_start3A_401 = tpu.memref_slice %arg5[%mul3A_2] : memref<16384xi32, #tpu.memory_space<hbm>> -> memref<512xi32, #tpu.memory_space<hbm>>
      tpu.enqueue_dma source(%dma_start3A_401 : memref<512xi32, #tpu.memory_space<hbm>>) target(%arg19 : memref<512xi32, #tpu.memory_space<vmem>>) target_semaphore(%run_scoped3A_399 : memref<!tpu.dma_semaphore, #tpu.memory_space<semaphore_mem>>)
      %dma_wait3A_402 = tpu.memref_slice %arg5[%mul3A_2] : memref<16384xi32, #tpu.memory_space<hbm>> -> memref<512xi32, #tpu.memory_space<hbm>>
      %dma_wait3A_403 = tpu.memref_slice %arg5[%mul3A_2] : memref<16384xi32, #tpu.memory_space<hbm>> -> memref<512xi32, #tpu.memory_space<hbm>>
      tpu.wait_dma2 semaphore(%run_scoped3A_399 : memref<!tpu.dma_semaphore, #tpu.memory_space<semaphore_mem>>) src(%dma_wait3A_403 : memref<512xi32, #tpu.memory_space<hbm>>) dst(%arg19 : memref<512xi32, #tpu.memory_space<vmem>>)
      tpu.yield
    }) : () -> ()
    %run_scoped3A = arith.constant 0 : i32
    "tpu.region"() ({
      %run_scoped3A_399 = tpu.sem_alloc : memref<!tpu.dma_semaphore, #tpu.memory_space<semaphore_mem>>
      %dma_start3A_400 = arith.constant 0 : i32
      %dma_start3A_401 = arith.constant 0 : i32
      %dma_start3A_402 = tpu.memref_slice %arg6[%add3A, %run_scoped3A, %dma_start3A_400, %dma_start3A_401] : memref<32x4x8x512xi32, #tpu.memory_space<hbm>> -> memref<1x1x8x512xi32, #tpu.memory_space<hbm>>
      %dma_start3A_403 = tpu.memref_squeeze %dma_start3A_402 : memref<1x1x8x512xi32, #tpu.memory_space<hbm>> -> memref<8x512xi32, #tpu.memory_space<hbm>>
      %dma_start3A_404 = arith.constant 0 : i32
      %dma_start3A_405 = arith.constant 0 : i32
      %dma_start3A_406 = tpu.memref_slice %arg6[%add3A, %run_scoped3A, %dma_start3A_404, %dma_start3A_405] : memref<32x4x8x512xi32, #tpu.memory_space<hbm>> -> memref<1x1x8x512xi32, #tpu.memory_space<hbm>>
      %dma_start3A_407 = tpu.memref_squeeze %dma_start3A_406 : memref<1x1x8x512xi32, #tpu.memory_space<hbm>> -> memref<8x512xi32, #tpu.memory_space<hbm>>
      tpu.enqueue_dma source(%dma_start3A_407 : memref<8x512xi32, #tpu.memory_space<hbm>>) target(%arg24 : memref<8x512xi32, #tpu.memory_space<vmem>>) target_semaphore(%run_scoped3A_399 : memref<!tpu.dma_semaphore, #tpu.memory_space<semaphore_mem>>)
      %dma_wait3A_408 = arith.constant 0 : i32
      %dma_wait3A_409 = arith.constant 0 : i32
      %dma_wait3A_410 = tpu.memref_slice %arg6[%add3A, %run_scoped3A, %dma_wait3A_408, %dma_wait3A_409] : memref<32x4x8x512xi32, #tpu.memory_space<hbm>> -> memref<1x1x8x512xi32, #tpu.memory_space<hbm>>
      %dma_wait3A_411 = tpu.memref_squeeze %dma_wait3A_410 : memref<1x1x8x512xi32, #tpu.memory_space<hbm>> -> memref<8x512xi32, #tpu.memory_space<hbm>>
      %dma_wait3A_412 = arith.constant 0 : i32
      %dma_wait3A_413 = arith.constant 0 : i32
      %dma_wait3A_414 = tpu.memref_slice %arg6[%add3A, %run_scoped3A, %dma_wait3A_412, %dma_wait3A_413] : memref<32x4x8x512xi32, #tpu.memory_space<hbm>> -> memref<1x1x8x512xi32, #tpu.memory_space<hbm>>
      %dma_wait3A_415 = tpu.memref_squeeze %dma_wait3A_414 : memref<1x1x8x512xi32, #tpu.memory_space<hbm>> -> memref<8x512xi32, #tpu.memory_space<hbm>>
      tpu.wait_dma2 semaphore(%run_scoped3A_399 : memref<!tpu.dma_semaphore, #tpu.memory_space<semaphore_mem>>) src(%dma_wait3A_415 : memref<8x512xi32, #tpu.memory_space<hbm>>) dst(%arg24 : memref<8x512xi32, #tpu.memory_space<vmem>>)
      tpu.yield
    }) : () -> ()
    %run_scoped3A_3 = arith.constant 1 : i32
    "tpu.region"() ({
      %run_scoped3A_399 = tpu.sem_alloc : memref<!tpu.dma_semaphore, #tpu.memory_space<semaphore_mem>>
      %dma_start3A_400 = arith.constant 0 : i32
      %dma_start3A_401 = arith.constant 0 : i32
      %dma_start3A_402 = tpu.memref_slice %arg6[%add3A, %run_scoped3A_3, %dma_start3A_400, %dma_start3A_401] : memref<32x4x8x512xi32, #tpu.memory_space<hbm>> -> memref<1x1x8x512xi32, #tpu.memory_space<hbm>>
      %dma_start3A_403 = tpu.memref_squeeze %dma_start3A_402 : memref<1x1x8x512xi32, #tpu.memory_space<hbm>> -> memref<8x512xi32, #tpu.memory_space<hbm>>
      %dma_start3A_404 = arith.constant 0 : i32
      %dma_start3A_405 = arith.constant 0 : i32
      %dma_start3A_406 = tpu.memref_slice %arg6[%add3A, %run_scoped3A_3, %dma_start3A_404, %dma_start3A_405] : memref<32x4x8x512xi32, #tpu.memory_space<hbm>> -> memref<1x1x8x512xi32, #tpu.memory_space<hbm>>
      %dma_start3A_407 = tpu.memref_squeeze %dma_start3A_406 : memref<1x1x8x512xi32, #tpu.memory_space<hbm>> -> memref<8x512xi32, #tpu.memory_space<hbm>>
      tpu.enqueue_dma source(%dma_start3A_407 : memref<8x512xi32, #tpu.memory_space<hbm>>) target(%arg25 : memref<8x512xi32, #tpu.memory_space<vmem>>) target_semaphore(%run_scoped3A_399 : memref<!tpu.dma_semaphore, #tpu.memory_space<semaphore_mem>>)
      %dma_wait3A_408 = arith.constant 0 : i32
      %dma_wait3A_409 = arith.constant 0 : i32
      %dma_wait3A_410 = tpu.memref_slice %arg6[%add3A, %run_scoped3A_3, %dma_wait3A_408, %dma_wait3A_409] : memref<32x4x8x512xi32, #tpu.memory_space<hbm>> -> memref<1x1x8x512xi32, #tpu.memory_space<hbm>>
      %dma_wait3A_411 = tpu.memref_squeeze %dma_wait3A_410 : memref<1x1x8x512xi32, #tpu.memory_space<hbm>> -> memref<8x512xi32, #tpu.memory_space<hbm>>
      %dma_wait3A_412 = arith.constant 0 : i32
      %dma_wait3A_413 = arith.constant 0 : i32
      %dma_wait3A_414 = tpu.memref_slice %arg6[%add3A, %run_scoped3A_3, %dma_wait3A_412, %dma_wait3A_413] : memref<32x4x8x512xi32, #tpu.memory_space<hbm>> -> memref<1x1x8x512xi32, #tpu.memory_space<hbm>>
      %dma_wait3A_415 = tpu.memref_squeeze %dma_wait3A_414 : memref<1x1x8x512xi32, #tpu.memory_space<hbm>> -> memref<8x512xi32, #tpu.memory_space<hbm>>
      tpu.wait_dma2 semaphore(%run_scoped3A_399 : memref<!tpu.dma_semaphore, #tpu.memory_space<semaphore_mem>>) src(%dma_wait3A_415 : memref<8x512xi32, #tpu.memory_space<hbm>>) dst(%arg25 : memref<8x512xi32, #tpu.memory_space<vmem>>)
      tpu.yield
    }) : () -> ()
    %run_scoped3A_4 = arith.constant 2 : i32
    "tpu.region"() ({
      %run_scoped3A_399 = tpu.sem_alloc : memref<!tpu.dma_semaphore, #tpu.memory_space<semaphore_mem>>
      %dma_start3A_400 = arith.constant 0 : i32
      %dma_start3A_401 = arith.constant 0 : i32
      %dma_start3A_402 = tpu.memref_slice %arg6[%add3A, %run_scoped3A_4, %dma_start3A_400, %dma_start3A_401] : memref<32x4x8x512xi32, #tpu.memory_space<hbm>> -> memref<1x1x8x512xi32, #tpu.memory_space<hbm>>
      %dma_start3A_403 = tpu.memref_squeeze %dma_start3A_402 : memref<1x1x8x512xi32, #tpu.memory_space<hbm>> -> memref<8x512xi32, #tpu.memory_space<hbm>>
      %dma_start3A_404 = arith.constant 0 : i32
      %dma_start3A_405 = arith.constant 0 : i32
      %dma_start3A_406 = tpu.memref_slice %arg6[%add3A, %run_scoped3A_4, %dma_start3A_404, %dma_start3A_405] : memref<32x4x8x512xi32, #tpu.memory_space<hbm>> -> memref<1x1x8x512xi32, #tpu.memory_space<hbm>>
      %dma_start3A_407 = tpu.memref_squeeze %dma_start3A_406 : memref<1x1x8x512xi32, #tpu.memory_space<hbm>> -> memref<8x512xi32, #tpu.memory_space<hbm>>
      tpu.enqueue_dma source(%dma_start3A_407 : memref<8x512xi32, #tpu.memory_space<hbm>>) target(%arg26 : memref<8x512xi32, #tpu.memory_space<vmem>>) target_semaphore(%run_scoped3A_399 : memref<!tpu.dma_semaphore, #tpu.memory_space<semaphore_mem>>)
      %dma_wait3A_408 = arith.constant 0 : i32
      %dma_wait3A_409 = arith.constant 0 : i32
      %dma_wait3A_410 = tpu.memref_slice %arg6[%add3A, %run_scoped3A_4, %dma_wait3A_408, %dma_wait3A_409] : memref<32x4x8x512xi32, #tpu.memory_space<hbm>> -> memref<1x1x8x512xi32, #tpu.memory_space<hbm>>
      %dma_wait3A_411 = tpu.memref_squeeze %dma_wait3A_410 : memref<1x1x8x512xi32, #tpu.memory_space<hbm>> -> memref<8x512xi32, #tpu.memory_space<hbm>>
      %dma_wait3A_412 = arith.constant 0 : i32
      %dma_wait3A_413 = arith.constant 0 : i32
      %dma_wait3A_414 = tpu.memref_slice %arg6[%add3A, %run_scoped3A_4, %dma_wait3A_412, %dma_wait3A_413] : memref<32x4x8x512xi32, #tpu.memory_space<hbm>> -> memref<1x1x8x512xi32, #tpu.memory_space<hbm>>
      %dma_wait3A_415 = tpu.memref_squeeze %dma_wait3A_414 : memref<1x1x8x512xi32, #tpu.memory_space<hbm>> -> memref<8x512xi32, #tpu.memory_space<hbm>>
      tpu.wait_dma2 semaphore(%run_scoped3A_399 : memref<!tpu.dma_semaphore, #tpu.memory_space<semaphore_mem>>) src(%dma_wait3A_415 : memref<8x512xi32, #tpu.memory_space<hbm>>) dst(%arg26 : memref<8x512xi32, #tpu.memory_space<vmem>>)
      tpu.yield
    }) : () -> ()
    %run_scoped3A_5 = arith.constant 3 : i32
    "tpu.region"() ({
      %run_scoped3A_399 = tpu.sem_alloc : memref<!tpu.dma_semaphore, #tpu.memory_space<semaphore_mem>>
      %dma_start3A_400 = arith.constant 0 : i32
      %dma_start3A_401 = arith.constant 0 : i32
      %dma_start3A_402 = tpu.memref_slice %arg6[%add3A, %run_scoped3A_5, %dma_start3A_400, %dma_start3A_401] : memref<32x4x8x512xi32, #tpu.memory_space<hbm>> -> memref<1x1x8x512xi32, #tpu.memory_space<hbm>>
      %dma_start3A_403 = tpu.memref_squeeze %dma_start3A_402 : memref<1x1x8x512xi32, #tpu.memory_space<hbm>> -> memref<8x512xi32, #tpu.memory_space<hbm>>
      %dma_start3A_404 = arith.constant 0 : i32
      %dma_start3A_405 = arith.constant 0 : i32
      %dma_start3A_406 = tpu.memref_slice %arg6[%add3A, %run_scoped3A_5, %dma_start3A_404, %dma_start3A_405] : memref<32x4x8x512xi32, #tpu.memory_space<hbm>> -> memref<1x1x8x512xi32, #tpu.memory_space<hbm>>
      %dma_start3A_407 = tpu.memref_squeeze %dma_start3A_406 : memref<1x1x8x512xi32, #tpu.memory_space<hbm>> -> memref<8x512xi32, #tpu.memory_space<hbm>>
      tpu.enqueue_dma source(%dma_start3A_407 : memref<8x512xi32, #tpu.memory_space<hbm>>) target(%arg27 : memref<8x512xi32, #tpu.memory_space<vmem>>) target_semaphore(%run_scoped3A_399 : memref<!tpu.dma_semaphore, #tpu.memory_space<semaphore_mem>>)
      %dma_wait3A_408 = arith.constant 0 : i32
      %dma_wait3A_409 = arith.constant 0 : i32
      %dma_wait3A_410 = tpu.memref_slice %arg6[%add3A, %run_scoped3A_5, %dma_wait3A_408, %dma_wait3A_409] : memref<32x4x8x512xi32, #tpu.memory_space<hbm>> -> memref<1x1x8x512xi32, #tpu.memory_space<hbm>>
      %dma_wait3A_411 = tpu.memref_squeeze %dma_wait3A_410 : memref<1x1x8x512xi32, #tpu.memory_space<hbm>> -> memref<8x512xi32, #tpu.memory_space<hbm>>
      %dma_wait3A_412 = arith.constant 0 : i32
      %dma_wait3A_413 = arith.constant 0 : i32
      %dma_wait3A_414 = tpu.memref_slice %arg6[%add3A, %run_scoped3A_5, %dma_wait3A_412, %dma_wait3A_413] : memref<32x4x8x512xi32, #tpu.memory_space<hbm>> -> memref<1x1x8x512xi32, #tpu.memory_space<hbm>>
      %dma_wait3A_415 = tpu.memref_squeeze %dma_wait3A_414 : memref<1x1x8x512xi32, #tpu.memory_space<hbm>> -> memref<8x512xi32, #tpu.memory_space<hbm>>
      tpu.wait_dma2 semaphore(%run_scoped3A_399 : memref<!tpu.dma_semaphore, #tpu.memory_space<semaphore_mem>>) src(%dma_wait3A_415 : memref<8x512xi32, #tpu.memory_space<hbm>>) dst(%arg27 : memref<8x512xi32, #tpu.memory_space<vmem>>)
      tpu.yield
    }) : () -> ()
    %dma_start3A = arith.constant 0 : i32
    %dma_start3A_6 = arith.constant 0 : i32
    %dma_start3A_7 = tpu.memref_slice %arg20[%dma_start3A, %dma_start3A_6] : memref<8x512xi32, #tpu.memory_space<vmem>> -> memref<1x512xi32, #tpu.memory_space<vmem>>
    %dma_start3A_8 = tpu.memref_squeeze %dma_start3A_7 : memref<1x512xi32, #tpu.memory_space<vmem>> -> memref<512xi32, #tpu.memory_space<vmem>>
    %dma_start3A_9 = arith.constant 0 : i32
    %dma_start3A_10 = tpu.memref_slice %arg7[%dma_start3A_9] : memref<1048576xi32, #tpu.memory_space<hbm>> -> memref<1048576xi32, #tpu.memory_space<hbm>>
    tpu.enqueue_indirect_dma source(%dma_start3A_10 : memref<1048576xi32, #tpu.memory_space<hbm>>) target(%dma_start3A_8 : memref<512xi32, #tpu.memory_space<vmem>>) offsets(%arg16 : memref<512xi32, #tpu.memory_space<vmem>>) semaphore(%arg29 : memref<!tpu.dma_semaphore, #tpu.memory_space<semaphore_mem>>)
    %dma_start3A_11 = arith.constant 1 : i32
    %dma_start3A_12 = arith.constant 0 : i32
    %dma_start3A_13 = tpu.memref_slice %arg20[%dma_start3A_11, %dma_start3A_12] : memref<8x512xi32, #tpu.memory_space<vmem>> -> memref<1x512xi32, #tpu.memory_space<vmem>>
    %dma_start3A_14 = tpu.memref_squeeze %dma_start3A_13 : memref<1x512xi32, #tpu.memory_space<vmem>> -> memref<512xi32, #tpu.memory_space<vmem>>
    %dma_start3A_15 = arith.constant 0 : i32
    %dma_start3A_16 = tpu.memref_slice %arg8[%dma_start3A_15] : memref<1048576xi32, #tpu.memory_space<hbm>> -> memref<1048576xi32, #tpu.memory_space<hbm>>
    tpu.enqueue_indirect_dma source(%dma_start3A_16 : memref<1048576xi32, #tpu.memory_space<hbm>>) target(%dma_start3A_14 : memref<512xi32, #tpu.memory_space<vmem>>) offsets(%arg16 : memref<512xi32, #tpu.memory_space<vmem>>) semaphore(%arg29 : memref<!tpu.dma_semaphore, #tpu.memory_space<semaphore_mem>>)
    %dma_start3A_17 = arith.constant 2 : i32
    %dma_start3A_18 = arith.constant 0 : i32
    %dma_start3A_19 = tpu.memref_slice %arg20[%dma_start3A_17, %dma_start3A_18] : memref<8x512xi32, #tpu.memory_space<vmem>> -> memref<1x512xi32, #tpu.memory_space<vmem>>
    %dma_start3A_20 = tpu.memref_squeeze %dma_start3A_19 : memref<1x512xi32, #tpu.memory_space<vmem>> -> memref<512xi32, #tpu.memory_space<vmem>>
    %dma_start3A_21 = arith.constant 0 : i32
    %dma_start3A_22 = tpu.memref_slice %arg9[%dma_start3A_21] : memref<1048576xi32, #tpu.memory_space<hbm>> -> memref<1048576xi32, #tpu.memory_space<hbm>>
    tpu.enqueue_indirect_dma source(%dma_start3A_22 : memref<1048576xi32, #tpu.memory_space<hbm>>) target(%dma_start3A_20 : memref<512xi32, #tpu.memory_space<vmem>>) offsets(%arg16 : memref<512xi32, #tpu.memory_space<vmem>>) semaphore(%arg29 : memref<!tpu.dma_semaphore, #tpu.memory_space<semaphore_mem>>)
    %dma_start3A_23 = arith.constant 3 : i32
    %dma_start3A_24 = arith.constant 0 : i32
    %dma_start3A_25 = tpu.memref_slice %arg20[%dma_start3A_23, %dma_start3A_24] : memref<8x512xi32, #tpu.memory_space<vmem>> -> memref<1x512xi32, #tpu.memory_space<vmem>>
    %dma_start3A_26 = tpu.memref_squeeze %dma_start3A_25 : memref<1x512xi32, #tpu.memory_space<vmem>> -> memref<512xi32, #tpu.memory_space<vmem>>
    %dma_start3A_27 = arith.constant 0 : i32
    %dma_start3A_28 = tpu.memref_slice %arg10[%dma_start3A_27] : memref<1048576xi32, #tpu.memory_space<hbm>> -> memref<1048576xi32, #tpu.memory_space<hbm>>
    tpu.enqueue_indirect_dma source(%dma_start3A_28 : memref<1048576xi32, #tpu.memory_space<hbm>>) target(%dma_start3A_26 : memref<512xi32, #tpu.memory_space<vmem>>) offsets(%arg16 : memref<512xi32, #tpu.memory_space<vmem>>) semaphore(%arg29 : memref<!tpu.dma_semaphore, #tpu.memory_space<semaphore_mem>>)
    %dma_start3A_29 = arith.constant 4 : i32
    %dma_start3A_30 = arith.constant 0 : i32
    %dma_start3A_31 = tpu.memref_slice %arg20[%dma_start3A_29, %dma_start3A_30] : memref<8x512xi32, #tpu.memory_space<vmem>> -> memref<1x512xi32, #tpu.memory_space<vmem>>
    %dma_start3A_32 = tpu.memref_squeeze %dma_start3A_31 : memref<1x512xi32, #tpu.memory_space<vmem>> -> memref<512xi32, #tpu.memory_space<vmem>>
    %dma_start3A_33 = arith.constant 0 : i32
    %dma_start3A_34 = tpu.memref_slice %arg11[%dma_start3A_33] : memref<1048576xi32, #tpu.memory_space<hbm>> -> memref<1048576xi32, #tpu.memory_space<hbm>>
    tpu.enqueue_indirect_dma source(%dma_start3A_34 : memref<1048576xi32, #tpu.memory_space<hbm>>) target(%dma_start3A_32 : memref<512xi32, #tpu.memory_space<vmem>>) offsets(%arg16 : memref<512xi32, #tpu.memory_space<vmem>>) semaphore(%arg29 : memref<!tpu.dma_semaphore, #tpu.memory_space<semaphore_mem>>)
    %dma_start3A_35 = arith.constant 5 : i32
    %dma_start3A_36 = arith.constant 0 : i32
    %dma_start3A_37 = tpu.memref_slice %arg20[%dma_start3A_35, %dma_start3A_36] : memref<8x512xi32, #tpu.memory_space<vmem>> -> memref<1x512xi32, #tpu.memory_space<vmem>>
    %dma_start3A_38 = tpu.memref_squeeze %dma_start3A_37 : memref<1x512xi32, #tpu.memory_space<vmem>> -> memref<512xi32, #tpu.memory_space<vmem>>
    %dma_start3A_39 = arith.constant 0 : i32
    %dma_start3A_40 = tpu.memref_slice %arg12[%dma_start3A_39] : memref<1048576xi32, #tpu.memory_space<hbm>> -> memref<1048576xi32, #tpu.memory_space<hbm>>
    tpu.enqueue_indirect_dma source(%dma_start3A_40 : memref<1048576xi32, #tpu.memory_space<hbm>>) target(%dma_start3A_38 : memref<512xi32, #tpu.memory_space<vmem>>) offsets(%arg16 : memref<512xi32, #tpu.memory_space<vmem>>) semaphore(%arg29 : memref<!tpu.dma_semaphore, #tpu.memory_space<semaphore_mem>>)
    %dma_start3A_41 = arith.constant 6 : i32
    %dma_start3A_42 = arith.constant 0 : i32
    %dma_start3A_43 = tpu.memref_slice %arg20[%dma_start3A_41, %dma_start3A_42] : memref<8x512xi32, #tpu.memory_space<vmem>> -> memref<1x512xi32, #tpu.memory_space<vmem>>
    %dma_start3A_44 = tpu.memref_squeeze %dma_start3A_43 : memref<1x512xi32, #tpu.memory_space<vmem>> -> memref<512xi32, #tpu.memory_space<vmem>>
    %dma_start3A_45 = arith.constant 0 : i32
    %dma_start3A_46 = tpu.memref_slice %arg13[%dma_start3A_45] : memref<1048576xi32, #tpu.memory_space<hbm>> -> memref<1048576xi32, #tpu.memory_space<hbm>>
    tpu.enqueue_indirect_dma source(%dma_start3A_46 : memref<1048576xi32, #tpu.memory_space<hbm>>) target(%dma_start3A_44 : memref<512xi32, #tpu.memory_space<vmem>>) offsets(%arg16 : memref<512xi32, #tpu.memory_space<vmem>>) semaphore(%arg29 : memref<!tpu.dma_semaphore, #tpu.memory_space<semaphore_mem>>)
    %dma_start3A_47 = arith.constant 7 : i32
    %dma_start3A_48 = arith.constant 0 : i32
    %dma_start3A_49 = tpu.memref_slice %arg20[%dma_start3A_47, %dma_start3A_48] : memref<8x512xi32, #tpu.memory_space<vmem>> -> memref<1x512xi32, #tpu.memory_space<vmem>>
    %dma_start3A_50 = tpu.memref_squeeze %dma_start3A_49 : memref<1x512xi32, #tpu.memory_space<vmem>> -> memref<512xi32, #tpu.memory_space<vmem>>
    %dma_start3A_51 = arith.constant 0 : i32
    %dma_start3A_52 = tpu.memref_slice %arg14[%dma_start3A_51] : memref<1048576xi32, #tpu.memory_space<hbm>> -> memref<1048576xi32, #tpu.memory_space<hbm>>
    tpu.enqueue_indirect_dma source(%dma_start3A_52 : memref<1048576xi32, #tpu.memory_space<hbm>>) target(%dma_start3A_50 : memref<512xi32, #tpu.memory_space<vmem>>) offsets(%arg16 : memref<512xi32, #tpu.memory_space<vmem>>) semaphore(%arg29 : memref<!tpu.dma_semaphore, #tpu.memory_space<semaphore_mem>>)
    %dma_start3A_53 = arith.constant 0 : i32
    %dma_start3A_54 = arith.constant 0 : i32
    %dma_start3A_55 = tpu.memref_slice %arg21[%dma_start3A_53, %dma_start3A_54] : memref<8x512xi32, #tpu.memory_space<vmem>> -> memref<1x512xi32, #tpu.memory_space<vmem>>
    %dma_start3A_56 = tpu.memref_squeeze %dma_start3A_55 : memref<1x512xi32, #tpu.memory_space<vmem>> -> memref<512xi32, #tpu.memory_space<vmem>>
    %dma_start3A_57 = arith.constant 0 : i32
    %dma_start3A_58 = tpu.memref_slice %arg7[%dma_start3A_57] : memref<1048576xi32, #tpu.memory_space<hbm>> -> memref<1048576xi32, #tpu.memory_space<hbm>>
    tpu.enqueue_indirect_dma source(%dma_start3A_58 : memref<1048576xi32, #tpu.memory_space<hbm>>) target(%dma_start3A_56 : memref<512xi32, #tpu.memory_space<vmem>>) offsets(%arg17 : memref<512xi32, #tpu.memory_space<vmem>>) semaphore(%arg29 : memref<!tpu.dma_semaphore, #tpu.memory_space<semaphore_mem>>)
    %dma_start3A_59 = arith.constant 1 : i32
    %dma_start3A_60 = arith.constant 0 : i32
    %dma_start3A_61 = tpu.memref_slice %arg21[%dma_start3A_59, %dma_start3A_60] : memref<8x512xi32, #tpu.memory_space<vmem>> -> memref<1x512xi32, #tpu.memory_space<vmem>>
    %dma_start3A_62 = tpu.memref_squeeze %dma_start3A_61 : memref<1x512xi32, #tpu.memory_space<vmem>> -> memref<512xi32, #tpu.memory_space<vmem>>
    %dma_start3A_63 = arith.constant 0 : i32
    %dma_start3A_64 = tpu.memref_slice %arg8[%dma_start3A_63] : memref<1048576xi32, #tpu.memory_space<hbm>> -> memref<1048576xi32, #tpu.memory_space<hbm>>
    tpu.enqueue_indirect_dma source(%dma_start3A_64 : memref<1048576xi32, #tpu.memory_space<hbm>>) target(%dma_start3A_62 : memref<512xi32, #tpu.memory_space<vmem>>) offsets(%arg17 : memref<512xi32, #tpu.memory_space<vmem>>) semaphore(%arg29 : memref<!tpu.dma_semaphore, #tpu.memory_space<semaphore_mem>>)
    %dma_start3A_65 = arith.constant 2 : i32
    %dma_start3A_66 = arith.constant 0 : i32
    %dma_start3A_67 = tpu.memref_slice %arg21[%dma_start3A_65, %dma_start3A_66] : memref<8x512xi32, #tpu.memory_space<vmem>> -> memref<1x512xi32, #tpu.memory_space<vmem>>
    %dma_start3A_68 = tpu.memref_squeeze %dma_start3A_67 : memref<1x512xi32, #tpu.memory_space<vmem>> -> memref<512xi32, #tpu.memory_space<vmem>>
    %dma_start3A_69 = arith.constant 0 : i32
    %dma_start3A_70 = tpu.memref_slice %arg9[%dma_start3A_69] : memref<1048576xi32, #tpu.memory_space<hbm>> -> memref<1048576xi32, #tpu.memory_space<hbm>>
    tpu.enqueue_indirect_dma source(%dma_start3A_70 : memref<1048576xi32, #tpu.memory_space<hbm>>) target(%dma_start3A_68 : memref<512xi32, #tpu.memory_space<vmem>>) offsets(%arg17 : memref<512xi32, #tpu.memory_space<vmem>>) semaphore(%arg29 : memref<!tpu.dma_semaphore, #tpu.memory_space<semaphore_mem>>)
    %dma_start3A_71 = arith.constant 3 : i32
    %dma_start3A_72 = arith.constant 0 : i32
    %dma_start3A_73 = tpu.memref_slice %arg21[%dma_start3A_71, %dma_start3A_72] : memref<8x512xi32, #tpu.memory_space<vmem>> -> memref<1x512xi32, #tpu.memory_space<vmem>>
    %dma_start3A_74 = tpu.memref_squeeze %dma_start3A_73 : memref<1x512xi32, #tpu.memory_space<vmem>> -> memref<512xi32, #tpu.memory_space<vmem>>
    %dma_start3A_75 = arith.constant 0 : i32
    %dma_start3A_76 = tpu.memref_slice %arg10[%dma_start3A_75] : memref<1048576xi32, #tpu.memory_space<hbm>> -> memref<1048576xi32, #tpu.memory_space<hbm>>
    tpu.enqueue_indirect_dma source(%dma_start3A_76 : memref<1048576xi32, #tpu.memory_space<hbm>>) target(%dma_start3A_74 : memref<512xi32, #tpu.memory_space<vmem>>) offsets(%arg17 : memref<512xi32, #tpu.memory_space<vmem>>) semaphore(%arg29 : memref<!tpu.dma_semaphore, #tpu.memory_space<semaphore_mem>>)
    %dma_start3A_77 = arith.constant 4 : i32
    %dma_start3A_78 = arith.constant 0 : i32
    %dma_start3A_79 = tpu.memref_slice %arg21[%dma_start3A_77, %dma_start3A_78] : memref<8x512xi32, #tpu.memory_space<vmem>> -> memref<1x512xi32, #tpu.memory_space<vmem>>
    %dma_start3A_80 = tpu.memref_squeeze %dma_start3A_79 : memref<1x512xi32, #tpu.memory_space<vmem>> -> memref<512xi32, #tpu.memory_space<vmem>>
    %dma_start3A_81 = arith.constant 0 : i32
    %dma_start3A_82 = tpu.memref_slice %arg11[%dma_start3A_81] : memref<1048576xi32, #tpu.memory_space<hbm>> -> memref<1048576xi32, #tpu.memory_space<hbm>>
    tpu.enqueue_indirect_dma source(%dma_start3A_82 : memref<1048576xi32, #tpu.memory_space<hbm>>) target(%dma_start3A_80 : memref<512xi32, #tpu.memory_space<vmem>>) offsets(%arg17 : memref<512xi32, #tpu.memory_space<vmem>>) semaphore(%arg29 : memref<!tpu.dma_semaphore, #tpu.memory_space<semaphore_mem>>)
    %dma_start3A_83 = arith.constant 5 : i32
    %dma_start3A_84 = arith.constant 0 : i32
    %dma_start3A_85 = tpu.memref_slice %arg21[%dma_start3A_83, %dma_start3A_84] : memref<8x512xi32, #tpu.memory_space<vmem>> -> memref<1x512xi32, #tpu.memory_space<vmem>>
    %dma_start3A_86 = tpu.memref_squeeze %dma_start3A_85 : memref<1x512xi32, #tpu.memory_space<vmem>> -> memref<512xi32, #tpu.memory_space<vmem>>
    %dma_start3A_87 = arith.constant 0 : i32
    %dma_start3A_88 = tpu.memref_slice %arg12[%dma_start3A_87] : memref<1048576xi32, #tpu.memory_space<hbm>> -> memref<1048576xi32, #tpu.memory_space<hbm>>
    tpu.enqueue_indirect_dma source(%dma_start3A_88 : memref<1048576xi32, #tpu.memory_space<hbm>>) target(%dma_start3A_86 : memref<512xi32, #tpu.memory_space<vmem>>) offsets(%arg17 : memref<512xi32, #tpu.memory_space<vmem>>) semaphore(%arg29 : memref<!tpu.dma_semaphore, #tpu.memory_space<semaphore_mem>>)
    %dma_start3A_89 = arith.constant 6 : i32
    %dma_start3A_90 = arith.constant 0 : i32
    %dma_start3A_91 = tpu.memref_slice %arg21[%dma_start3A_89, %dma_start3A_90] : memref<8x512xi32, #tpu.memory_space<vmem>> -> memref<1x512xi32, #tpu.memory_space<vmem>>
    %dma_start3A_92 = tpu.memref_squeeze %dma_start3A_91 : memref<1x512xi32, #tpu.memory_space<vmem>> -> memref<512xi32, #tpu.memory_space<vmem>>
    %dma_start3A_93 = arith.constant 0 : i32
    %dma_start3A_94 = tpu.memref_slice %arg13[%dma_start3A_93] : memref<1048576xi32, #tpu.memory_space<hbm>> -> memref<1048576xi32, #tpu.memory_space<hbm>>
    tpu.enqueue_indirect_dma source(%dma_start3A_94 : memref<1048576xi32, #tpu.memory_space<hbm>>) target(%dma_start3A_92 : memref<512xi32, #tpu.memory_space<vmem>>) offsets(%arg17 : memref<512xi32, #tpu.memory_space<vmem>>) semaphore(%arg29 : memref<!tpu.dma_semaphore, #tpu.memory_space<semaphore_mem>>)
    %dma_start3A_95 = arith.constant 7 : i32
    %dma_start3A_96 = arith.constant 0 : i32
    %dma_start3A_97 = tpu.memref_slice %arg21[%dma_start3A_95, %dma_start3A_96] : memref<8x512xi32, #tpu.memory_space<vmem>> -> memref<1x512xi32, #tpu.memory_space<vmem>>
    %dma_start3A_98 = tpu.memref_squeeze %dma_start3A_97 : memref<1x512xi32, #tpu.memory_space<vmem>> -> memref<512xi32, #tpu.memory_space<vmem>>
    %dma_start3A_99 = arith.constant 0 : i32
    %dma_start3A_100 = tpu.memref_slice %arg14[%dma_start3A_99] : memref<1048576xi32, #tpu.memory_space<hbm>> -> memref<1048576xi32, #tpu.memory_space<hbm>>
    tpu.enqueue_indirect_dma source(%dma_start3A_100 : memref<1048576xi32, #tpu.memory_space<hbm>>) target(%dma_start3A_98 : memref<512xi32, #tpu.memory_space<vmem>>) offsets(%arg17 : memref<512xi32, #tpu.memory_space<vmem>>) semaphore(%arg29 : memref<!tpu.dma_semaphore, #tpu.memory_space<semaphore_mem>>)
    %dma_start3A_101 = arith.constant 0 : i32
    %dma_start3A_102 = arith.constant 0 : i32
    %dma_start3A_103 = tpu.memref_slice %arg22[%dma_start3A_101, %dma_start3A_102] : memref<8x512xi32, #tpu.memory_space<vmem>> -> memref<1x512xi32, #tpu.memory_space<vmem>>
    %dma_start3A_104 = tpu.memref_squeeze %dma_start3A_103 : memref<1x512xi32, #tpu.memory_space<vmem>> -> memref<512xi32, #tpu.memory_space<vmem>>
    %dma_start3A_105 = arith.constant 0 : i32
    %dma_start3A_106 = tpu.memref_slice %arg7[%dma_start3A_105] : memref<1048576xi32, #tpu.memory_space<hbm>> -> memref<1048576xi32, #tpu.memory_space<hbm>>
    tpu.enqueue_indirect_dma source(%dma_start3A_106 : memref<1048576xi32, #tpu.memory_space<hbm>>) target(%dma_start3A_104 : memref<512xi32, #tpu.memory_space<vmem>>) offsets(%arg18 : memref<512xi32, #tpu.memory_space<vmem>>) semaphore(%arg29 : memref<!tpu.dma_semaphore, #tpu.memory_space<semaphore_mem>>)
    %dma_start3A_107 = arith.constant 1 : i32
    %dma_start3A_108 = arith.constant 0 : i32
    %dma_start3A_109 = tpu.memref_slice %arg22[%dma_start3A_107, %dma_start3A_108] : memref<8x512xi32, #tpu.memory_space<vmem>> -> memref<1x512xi32, #tpu.memory_space<vmem>>
    %dma_start3A_110 = tpu.memref_squeeze %dma_start3A_109 : memref<1x512xi32, #tpu.memory_space<vmem>> -> memref<512xi32, #tpu.memory_space<vmem>>
    %dma_start3A_111 = arith.constant 0 : i32
    %dma_start3A_112 = tpu.memref_slice %arg8[%dma_start3A_111] : memref<1048576xi32, #tpu.memory_space<hbm>> -> memref<1048576xi32, #tpu.memory_space<hbm>>
    tpu.enqueue_indirect_dma source(%dma_start3A_112 : memref<1048576xi32, #tpu.memory_space<hbm>>) target(%dma_start3A_110 : memref<512xi32, #tpu.memory_space<vmem>>) offsets(%arg18 : memref<512xi32, #tpu.memory_space<vmem>>) semaphore(%arg29 : memref<!tpu.dma_semaphore, #tpu.memory_space<semaphore_mem>>)
    %dma_start3A_113 = arith.constant 2 : i32
    %dma_start3A_114 = arith.constant 0 : i32
    %dma_start3A_115 = tpu.memref_slice %arg22[%dma_start3A_113, %dma_start3A_114] : memref<8x512xi32, #tpu.memory_space<vmem>> -> memref<1x512xi32, #tpu.memory_space<vmem>>
    %dma_start3A_116 = tpu.memref_squeeze %dma_start3A_115 : memref<1x512xi32, #tpu.memory_space<vmem>> -> memref<512xi32, #tpu.memory_space<vmem>>
    %dma_start3A_117 = arith.constant 0 : i32
    %dma_start3A_118 = tpu.memref_slice %arg9[%dma_start3A_117] : memref<1048576xi32, #tpu.memory_space<hbm>> -> memref<1048576xi32, #tpu.memory_space<hbm>>
    tpu.enqueue_indirect_dma source(%dma_start3A_118 : memref<1048576xi32, #tpu.memory_space<hbm>>) target(%dma_start3A_116 : memref<512xi32, #tpu.memory_space<vmem>>) offsets(%arg18 : memref<512xi32, #tpu.memory_space<vmem>>) semaphore(%arg29 : memref<!tpu.dma_semaphore, #tpu.memory_space<semaphore_mem>>)
    %dma_start3A_119 = arith.constant 3 : i32
    %dma_start3A_120 = arith.constant 0 : i32
    %dma_start3A_121 = tpu.memref_slice %arg22[%dma_start3A_119, %dma_start3A_120] : memref<8x512xi32, #tpu.memory_space<vmem>> -> memref<1x512xi32, #tpu.memory_space<vmem>>
    %dma_start3A_122 = tpu.memref_squeeze %dma_start3A_121 : memref<1x512xi32, #tpu.memory_space<vmem>> -> memref<512xi32, #tpu.memory_space<vmem>>
    %dma_start3A_123 = arith.constant 0 : i32
    %dma_start3A_124 = tpu.memref_slice %arg10[%dma_start3A_123] : memref<1048576xi32, #tpu.memory_space<hbm>> -> memref<1048576xi32, #tpu.memory_space<hbm>>
    tpu.enqueue_indirect_dma source(%dma_start3A_124 : memref<1048576xi32, #tpu.memory_space<hbm>>) target(%dma_start3A_122 : memref<512xi32, #tpu.memory_space<vmem>>) offsets(%arg18 : memref<512xi32, #tpu.memory_space<vmem>>) semaphore(%arg29 : memref<!tpu.dma_semaphore, #tpu.memory_space<semaphore_mem>>)
    %dma_start3A_125 = arith.constant 4 : i32
    %dma_start3A_126 = arith.constant 0 : i32
    %dma_start3A_127 = tpu.memref_slice %arg22[%dma_start3A_125, %dma_start3A_126] : memref<8x512xi32, #tpu.memory_space<vmem>> -> memref<1x512xi32, #tpu.memory_space<vmem>>
    %dma_start3A_128 = tpu.memref_squeeze %dma_start3A_127 : memref<1x512xi32, #tpu.memory_space<vmem>> -> memref<512xi32, #tpu.memory_space<vmem>>
    %dma_start3A_129 = arith.constant 0 : i32
    %dma_start3A_130 = tpu.memref_slice %arg11[%dma_start3A_129] : memref<1048576xi32, #tpu.memory_space<hbm>> -> memref<1048576xi32, #tpu.memory_space<hbm>>
    tpu.enqueue_indirect_dma source(%dma_start3A_130 : memref<1048576xi32, #tpu.memory_space<hbm>>) target(%dma_start3A_128 : memref<512xi32, #tpu.memory_space<vmem>>) offsets(%arg18 : memref<512xi32, #tpu.memory_space<vmem>>) semaphore(%arg29 : memref<!tpu.dma_semaphore, #tpu.memory_space<semaphore_mem>>)
    %dma_start3A_131 = arith.constant 5 : i32
    %dma_start3A_132 = arith.constant 0 : i32
    %dma_start3A_133 = tpu.memref_slice %arg22[%dma_start3A_131, %dma_start3A_132] : memref<8x512xi32, #tpu.memory_space<vmem>> -> memref<1x512xi32, #tpu.memory_space<vmem>>
    %dma_start3A_134 = tpu.memref_squeeze %dma_start3A_133 : memref<1x512xi32, #tpu.memory_space<vmem>> -> memref<512xi32, #tpu.memory_space<vmem>>
    %dma_start3A_135 = arith.constant 0 : i32
    %dma_start3A_136 = tpu.memref_slice %arg12[%dma_start3A_135] : memref<1048576xi32, #tpu.memory_space<hbm>> -> memref<1048576xi32, #tpu.memory_space<hbm>>
    tpu.enqueue_indirect_dma source(%dma_start3A_136 : memref<1048576xi32, #tpu.memory_space<hbm>>) target(%dma_start3A_134 : memref<512xi32, #tpu.memory_space<vmem>>) offsets(%arg18 : memref<512xi32, #tpu.memory_space<vmem>>) semaphore(%arg29 : memref<!tpu.dma_semaphore, #tpu.memory_space<semaphore_mem>>)
    %dma_start3A_137 = arith.constant 6 : i32
    %dma_start3A_138 = arith.constant 0 : i32
    %dma_start3A_139 = tpu.memref_slice %arg22[%dma_start3A_137, %dma_start3A_138] : memref<8x512xi32, #tpu.memory_space<vmem>> -> memref<1x512xi32, #tpu.memory_space<vmem>>
    %dma_start3A_140 = tpu.memref_squeeze %dma_start3A_139 : memref<1x512xi32, #tpu.memory_space<vmem>> -> memref<512xi32, #tpu.memory_space<vmem>>
    %dma_start3A_141 = arith.constant 0 : i32
    %dma_start3A_142 = tpu.memref_slice %arg13[%dma_start3A_141] : memref<1048576xi32, #tpu.memory_space<hbm>> -> memref<1048576xi32, #tpu.memory_space<hbm>>
    tpu.enqueue_indirect_dma source(%dma_start3A_142 : memref<1048576xi32, #tpu.memory_space<hbm>>) target(%dma_start3A_140 : memref<512xi32, #tpu.memory_space<vmem>>) offsets(%arg18 : memref<512xi32, #tpu.memory_space<vmem>>) semaphore(%arg29 : memref<!tpu.dma_semaphore, #tpu.memory_space<semaphore_mem>>)
    %dma_start3A_143 = arith.constant 7 : i32
    %dma_start3A_144 = arith.constant 0 : i32
    %dma_start3A_145 = tpu.memref_slice %arg22[%dma_start3A_143, %dma_start3A_144] : memref<8x512xi32, #tpu.memory_space<vmem>> -> memref<1x512xi32, #tpu.memory_space<vmem>>
    %dma_start3A_146 = tpu.memref_squeeze %dma_start3A_145 : memref<1x512xi32, #tpu.memory_space<vmem>> -> memref<512xi32, #tpu.memory_space<vmem>>
    %dma_start3A_147 = arith.constant 0 : i32
    %dma_start3A_148 = tpu.memref_slice %arg14[%dma_start3A_147] : memref<1048576xi32, #tpu.memory_space<hbm>> -> memref<1048576xi32, #tpu.memory_space<hbm>>
    tpu.enqueue_indirect_dma source(%dma_start3A_148 : memref<1048576xi32, #tpu.memory_space<hbm>>) target(%dma_start3A_146 : memref<512xi32, #tpu.memory_space<vmem>>) offsets(%arg18 : memref<512xi32, #tpu.memory_space<vmem>>) semaphore(%arg29 : memref<!tpu.dma_semaphore, #tpu.memory_space<semaphore_mem>>)
    %dma_start3A_149 = arith.constant 0 : i32
    %dma_start3A_150 = arith.constant 0 : i32
    %dma_start3A_151 = tpu.memref_slice %arg23[%dma_start3A_149, %dma_start3A_150] : memref<8x512xi32, #tpu.memory_space<vmem>> -> memref<1x512xi32, #tpu.memory_space<vmem>>
    %dma_start3A_152 = tpu.memref_squeeze %dma_start3A_151 : memref<1x512xi32, #tpu.memory_space<vmem>> -> memref<512xi32, #tpu.memory_space<vmem>>
    %dma_start3A_153 = arith.constant 0 : i32
    %dma_start3A_154 = tpu.memref_slice %arg7[%dma_start3A_153] : memref<1048576xi32, #tpu.memory_space<hbm>> -> memref<1048576xi32, #tpu.memory_space<hbm>>
    tpu.enqueue_indirect_dma source(%dma_start3A_154 : memref<1048576xi32, #tpu.memory_space<hbm>>) target(%dma_start3A_152 : memref<512xi32, #tpu.memory_space<vmem>>) offsets(%arg19 : memref<512xi32, #tpu.memory_space<vmem>>) semaphore(%arg29 : memref<!tpu.dma_semaphore, #tpu.memory_space<semaphore_mem>>)
    %dma_start3A_155 = arith.constant 1 : i32
    %dma_start3A_156 = arith.constant 0 : i32
    %dma_start3A_157 = tpu.memref_slice %arg23[%dma_start3A_155, %dma_start3A_156] : memref<8x512xi32, #tpu.memory_space<vmem>> -> memref<1x512xi32, #tpu.memory_space<vmem>>
    %dma_start3A_158 = tpu.memref_squeeze %dma_start3A_157 : memref<1x512xi32, #tpu.memory_space<vmem>> -> memref<512xi32, #tpu.memory_space<vmem>>
    %dma_start3A_159 = arith.constant 0 : i32
    %dma_start3A_160 = tpu.memref_slice %arg8[%dma_start3A_159] : memref<1048576xi32, #tpu.memory_space<hbm>> -> memref<1048576xi32, #tpu.memory_space<hbm>>
    tpu.enqueue_indirect_dma source(%dma_start3A_160 : memref<1048576xi32, #tpu.memory_space<hbm>>) target(%dma_start3A_158 : memref<512xi32, #tpu.memory_space<vmem>>) offsets(%arg19 : memref<512xi32, #tpu.memory_space<vmem>>) semaphore(%arg29 : memref<!tpu.dma_semaphore, #tpu.memory_space<semaphore_mem>>)
    %dma_start3A_161 = arith.constant 2 : i32
    %dma_start3A_162 = arith.constant 0 : i32
    %dma_start3A_163 = tpu.memref_slice %arg23[%dma_start3A_161, %dma_start3A_162] : memref<8x512xi32, #tpu.memory_space<vmem>> -> memref<1x512xi32, #tpu.memory_space<vmem>>
    %dma_start3A_164 = tpu.memref_squeeze %dma_start3A_163 : memref<1x512xi32, #tpu.memory_space<vmem>> -> memref<512xi32, #tpu.memory_space<vmem>>
    %dma_start3A_165 = arith.constant 0 : i32
    %dma_start3A_166 = tpu.memref_slice %arg9[%dma_start3A_165] : memref<1048576xi32, #tpu.memory_space<hbm>> -> memref<1048576xi32, #tpu.memory_space<hbm>>
    tpu.enqueue_indirect_dma source(%dma_start3A_166 : memref<1048576xi32, #tpu.memory_space<hbm>>) target(%dma_start3A_164 : memref<512xi32, #tpu.memory_space<vmem>>) offsets(%arg19 : memref<512xi32, #tpu.memory_space<vmem>>) semaphore(%arg29 : memref<!tpu.dma_semaphore, #tpu.memory_space<semaphore_mem>>)
    %dma_start3A_167 = arith.constant 3 : i32
    %dma_start3A_168 = arith.constant 0 : i32
    %dma_start3A_169 = tpu.memref_slice %arg23[%dma_start3A_167, %dma_start3A_168] : memref<8x512xi32, #tpu.memory_space<vmem>> -> memref<1x512xi32, #tpu.memory_space<vmem>>
    %dma_start3A_170 = tpu.memref_squeeze %dma_start3A_169 : memref<1x512xi32, #tpu.memory_space<vmem>> -> memref<512xi32, #tpu.memory_space<vmem>>
    %dma_start3A_171 = arith.constant 0 : i32
    %dma_start3A_172 = tpu.memref_slice %arg10[%dma_start3A_171] : memref<1048576xi32, #tpu.memory_space<hbm>> -> memref<1048576xi32, #tpu.memory_space<hbm>>
    tpu.enqueue_indirect_dma source(%dma_start3A_172 : memref<1048576xi32, #tpu.memory_space<hbm>>) target(%dma_start3A_170 : memref<512xi32, #tpu.memory_space<vmem>>) offsets(%arg19 : memref<512xi32, #tpu.memory_space<vmem>>) semaphore(%arg29 : memref<!tpu.dma_semaphore, #tpu.memory_space<semaphore_mem>>)
    %dma_start3A_173 = arith.constant 4 : i32
    %dma_start3A_174 = arith.constant 0 : i32
    %dma_start3A_175 = tpu.memref_slice %arg23[%dma_start3A_173, %dma_start3A_174] : memref<8x512xi32, #tpu.memory_space<vmem>> -> memref<1x512xi32, #tpu.memory_space<vmem>>
    %dma_start3A_176 = tpu.memref_squeeze %dma_start3A_175 : memref<1x512xi32, #tpu.memory_space<vmem>> -> memref<512xi32, #tpu.memory_space<vmem>>
    %dma_start3A_177 = arith.constant 0 : i32
    %dma_start3A_178 = tpu.memref_slice %arg11[%dma_start3A_177] : memref<1048576xi32, #tpu.memory_space<hbm>> -> memref<1048576xi32, #tpu.memory_space<hbm>>
    tpu.enqueue_indirect_dma source(%dma_start3A_178 : memref<1048576xi32, #tpu.memory_space<hbm>>) target(%dma_start3A_176 : memref<512xi32, #tpu.memory_space<vmem>>) offsets(%arg19 : memref<512xi32, #tpu.memory_space<vmem>>) semaphore(%arg29 : memref<!tpu.dma_semaphore, #tpu.memory_space<semaphore_mem>>)
    %dma_start3A_179 = arith.constant 5 : i32
    %dma_start3A_180 = arith.constant 0 : i32
    %dma_start3A_181 = tpu.memref_slice %arg23[%dma_start3A_179, %dma_start3A_180] : memref<8x512xi32, #tpu.memory_space<vmem>> -> memref<1x512xi32, #tpu.memory_space<vmem>>
    %dma_start3A_182 = tpu.memref_squeeze %dma_start3A_181 : memref<1x512xi32, #tpu.memory_space<vmem>> -> memref<512xi32, #tpu.memory_space<vmem>>
    %dma_start3A_183 = arith.constant 0 : i32
    %dma_start3A_184 = tpu.memref_slice %arg12[%dma_start3A_183] : memref<1048576xi32, #tpu.memory_space<hbm>> -> memref<1048576xi32, #tpu.memory_space<hbm>>
    tpu.enqueue_indirect_dma source(%dma_start3A_184 : memref<1048576xi32, #tpu.memory_space<hbm>>) target(%dma_start3A_182 : memref<512xi32, #tpu.memory_space<vmem>>) offsets(%arg19 : memref<512xi32, #tpu.memory_space<vmem>>) semaphore(%arg29 : memref<!tpu.dma_semaphore, #tpu.memory_space<semaphore_mem>>)
    %dma_start3A_185 = arith.constant 6 : i32
    %dma_start3A_186 = arith.constant 0 : i32
    %dma_start3A_187 = tpu.memref_slice %arg23[%dma_start3A_185, %dma_start3A_186] : memref<8x512xi32, #tpu.memory_space<vmem>> -> memref<1x512xi32, #tpu.memory_space<vmem>>
    %dma_start3A_188 = tpu.memref_squeeze %dma_start3A_187 : memref<1x512xi32, #tpu.memory_space<vmem>> -> memref<512xi32, #tpu.memory_space<vmem>>
    %dma_start3A_189 = arith.constant 0 : i32
    %dma_start3A_190 = tpu.memref_slice %arg13[%dma_start3A_189] : memref<1048576xi32, #tpu.memory_space<hbm>> -> memref<1048576xi32, #tpu.memory_space<hbm>>
    tpu.enqueue_indirect_dma source(%dma_start3A_190 : memref<1048576xi32, #tpu.memory_space<hbm>>) target(%dma_start3A_188 : memref<512xi32, #tpu.memory_space<vmem>>) offsets(%arg19 : memref<512xi32, #tpu.memory_space<vmem>>) semaphore(%arg29 : memref<!tpu.dma_semaphore, #tpu.memory_space<semaphore_mem>>)
    %dma_start3A_191 = arith.constant 7 : i32
    %dma_start3A_192 = arith.constant 0 : i32
    %dma_start3A_193 = tpu.memref_slice %arg23[%dma_start3A_191, %dma_start3A_192] : memref<8x512xi32, #tpu.memory_space<vmem>> -> memref<1x512xi32, #tpu.memory_space<vmem>>
    %dma_start3A_194 = tpu.memref_squeeze %dma_start3A_193 : memref<1x512xi32, #tpu.memory_space<vmem>> -> memref<512xi32, #tpu.memory_space<vmem>>
    %dma_start3A_195 = arith.constant 0 : i32
    %dma_start3A_196 = tpu.memref_slice %arg14[%dma_start3A_195] : memref<1048576xi32, #tpu.memory_space<hbm>> -> memref<1048576xi32, #tpu.memory_space<hbm>>
    tpu.enqueue_indirect_dma source(%dma_start3A_196 : memref<1048576xi32, #tpu.memory_space<hbm>>) target(%dma_start3A_194 : memref<512xi32, #tpu.memory_space<vmem>>) offsets(%arg19 : memref<512xi32, #tpu.memory_space<vmem>>) semaphore(%arg29 : memref<!tpu.dma_semaphore, #tpu.memory_space<semaphore_mem>>)
    %dma_wait3A = arith.constant 0 : i32
    %dma_wait3A_197 = arith.constant 0 : i32
    %dma_wait3A_198 = tpu.memref_slice %arg20[%dma_wait3A, %dma_wait3A_197] : memref<8x512xi32, #tpu.memory_space<vmem>> -> memref<1x512xi32, #tpu.memory_space<vmem>>
    %dma_wait3A_199 = tpu.memref_squeeze %dma_wait3A_198 : memref<1x512xi32, #tpu.memory_space<vmem>> -> memref<512xi32, #tpu.memory_space<vmem>>
    %dma_wait3A_200 = arith.constant 0 : i32
    %dma_wait3A_201 = tpu.memref_slice %arg7[%dma_wait3A_200] : memref<1048576xi32, #tpu.memory_space<hbm>> -> memref<1048576xi32, #tpu.memory_space<hbm>>
    tpu.wait_indirect_dma semaphore(%arg29 : memref<!tpu.dma_semaphore, #tpu.memory_space<semaphore_mem>>) src(%dma_wait3A_201 : memref<1048576xi32, #tpu.memory_space<hbm>>) dst(%dma_wait3A_199 : memref<512xi32, #tpu.memory_space<vmem>>)
    %dma_wait3A_202 = arith.constant 1 : i32
    %dma_wait3A_203 = arith.constant 0 : i32
    %dma_wait3A_204 = tpu.memref_slice %arg20[%dma_wait3A_202, %dma_wait3A_203] : memref<8x512xi32, #tpu.memory_space<vmem>> -> memref<1x512xi32, #tpu.memory_space<vmem>>
    %dma_wait3A_205 = tpu.memref_squeeze %dma_wait3A_204 : memref<1x512xi32, #tpu.memory_space<vmem>> -> memref<512xi32, #tpu.memory_space<vmem>>
    %dma_wait3A_206 = arith.constant 0 : i32
    %dma_wait3A_207 = tpu.memref_slice %arg8[%dma_wait3A_206] : memref<1048576xi32, #tpu.memory_space<hbm>> -> memref<1048576xi32, #tpu.memory_space<hbm>>
    tpu.wait_indirect_dma semaphore(%arg29 : memref<!tpu.dma_semaphore, #tpu.memory_space<semaphore_mem>>) src(%dma_wait3A_207 : memref<1048576xi32, #tpu.memory_space<hbm>>) dst(%dma_wait3A_205 : memref<512xi32, #tpu.memory_space<vmem>>)
    %dma_wait3A_208 = arith.constant 2 : i32
    %dma_wait3A_209 = arith.constant 0 : i32
    %dma_wait3A_210 = tpu.memref_slice %arg20[%dma_wait3A_208, %dma_wait3A_209] : memref<8x512xi32, #tpu.memory_space<vmem>> -> memref<1x512xi32, #tpu.memory_space<vmem>>
    %dma_wait3A_211 = tpu.memref_squeeze %dma_wait3A_210 : memref<1x512xi32, #tpu.memory_space<vmem>> -> memref<512xi32, #tpu.memory_space<vmem>>
    %dma_wait3A_212 = arith.constant 0 : i32
    %dma_wait3A_213 = tpu.memref_slice %arg9[%dma_wait3A_212] : memref<1048576xi32, #tpu.memory_space<hbm>> -> memref<1048576xi32, #tpu.memory_space<hbm>>
    tpu.wait_indirect_dma semaphore(%arg29 : memref<!tpu.dma_semaphore, #tpu.memory_space<semaphore_mem>>) src(%dma_wait3A_213 : memref<1048576xi32, #tpu.memory_space<hbm>>) dst(%dma_wait3A_211 : memref<512xi32, #tpu.memory_space<vmem>>)
    %dma_wait3A_214 = arith.constant 3 : i32
    %dma_wait3A_215 = arith.constant 0 : i32
    %dma_wait3A_216 = tpu.memref_slice %arg20[%dma_wait3A_214, %dma_wait3A_215] : memref<8x512xi32, #tpu.memory_space<vmem>> -> memref<1x512xi32, #tpu.memory_space<vmem>>
    %dma_wait3A_217 = tpu.memref_squeeze %dma_wait3A_216 : memref<1x512xi32, #tpu.memory_space<vmem>> -> memref<512xi32, #tpu.memory_space<vmem>>
    %dma_wait3A_218 = arith.constant 0 : i32
    %dma_wait3A_219 = tpu.memref_slice %arg10[%dma_wait3A_218] : memref<1048576xi32, #tpu.memory_space<hbm>> -> memref<1048576xi32, #tpu.memory_space<hbm>>
    tpu.wait_indirect_dma semaphore(%arg29 : memref<!tpu.dma_semaphore, #tpu.memory_space<semaphore_mem>>) src(%dma_wait3A_219 : memref<1048576xi32, #tpu.memory_space<hbm>>) dst(%dma_wait3A_217 : memref<512xi32, #tpu.memory_space<vmem>>)
    %dma_wait3A_220 = arith.constant 4 : i32
    %dma_wait3A_221 = arith.constant 0 : i32
    %dma_wait3A_222 = tpu.memref_slice %arg20[%dma_wait3A_220, %dma_wait3A_221] : memref<8x512xi32, #tpu.memory_space<vmem>> -> memref<1x512xi32, #tpu.memory_space<vmem>>
    %dma_wait3A_223 = tpu.memref_squeeze %dma_wait3A_222 : memref<1x512xi32, #tpu.memory_space<vmem>> -> memref<512xi32, #tpu.memory_space<vmem>>
    %dma_wait3A_224 = arith.constant 0 : i32
    %dma_wait3A_225 = tpu.memref_slice %arg11[%dma_wait3A_224] : memref<1048576xi32, #tpu.memory_space<hbm>> -> memref<1048576xi32, #tpu.memory_space<hbm>>
    tpu.wait_indirect_dma semaphore(%arg29 : memref<!tpu.dma_semaphore, #tpu.memory_space<semaphore_mem>>) src(%dma_wait3A_225 : memref<1048576xi32, #tpu.memory_space<hbm>>) dst(%dma_wait3A_223 : memref<512xi32, #tpu.memory_space<vmem>>)
    %dma_wait3A_226 = arith.constant 5 : i32
    %dma_wait3A_227 = arith.constant 0 : i32
    %dma_wait3A_228 = tpu.memref_slice %arg20[%dma_wait3A_226, %dma_wait3A_227] : memref<8x512xi32, #tpu.memory_space<vmem>> -> memref<1x512xi32, #tpu.memory_space<vmem>>
    %dma_wait3A_229 = tpu.memref_squeeze %dma_wait3A_228 : memref<1x512xi32, #tpu.memory_space<vmem>> -> memref<512xi32, #tpu.memory_space<vmem>>
    %dma_wait3A_230 = arith.constant 0 : i32
    %dma_wait3A_231 = tpu.memref_slice %arg12[%dma_wait3A_230] : memref<1048576xi32, #tpu.memory_space<hbm>> -> memref<1048576xi32, #tpu.memory_space<hbm>>
    tpu.wait_indirect_dma semaphore(%arg29 : memref<!tpu.dma_semaphore, #tpu.memory_space<semaphore_mem>>) src(%dma_wait3A_231 : memref<1048576xi32, #tpu.memory_space<hbm>>) dst(%dma_wait3A_229 : memref<512xi32, #tpu.memory_space<vmem>>)
    %dma_wait3A_232 = arith.constant 6 : i32
    %dma_wait3A_233 = arith.constant 0 : i32
    %dma_wait3A_234 = tpu.memref_slice %arg20[%dma_wait3A_232, %dma_wait3A_233] : memref<8x512xi32, #tpu.memory_space<vmem>> -> memref<1x512xi32, #tpu.memory_space<vmem>>
    %dma_wait3A_235 = tpu.memref_squeeze %dma_wait3A_234 : memref<1x512xi32, #tpu.memory_space<vmem>> -> memref<512xi32, #tpu.memory_space<vmem>>
    %dma_wait3A_236 = arith.constant 0 : i32
    %dma_wait3A_237 = tpu.memref_slice %arg13[%dma_wait3A_236] : memref<1048576xi32, #tpu.memory_space<hbm>> -> memref<1048576xi32, #tpu.memory_space<hbm>>
    tpu.wait_indirect_dma semaphore(%arg29 : memref<!tpu.dma_semaphore, #tpu.memory_space<semaphore_mem>>) src(%dma_wait3A_237 : memref<1048576xi32, #tpu.memory_space<hbm>>) dst(%dma_wait3A_235 : memref<512xi32, #tpu.memory_space<vmem>>)
    %dma_wait3A_238 = arith.constant 7 : i32
    %dma_wait3A_239 = arith.constant 0 : i32
    %dma_wait3A_240 = tpu.memref_slice %arg20[%dma_wait3A_238, %dma_wait3A_239] : memref<8x512xi32, #tpu.memory_space<vmem>> -> memref<1x512xi32, #tpu.memory_space<vmem>>
    %dma_wait3A_241 = tpu.memref_squeeze %dma_wait3A_240 : memref<1x512xi32, #tpu.memory_space<vmem>> -> memref<512xi32, #tpu.memory_space<vmem>>
    %dma_wait3A_242 = arith.constant 0 : i32
    %dma_wait3A_243 = tpu.memref_slice %arg14[%dma_wait3A_242] : memref<1048576xi32, #tpu.memory_space<hbm>> -> memref<1048576xi32, #tpu.memory_space<hbm>>
    tpu.wait_indirect_dma semaphore(%arg29 : memref<!tpu.dma_semaphore, #tpu.memory_space<semaphore_mem>>) src(%dma_wait3A_243 : memref<1048576xi32, #tpu.memory_space<hbm>>) dst(%dma_wait3A_241 : memref<512xi32, #tpu.memory_space<vmem>>)
    %dma_wait3A_244 = arith.constant 0 : i32
    %dma_wait3A_245 = arith.constant 0 : i32
    %dma_wait3A_246 = tpu.memref_slice %arg21[%dma_wait3A_244, %dma_wait3A_245] : memref<8x512xi32, #tpu.memory_space<vmem>> -> memref<1x512xi32, #tpu.memory_space<vmem>>
    %dma_wait3A_247 = tpu.memref_squeeze %dma_wait3A_246 : memref<1x512xi32, #tpu.memory_space<vmem>> -> memref<512xi32, #tpu.memory_space<vmem>>
    %dma_wait3A_248 = arith.constant 0 : i32
    %dma_wait3A_249 = tpu.memref_slice %arg7[%dma_wait3A_248] : memref<1048576xi32, #tpu.memory_space<hbm>> -> memref<1048576xi32, #tpu.memory_space<hbm>>
    tpu.wait_indirect_dma semaphore(%arg29 : memref<!tpu.dma_semaphore, #tpu.memory_space<semaphore_mem>>) src(%dma_wait3A_249 : memref<1048576xi32, #tpu.memory_space<hbm>>) dst(%dma_wait3A_247 : memref<512xi32, #tpu.memory_space<vmem>>)
    %dma_wait3A_250 = arith.constant 1 : i32
    %dma_wait3A_251 = arith.constant 0 : i32
    %dma_wait3A_252 = tpu.memref_slice %arg21[%dma_wait3A_250, %dma_wait3A_251] : memref<8x512xi32, #tpu.memory_space<vmem>> -> memref<1x512xi32, #tpu.memory_space<vmem>>
    %dma_wait3A_253 = tpu.memref_squeeze %dma_wait3A_252 : memref<1x512xi32, #tpu.memory_space<vmem>> -> memref<512xi32, #tpu.memory_space<vmem>>
    %dma_wait3A_254 = arith.constant 0 : i32
    %dma_wait3A_255 = tpu.memref_slice %arg8[%dma_wait3A_254] : memref<1048576xi32, #tpu.memory_space<hbm>> -> memref<1048576xi32, #tpu.memory_space<hbm>>
    tpu.wait_indirect_dma semaphore(%arg29 : memref<!tpu.dma_semaphore, #tpu.memory_space<semaphore_mem>>) src(%dma_wait3A_255 : memref<1048576xi32, #tpu.memory_space<hbm>>) dst(%dma_wait3A_253 : memref<512xi32, #tpu.memory_space<vmem>>)
    %dma_wait3A_256 = arith.constant 2 : i32
    %dma_wait3A_257 = arith.constant 0 : i32
    %dma_wait3A_258 = tpu.memref_slice %arg21[%dma_wait3A_256, %dma_wait3A_257] : memref<8x512xi32, #tpu.memory_space<vmem>> -> memref<1x512xi32, #tpu.memory_space<vmem>>
    %dma_wait3A_259 = tpu.memref_squeeze %dma_wait3A_258 : memref<1x512xi32, #tpu.memory_space<vmem>> -> memref<512xi32, #tpu.memory_space<vmem>>
    %dma_wait3A_260 = arith.constant 0 : i32
    %dma_wait3A_261 = tpu.memref_slice %arg9[%dma_wait3A_260] : memref<1048576xi32, #tpu.memory_space<hbm>> -> memref<1048576xi32, #tpu.memory_space<hbm>>
    tpu.wait_indirect_dma semaphore(%arg29 : memref<!tpu.dma_semaphore, #tpu.memory_space<semaphore_mem>>) src(%dma_wait3A_261 : memref<1048576xi32, #tpu.memory_space<hbm>>) dst(%dma_wait3A_259 : memref<512xi32, #tpu.memory_space<vmem>>)
    %dma_wait3A_262 = arith.constant 3 : i32
    %dma_wait3A_263 = arith.constant 0 : i32
    %dma_wait3A_264 = tpu.memref_slice %arg21[%dma_wait3A_262, %dma_wait3A_263] : memref<8x512xi32, #tpu.memory_space<vmem>> -> memref<1x512xi32, #tpu.memory_space<vmem>>
    %dma_wait3A_265 = tpu.memref_squeeze %dma_wait3A_264 : memref<1x512xi32, #tpu.memory_space<vmem>> -> memref<512xi32, #tpu.memory_space<vmem>>
    %dma_wait3A_266 = arith.constant 0 : i32
    %dma_wait3A_267 = tpu.memref_slice %arg10[%dma_wait3A_266] : memref<1048576xi32, #tpu.memory_space<hbm>> -> memref<1048576xi32, #tpu.memory_space<hbm>>
    tpu.wait_indirect_dma semaphore(%arg29 : memref<!tpu.dma_semaphore, #tpu.memory_space<semaphore_mem>>) src(%dma_wait3A_267 : memref<1048576xi32, #tpu.memory_space<hbm>>) dst(%dma_wait3A_265 : memref<512xi32, #tpu.memory_space<vmem>>)
    %dma_wait3A_268 = arith.constant 4 : i32
    %dma_wait3A_269 = arith.constant 0 : i32
    %dma_wait3A_270 = tpu.memref_slice %arg21[%dma_wait3A_268, %dma_wait3A_269] : memref<8x512xi32, #tpu.memory_space<vmem>> -> memref<1x512xi32, #tpu.memory_space<vmem>>
    %dma_wait3A_271 = tpu.memref_squeeze %dma_wait3A_270 : memref<1x512xi32, #tpu.memory_space<vmem>> -> memref<512xi32, #tpu.memory_space<vmem>>
    %dma_wait3A_272 = arith.constant 0 : i32
    %dma_wait3A_273 = tpu.memref_slice %arg11[%dma_wait3A_272] : memref<1048576xi32, #tpu.memory_space<hbm>> -> memref<1048576xi32, #tpu.memory_space<hbm>>
    tpu.wait_indirect_dma semaphore(%arg29 : memref<!tpu.dma_semaphore, #tpu.memory_space<semaphore_mem>>) src(%dma_wait3A_273 : memref<1048576xi32, #tpu.memory_space<hbm>>) dst(%dma_wait3A_271 : memref<512xi32, #tpu.memory_space<vmem>>)
    %dma_wait3A_274 = arith.constant 5 : i32
    %dma_wait3A_275 = arith.constant 0 : i32
    %dma_wait3A_276 = tpu.memref_slice %arg21[%dma_wait3A_274, %dma_wait3A_275] : memref<8x512xi32, #tpu.memory_space<vmem>> -> memref<1x512xi32, #tpu.memory_space<vmem>>
    %dma_wait3A_277 = tpu.memref_squeeze %dma_wait3A_276 : memref<1x512xi32, #tpu.memory_space<vmem>> -> memref<512xi32, #tpu.memory_space<vmem>>
    %dma_wait3A_278 = arith.constant 0 : i32
    %dma_wait3A_279 = tpu.memref_slice %arg12[%dma_wait3A_278] : memref<1048576xi32, #tpu.memory_space<hbm>> -> memref<1048576xi32, #tpu.memory_space<hbm>>
    tpu.wait_indirect_dma semaphore(%arg29 : memref<!tpu.dma_semaphore, #tpu.memory_space<semaphore_mem>>) src(%dma_wait3A_279 : memref<1048576xi32, #tpu.memory_space<hbm>>) dst(%dma_wait3A_277 : memref<512xi32, #tpu.memory_space<vmem>>)
    %dma_wait3A_280 = arith.constant 6 : i32
    %dma_wait3A_281 = arith.constant 0 : i32
    %dma_wait3A_282 = tpu.memref_slice %arg21[%dma_wait3A_280, %dma_wait3A_281] : memref<8x512xi32, #tpu.memory_space<vmem>> -> memref<1x512xi32, #tpu.memory_space<vmem>>
    %dma_wait3A_283 = tpu.memref_squeeze %dma_wait3A_282 : memref<1x512xi32, #tpu.memory_space<vmem>> -> memref<512xi32, #tpu.memory_space<vmem>>
    %dma_wait3A_284 = arith.constant 0 : i32
    %dma_wait3A_285 = tpu.memref_slice %arg13[%dma_wait3A_284] : memref<1048576xi32, #tpu.memory_space<hbm>> -> memref<1048576xi32, #tpu.memory_space<hbm>>
    tpu.wait_indirect_dma semaphore(%arg29 : memref<!tpu.dma_semaphore, #tpu.memory_space<semaphore_mem>>) src(%dma_wait3A_285 : memref<1048576xi32, #tpu.memory_space<hbm>>) dst(%dma_wait3A_283 : memref<512xi32, #tpu.memory_space<vmem>>)
    %dma_wait3A_286 = arith.constant 7 : i32
    %dma_wait3A_287 = arith.constant 0 : i32
    %dma_wait3A_288 = tpu.memref_slice %arg21[%dma_wait3A_286, %dma_wait3A_287] : memref<8x512xi32, #tpu.memory_space<vmem>> -> memref<1x512xi32, #tpu.memory_space<vmem>>
    %dma_wait3A_289 = tpu.memref_squeeze %dma_wait3A_288 : memref<1x512xi32, #tpu.memory_space<vmem>> -> memref<512xi32, #tpu.memory_space<vmem>>
    %dma_wait3A_290 = arith.constant 0 : i32
    %dma_wait3A_291 = tpu.memref_slice %arg14[%dma_wait3A_290] : memref<1048576xi32, #tpu.memory_space<hbm>> -> memref<1048576xi32, #tpu.memory_space<hbm>>
    tpu.wait_indirect_dma semaphore(%arg29 : memref<!tpu.dma_semaphore, #tpu.memory_space<semaphore_mem>>) src(%dma_wait3A_291 : memref<1048576xi32, #tpu.memory_space<hbm>>) dst(%dma_wait3A_289 : memref<512xi32, #tpu.memory_space<vmem>>)
    %dma_wait3A_292 = arith.constant 0 : i32
    %dma_wait3A_293 = arith.constant 0 : i32
    %dma_wait3A_294 = tpu.memref_slice %arg22[%dma_wait3A_292, %dma_wait3A_293] : memref<8x512xi32, #tpu.memory_space<vmem>> -> memref<1x512xi32, #tpu.memory_space<vmem>>
    %dma_wait3A_295 = tpu.memref_squeeze %dma_wait3A_294 : memref<1x512xi32, #tpu.memory_space<vmem>> -> memref<512xi32, #tpu.memory_space<vmem>>
    %dma_wait3A_296 = arith.constant 0 : i32
    %dma_wait3A_297 = tpu.memref_slice %arg7[%dma_wait3A_296] : memref<1048576xi32, #tpu.memory_space<hbm>> -> memref<1048576xi32, #tpu.memory_space<hbm>>
    tpu.wait_indirect_dma semaphore(%arg29 : memref<!tpu.dma_semaphore, #tpu.memory_space<semaphore_mem>>) src(%dma_wait3A_297 : memref<1048576xi32, #tpu.memory_space<hbm>>) dst(%dma_wait3A_295 : memref<512xi32, #tpu.memory_space<vmem>>)
    %dma_wait3A_298 = arith.constant 1 : i32
    %dma_wait3A_299 = arith.constant 0 : i32
    %dma_wait3A_300 = tpu.memref_slice %arg22[%dma_wait3A_298, %dma_wait3A_299] : memref<8x512xi32, #tpu.memory_space<vmem>> -> memref<1x512xi32, #tpu.memory_space<vmem>>
    %dma_wait3A_301 = tpu.memref_squeeze %dma_wait3A_300 : memref<1x512xi32, #tpu.memory_space<vmem>> -> memref<512xi32, #tpu.memory_space<vmem>>
    %dma_wait3A_302 = arith.constant 0 : i32
    %dma_wait3A_303 = tpu.memref_slice %arg8[%dma_wait3A_302] : memref<1048576xi32, #tpu.memory_space<hbm>> -> memref<1048576xi32, #tpu.memory_space<hbm>>
    tpu.wait_indirect_dma semaphore(%arg29 : memref<!tpu.dma_semaphore, #tpu.memory_space<semaphore_mem>>) src(%dma_wait3A_303 : memref<1048576xi32, #tpu.memory_space<hbm>>) dst(%dma_wait3A_301 : memref<512xi32, #tpu.memory_space<vmem>>)
    %dma_wait3A_304 = arith.constant 2 : i32
    %dma_wait3A_305 = arith.constant 0 : i32
    %dma_wait3A_306 = tpu.memref_slice %arg22[%dma_wait3A_304, %dma_wait3A_305] : memref<8x512xi32, #tpu.memory_space<vmem>> -> memref<1x512xi32, #tpu.memory_space<vmem>>
    %dma_wait3A_307 = tpu.memref_squeeze %dma_wait3A_306 : memref<1x512xi32, #tpu.memory_space<vmem>> -> memref<512xi32, #tpu.memory_space<vmem>>
    %dma_wait3A_308 = arith.constant 0 : i32
    %dma_wait3A_309 = tpu.memref_slice %arg9[%dma_wait3A_308] : memref<1048576xi32, #tpu.memory_space<hbm>> -> memref<1048576xi32, #tpu.memory_space<hbm>>
    tpu.wait_indirect_dma semaphore(%arg29 : memref<!tpu.dma_semaphore, #tpu.memory_space<semaphore_mem>>) src(%dma_wait3A_309 : memref<1048576xi32, #tpu.memory_space<hbm>>) dst(%dma_wait3A_307 : memref<512xi32, #tpu.memory_space<vmem>>)
    %dma_wait3A_310 = arith.constant 3 : i32
    %dma_wait3A_311 = arith.constant 0 : i32
    %dma_wait3A_312 = tpu.memref_slice %arg22[%dma_wait3A_310, %dma_wait3A_311] : memref<8x512xi32, #tpu.memory_space<vmem>> -> memref<1x512xi32, #tpu.memory_space<vmem>>
    %dma_wait3A_313 = tpu.memref_squeeze %dma_wait3A_312 : memref<1x512xi32, #tpu.memory_space<vmem>> -> memref<512xi32, #tpu.memory_space<vmem>>
    %dma_wait3A_314 = arith.constant 0 : i32
    %dma_wait3A_315 = tpu.memref_slice %arg10[%dma_wait3A_314] : memref<1048576xi32, #tpu.memory_space<hbm>> -> memref<1048576xi32, #tpu.memory_space<hbm>>
    tpu.wait_indirect_dma semaphore(%arg29 : memref<!tpu.dma_semaphore, #tpu.memory_space<semaphore_mem>>) src(%dma_wait3A_315 : memref<1048576xi32, #tpu.memory_space<hbm>>) dst(%dma_wait3A_313 : memref<512xi32, #tpu.memory_space<vmem>>)
    %dma_wait3A_316 = arith.constant 4 : i32
    %dma_wait3A_317 = arith.constant 0 : i32
    %dma_wait3A_318 = tpu.memref_slice %arg22[%dma_wait3A_316, %dma_wait3A_317] : memref<8x512xi32, #tpu.memory_space<vmem>> -> memref<1x512xi32, #tpu.memory_space<vmem>>
    %dma_wait3A_319 = tpu.memref_squeeze %dma_wait3A_318 : memref<1x512xi32, #tpu.memory_space<vmem>> -> memref<512xi32, #tpu.memory_space<vmem>>
    %dma_wait3A_320 = arith.constant 0 : i32
    %dma_wait3A_321 = tpu.memref_slice %arg11[%dma_wait3A_320] : memref<1048576xi32, #tpu.memory_space<hbm>> -> memref<1048576xi32, #tpu.memory_space<hbm>>
    tpu.wait_indirect_dma semaphore(%arg29 : memref<!tpu.dma_semaphore, #tpu.memory_space<semaphore_mem>>) src(%dma_wait3A_321 : memref<1048576xi32, #tpu.memory_space<hbm>>) dst(%dma_wait3A_319 : memref<512xi32, #tpu.memory_space<vmem>>)
    %dma_wait3A_322 = arith.constant 5 : i32
    %dma_wait3A_323 = arith.constant 0 : i32
    %dma_wait3A_324 = tpu.memref_slice %arg22[%dma_wait3A_322, %dma_wait3A_323] : memref<8x512xi32, #tpu.memory_space<vmem>> -> memref<1x512xi32, #tpu.memory_space<vmem>>
    %dma_wait3A_325 = tpu.memref_squeeze %dma_wait3A_324 : memref<1x512xi32, #tpu.memory_space<vmem>> -> memref<512xi32, #tpu.memory_space<vmem>>
    %dma_wait3A_326 = arith.constant 0 : i32
    %dma_wait3A_327 = tpu.memref_slice %arg12[%dma_wait3A_326] : memref<1048576xi32, #tpu.memory_space<hbm>> -> memref<1048576xi32, #tpu.memory_space<hbm>>
    tpu.wait_indirect_dma semaphore(%arg29 : memref<!tpu.dma_semaphore, #tpu.memory_space<semaphore_mem>>) src(%dma_wait3A_327 : memref<1048576xi32, #tpu.memory_space<hbm>>) dst(%dma_wait3A_325 : memref<512xi32, #tpu.memory_space<vmem>>)
    %dma_wait3A_328 = arith.constant 6 : i32
    %dma_wait3A_329 = arith.constant 0 : i32
    %dma_wait3A_330 = tpu.memref_slice %arg22[%dma_wait3A_328, %dma_wait3A_329] : memref<8x512xi32, #tpu.memory_space<vmem>> -> memref<1x512xi32, #tpu.memory_space<vmem>>
    %dma_wait3A_331 = tpu.memref_squeeze %dma_wait3A_330 : memref<1x512xi32, #tpu.memory_space<vmem>> -> memref<512xi32, #tpu.memory_space<vmem>>
    %dma_wait3A_332 = arith.constant 0 : i32
    %dma_wait3A_333 = tpu.memref_slice %arg13[%dma_wait3A_332] : memref<1048576xi32, #tpu.memory_space<hbm>> -> memref<1048576xi32, #tpu.memory_space<hbm>>
    tpu.wait_indirect_dma semaphore(%arg29 : memref<!tpu.dma_semaphore, #tpu.memory_space<semaphore_mem>>) src(%dma_wait3A_333 : memref<1048576xi32, #tpu.memory_space<hbm>>) dst(%dma_wait3A_331 : memref<512xi32, #tpu.memory_space<vmem>>)
    %dma_wait3A_334 = arith.constant 7 : i32
    %dma_wait3A_335 = arith.constant 0 : i32
    %dma_wait3A_336 = tpu.memref_slice %arg22[%dma_wait3A_334, %dma_wait3A_335] : memref<8x512xi32, #tpu.memory_space<vmem>> -> memref<1x512xi32, #tpu.memory_space<vmem>>
    %dma_wait3A_337 = tpu.memref_squeeze %dma_wait3A_336 : memref<1x512xi32, #tpu.memory_space<vmem>> -> memref<512xi32, #tpu.memory_space<vmem>>
    %dma_wait3A_338 = arith.constant 0 : i32
    %dma_wait3A_339 = tpu.memref_slice %arg14[%dma_wait3A_338] : memref<1048576xi32, #tpu.memory_space<hbm>> -> memref<1048576xi32, #tpu.memory_space<hbm>>
    tpu.wait_indirect_dma semaphore(%arg29 : memref<!tpu.dma_semaphore, #tpu.memory_space<semaphore_mem>>) src(%dma_wait3A_339 : memref<1048576xi32, #tpu.memory_space<hbm>>) dst(%dma_wait3A_337 : memref<512xi32, #tpu.memory_space<vmem>>)
    %dma_wait3A_340 = arith.constant 0 : i32
    %dma_wait3A_341 = arith.constant 0 : i32
    %dma_wait3A_342 = tpu.memref_slice %arg23[%dma_wait3A_340, %dma_wait3A_341] : memref<8x512xi32, #tpu.memory_space<vmem>> -> memref<1x512xi32, #tpu.memory_space<vmem>>
    %dma_wait3A_343 = tpu.memref_squeeze %dma_wait3A_342 : memref<1x512xi32, #tpu.memory_space<vmem>> -> memref<512xi32, #tpu.memory_space<vmem>>
    %dma_wait3A_344 = arith.constant 0 : i32
    %dma_wait3A_345 = tpu.memref_slice %arg7[%dma_wait3A_344] : memref<1048576xi32, #tpu.memory_space<hbm>> -> memref<1048576xi32, #tpu.memory_space<hbm>>
    tpu.wait_indirect_dma semaphore(%arg29 : memref<!tpu.dma_semaphore, #tpu.memory_space<semaphore_mem>>) src(%dma_wait3A_345 : memref<1048576xi32, #tpu.memory_space<hbm>>) dst(%dma_wait3A_343 : memref<512xi32, #tpu.memory_space<vmem>>)
    %dma_wait3A_346 = arith.constant 1 : i32
    %dma_wait3A_347 = arith.constant 0 : i32
    %dma_wait3A_348 = tpu.memref_slice %arg23[%dma_wait3A_346, %dma_wait3A_347] : memref<8x512xi32, #tpu.memory_space<vmem>> -> memref<1x512xi32, #tpu.memory_space<vmem>>
    %dma_wait3A_349 = tpu.memref_squeeze %dma_wait3A_348 : memref<1x512xi32, #tpu.memory_space<vmem>> -> memref<512xi32, #tpu.memory_space<vmem>>
    %dma_wait3A_350 = arith.constant 0 : i32
    %dma_wait3A_351 = tpu.memref_slice %arg8[%dma_wait3A_350] : memref<1048576xi32, #tpu.memory_space<hbm>> -> memref<1048576xi32, #tpu.memory_space<hbm>>
    tpu.wait_indirect_dma semaphore(%arg29 : memref<!tpu.dma_semaphore, #tpu.memory_space<semaphore_mem>>) src(%dma_wait3A_351 : memref<1048576xi32, #tpu.memory_space<hbm>>) dst(%dma_wait3A_349 : memref<512xi32, #tpu.memory_space<vmem>>)
    %dma_wait3A_352 = arith.constant 2 : i32
    %dma_wait3A_353 = arith.constant 0 : i32
    %dma_wait3A_354 = tpu.memref_slice %arg23[%dma_wait3A_352, %dma_wait3A_353] : memref<8x512xi32, #tpu.memory_space<vmem>> -> memref<1x512xi32, #tpu.memory_space<vmem>>
    %dma_wait3A_355 = tpu.memref_squeeze %dma_wait3A_354 : memref<1x512xi32, #tpu.memory_space<vmem>> -> memref<512xi32, #tpu.memory_space<vmem>>
    %dma_wait3A_356 = arith.constant 0 : i32
    %dma_wait3A_357 = tpu.memref_slice %arg9[%dma_wait3A_356] : memref<1048576xi32, #tpu.memory_space<hbm>> -> memref<1048576xi32, #tpu.memory_space<hbm>>
    tpu.wait_indirect_dma semaphore(%arg29 : memref<!tpu.dma_semaphore, #tpu.memory_space<semaphore_mem>>) src(%dma_wait3A_357 : memref<1048576xi32, #tpu.memory_space<hbm>>) dst(%dma_wait3A_355 : memref<512xi32, #tpu.memory_space<vmem>>)
    %dma_wait3A_358 = arith.constant 3 : i32
    %dma_wait3A_359 = arith.constant 0 : i32
    %dma_wait3A_360 = tpu.memref_slice %arg23[%dma_wait3A_358, %dma_wait3A_359] : memref<8x512xi32, #tpu.memory_space<vmem>> -> memref<1x512xi32, #tpu.memory_space<vmem>>
    %dma_wait3A_361 = tpu.memref_squeeze %dma_wait3A_360 : memref<1x512xi32, #tpu.memory_space<vmem>> -> memref<512xi32, #tpu.memory_space<vmem>>
    %dma_wait3A_362 = arith.constant 0 : i32
    %dma_wait3A_363 = tpu.memref_slice %arg10[%dma_wait3A_362] : memref<1048576xi32, #tpu.memory_space<hbm>> -> memref<1048576xi32, #tpu.memory_space<hbm>>
    tpu.wait_indirect_dma semaphore(%arg29 : memref<!tpu.dma_semaphore, #tpu.memory_space<semaphore_mem>>) src(%dma_wait3A_363 : memref<1048576xi32, #tpu.memory_space<hbm>>) dst(%dma_wait3A_361 : memref<512xi32, #tpu.memory_space<vmem>>)
    %dma_wait3A_364 = arith.constant 4 : i32
    %dma_wait3A_365 = arith.constant 0 : i32
    %dma_wait3A_366 = tpu.memref_slice %arg23[%dma_wait3A_364, %dma_wait3A_365] : memref<8x512xi32, #tpu.memory_space<vmem>> -> memref<1x512xi32, #tpu.memory_space<vmem>>
    %dma_wait3A_367 = tpu.memref_squeeze %dma_wait3A_366 : memref<1x512xi32, #tpu.memory_space<vmem>> -> memref<512xi32, #tpu.memory_space<vmem>>
    %dma_wait3A_368 = arith.constant 0 : i32
    %dma_wait3A_369 = tpu.memref_slice %arg11[%dma_wait3A_368] : memref<1048576xi32, #tpu.memory_space<hbm>> -> memref<1048576xi32, #tpu.memory_space<hbm>>
    tpu.wait_indirect_dma semaphore(%arg29 : memref<!tpu.dma_semaphore, #tpu.memory_space<semaphore_mem>>) src(%dma_wait3A_369 : memref<1048576xi32, #tpu.memory_space<hbm>>) dst(%dma_wait3A_367 : memref<512xi32, #tpu.memory_space<vmem>>)
    %dma_wait3A_370 = arith.constant 5 : i32
    %dma_wait3A_371 = arith.constant 0 : i32
    %dma_wait3A_372 = tpu.memref_slice %arg23[%dma_wait3A_370, %dma_wait3A_371] : memref<8x512xi32, #tpu.memory_space<vmem>> -> memref<1x512xi32, #tpu.memory_space<vmem>>
    %dma_wait3A_373 = tpu.memref_squeeze %dma_wait3A_372 : memref<1x512xi32, #tpu.memory_space<vmem>> -> memref<512xi32, #tpu.memory_space<vmem>>
    %dma_wait3A_374 = arith.constant 0 : i32
    %dma_wait3A_375 = tpu.memref_slice %arg12[%dma_wait3A_374] : memref<1048576xi32, #tpu.memory_space<hbm>> -> memref<1048576xi32, #tpu.memory_space<hbm>>
    tpu.wait_indirect_dma semaphore(%arg29 : memref<!tpu.dma_semaphore, #tpu.memory_space<semaphore_mem>>) src(%dma_wait3A_375 : memref<1048576xi32, #tpu.memory_space<hbm>>) dst(%dma_wait3A_373 : memref<512xi32, #tpu.memory_space<vmem>>)
    %dma_wait3A_376 = arith.constant 6 : i32
    %dma_wait3A_377 = arith.constant 0 : i32
    %dma_wait3A_378 = tpu.memref_slice %arg23[%dma_wait3A_376, %dma_wait3A_377] : memref<8x512xi32, #tpu.memory_space<vmem>> -> memref<1x512xi32, #tpu.memory_space<vmem>>
    %dma_wait3A_379 = tpu.memref_squeeze %dma_wait3A_378 : memref<1x512xi32, #tpu.memory_space<vmem>> -> memref<512xi32, #tpu.memory_space<vmem>>
    %dma_wait3A_380 = arith.constant 0 : i32
    %dma_wait3A_381 = tpu.memref_slice %arg13[%dma_wait3A_380] : memref<1048576xi32, #tpu.memory_space<hbm>> -> memref<1048576xi32, #tpu.memory_space<hbm>>
    tpu.wait_indirect_dma semaphore(%arg29 : memref<!tpu.dma_semaphore, #tpu.memory_space<semaphore_mem>>) src(%dma_wait3A_381 : memref<1048576xi32, #tpu.memory_space<hbm>>) dst(%dma_wait3A_379 : memref<512xi32, #tpu.memory_space<vmem>>)
    %dma_wait3A_382 = arith.constant 7 : i32
    %dma_wait3A_383 = arith.constant 0 : i32
    %dma_wait3A_384 = tpu.memref_slice %arg23[%dma_wait3A_382, %dma_wait3A_383] : memref<8x512xi32, #tpu.memory_space<vmem>> -> memref<1x512xi32, #tpu.memory_space<vmem>>
    %dma_wait3A_385 = tpu.memref_squeeze %dma_wait3A_384 : memref<1x512xi32, #tpu.memory_space<vmem>> -> memref<512xi32, #tpu.memory_space<vmem>>
    %dma_wait3A_386 = arith.constant 0 : i32
    %dma_wait3A_387 = tpu.memref_slice %arg14[%dma_wait3A_386] : memref<1048576xi32, #tpu.memory_space<hbm>> -> memref<1048576xi32, #tpu.memory_space<hbm>>
    tpu.wait_indirect_dma semaphore(%arg29 : memref<!tpu.dma_semaphore, #tpu.memory_space<semaphore_mem>>) src(%dma_wait3A_387 : memref<1048576xi32, #tpu.memory_space<hbm>>) dst(%dma_wait3A_385 : memref<512xi32, #tpu.memory_space<vmem>>)
    %broadcast_in_dim3A = arith.constant -65536 : i32
    %broadcast_in_dim3A_388 = vector.broadcast %broadcast_in_dim3A : i32 to vector<16xi32>
    %broadcast_in_dim3A_389 = arith.constant 0.000000e+00 : f32
    %broadcast_in_dim3A_390 = vector.broadcast %broadcast_in_dim3A_389 : f32 to vector<16xf32>
    %scan3A = arith.constant 0 : i32
    %scan3A_391 = arith.constant 32 : i32
    %scan3A_392 = arith.addi %scan3A, %scan3A_391 : i32
    %scan3A_393 = arith.constant 1 : i32
    %scan3A_394 = scf.for %scan3A_399 = %scan3A to %scan3A_392 step %scan3A_393 iter_args(%scan3A_400 = %broadcast_in_dim3A_390) -> (vector<16xf32>)  : i32 {
      %broadcast_in_dim3A_401 = arith.constant 0.000000e+00 : f32
      %broadcast_in_dim3A_402 = vector.broadcast %broadcast_in_dim3A_401 : f32 to vector<16xf32>
      %mul3A_403 = arith.constant 16 : i32
      %mul3A_404 = arith.muli %scan3A_399, %mul3A_403 : i32
      %get3A = arith.constant 0 : i32
      %get3A_405 = arith.index_cast %get3A : i32 to index
      %get3A_406 = arith.index_cast %mul3A_404 : i32 to index
      %get3A_407 = tpu.vector_load %arg20[%get3A_405, %get3A_406] {strides = array<i32>} : memref<8x512xi32, #tpu.memory_space<vmem>>, vector<1x16xi32>,
      %get3A_408 = vector.shape_cast %get3A_407 : vector<1x16xi32> to vector<16xi32>
      %shift_left3A = arith.constant 16 : i32
      %shift_left3A_409 = vector.broadcast %shift_left3A : i32 to vector<16xi32>
      %shift_left3A_410 = arith.shli %get3A_408, %shift_left3A_409 : vector<16xi32>
      %bitcast_convert_type3A = tpu.bitcast %shift_left3A_410 : vector<16xi32> -> vector<16xf32>
      %and3A = arith.andi %get3A_408, %broadcast_in_dim3A_388 : vector<16xi32>
      %bitcast_convert_type3A_411 = tpu.bitcast %and3A : vector<16xi32> -> vector<16xf32>
      %get3A_412 = arith.constant 0 : i32
      %get3A_413 = arith.index_cast %get3A_412 : i32 to index
      %get3A_414 = arith.index_cast %mul3A_404 : i32 to index
      %get3A_415 = tpu.vector_load %arg21[%get3A_413, %get3A_414] {strides = array<i32>} : memref<8x512xi32, #tpu.memory_space<vmem>>, vector<1x16xi32>,
      %get3A_416 = vector.shape_cast %get3A_415 : vector<1x16xi32> to vector<16xi32>
      %shift_left3A_417 = arith.constant 16 : i32
      %shift_left3A_418 = vector.broadcast %shift_left3A_417 : i32 to vector<16xi32>
      %shift_left3A_419 = arith.shli %get3A_416, %shift_left3A_418 : vector<16xi32>
      %bitcast_convert_type3A_420 = tpu.bitcast %shift_left3A_419 : vector<16xi32> -> vector<16xf32>
      %and3A_421 = arith.andi %get3A_416, %broadcast_in_dim3A_388 : vector<16xi32>
      %bitcast_convert_type3A_422 = tpu.bitcast %and3A_421 : vector<16xi32> -> vector<16xf32>
      %get3A_423 = arith.constant 0 : i32
      %get3A_424 = arith.index_cast %get3A_423 : i32 to index
      %get3A_425 = arith.index_cast %mul3A_404 : i32 to index
      %get3A_426 = tpu.vector_load %arg24[%get3A_424, %get3A_425] {strides = array<i32>} : memref<8x512xi32, #tpu.memory_space<vmem>>, vector<1x16xi32>,
      %get3A_427 = vector.shape_cast %get3A_426 : vector<1x16xi32> to vector<16xi32>
      %shift_left3A_428 = arith.constant 16 : i32
      %shift_left3A_429 = vector.broadcast %shift_left3A_428 : i32 to vector<16xi32>
      %shift_left3A_430 = arith.shli %get3A_427, %shift_left3A_429 : vector<16xi32>
      %bitcast_convert_type3A_431 = tpu.bitcast %shift_left3A_430 : vector<16xi32> -> vector<16xf32>
      %and3A_432 = arith.andi %get3A_427, %broadcast_in_dim3A_388 : vector<16xi32>
      %bitcast_convert_type3A_433 = tpu.bitcast %and3A_432 : vector<16xi32> -> vector<16xf32>
      %get3A_434 = arith.constant 0 : i32
      %get3A_435 = arith.index_cast %get3A_434 : i32 to index
      %get3A_436 = arith.index_cast %mul3A_404 : i32 to index
      %get3A_437 = tpu.vector_load %arg25[%get3A_435, %get3A_436] {strides = array<i32>} : memref<8x512xi32, #tpu.memory_space<vmem>>, vector<1x16xi32>,
      %get3A_438 = vector.shape_cast %get3A_437 : vector<1x16xi32> to vector<16xi32>
      %shift_left3A_439 = arith.constant 16 : i32
      %shift_left3A_440 = vector.broadcast %shift_left3A_439 : i32 to vector<16xi32>
      %shift_left3A_441 = arith.shli %get3A_438, %shift_left3A_440 : vector<16xi32>
      %bitcast_convert_type3A_442 = tpu.bitcast %shift_left3A_441 : vector<16xi32> -> vector<16xf32>
      %and3A_443 = arith.andi %get3A_438, %broadcast_in_dim3A_388 : vector<16xi32>
      %bitcast_convert_type3A_444 = tpu.bitcast %and3A_443 : vector<16xi32> -> vector<16xf32>
      %sub3A = arith.subf %bitcast_convert_type3A, %bitcast_convert_type3A_420 : vector<16xf32>
      %mul3A_445 = arith.mulf %bitcast_convert_type3A_442, %bitcast_convert_type3A_442 : vector<16xf32>
      %add3A_446 = arith.addf %broadcast_in_dim3A_402, %mul3A_445 : vector<16xf32>
      %mul3A_447 = arith.mulf %bitcast_convert_type3A_442, %sub3A : vector<16xf32>
      %add3A_448 = arith.addf %broadcast_in_dim3A_402, %mul3A_447 : vector<16xf32>
      %mul3A_449 = arith.mulf %sub3A, %sub3A : vector<16xf32>
      %add3A_450 = arith.addf %broadcast_in_dim3A_402, %mul3A_449 : vector<16xf32>
      %mul3A_451 = arith.mulf %sub3A, %bitcast_convert_type3A_431 : vector<16xf32>
      %add3A_452 = arith.addf %broadcast_in_dim3A_402, %mul3A_451 : vector<16xf32>
      %mul3A_453 = arith.mulf %bitcast_convert_type3A_442, %bitcast_convert_type3A_431 : vector<16xf32>
      %add3A_454 = arith.addf %broadcast_in_dim3A_402, %mul3A_453 : vector<16xf32>
      %mul3A_455 = arith.mulf %bitcast_convert_type3A_431, %bitcast_convert_type3A_431 : vector<16xf32>
      %add3A_456 = arith.addf %broadcast_in_dim3A_402, %mul3A_455 : vector<16xf32>
      %sub3A_457 = arith.subf %bitcast_convert_type3A_411, %bitcast_convert_type3A_422 : vector<16xf32>
      %mul3A_458 = arith.mulf %bitcast_convert_type3A_444, %bitcast_convert_type3A_444 : vector<16xf32>
      %add3A_459 = arith.addf %add3A_446, %mul3A_458 : vector<16xf32>
      %mul3A_460 = arith.mulf %bitcast_convert_type3A_444, %sub3A_457 : vector<16xf32>
      %add3A_461 = arith.addf %add3A_448, %mul3A_460 : vector<16xf32>
      %mul3A_462 = arith.mulf %sub3A_457, %sub3A_457 : vector<16xf32>
      %add3A_463 = arith.addf %add3A_450, %mul3A_462 : vector<16xf32>
      %mul3A_464 = arith.mulf %sub3A_457, %bitcast_convert_type3A_433 : vector<16xf32>
      %add3A_465 = arith.addf %add3A_452, %mul3A_464 : vector<16xf32>
      %mul3A_466 = arith.mulf %bitcast_convert_type3A_444, %bitcast_convert_type3A_433 : vector<16xf32>
      %add3A_467 = arith.addf %add3A_454, %mul3A_466 : vector<16xf32>
      %mul3A_468 = arith.mulf %bitcast_convert_type3A_433, %bitcast_convert_type3A_433 : vector<16xf32>
      %add3A_469 = arith.addf %add3A_456, %mul3A_468 : vector<16xf32>
      %mul3A_470 = arith.constant 16 : i32
      %mul3A_471 = arith.muli %scan3A_399, %mul3A_470 : i32
      %get3A_472 = arith.constant 1 : i32
      %get3A_473 = arith.index_cast %get3A_472 : i32 to index
      %get3A_474 = arith.index_cast %mul3A_471 : i32 to index
      %get3A_475 = tpu.vector_load %arg20[%get3A_473, %get3A_474] {strides = array<i32>} : memref<8x512xi32, #tpu.memory_space<vmem>>, vector<1x16xi32>,
      %get3A_476 = vector.shape_cast %get3A_475 : vector<1x16xi32> to vector<16xi32>
      %shift_left3A_477 = arith.constant 16 : i32
      %shift_left3A_478 = vector.broadcast %shift_left3A_477 : i32 to vector<16xi32>
      %shift_left3A_479 = arith.shli %get3A_476, %shift_left3A_478 : vector<16xi32>
      %bitcast_convert_type3A_480 = tpu.bitcast %shift_left3A_479 : vector<16xi32> -> vector<16xf32>
      %and3A_481 = arith.andi %get3A_476, %broadcast_in_dim3A_388 : vector<16xi32>
      %bitcast_convert_type3A_482 = tpu.bitcast %and3A_481 : vector<16xi32> -> vector<16xf32>
      %get3A_483 = arith.constant 1 : i32
      %get3A_484 = arith.index_cast %get3A_483 : i32 to index
      %get3A_485 = arith.index_cast %mul3A_471 : i32 to index
      %get3A_486 = tpu.vector_load %arg21[%get3A_484, %get3A_485] {strides = array<i32>} : memref<8x512xi32, #tpu.memory_space<vmem>>, vector<1x16xi32>,
      %get3A_487 = vector.shape_cast %get3A_486 : vector<1x16xi32> to vector<16xi32>
      %shift_left3A_488 = arith.constant 16 : i32
      %shift_left3A_489 = vector.broadcast %shift_left3A_488 : i32 to vector<16xi32>
      %shift_left3A_490 = arith.shli %get3A_487, %shift_left3A_489 : vector<16xi32>
      %bitcast_convert_type3A_491 = tpu.bitcast %shift_left3A_490 : vector<16xi32> -> vector<16xf32>
      %and3A_492 = arith.andi %get3A_487, %broadcast_in_dim3A_388 : vector<16xi32>
      %bitcast_convert_type3A_493 = tpu.bitcast %and3A_492 : vector<16xi32> -> vector<16xf32>
      %get3A_494 = arith.constant 1 : i32
      %get3A_495 = arith.index_cast %get3A_494 : i32 to index
      %get3A_496 = arith.index_cast %mul3A_471 : i32 to index
      %get3A_497 = tpu.vector_load %arg24[%get3A_495, %get3A_496] {strides = array<i32>} : memref<8x512xi32, #tpu.memory_space<vmem>>, vector<1x16xi32>,
      %get3A_498 = vector.shape_cast %get3A_497 : vector<1x16xi32> to vector<16xi32>
      %shift_left3A_499 = arith.constant 16 : i32
      %shift_left3A_500 = vector.broadcast %shift_left3A_499 : i32 to vector<16xi32>
      %shift_left3A_501 = arith.shli %get3A_498, %shift_left3A_500 : vector<16xi32>
      %bitcast_convert_type3A_502 = tpu.bitcast %shift_left3A_501 : vector<16xi32> -> vector<16xf32>
      %and3A_503 = arith.andi %get3A_498, %broadcast_in_dim3A_388 : vector<16xi32>
      %bitcast_convert_type3A_504 = tpu.bitcast %and3A_503 : vector<16xi32> -> vector<16xf32>
      %get3A_505 = arith.constant 1 : i32
      %get3A_506 = arith.index_cast %get3A_505 : i32 to index
      %get3A_507 = arith.index_cast %mul3A_471 : i32 to index
      %get3A_508 = tpu.vector_load %arg25[%get3A_506, %get3A_507] {strides = array<i32>} : memref<8x512xi32, #tpu.memory_space<vmem>>, vector<1x16xi32>,
      %get3A_509 = vector.shape_cast %get3A_508 : vector<1x16xi32> to vector<16xi32>
      %shift_left3A_510 = arith.constant 16 : i32
      %shift_left3A_511 = vector.broadcast %shift_left3A_510 : i32 to vector<16xi32>
      %shift_left3A_512 = arith.shli %get3A_509, %shift_left3A_511 : vector<16xi32>
      %bitcast_convert_type3A_513 = tpu.bitcast %shift_left3A_512 : vector<16xi32> -> vector<16xf32>
      %and3A_514 = arith.andi %get3A_509, %broadcast_in_dim3A_388 : vector<16xi32>
      %bitcast_convert_type3A_515 = tpu.bitcast %and3A_514 : vector<16xi32> -> vector<16xf32>
      %sub3A_516 = arith.subf %bitcast_convert_type3A_480, %bitcast_convert_type3A_491 : vector<16xf32>
      %mul3A_517 = arith.mulf %bitcast_convert_type3A_513, %bitcast_convert_type3A_513 : vector<16xf32>
      %add3A_518 = arith.addf %add3A_459, %mul3A_517 : vector<16xf32>
      %mul3A_519 = arith.mulf %bitcast_convert_type3A_513, %sub3A_516 : vector<16xf32>
      %add3A_520 = arith.addf %add3A_461, %mul3A_519 : vector<16xf32>
      %mul3A_521 = arith.mulf %sub3A_516, %sub3A_516 : vector<16xf32>
      %add3A_522 = arith.addf %add3A_463, %mul3A_521 : vector<16xf32>
      %mul3A_523 = arith.mulf %sub3A_516, %bitcast_convert_type3A_502 : vector<16xf32>
      %add3A_524 = arith.addf %add3A_465, %mul3A_523 : vector<16xf32>
      %mul3A_525 = arith.mulf %bitcast_convert_type3A_513, %bitcast_convert_type3A_502 : vector<16xf32>
      %add3A_526 = arith.addf %add3A_467, %mul3A_525 : vector<16xf32>
      %mul3A_527 = arith.mulf %bitcast_convert_type3A_502, %bitcast_convert_type3A_502 : vector<16xf32>
      %add3A_528 = arith.addf %add3A_469, %mul3A_527 : vector<16xf32>
      %sub3A_529 = arith.subf %bitcast_convert_type3A_482, %bitcast_convert_type3A_493 : vector<16xf32>
      %mul3A_530 = arith.mulf %bitcast_convert_type3A_515, %bitcast_convert_type3A_515 : vector<16xf32>
      %add3A_531 = arith.addf %add3A_518, %mul3A_530 : vector<16xf32>
      %mul3A_532 = arith.mulf %bitcast_convert_type3A_515, %sub3A_529 : vector<16xf32>
      %add3A_533 = arith.addf %add3A_520, %mul3A_532 : vector<16xf32>
      %mul3A_534 = arith.mulf %sub3A_529, %sub3A_529 : vector<16xf32>
      %add3A_535 = arith.addf %add3A_522, %mul3A_534 : vector<16xf32>
      %mul3A_536 = arith.mulf %sub3A_529, %bitcast_convert_type3A_504 : vector<16xf32>
      %add3A_537 = arith.addf %add3A_524, %mul3A_536 : vector<16xf32>
      %mul3A_538 = arith.mulf %bitcast_convert_type3A_515, %bitcast_convert_type3A_504 : vector<16xf32>
      %add3A_539 = arith.addf %add3A_526, %mul3A_538 : vector<16xf32>
      %mul3A_540 = arith.mulf %bitcast_convert_type3A_504, %bitcast_convert_type3A_504 : vector<16xf32>
      %add3A_541 = arith.addf %add3A_528, %mul3A_540 : vector<16xf32>
      %mul3A_542 = arith.constant 16 : i32
      %mul3A_543 = arith.muli %scan3A_399, %mul3A_542 : i32
      %get3A_544 = arith.constant 2 : i32
      %get3A_545 = arith.index_cast %get3A_544 : i32 to index
      %get3A_546 = arith.index_cast %mul3A_543 : i32 to index
      %get3A_547 = tpu.vector_load %arg20[%get3A_545, %get3A_546] {strides = array<i32>} : memref<8x512xi32, #tpu.memory_space<vmem>>, vector<1x16xi32>,
      %get3A_548 = vector.shape_cast %get3A_547 : vector<1x16xi32> to vector<16xi32>
      %shift_left3A_549 = arith.constant 16 : i32
      %shift_left3A_550 = vector.broadcast %shift_left3A_549 : i32 to vector<16xi32>
      %shift_left3A_551 = arith.shli %get3A_548, %shift_left3A_550 : vector<16xi32>
      %bitcast_convert_type3A_552 = tpu.bitcast %shift_left3A_551 : vector<16xi32> -> vector<16xf32>
      %and3A_553 = arith.andi %get3A_548, %broadcast_in_dim3A_388 : vector<16xi32>
      %bitcast_convert_type3A_554 = tpu.bitcast %and3A_553 : vector<16xi32> -> vector<16xf32>
      %get3A_555 = arith.constant 2 : i32
      %get3A_556 = arith.index_cast %get3A_555 : i32 to index
      %get3A_557 = arith.index_cast %mul3A_543 : i32 to index
      %get3A_558 = tpu.vector_load %arg21[%get3A_556, %get3A_557] {strides = array<i32>} : memref<8x512xi32, #tpu.memory_space<vmem>>, vector<1x16xi32>,
      %get3A_559 = vector.shape_cast %get3A_558 : vector<1x16xi32> to vector<16xi32>
      %shift_left3A_560 = arith.constant 16 : i32
      %shift_left3A_561 = vector.broadcast %shift_left3A_560 : i32 to vector<16xi32>
      %shift_left3A_562 = arith.shli %get3A_559, %shift_left3A_561 : vector<16xi32>
      %bitcast_convert_type3A_563 = tpu.bitcast %shift_left3A_562 : vector<16xi32> -> vector<16xf32>
      %and3A_564 = arith.andi %get3A_559, %broadcast_in_dim3A_388 : vector<16xi32>
      %bitcast_convert_type3A_565 = tpu.bitcast %and3A_564 : vector<16xi32> -> vector<16xf32>
      %get3A_566 = arith.constant 2 : i32
      %get3A_567 = arith.index_cast %get3A_566 : i32 to index
      %get3A_568 = arith.index_cast %mul3A_543 : i32 to index
      %get3A_569 = tpu.vector_load %arg24[%get3A_567, %get3A_568] {strides = array<i32>} : memref<8x512xi32, #tpu.memory_space<vmem>>, vector<1x16xi32>,
      %get3A_570 = vector.shape_cast %get3A_569 : vector<1x16xi32> to vector<16xi32>
      %shift_left3A_571 = arith.constant 16 : i32
      %shift_left3A_572 = vector.broadcast %shift_left3A_571 : i32 to vector<16xi32>
      %shift_left3A_573 = arith.shli %get3A_570, %shift_left3A_572 : vector<16xi32>
      %bitcast_convert_type3A_574 = tpu.bitcast %shift_left3A_573 : vector<16xi32> -> vector<16xf32>
      %and3A_575 = arith.andi %get3A_570, %broadcast_in_dim3A_388 : vector<16xi32>
      %bitcast_convert_type3A_576 = tpu.bitcast %and3A_575 : vector<16xi32> -> vector<16xf32>
      %get3A_577 = arith.constant 2 : i32
      %get3A_578 = arith.index_cast %get3A_577 : i32 to index
      %get3A_579 = arith.index_cast %mul3A_543 : i32 to index
      %get3A_580 = tpu.vector_load %arg25[%get3A_578, %get3A_579] {strides = array<i32>} : memref<8x512xi32, #tpu.memory_space<vmem>>, vector<1x16xi32>,
      %get3A_581 = vector.shape_cast %get3A_580 : vector<1x16xi32> to vector<16xi32>
      %shift_left3A_582 = arith.constant 16 : i32
      %shift_left3A_583 = vector.broadcast %shift_left3A_582 : i32 to vector<16xi32>
      %shift_left3A_584 = arith.shli %get3A_581, %shift_left3A_583 : vector<16xi32>
      %bitcast_convert_type3A_585 = tpu.bitcast %shift_left3A_584 : vector<16xi32> -> vector<16xf32>
      %and3A_586 = arith.andi %get3A_581, %broadcast_in_dim3A_388 : vector<16xi32>
      %bitcast_convert_type3A_587 = tpu.bitcast %and3A_586 : vector<16xi32> -> vector<16xf32>
      %sub3A_588 = arith.subf %bitcast_convert_type3A_552, %bitcast_convert_type3A_563 : vector<16xf32>
      %mul3A_589 = arith.mulf %bitcast_convert_type3A_585, %bitcast_convert_type3A_585 : vector<16xf32>
      %add3A_590 = arith.addf %add3A_531, %mul3A_589 : vector<16xf32>
      %mul3A_591 = arith.mulf %bitcast_convert_type3A_585, %sub3A_588 : vector<16xf32>
      %add3A_592 = arith.addf %add3A_533, %mul3A_591 : vector<16xf32>
      %mul3A_593 = arith.mulf %sub3A_588, %sub3A_588 : vector<16xf32>
      %add3A_594 = arith.addf %add3A_535, %mul3A_593 : vector<16xf32>
      %mul3A_595 = arith.mulf %sub3A_588, %bitcast_convert_type3A_574 : vector<16xf32>
      %add3A_596 = arith.addf %add3A_537, %mul3A_595 : vector<16xf32>
      %mul3A_597 = arith.mulf %bitcast_convert_type3A_585, %bitcast_convert_type3A_574 : vector<16xf32>
      %add3A_598 = arith.addf %add3A_539, %mul3A_597 : vector<16xf32>
      %mul3A_599 = arith.mulf %bitcast_convert_type3A_574, %bitcast_convert_type3A_574 : vector<16xf32>
      %add3A_600 = arith.addf %add3A_541, %mul3A_599 : vector<16xf32>
      %sub3A_601 = arith.subf %bitcast_convert_type3A_554, %bitcast_convert_type3A_565 : vector<16xf32>
      %mul3A_602 = arith.mulf %bitcast_convert_type3A_587, %bitcast_convert_type3A_587 : vector<16xf32>
      %add3A_603 = arith.addf %add3A_590, %mul3A_602 : vector<16xf32>
      %mul3A_604 = arith.mulf %bitcast_convert_type3A_587, %sub3A_601 : vector<16xf32>
      %add3A_605 = arith.addf %add3A_592, %mul3A_604 : vector<16xf32>
      %mul3A_606 = arith.mulf %sub3A_601, %sub3A_601 : vector<16xf32>
      %add3A_607 = arith.addf %add3A_594, %mul3A_606 : vector<16xf32>
      %mul3A_608 = arith.mulf %sub3A_601, %bitcast_convert_type3A_576 : vector<16xf32>
      %add3A_609 = arith.addf %add3A_596, %mul3A_608 : vector<16xf32>
      %mul3A_610 = arith.mulf %bitcast_convert_type3A_587, %bitcast_convert_type3A_576 : vector<16xf32>
      %add3A_611 = arith.addf %add3A_598, %mul3A_610 : vector<16xf32>
      %mul3A_612 = arith.mulf %bitcast_convert_type3A_576, %bitcast_convert_type3A_576 : vector<16xf32>
      %add3A_613 = arith.addf %add3A_600, %mul3A_612 : vector<16xf32>
      %mul3A_614 = arith.constant 16 : i32
      %mul3A_615 = arith.muli %scan3A_399, %mul3A_614 : i32
      %get3A_616 = arith.constant 3 : i32
      %get3A_617 = arith.index_cast %get3A_616 : i32 to index
      %get3A_618 = arith.index_cast %mul3A_615 : i32 to index
      %get3A_619 = tpu.vector_load %arg20[%get3A_617, %get3A_618] {strides = array<i32>} : memref<8x512xi32, #tpu.memory_space<vmem>>, vector<1x16xi32>,
      %get3A_620 = vector.shape_cast %get3A_619 : vector<1x16xi32> to vector<16xi32>
      %shift_left3A_621 = arith.constant 16 : i32
      %shift_left3A_622 = vector.broadcast %shift_left3A_621 : i32 to vector<16xi32>
      %shift_left3A_623 = arith.shli %get3A_620, %shift_left3A_622 : vector<16xi32>
      %bitcast_convert_type3A_624 = tpu.bitcast %shift_left3A_623 : vector<16xi32> -> vector<16xf32>
      %and3A_625 = arith.andi %get3A_620, %broadcast_in_dim3A_388 : vector<16xi32>
      %bitcast_convert_type3A_626 = tpu.bitcast %and3A_625 : vector<16xi32> -> vector<16xf32>
      %get3A_627 = arith.constant 3 : i32
      %get3A_628 = arith.index_cast %get3A_627 : i32 to index
      %get3A_629 = arith.index_cast %mul3A_615 : i32 to index
      %get3A_630 = tpu.vector_load %arg21[%get3A_628, %get3A_629] {strides = array<i32>} : memref<8x512xi32, #tpu.memory_space<vmem>>, vector<1x16xi32>,
      %get3A_631 = vector.shape_cast %get3A_630 : vector<1x16xi32> to vector<16xi32>
      %shift_left3A_632 = arith.constant 16 : i32
      %shift_left3A_633 = vector.broadcast %shift_left3A_632 : i32 to vector<16xi32>
      %shift_left3A_634 = arith.shli %get3A_631, %shift_left3A_633 : vector<16xi32>
      %bitcast_convert_type3A_635 = tpu.bitcast %shift_left3A_634 : vector<16xi32> -> vector<16xf32>
      %and3A_636 = arith.andi %get3A_631, %broadcast_in_dim3A_388 : vector<16xi32>
      %bitcast_convert_type3A_637 = tpu.bitcast %and3A_636 : vector<16xi32> -> vector<16xf32>
      %get3A_638 = arith.constant 3 : i32
      %get3A_639 = arith.index_cast %get3A_638 : i32 to index
      %get3A_640 = arith.index_cast %mul3A_615 : i32 to index
      %get3A_641 = tpu.vector_load %arg24[%get3A_639, %get3A_640] {strides = array<i32>} : memref<8x512xi32, #tpu.memory_space<vmem>>, vector<1x16xi32>,
      %get3A_642 = vector.shape_cast %get3A_641 : vector<1x16xi32> to vector<16xi32>
      %shift_left3A_643 = arith.constant 16 : i32
      %shift_left3A_644 = vector.broadcast %shift_left3A_643 : i32 to vector<16xi32>
      %shift_left3A_645 = arith.shli %get3A_642, %shift_left3A_644 : vector<16xi32>
      %bitcast_convert_type3A_646 = tpu.bitcast %shift_left3A_645 : vector<16xi32> -> vector<16xf32>
      %and3A_647 = arith.andi %get3A_642, %broadcast_in_dim3A_388 : vector<16xi32>
      %bitcast_convert_type3A_648 = tpu.bitcast %and3A_647 : vector<16xi32> -> vector<16xf32>
      %get3A_649 = arith.constant 3 : i32
      %get3A_650 = arith.index_cast %get3A_649 : i32 to index
      %get3A_651 = arith.index_cast %mul3A_615 : i32 to index
      %get3A_652 = tpu.vector_load %arg25[%get3A_650, %get3A_651] {strides = array<i32>} : memref<8x512xi32, #tpu.memory_space<vmem>>, vector<1x16xi32>,
      %get3A_653 = vector.shape_cast %get3A_652 : vector<1x16xi32> to vector<16xi32>
      %shift_left3A_654 = arith.constant 16 : i32
      %shift_left3A_655 = vector.broadcast %shift_left3A_654 : i32 to vector<16xi32>
      %shift_left3A_656 = arith.shli %get3A_653, %shift_left3A_655 : vector<16xi32>
      %bitcast_convert_type3A_657 = tpu.bitcast %shift_left3A_656 : vector<16xi32> -> vector<16xf32>
      %and3A_658 = arith.andi %get3A_653, %broadcast_in_dim3A_388 : vector<16xi32>
      %bitcast_convert_type3A_659 = tpu.bitcast %and3A_658 : vector<16xi32> -> vector<16xf32>
      %sub3A_660 = arith.subf %bitcast_convert_type3A_624, %bitcast_convert_type3A_635 : vector<16xf32>
      %mul3A_661 = arith.mulf %bitcast_convert_type3A_657, %bitcast_convert_type3A_657 : vector<16xf32>
      %add3A_662 = arith.addf %add3A_603, %mul3A_661 : vector<16xf32>
      %mul3A_663 = arith.mulf %bitcast_convert_type3A_657, %sub3A_660 : vector<16xf32>
      %add3A_664 = arith.addf %add3A_605, %mul3A_663 : vector<16xf32>
      %mul3A_665 = arith.mulf %sub3A_660, %sub3A_660 : vector<16xf32>
      %add3A_666 = arith.addf %add3A_607, %mul3A_665 : vector<16xf32>
      %mul3A_667 = arith.mulf %sub3A_660, %bitcast_convert_type3A_646 : vector<16xf32>
      %add3A_668 = arith.addf %add3A_609, %mul3A_667 : vector<16xf32>
      %mul3A_669 = arith.mulf %bitcast_convert_type3A_657, %bitcast_convert_type3A_646 : vector<16xf32>
      %add3A_670 = arith.addf %add3A_611, %mul3A_669 : vector<16xf32>
      %mul3A_671 = arith.mulf %bitcast_convert_type3A_646, %bitcast_convert_type3A_646 : vector<16xf32>
      %add3A_672 = arith.addf %add3A_613, %mul3A_671 : vector<16xf32>
      %sub3A_673 = arith.subf %bitcast_convert_type3A_626, %bitcast_convert_type3A_637 : vector<16xf32>
      %mul3A_674 = arith.mulf %bitcast_convert_type3A_659, %bitcast_convert_type3A_659 : vector<16xf32>
      %add3A_675 = arith.addf %add3A_662, %mul3A_674 : vector<16xf32>
      %mul3A_676 = arith.mulf %bitcast_convert_type3A_659, %sub3A_673 : vector<16xf32>
      %add3A_677 = arith.addf %add3A_664, %mul3A_676 : vector<16xf32>
      %mul3A_678 = arith.mulf %sub3A_673, %sub3A_673 : vector<16xf32>
      %add3A_679 = arith.addf %add3A_666, %mul3A_678 : vector<16xf32>
      %mul3A_680 = arith.mulf %sub3A_673, %bitcast_convert_type3A_648 : vector<16xf32>
      %add3A_681 = arith.addf %add3A_668, %mul3A_680 : vector<16xf32>
      %mul3A_682 = arith.mulf %bitcast_convert_type3A_659, %bitcast_convert_type3A_648 : vector<16xf32>
      %add3A_683 = arith.addf %add3A_670, %mul3A_682 : vector<16xf32>
      %mul3A_684 = arith.mulf %bitcast_convert_type3A_648, %bitcast_convert_type3A_648 : vector<16xf32>
      %add3A_685 = arith.addf %add3A_672, %mul3A_684 : vector<16xf32>
      %mul3A_686 = arith.constant 16 : i32
      %mul3A_687 = arith.muli %scan3A_399, %mul3A_686 : i32
      %get3A_688 = arith.constant 4 : i32
      %get3A_689 = arith.index_cast %get3A_688 : i32 to index
      %get3A_690 = arith.index_cast %mul3A_687 : i32 to index
      %get3A_691 = tpu.vector_load %arg20[%get3A_689, %get3A_690] {strides = array<i32>} : memref<8x512xi32, #tpu.memory_space<vmem>>, vector<1x16xi32>,
      %get3A_692 = vector.shape_cast %get3A_691 : vector<1x16xi32> to vector<16xi32>
      %shift_left3A_693 = arith.constant 16 : i32
      %shift_left3A_694 = vector.broadcast %shift_left3A_693 : i32 to vector<16xi32>
      %shift_left3A_695 = arith.shli %get3A_692, %shift_left3A_694 : vector<16xi32>
      %bitcast_convert_type3A_696 = tpu.bitcast %shift_left3A_695 : vector<16xi32> -> vector<16xf32>
      %and3A_697 = arith.andi %get3A_692, %broadcast_in_dim3A_388 : vector<16xi32>
      %bitcast_convert_type3A_698 = tpu.bitcast %and3A_697 : vector<16xi32> -> vector<16xf32>
      %get3A_699 = arith.constant 4 : i32
      %get3A_700 = arith.index_cast %get3A_699 : i32 to index
      %get3A_701 = arith.index_cast %mul3A_687 : i32 to index
      %get3A_702 = tpu.vector_load %arg21[%get3A_700, %get3A_701] {strides = array<i32>} : memref<8x512xi32, #tpu.memory_space<vmem>>, vector<1x16xi32>,
      %get3A_703 = vector.shape_cast %get3A_702 : vector<1x16xi32> to vector<16xi32>
      %shift_left3A_704 = arith.constant 16 : i32
      %shift_left3A_705 = vector.broadcast %shift_left3A_704 : i32 to vector<16xi32>
      %shift_left3A_706 = arith.shli %get3A_703, %shift_left3A_705 : vector<16xi32>
      %bitcast_convert_type3A_707 = tpu.bitcast %shift_left3A_706 : vector<16xi32> -> vector<16xf32>
      %and3A_708 = arith.andi %get3A_703, %broadcast_in_dim3A_388 : vector<16xi32>
      %bitcast_convert_type3A_709 = tpu.bitcast %and3A_708 : vector<16xi32> -> vector<16xf32>
      %get3A_710 = arith.constant 4 : i32
      %get3A_711 = arith.index_cast %get3A_710 : i32 to index
      %get3A_712 = arith.index_cast %mul3A_687 : i32 to index
      %get3A_713 = tpu.vector_load %arg24[%get3A_711, %get3A_712] {strides = array<i32>} : memref<8x512xi32, #tpu.memory_space<vmem>>, vector<1x16xi32>,
      %get3A_714 = vector.shape_cast %get3A_713 : vector<1x16xi32> to vector<16xi32>
      %shift_left3A_715 = arith.constant 16 : i32
      %shift_left3A_716 = vector.broadcast %shift_left3A_715 : i32 to vector<16xi32>
      %shift_left3A_717 = arith.shli %get3A_714, %shift_left3A_716 : vector<16xi32>
      %bitcast_convert_type3A_718 = tpu.bitcast %shift_left3A_717 : vector<16xi32> -> vector<16xf32>
      %and3A_719 = arith.andi %get3A_714, %broadcast_in_dim3A_388 : vector<16xi32>
      %bitcast_convert_type3A_720 = tpu.bitcast %and3A_719 : vector<16xi32> -> vector<16xf32>
      %get3A_721 = arith.constant 4 : i32
      %get3A_722 = arith.index_cast %get3A_721 : i32 to index
      %get3A_723 = arith.index_cast %mul3A_687 : i32 to index
      %get3A_724 = tpu.vector_load %arg25[%get3A_722, %get3A_723] {strides = array<i32>} : memref<8x512xi32, #tpu.memory_space<vmem>>, vector<1x16xi32>,
      %get3A_725 = vector.shape_cast %get3A_724 : vector<1x16xi32> to vector<16xi32>
      %shift_left3A_726 = arith.constant 16 : i32
      %shift_left3A_727 = vector.broadcast %shift_left3A_726 : i32 to vector<16xi32>
      %shift_left3A_728 = arith.shli %get3A_725, %shift_left3A_727 : vector<16xi32>
      %bitcast_convert_type3A_729 = tpu.bitcast %shift_left3A_728 : vector<16xi32> -> vector<16xf32>
      %and3A_730 = arith.andi %get3A_725, %broadcast_in_dim3A_388 : vector<16xi32>
      %bitcast_convert_type3A_731 = tpu.bitcast %and3A_730 : vector<16xi32> -> vector<16xf32>
      %sub3A_732 = arith.subf %bitcast_convert_type3A_696, %bitcast_convert_type3A_707 : vector<16xf32>
      %mul3A_733 = arith.mulf %bitcast_convert_type3A_729, %bitcast_convert_type3A_729 : vector<16xf32>
      %add3A_734 = arith.addf %add3A_675, %mul3A_733 : vector<16xf32>
      %mul3A_735 = arith.mulf %bitcast_convert_type3A_729, %sub3A_732 : vector<16xf32>
      %add3A_736 = arith.addf %add3A_677, %mul3A_735 : vector<16xf32>
      %mul3A_737 = arith.mulf %sub3A_732, %sub3A_732 : vector<16xf32>
      %add3A_738 = arith.addf %add3A_679, %mul3A_737 : vector<16xf32>
      %mul3A_739 = arith.mulf %sub3A_732, %bitcast_convert_type3A_718 : vector<16xf32>
      %add3A_740 = arith.addf %add3A_681, %mul3A_739 : vector<16xf32>
      %mul3A_741 = arith.mulf %bitcast_convert_type3A_729, %bitcast_convert_type3A_718 : vector<16xf32>
      %add3A_742 = arith.addf %add3A_683, %mul3A_741 : vector<16xf32>
      %mul3A_743 = arith.mulf %bitcast_convert_type3A_718, %bitcast_convert_type3A_718 : vector<16xf32>
      %add3A_744 = arith.addf %add3A_685, %mul3A_743 : vector<16xf32>
      %sub3A_745 = arith.subf %bitcast_convert_type3A_698, %bitcast_convert_type3A_709 : vector<16xf32>
      %mul3A_746 = arith.mulf %bitcast_convert_type3A_731, %bitcast_convert_type3A_731 : vector<16xf32>
      %add3A_747 = arith.addf %add3A_734, %mul3A_746 : vector<16xf32>
      %mul3A_748 = arith.mulf %bitcast_convert_type3A_731, %sub3A_745 : vector<16xf32>
      %add3A_749 = arith.addf %add3A_736, %mul3A_748 : vector<16xf32>
      %mul3A_750 = arith.mulf %sub3A_745, %sub3A_745 : vector<16xf32>
      %add3A_751 = arith.addf %add3A_738, %mul3A_750 : vector<16xf32>
      %mul3A_752 = arith.mulf %sub3A_745, %bitcast_convert_type3A_720 : vector<16xf32>
      %add3A_753 = arith.addf %add3A_740, %mul3A_752 : vector<16xf32>
      %mul3A_754 = arith.mulf %bitcast_convert_type3A_731, %bitcast_convert_type3A_720 : vector<16xf32>
      %add3A_755 = arith.addf %add3A_742, %mul3A_754 : vector<16xf32>
      %mul3A_756 = arith.mulf %bitcast_convert_type3A_720, %bitcast_convert_type3A_720 : vector<16xf32>
      %add3A_757 = arith.addf %add3A_744, %mul3A_756 : vector<16xf32>
      %mul3A_758 = arith.constant 16 : i32
      %mul3A_759 = arith.muli %scan3A_399, %mul3A_758 : i32
      %get3A_760 = arith.constant 5 : i32
      %get3A_761 = arith.index_cast %get3A_760 : i32 to index
      %get3A_762 = arith.index_cast %mul3A_759 : i32 to index
      %get3A_763 = tpu.vector_load %arg20[%get3A_761, %get3A_762] {strides = array<i32>} : memref<8x512xi32, #tpu.memory_space<vmem>>, vector<1x16xi32>,
      %get3A_764 = vector.shape_cast %get3A_763 : vector<1x16xi32> to vector<16xi32>
      %shift_left3A_765 = arith.constant 16 : i32
      %shift_left3A_766 = vector.broadcast %shift_left3A_765 : i32 to vector<16xi32>
      %shift_left3A_767 = arith.shli %get3A_764, %shift_left3A_766 : vector<16xi32>
      %bitcast_convert_type3A_768 = tpu.bitcast %shift_left3A_767 : vector<16xi32> -> vector<16xf32>
      %and3A_769 = arith.andi %get3A_764, %broadcast_in_dim3A_388 : vector<16xi32>
      %bitcast_convert_type3A_770 = tpu.bitcast %and3A_769 : vector<16xi32> -> vector<16xf32>
      %get3A_771 = arith.constant 5 : i32
      %get3A_772 = arith.index_cast %get3A_771 : i32 to index
      %get3A_773 = arith.index_cast %mul3A_759 : i32 to index
      %get3A_774 = tpu.vector_load %arg21[%get3A_772, %get3A_773] {strides = array<i32>} : memref<8x512xi32, #tpu.memory_space<vmem>>, vector<1x16xi32>,
      %get3A_775 = vector.shape_cast %get3A_774 : vector<1x16xi32> to vector<16xi32>
      %shift_left3A_776 = arith.constant 16 : i32
      %shift_left3A_777 = vector.broadcast %shift_left3A_776 : i32 to vector<16xi32>
      %shift_left3A_778 = arith.shli %get3A_775, %shift_left3A_777 : vector<16xi32>
      %bitcast_convert_type3A_779 = tpu.bitcast %shift_left3A_778 : vector<16xi32> -> vector<16xf32>
      %and3A_780 = arith.andi %get3A_775, %broadcast_in_dim3A_388 : vector<16xi32>
      %bitcast_convert_type3A_781 = tpu.bitcast %and3A_780 : vector<16xi32> -> vector<16xf32>
      %get3A_782 = arith.constant 5 : i32
      %get3A_783 = arith.index_cast %get3A_782 : i32 to index
      %get3A_784 = arith.index_cast %mul3A_759 : i32 to index
      %get3A_785 = tpu.vector_load %arg24[%get3A_783, %get3A_784] {strides = array<i32>} : memref<8x512xi32, #tpu.memory_space<vmem>>, vector<1x16xi32>,
      %get3A_786 = vector.shape_cast %get3A_785 : vector<1x16xi32> to vector<16xi32>
      %shift_left3A_787 = arith.constant 16 : i32
      %shift_left3A_788 = vector.broadcast %shift_left3A_787 : i32 to vector<16xi32>
      %shift_left3A_789 = arith.shli %get3A_786, %shift_left3A_788 : vector<16xi32>
      %bitcast_convert_type3A_790 = tpu.bitcast %shift_left3A_789 : vector<16xi32> -> vector<16xf32>
      %and3A_791 = arith.andi %get3A_786, %broadcast_in_dim3A_388 : vector<16xi32>
      %bitcast_convert_type3A_792 = tpu.bitcast %and3A_791 : vector<16xi32> -> vector<16xf32>
      %get3A_793 = arith.constant 5 : i32
      %get3A_794 = arith.index_cast %get3A_793 : i32 to index
      %get3A_795 = arith.index_cast %mul3A_759 : i32 to index
      %get3A_796 = tpu.vector_load %arg25[%get3A_794, %get3A_795] {strides = array<i32>} : memref<8x512xi32, #tpu.memory_space<vmem>>, vector<1x16xi32>,
      %get3A_797 = vector.shape_cast %get3A_796 : vector<1x16xi32> to vector<16xi32>
      %shift_left3A_798 = arith.constant 16 : i32
      %shift_left3A_799 = vector.broadcast %shift_left3A_798 : i32 to vector<16xi32>
      %shift_left3A_800 = arith.shli %get3A_797, %shift_left3A_799 : vector<16xi32>
      %bitcast_convert_type3A_801 = tpu.bitcast %shift_left3A_800 : vector<16xi32> -> vector<16xf32>
      %and3A_802 = arith.andi %get3A_797, %broadcast_in_dim3A_388 : vector<16xi32>
      %bitcast_convert_type3A_803 = tpu.bitcast %and3A_802 : vector<16xi32> -> vector<16xf32>
      %sub3A_804 = arith.subf %bitcast_convert_type3A_768, %bitcast_convert_type3A_779 : vector<16xf32>
      %mul3A_805 = arith.mulf %bitcast_convert_type3A_801, %bitcast_convert_type3A_801 : vector<16xf32>
      %add3A_806 = arith.addf %add3A_747, %mul3A_805 : vector<16xf32>
      %mul3A_807 = arith.mulf %bitcast_convert_type3A_801, %sub3A_804 : vector<16xf32>
      %add3A_808 = arith.addf %add3A_749, %mul3A_807 : vector<16xf32>
      %mul3A_809 = arith.mulf %sub3A_804, %sub3A_804 : vector<16xf32>
      %add3A_810 = arith.addf %add3A_751, %mul3A_809 : vector<16xf32>
      %mul3A_811 = arith.mulf %sub3A_804, %bitcast_convert_type3A_790 : vector<16xf32>
      %add3A_812 = arith.addf %add3A_753, %mul3A_811 : vector<16xf32>
      %mul3A_813 = arith.mulf %bitcast_convert_type3A_801, %bitcast_convert_type3A_790 : vector<16xf32>
      %add3A_814 = arith.addf %add3A_755, %mul3A_813 : vector<16xf32>
      %mul3A_815 = arith.mulf %bitcast_convert_type3A_790, %bitcast_convert_type3A_790 : vector<16xf32>
      %add3A_816 = arith.addf %add3A_757, %mul3A_815 : vector<16xf32>
      %sub3A_817 = arith.subf %bitcast_convert_type3A_770, %bitcast_convert_type3A_781 : vector<16xf32>
      %mul3A_818 = arith.mulf %bitcast_convert_type3A_803, %bitcast_convert_type3A_803 : vector<16xf32>
      %add3A_819 = arith.addf %add3A_806, %mul3A_818 : vector<16xf32>
      %mul3A_820 = arith.mulf %bitcast_convert_type3A_803, %sub3A_817 : vector<16xf32>
      %add3A_821 = arith.addf %add3A_808, %mul3A_820 : vector<16xf32>
      %mul3A_822 = arith.mulf %sub3A_817, %sub3A_817 : vector<16xf32>
      %add3A_823 = arith.addf %add3A_810, %mul3A_822 : vector<16xf32>
      %mul3A_824 = arith.mulf %sub3A_817, %bitcast_convert_type3A_792 : vector<16xf32>
      %add3A_825 = arith.addf %add3A_812, %mul3A_824 : vector<16xf32>
      %mul3A_826 = arith.mulf %bitcast_convert_type3A_803, %bitcast_convert_type3A_792 : vector<16xf32>
      %add3A_827 = arith.addf %add3A_814, %mul3A_826 : vector<16xf32>
      %mul3A_828 = arith.mulf %bitcast_convert_type3A_792, %bitcast_convert_type3A_792 : vector<16xf32>
      %add3A_829 = arith.addf %add3A_816, %mul3A_828 : vector<16xf32>
      %mul3A_830 = arith.constant 16 : i32
      %mul3A_831 = arith.muli %scan3A_399, %mul3A_830 : i32
      %get3A_832 = arith.constant 6 : i32
      %get3A_833 = arith.index_cast %get3A_832 : i32 to index
      %get3A_834 = arith.index_cast %mul3A_831 : i32 to index
      %get3A_835 = tpu.vector_load %arg20[%get3A_833, %get3A_834] {strides = array<i32>} : memref<8x512xi32, #tpu.memory_space<vmem>>, vector<1x16xi32>,
      %get3A_836 = vector.shape_cast %get3A_835 : vector<1x16xi32> to vector<16xi32>
      %shift_left3A_837 = arith.constant 16 : i32
      %shift_left3A_838 = vector.broadcast %shift_left3A_837 : i32 to vector<16xi32>
      %shift_left3A_839 = arith.shli %get3A_836, %shift_left3A_838 : vector<16xi32>
      %bitcast_convert_type3A_840 = tpu.bitcast %shift_left3A_839 : vector<16xi32> -> vector<16xf32>
      %and3A_841 = arith.andi %get3A_836, %broadcast_in_dim3A_388 : vector<16xi32>
      %bitcast_convert_type3A_842 = tpu.bitcast %and3A_841 : vector<16xi32> -> vector<16xf32>
      %get3A_843 = arith.constant 6 : i32
      %get3A_844 = arith.index_cast %get3A_843 : i32 to index
      %get3A_845 = arith.index_cast %mul3A_831 : i32 to index
      %get3A_846 = tpu.vector_load %arg21[%get3A_844, %get3A_845] {strides = array<i32>} : memref<8x512xi32, #tpu.memory_space<vmem>>, vector<1x16xi32>,
      %get3A_847 = vector.shape_cast %get3A_846 : vector<1x16xi32> to vector<16xi32>
      %shift_left3A_848 = arith.constant 16 : i32
      %shift_left3A_849 = vector.broadcast %shift_left3A_848 : i32 to vector<16xi32>
      %shift_left3A_850 = arith.shli %get3A_847, %shift_left3A_849 : vector<16xi32>
      %bitcast_convert_type3A_851 = tpu.bitcast %shift_left3A_850 : vector<16xi32> -> vector<16xf32>
      %and3A_852 = arith.andi %get3A_847, %broadcast_in_dim3A_388 : vector<16xi32>
      %bitcast_convert_type3A_853 = tpu.bitcast %and3A_852 : vector<16xi32> -> vector<16xf32>
      %get3A_854 = arith.constant 6 : i32
      %get3A_855 = arith.index_cast %get3A_854 : i32 to index
      %get3A_856 = arith.index_cast %mul3A_831 : i32 to index
      %get3A_857 = tpu.vector_load %arg24[%get3A_855, %get3A_856] {strides = array<i32>} : memref<8x512xi32, #tpu.memory_space<vmem>>, vector<1x16xi32>,
      %get3A_858 = vector.shape_cast %get3A_857 : vector<1x16xi32> to vector<16xi32>
      %shift_left3A_859 = arith.constant 16 : i32
      %shift_left3A_860 = vector.broadcast %shift_left3A_859 : i32 to vector<16xi32>
      %shift_left3A_861 = arith.shli %get3A_858, %shift_left3A_860 : vector<16xi32>
      %bitcast_convert_type3A_862 = tpu.bitcast %shift_left3A_861 : vector<16xi32> -> vector<16xf32>
      %and3A_863 = arith.andi %get3A_858, %broadcast_in_dim3A_388 : vector<16xi32>
      %bitcast_convert_type3A_864 = tpu.bitcast %and3A_863 : vector<16xi32> -> vector<16xf32>
      %get3A_865 = arith.constant 6 : i32
      %get3A_866 = arith.index_cast %get3A_865 : i32 to index
      %get3A_867 = arith.index_cast %mul3A_831 : i32 to index
      %get3A_868 = tpu.vector_load %arg25[%get3A_866, %get3A_867] {strides = array<i32>} : memref<8x512xi32, #tpu.memory_space<vmem>>, vector<1x16xi32>,
      %get3A_869 = vector.shape_cast %get3A_868 : vector<1x16xi32> to vector<16xi32>
      %shift_left3A_870 = arith.constant 16 : i32
      %shift_left3A_871 = vector.broadcast %shift_left3A_870 : i32 to vector<16xi32>
      %shift_left3A_872 = arith.shli %get3A_869, %shift_left3A_871 : vector<16xi32>
      %bitcast_convert_type3A_873 = tpu.bitcast %shift_left3A_872 : vector<16xi32> -> vector<16xf32>
      %and3A_874 = arith.andi %get3A_869, %broadcast_in_dim3A_388 : vector<16xi32>
      %bitcast_convert_type3A_875 = tpu.bitcast %and3A_874 : vector<16xi32> -> vector<16xf32>
      %sub3A_876 = arith.subf %bitcast_convert_type3A_840, %bitcast_convert_type3A_851 : vector<16xf32>
      %mul3A_877 = arith.mulf %bitcast_convert_type3A_873, %bitcast_convert_type3A_873 : vector<16xf32>
      %add3A_878 = arith.addf %add3A_819, %mul3A_877 : vector<16xf32>
      %mul3A_879 = arith.mulf %bitcast_convert_type3A_873, %sub3A_876 : vector<16xf32>
      %add3A_880 = arith.addf %add3A_821, %mul3A_879 : vector<16xf32>
      %mul3A_881 = arith.mulf %sub3A_876, %sub3A_876 : vector<16xf32>
      %add3A_882 = arith.addf %add3A_823, %mul3A_881 : vector<16xf32>
      %mul3A_883 = arith.mulf %sub3A_876, %bitcast_convert_type3A_862 : vector<16xf32>
      %add3A_884 = arith.addf %add3A_825, %mul3A_883 : vector<16xf32>
      %mul3A_885 = arith.mulf %bitcast_convert_type3A_873, %bitcast_convert_type3A_862 : vector<16xf32>
      %add3A_886 = arith.addf %add3A_827, %mul3A_885 : vector<16xf32>
      %mul3A_887 = arith.mulf %bitcast_convert_type3A_862, %bitcast_convert_type3A_862 : vector<16xf32>
      %add3A_888 = arith.addf %add3A_829, %mul3A_887 : vector<16xf32>
      %sub3A_889 = arith.subf %bitcast_convert_type3A_842, %bitcast_convert_type3A_853 : vector<16xf32>
      %mul3A_890 = arith.mulf %bitcast_convert_type3A_875, %bitcast_convert_type3A_875 : vector<16xf32>
      %add3A_891 = arith.addf %add3A_878, %mul3A_890 : vector<16xf32>
      %mul3A_892 = arith.mulf %bitcast_convert_type3A_875, %sub3A_889 : vector<16xf32>
      %add3A_893 = arith.addf %add3A_880, %mul3A_892 : vector<16xf32>
      %mul3A_894 = arith.mulf %sub3A_889, %sub3A_889 : vector<16xf32>
      %add3A_895 = arith.addf %add3A_882, %mul3A_894 : vector<16xf32>
      %mul3A_896 = arith.mulf %sub3A_889, %bitcast_convert_type3A_864 : vector<16xf32>
      %add3A_897 = arith.addf %add3A_884, %mul3A_896 : vector<16xf32>
      %mul3A_898 = arith.mulf %bitcast_convert_type3A_875, %bitcast_convert_type3A_864 : vector<16xf32>
      %add3A_899 = arith.addf %add3A_886, %mul3A_898 : vector<16xf32>
      %mul3A_900 = arith.mulf %bitcast_convert_type3A_864, %bitcast_convert_type3A_864 : vector<16xf32>
      %add3A_901 = arith.addf %add3A_888, %mul3A_900 : vector<16xf32>
      %mul3A_902 = arith.constant 16 : i32
      %mul3A_903 = arith.muli %scan3A_399, %mul3A_902 : i32
      %get3A_904 = arith.constant 7 : i32
      %get3A_905 = arith.index_cast %get3A_904 : i32 to index
      %get3A_906 = arith.index_cast %mul3A_903 : i32 to index
      %get3A_907 = tpu.vector_load %arg20[%get3A_905, %get3A_906] {strides = array<i32>} : memref<8x512xi32, #tpu.memory_space<vmem>>, vector<1x16xi32>,
      %get3A_908 = vector.shape_cast %get3A_907 : vector<1x16xi32> to vector<16xi32>
      %shift_left3A_909 = arith.constant 16 : i32
      %shift_left3A_910 = vector.broadcast %shift_left3A_909 : i32 to vector<16xi32>
      %shift_left3A_911 = arith.shli %get3A_908, %shift_left3A_910 : vector<16xi32>
      %bitcast_convert_type3A_912 = tpu.bitcast %shift_left3A_911 : vector<16xi32> -> vector<16xf32>
      %and3A_913 = arith.andi %get3A_908, %broadcast_in_dim3A_388 : vector<16xi32>
      %bitcast_convert_type3A_914 = tpu.bitcast %and3A_913 : vector<16xi32> -> vector<16xf32>
      %get3A_915 = arith.constant 7 : i32
      %get3A_916 = arith.index_cast %get3A_915 : i32 to index
      %get3A_917 = arith.index_cast %mul3A_903 : i32 to index
      %get3A_918 = tpu.vector_load %arg21[%get3A_916, %get3A_917] {strides = array<i32>} : memref<8x512xi32, #tpu.memory_space<vmem>>, vector<1x16xi32>,
      %get3A_919 = vector.shape_cast %get3A_918 : vector<1x16xi32> to vector<16xi32>
      %shift_left3A_920 = arith.constant 16 : i32
      %shift_left3A_921 = vector.broadcast %shift_left3A_920 : i32 to vector<16xi32>
      %shift_left3A_922 = arith.shli %get3A_919, %shift_left3A_921 : vector<16xi32>
      %bitcast_convert_type3A_923 = tpu.bitcast %shift_left3A_922 : vector<16xi32> -> vector<16xf32>
      %and3A_924 = arith.andi %get3A_919, %broadcast_in_dim3A_388 : vector<16xi32>
      %bitcast_convert_type3A_925 = tpu.bitcast %and3A_924 : vector<16xi32> -> vector<16xf32>
      %get3A_926 = arith.constant 7 : i32
      %get3A_927 = arith.index_cast %get3A_926 : i32 to index
      %get3A_928 = arith.index_cast %mul3A_903 : i32 to index
      %get3A_929 = tpu.vector_load %arg24[%get3A_927, %get3A_928] {strides = array<i32>} : memref<8x512xi32, #tpu.memory_space<vmem>>, vector<1x16xi32>,
      %get3A_930 = vector.shape_cast %get3A_929 : vector<1x16xi32> to vector<16xi32>
      %shift_left3A_931 = arith.constant 16 : i32
      %shift_left3A_932 = vector.broadcast %shift_left3A_931 : i32 to vector<16xi32>
      %shift_left3A_933 = arith.shli %get3A_930, %shift_left3A_932 : vector<16xi32>
      %bitcast_convert_type3A_934 = tpu.bitcast %shift_left3A_933 : vector<16xi32> -> vector<16xf32>
      %and3A_935 = arith.andi %get3A_930, %broadcast_in_dim3A_388 : vector<16xi32>
      %bitcast_convert_type3A_936 = tpu.bitcast %and3A_935 : vector<16xi32> -> vector<16xf32>
      %get3A_937 = arith.constant 7 : i32
      %get3A_938 = arith.index_cast %get3A_937 : i32 to index
      %get3A_939 = arith.index_cast %mul3A_903 : i32 to index
      %get3A_940 = tpu.vector_load %arg25[%get3A_938, %get3A_939] {strides = array<i32>} : memref<8x512xi32, #tpu.memory_space<vmem>>, vector<1x16xi32>,
      %get3A_941 = vector.shape_cast %get3A_940 : vector<1x16xi32> to vector<16xi32>
      %shift_left3A_942 = arith.constant 16 : i32
      %shift_left3A_943 = vector.broadcast %shift_left3A_942 : i32 to vector<16xi32>
      %shift_left3A_944 = arith.shli %get3A_941, %shift_left3A_943 : vector<16xi32>
      %bitcast_convert_type3A_945 = tpu.bitcast %shift_left3A_944 : vector<16xi32> -> vector<16xf32>
      %and3A_946 = arith.andi %get3A_941, %broadcast_in_dim3A_388 : vector<16xi32>
      %bitcast_convert_type3A_947 = tpu.bitcast %and3A_946 : vector<16xi32> -> vector<16xf32>
      %sub3A_948 = arith.subf %bitcast_convert_type3A_912, %bitcast_convert_type3A_923 : vector<16xf32>
      %mul3A_949 = arith.mulf %bitcast_convert_type3A_945, %bitcast_convert_type3A_945 : vector<16xf32>
      %add3A_950 = arith.addf %add3A_891, %mul3A_949 : vector<16xf32>
      %mul3A_951 = arith.mulf %bitcast_convert_type3A_945, %sub3A_948 : vector<16xf32>
      %add3A_952 = arith.addf %add3A_893, %mul3A_951 : vector<16xf32>
      %mul3A_953 = arith.mulf %sub3A_948, %sub3A_948 : vector<16xf32>
      %add3A_954 = arith.addf %add3A_895, %mul3A_953 : vector<16xf32>
      %mul3A_955 = arith.mulf %sub3A_948, %bitcast_convert_type3A_934 : vector<16xf32>
      %add3A_956 = arith.addf %add3A_897, %mul3A_955 : vector<16xf32>
      %mul3A_957 = arith.mulf %bitcast_convert_type3A_945, %bitcast_convert_type3A_934 : vector<16xf32>
      %add3A_958 = arith.addf %add3A_899, %mul3A_957 : vector<16xf32>
      %mul3A_959 = arith.mulf %bitcast_convert_type3A_934, %bitcast_convert_type3A_934 : vector<16xf32>
      %add3A_960 = arith.addf %add3A_901, %mul3A_959 : vector<16xf32>
      %sub3A_961 = arith.subf %bitcast_convert_type3A_914, %bitcast_convert_type3A_925 : vector<16xf32>
      %mul3A_962 = arith.mulf %bitcast_convert_type3A_947, %bitcast_convert_type3A_947 : vector<16xf32>
      %add3A_963 = arith.addf %add3A_950, %mul3A_962 : vector<16xf32>
      %mul3A_964 = arith.mulf %bitcast_convert_type3A_947, %sub3A_961 : vector<16xf32>
      %add3A_965 = arith.addf %add3A_952, %mul3A_964 : vector<16xf32>
      %mul3A_966 = arith.mulf %sub3A_961, %sub3A_961 : vector<16xf32>
      %add3A_967 = arith.addf %add3A_954, %mul3A_966 : vector<16xf32>
      %mul3A_968 = arith.mulf %sub3A_961, %bitcast_convert_type3A_936 : vector<16xf32>
      %add3A_969 = arith.addf %add3A_956, %mul3A_968 : vector<16xf32>
      %mul3A_970 = arith.mulf %bitcast_convert_type3A_947, %bitcast_convert_type3A_936 : vector<16xf32>
      %add3A_971 = arith.addf %add3A_958, %mul3A_970 : vector<16xf32>
      %mul3A_972 = arith.mulf %bitcast_convert_type3A_936, %bitcast_convert_type3A_936 : vector<16xf32>
      %add3A_973 = arith.addf %add3A_960, %mul3A_972 : vector<16xf32>
      %mul3A_974 = arith.mulf %add3A_965, %add3A_965 : vector<16xf32>
      %div3A = arith.divf %mul3A_974, %add3A_963 : vector<16xf32>
      %sub3A_975 = arith.subf %add3A_967, %div3A : vector<16xf32>
      %add3A_976 = arith.addf %sub3A_975, %add3A_973 : vector<16xf32>
      %mul3A_977 = arith.constant 2.000000e+00 : f32
      %mul3A_978 = vector.broadcast %mul3A_977 : f32 to vector<16xf32>
      %mul3A_979 = arith.mulf %mul3A_978, %add3A_969 : vector<16xf32>
      %add3A_980 = arith.addf %add3A_976, %mul3A_979 : vector<16xf32>
      %mul3A_981 = arith.constant 2.000000e+00 : f32
      %mul3A_982 = vector.broadcast %mul3A_981 : f32 to vector<16xf32>
      %mul3A_983 = arith.mulf %mul3A_982, %add3A_965 : vector<16xf32>
      %mul3A_984 = arith.mulf %mul3A_983, %add3A_971 : vector<16xf32>
      %div3A_985 = arith.divf %mul3A_984, %add3A_963 : vector<16xf32>
      %sub3A_986 = arith.subf %add3A_980, %div3A_985 : vector<16xf32>
      %broadcast_in_dim3A_987 = arith.constant 0.000000e+00 : f32
      %broadcast_in_dim3A_988 = vector.broadcast %broadcast_in_dim3A_987 : f32 to vector<16xf32>
      %mul3A_989 = arith.constant 16 : i32
      %mul3A_990 = arith.muli %scan3A_399, %mul3A_989 : i32
      %get3A_991 = arith.constant 0 : i32
      %get3A_992 = arith.index_cast %get3A_991 : i32 to index
      %get3A_993 = arith.index_cast %mul3A_990 : i32 to index
      %get3A_994 = tpu.vector_load %arg22[%get3A_992, %get3A_993] {strides = array<i32>} : memref<8x512xi32, #tpu.memory_space<vmem>>, vector<1x16xi32>,
      %get3A_995 = vector.shape_cast %get3A_994 : vector<1x16xi32> to vector<16xi32>
      %shift_left3A_996 = arith.constant 16 : i32
      %shift_left3A_997 = vector.broadcast %shift_left3A_996 : i32 to vector<16xi32>
      %shift_left3A_998 = arith.shli %get3A_995, %shift_left3A_997 : vector<16xi32>
      %bitcast_convert_type3A_999 = tpu.bitcast %shift_left3A_998 : vector<16xi32> -> vector<16xf32>
      %and3A_1000 = arith.andi %get3A_995, %broadcast_in_dim3A_388 : vector<16xi32>
      %bitcast_convert_type3A_1001 = tpu.bitcast %and3A_1000 : vector<16xi32> -> vector<16xf32>
      %get3A_1002 = arith.constant 0 : i32
      %get3A_1003 = arith.index_cast %get3A_1002 : i32 to index
      %get3A_1004 = arith.index_cast %mul3A_990 : i32 to index
      %get3A_1005 = tpu.vector_load %arg23[%get3A_1003, %get3A_1004] {strides = array<i32>} : memref<8x512xi32, #tpu.memory_space<vmem>>, vector<1x16xi32>,
      %get3A_1006 = vector.shape_cast %get3A_1005 : vector<1x16xi32> to vector<16xi32>
      %shift_left3A_1007 = arith.constant 16 : i32
      %shift_left3A_1008 = vector.broadcast %shift_left3A_1007 : i32 to vector<16xi32>
      %shift_left3A_1009 = arith.shli %get3A_1006, %shift_left3A_1008 : vector<16xi32>
      %bitcast_convert_type3A_1010 = tpu.bitcast %shift_left3A_1009 : vector<16xi32> -> vector<16xf32>
      %and3A_1011 = arith.andi %get3A_1006, %broadcast_in_dim3A_388 : vector<16xi32>
      %bitcast_convert_type3A_1012 = tpu.bitcast %and3A_1011 : vector<16xi32> -> vector<16xf32>
      %get3A_1013 = arith.constant 0 : i32
      %get3A_1014 = arith.index_cast %get3A_1013 : i32 to index
      %get3A_1015 = arith.index_cast %mul3A_990 : i32 to index
      %get3A_1016 = tpu.vector_load %arg26[%get3A_1014, %get3A_1015] {strides = array<i32>} : memref<8x512xi32, #tpu.memory_space<vmem>>, vector<1x16xi32>,
      %get3A_1017 = vector.shape_cast %get3A_1016 : vector<1x16xi32> to vector<16xi32>
      %shift_left3A_1018 = arith.constant 16 : i32
      %shift_left3A_1019 = vector.broadcast %shift_left3A_1018 : i32 to vector<16xi32>
      %shift_left3A_1020 = arith.shli %get3A_1017, %shift_left3A_1019 : vector<16xi32>
      %bitcast_convert_type3A_1021 = tpu.bitcast %shift_left3A_1020 : vector<16xi32> -> vector<16xf32>
      %and3A_1022 = arith.andi %get3A_1017, %broadcast_in_dim3A_388 : vector<16xi32>
      %bitcast_convert_type3A_1023 = tpu.bitcast %and3A_1022 : vector<16xi32> -> vector<16xf32>
      %get3A_1024 = arith.constant 0 : i32
      %get3A_1025 = arith.index_cast %get3A_1024 : i32 to index
      %get3A_1026 = arith.index_cast %mul3A_990 : i32 to index
      %get3A_1027 = tpu.vector_load %arg27[%get3A_1025, %get3A_1026] {strides = array<i32>} : memref<8x512xi32, #tpu.memory_space<vmem>>, vector<1x16xi32>,
      %get3A_1028 = vector.shape_cast %get3A_1027 : vector<1x16xi32> to vector<16xi32>
      %shift_left3A_1029 = arith.constant 16 : i32
      %shift_left3A_1030 = vector.broadcast %shift_left3A_1029 : i32 to vector<16xi32>
      %shift_left3A_1031 = arith.shli %get3A_1028, %shift_left3A_1030 : vector<16xi32>
      %bitcast_convert_type3A_1032 = tpu.bitcast %shift_left3A_1031 : vector<16xi32> -> vector<16xf32>
      %and3A_1033 = arith.andi %get3A_1028, %broadcast_in_dim3A_388 : vector<16xi32>
      %bitcast_convert_type3A_1034 = tpu.bitcast %and3A_1033 : vector<16xi32> -> vector<16xf32>
      %sub3A_1035 = arith.subf %bitcast_convert_type3A_999, %bitcast_convert_type3A_1010 : vector<16xf32>
      %mul3A_1036 = arith.mulf %bitcast_convert_type3A_1032, %bitcast_convert_type3A_1032 : vector<16xf32>
      %add3A_1037 = arith.addf %broadcast_in_dim3A_988, %mul3A_1036 : vector<16xf32>
      %mul3A_1038 = arith.mulf %bitcast_convert_type3A_1032, %sub3A_1035 : vector<16xf32>
      %add3A_1039 = arith.addf %broadcast_in_dim3A_988, %mul3A_1038 : vector<16xf32>
      %mul3A_1040 = arith.mulf %sub3A_1035, %sub3A_1035 : vector<16xf32>
      %add3A_1041 = arith.addf %broadcast_in_dim3A_988, %mul3A_1040 : vector<16xf32>
      %mul3A_1042 = arith.mulf %sub3A_1035, %bitcast_convert_type3A_1021 : vector<16xf32>
      %add3A_1043 = arith.addf %broadcast_in_dim3A_988, %mul3A_1042 : vector<16xf32>
      %mul3A_1044 = arith.mulf %bitcast_convert_type3A_1032, %bitcast_convert_type3A_1021 : vector<16xf32>
      %add3A_1045 = arith.addf %broadcast_in_dim3A_988, %mul3A_1044 : vector<16xf32>
      %mul3A_1046 = arith.mulf %bitcast_convert_type3A_1021, %bitcast_convert_type3A_1021 : vector<16xf32>
      %add3A_1047 = arith.addf %broadcast_in_dim3A_988, %mul3A_1046 : vector<16xf32>
      %sub3A_1048 = arith.subf %bitcast_convert_type3A_1001, %bitcast_convert_type3A_1012 : vector<16xf32>
      %mul3A_1049 = arith.mulf %bitcast_convert_type3A_1034, %bitcast_convert_type3A_1034 : vector<16xf32>
      %add3A_1050 = arith.addf %add3A_1037, %mul3A_1049 : vector<16xf32>
      %mul3A_1051 = arith.mulf %bitcast_convert_type3A_1034, %sub3A_1048 : vector<16xf32>
      %add3A_1052 = arith.addf %add3A_1039, %mul3A_1051 : vector<16xf32>
      %mul3A_1053 = arith.mulf %sub3A_1048, %sub3A_1048 : vector<16xf32>
      %add3A_1054 = arith.addf %add3A_1041, %mul3A_1053 : vector<16xf32>
      %mul3A_1055 = arith.mulf %sub3A_1048, %bitcast_convert_type3A_1023 : vector<16xf32>
      %add3A_1056 = arith.addf %add3A_1043, %mul3A_1055 : vector<16xf32>
      %mul3A_1057 = arith.mulf %bitcast_convert_type3A_1034, %bitcast_convert_type3A_1023 : vector<16xf32>
      %add3A_1058 = arith.addf %add3A_1045, %mul3A_1057 : vector<16xf32>
      %mul3A_1059 = arith.mulf %bitcast_convert_type3A_1023, %bitcast_convert_type3A_1023 : vector<16xf32>
      %add3A_1060 = arith.addf %add3A_1047, %mul3A_1059 : vector<16xf32>
      %mul3A_1061 = arith.constant 16 : i32
      %mul3A_1062 = arith.muli %scan3A_399, %mul3A_1061 : i32
      %get3A_1063 = arith.constant 1 : i32
      %get3A_1064 = arith.index_cast %get3A_1063 : i32 to index
      %get3A_1065 = arith.index_cast %mul3A_1062 : i32 to index
      %get3A_1066 = tpu.vector_load %arg22[%get3A_1064, %get3A_1065] {strides = array<i32>} : memref<8x512xi32, #tpu.memory_space<vmem>>, vector<1x16xi32>,
      %get3A_1067 = vector.shape_cast %get3A_1066 : vector<1x16xi32> to vector<16xi32>
      %shift_left3A_1068 = arith.constant 16 : i32
      %shift_left3A_1069 = vector.broadcast %shift_left3A_1068 : i32 to vector<16xi32>
      %shift_left3A_1070 = arith.shli %get3A_1067, %shift_left3A_1069 : vector<16xi32>
      %bitcast_convert_type3A_1071 = tpu.bitcast %shift_left3A_1070 : vector<16xi32> -> vector<16xf32>
      %and3A_1072 = arith.andi %get3A_1067, %broadcast_in_dim3A_388 : vector<16xi32>
      %bitcast_convert_type3A_1073 = tpu.bitcast %and3A_1072 : vector<16xi32> -> vector<16xf32>
      %get3A_1074 = arith.constant 1 : i32
      %get3A_1075 = arith.index_cast %get3A_1074 : i32 to index
      %get3A_1076 = arith.index_cast %mul3A_1062 : i32 to index
      %get3A_1077 = tpu.vector_load %arg23[%get3A_1075, %get3A_1076] {strides = array<i32>} : memref<8x512xi32, #tpu.memory_space<vmem>>, vector<1x16xi32>,
      %get3A_1078 = vector.shape_cast %get3A_1077 : vector<1x16xi32> to vector<16xi32>
      %shift_left3A_1079 = arith.constant 16 : i32
      %shift_left3A_1080 = vector.broadcast %shift_left3A_1079 : i32 to vector<16xi32>
      %shift_left3A_1081 = arith.shli %get3A_1078, %shift_left3A_1080 : vector<16xi32>
      %bitcast_convert_type3A_1082 = tpu.bitcast %shift_left3A_1081 : vector<16xi32> -> vector<16xf32>
      %and3A_1083 = arith.andi %get3A_1078, %broadcast_in_dim3A_388 : vector<16xi32>
      %bitcast_convert_type3A_1084 = tpu.bitcast %and3A_1083 : vector<16xi32> -> vector<16xf32>
      %get3A_1085 = arith.constant 1 : i32
      %get3A_1086 = arith.index_cast %get3A_1085 : i32 to index
      %get3A_1087 = arith.index_cast %mul3A_1062 : i32 to index
      %get3A_1088 = tpu.vector_load %arg26[%get3A_1086, %get3A_1087] {strides = array<i32>} : memref<8x512xi32, #tpu.memory_space<vmem>>, vector<1x16xi32>,
      %get3A_1089 = vector.shape_cast %get3A_1088 : vector<1x16xi32> to vector<16xi32>
      %shift_left3A_1090 = arith.constant 16 : i32
      %shift_left3A_1091 = vector.broadcast %shift_left3A_1090 : i32 to vector<16xi32>
      %shift_left3A_1092 = arith.shli %get3A_1089, %shift_left3A_1091 : vector<16xi32>
      %bitcast_convert_type3A_1093 = tpu.bitcast %shift_left3A_1092 : vector<16xi32> -> vector<16xf32>
      %and3A_1094 = arith.andi %get3A_1089, %broadcast_in_dim3A_388 : vector<16xi32>
      %bitcast_convert_type3A_1095 = tpu.bitcast %and3A_1094 : vector<16xi32> -> vector<16xf32>
      %get3A_1096 = arith.constant 1 : i32
      %get3A_1097 = arith.index_cast %get3A_1096 : i32 to index
      %get3A_1098 = arith.index_cast %mul3A_1062 : i32 to index
      %get3A_1099 = tpu.vector_load %arg27[%get3A_1097, %get3A_1098] {strides = array<i32>} : memref<8x512xi32, #tpu.memory_space<vmem>>, vector<1x16xi32>,
      %get3A_1100 = vector.shape_cast %get3A_1099 : vector<1x16xi32> to vector<16xi32>
      %shift_left3A_1101 = arith.constant 16 : i32
      %shift_left3A_1102 = vector.broadcast %shift_left3A_1101 : i32 to vector<16xi32>
      %shift_left3A_1103 = arith.shli %get3A_1100, %shift_left3A_1102 : vector<16xi32>
      %bitcast_convert_type3A_1104 = tpu.bitcast %shift_left3A_1103 : vector<16xi32> -> vector<16xf32>
      %and3A_1105 = arith.andi %get3A_1100, %broadcast_in_dim3A_388 : vector<16xi32>
      %bitcast_convert_type3A_1106 = tpu.bitcast %and3A_1105 : vector<16xi32> -> vector<16xf32>
      %sub3A_1107 = arith.subf %bitcast_convert_type3A_1071, %bitcast_convert_type3A_1082 : vector<16xf32>
      %mul3A_1108 = arith.mulf %bitcast_convert_type3A_1104, %bitcast_convert_type3A_1104 : vector<16xf32>
      %add3A_1109 = arith.addf %add3A_1050, %mul3A_1108 : vector<16xf32>
      %mul3A_1110 = arith.mulf %bitcast_convert_type3A_1104, %sub3A_1107 : vector<16xf32>
      %add3A_1111 = arith.addf %add3A_1052, %mul3A_1110 : vector<16xf32>
      %mul3A_1112 = arith.mulf %sub3A_1107, %sub3A_1107 : vector<16xf32>
      %add3A_1113 = arith.addf %add3A_1054, %mul3A_1112 : vector<16xf32>
      %mul3A_1114 = arith.mulf %sub3A_1107, %bitcast_convert_type3A_1093 : vector<16xf32>
      %add3A_1115 = arith.addf %add3A_1056, %mul3A_1114 : vector<16xf32>
      %mul3A_1116 = arith.mulf %bitcast_convert_type3A_1104, %bitcast_convert_type3A_1093 : vector<16xf32>
      %add3A_1117 = arith.addf %add3A_1058, %mul3A_1116 : vector<16xf32>
      %mul3A_1118 = arith.mulf %bitcast_convert_type3A_1093, %bitcast_convert_type3A_1093 : vector<16xf32>
      %add3A_1119 = arith.addf %add3A_1060, %mul3A_1118 : vector<16xf32>
      %sub3A_1120 = arith.subf %bitcast_convert_type3A_1073, %bitcast_convert_type3A_1084 : vector<16xf32>
      %mul3A_1121 = arith.mulf %bitcast_convert_type3A_1106, %bitcast_convert_type3A_1106 : vector<16xf32>
      %add3A_1122 = arith.addf %add3A_1109, %mul3A_1121 : vector<16xf32>
      %mul3A_1123 = arith.mulf %bitcast_convert_type3A_1106, %sub3A_1120 : vector<16xf32>
      %add3A_1124 = arith.addf %add3A_1111, %mul3A_1123 : vector<16xf32>
      %mul3A_1125 = arith.mulf %sub3A_1120, %sub3A_1120 : vector<16xf32>
      %add3A_1126 = arith.addf %add3A_1113, %mul3A_1125 : vector<16xf32>
      %mul3A_1127 = arith.mulf %sub3A_1120, %bitcast_convert_type3A_1095 : vector<16xf32>
      %add3A_1128 = arith.addf %add3A_1115, %mul3A_1127 : vector<16xf32>
      %mul3A_1129 = arith.mulf %bitcast_convert_type3A_1106, %bitcast_convert_type3A_1095 : vector<16xf32>
      %add3A_1130 = arith.addf %add3A_1117, %mul3A_1129 : vector<16xf32>
      %mul3A_1131 = arith.mulf %bitcast_convert_type3A_1095, %bitcast_convert_type3A_1095 : vector<16xf32>
      %add3A_1132 = arith.addf %add3A_1119, %mul3A_1131 : vector<16xf32>
      %mul3A_1133 = arith.constant 16 : i32
      %mul3A_1134 = arith.muli %scan3A_399, %mul3A_1133 : i32
      %get3A_1135 = arith.constant 2 : i32
      %get3A_1136 = arith.index_cast %get3A_1135 : i32 to index
      %get3A_1137 = arith.index_cast %mul3A_1134 : i32 to index
      %get3A_1138 = tpu.vector_load %arg22[%get3A_1136, %get3A_1137] {strides = array<i32>} : memref<8x512xi32, #tpu.memory_space<vmem>>, vector<1x16xi32>,
      %get3A_1139 = vector.shape_cast %get3A_1138 : vector<1x16xi32> to vector<16xi32>
      %shift_left3A_1140 = arith.constant 16 : i32
      %shift_left3A_1141 = vector.broadcast %shift_left3A_1140 : i32 to vector<16xi32>
      %shift_left3A_1142 = arith.shli %get3A_1139, %shift_left3A_1141 : vector<16xi32>
      %bitcast_convert_type3A_1143 = tpu.bitcast %shift_left3A_1142 : vector<16xi32> -> vector<16xf32>
      %and3A_1144 = arith.andi %get3A_1139, %broadcast_in_dim3A_388 : vector<16xi32>
      %bitcast_convert_type3A_1145 = tpu.bitcast %and3A_1144 : vector<16xi32> -> vector<16xf32>
      %get3A_1146 = arith.constant 2 : i32
      %get3A_1147 = arith.index_cast %get3A_1146 : i32 to index
      %get3A_1148 = arith.index_cast %mul3A_1134 : i32 to index
      %get3A_1149 = tpu.vector_load %arg23[%get3A_1147, %get3A_1148] {strides = array<i32>} : memref<8x512xi32, #tpu.memory_space<vmem>>, vector<1x16xi32>,
      %get3A_1150 = vector.shape_cast %get3A_1149 : vector<1x16xi32> to vector<16xi32>
      %shift_left3A_1151 = arith.constant 16 : i32
      %shift_left3A_1152 = vector.broadcast %shift_left3A_1151 : i32 to vector<16xi32>
      %shift_left3A_1153 = arith.shli %get3A_1150, %shift_left3A_1152 : vector<16xi32>
      %bitcast_convert_type3A_1154 = tpu.bitcast %shift_left3A_1153 : vector<16xi32> -> vector<16xf32>
      %and3A_1155 = arith.andi %get3A_1150, %broadcast_in_dim3A_388 : vector<16xi32>
      %bitcast_convert_type3A_1156 = tpu.bitcast %and3A_1155 : vector<16xi32> -> vector<16xf32>
      %get3A_1157 = arith.constant 2 : i32
      %get3A_1158 = arith.index_cast %get3A_1157 : i32 to index
      %get3A_1159 = arith.index_cast %mul3A_1134 : i32 to index
      %get3A_1160 = tpu.vector_load %arg26[%get3A_1158, %get3A_1159] {strides = array<i32>} : memref<8x512xi32, #tpu.memory_space<vmem>>, vector<1x16xi32>,
      %get3A_1161 = vector.shape_cast %get3A_1160 : vector<1x16xi32> to vector<16xi32>
      %shift_left3A_1162 = arith.constant 16 : i32
      %shift_left3A_1163 = vector.broadcast %shift_left3A_1162 : i32 to vector<16xi32>
      %shift_left3A_1164 = arith.shli %get3A_1161, %shift_left3A_1163 : vector<16xi32>
      %bitcast_convert_type3A_1165 = tpu.bitcast %shift_left3A_1164 : vector<16xi32> -> vector<16xf32>
      %and3A_1166 = arith.andi %get3A_1161, %broadcast_in_dim3A_388 : vector<16xi32>
      %bitcast_convert_type3A_1167 = tpu.bitcast %and3A_1166 : vector<16xi32> -> vector<16xf32>
      %get3A_1168 = arith.constant 2 : i32
      %get3A_1169 = arith.index_cast %get3A_1168 : i32 to index
      %get3A_1170 = arith.index_cast %mul3A_1134 : i32 to index
      %get3A_1171 = tpu.vector_load %arg27[%get3A_1169, %get3A_1170] {strides = array<i32>} : memref<8x512xi32, #tpu.memory_space<vmem>>, vector<1x16xi32>,
      %get3A_1172 = vector.shape_cast %get3A_1171 : vector<1x16xi32> to vector<16xi32>
      %shift_left3A_1173 = arith.constant 16 : i32
      %shift_left3A_1174 = vector.broadcast %shift_left3A_1173 : i32 to vector<16xi32>
      %shift_left3A_1175 = arith.shli %get3A_1172, %shift_left3A_1174 : vector<16xi32>
      %bitcast_convert_type3A_1176 = tpu.bitcast %shift_left3A_1175 : vector<16xi32> -> vector<16xf32>
      %and3A_1177 = arith.andi %get3A_1172, %broadcast_in_dim3A_388 : vector<16xi32>
      %bitcast_convert_type3A_1178 = tpu.bitcast %and3A_1177 : vector<16xi32> -> vector<16xf32>
      %sub3A_1179 = arith.subf %bitcast_convert_type3A_1143, %bitcast_convert_type3A_1154 : vector<16xf32>
      %mul3A_1180 = arith.mulf %bitcast_convert_type3A_1176, %bitcast_convert_type3A_1176 : vector<16xf32>
      %add3A_1181 = arith.addf %add3A_1122, %mul3A_1180 : vector<16xf32>
      %mul3A_1182 = arith.mulf %bitcast_convert_type3A_1176, %sub3A_1179 : vector<16xf32>
      %add3A_1183 = arith.addf %add3A_1124, %mul3A_1182 : vector<16xf32>
      %mul3A_1184 = arith.mulf %sub3A_1179, %sub3A_1179 : vector<16xf32>
      %add3A_1185 = arith.addf %add3A_1126, %mul3A_1184 : vector<16xf32>
      %mul3A_1186 = arith.mulf %sub3A_1179, %bitcast_convert_type3A_1165 : vector<16xf32>
      %add3A_1187 = arith.addf %add3A_1128, %mul3A_1186 : vector<16xf32>
      %mul3A_1188 = arith.mulf %bitcast_convert_type3A_1176, %bitcast_convert_type3A_1165 : vector<16xf32>
      %add3A_1189 = arith.addf %add3A_1130, %mul3A_1188 : vector<16xf32>
      %mul3A_1190 = arith.mulf %bitcast_convert_type3A_1165, %bitcast_convert_type3A_1165 : vector<16xf32>
      %add3A_1191 = arith.addf %add3A_1132, %mul3A_1190 : vector<16xf32>
      %sub3A_1192 = arith.subf %bitcast_convert_type3A_1145, %bitcast_convert_type3A_1156 : vector<16xf32>
      %mul3A_1193 = arith.mulf %bitcast_convert_type3A_1178, %bitcast_convert_type3A_1178 : vector<16xf32>
      %add3A_1194 = arith.addf %add3A_1181, %mul3A_1193 : vector<16xf32>
      %mul3A_1195 = arith.mulf %bitcast_convert_type3A_1178, %sub3A_1192 : vector<16xf32>
      %add3A_1196 = arith.addf %add3A_1183, %mul3A_1195 : vector<16xf32>
      %mul3A_1197 = arith.mulf %sub3A_1192, %sub3A_1192 : vector<16xf32>
      %add3A_1198 = arith.addf %add3A_1185, %mul3A_1197 : vector<16xf32>
      %mul3A_1199 = arith.mulf %sub3A_1192, %bitcast_convert_type3A_1167 : vector<16xf32>
      %add3A_1200 = arith.addf %add3A_1187, %mul3A_1199 : vector<16xf32>
      %mul3A_1201 = arith.mulf %bitcast_convert_type3A_1178, %bitcast_convert_type3A_1167 : vector<16xf32>
      %add3A_1202 = arith.addf %add3A_1189, %mul3A_1201 : vector<16xf32>
      %mul3A_1203 = arith.mulf %bitcast_convert_type3A_1167, %bitcast_convert_type3A_1167 : vector<16xf32>
      %add3A_1204 = arith.addf %add3A_1191, %mul3A_1203 : vector<16xf32>
      %mul3A_1205 = arith.constant 16 : i32
      %mul3A_1206 = arith.muli %scan3A_399, %mul3A_1205 : i32
      %get3A_1207 = arith.constant 3 : i32
      %get3A_1208 = arith.index_cast %get3A_1207 : i32 to index
      %get3A_1209 = arith.index_cast %mul3A_1206 : i32 to index
      %get3A_1210 = tpu.vector_load %arg22[%get3A_1208, %get3A_1209] {strides = array<i32>} : memref<8x512xi32, #tpu.memory_space<vmem>>, vector<1x16xi32>,
      %get3A_1211 = vector.shape_cast %get3A_1210 : vector<1x16xi32> to vector<16xi32>
      %shift_left3A_1212 = arith.constant 16 : i32
      %shift_left3A_1213 = vector.broadcast %shift_left3A_1212 : i32 to vector<16xi32>
      %shift_left3A_1214 = arith.shli %get3A_1211, %shift_left3A_1213 : vector<16xi32>
      %bitcast_convert_type3A_1215 = tpu.bitcast %shift_left3A_1214 : vector<16xi32> -> vector<16xf32>
      %and3A_1216 = arith.andi %get3A_1211, %broadcast_in_dim3A_388 : vector<16xi32>
      %bitcast_convert_type3A_1217 = tpu.bitcast %and3A_1216 : vector<16xi32> -> vector<16xf32>
      %get3A_1218 = arith.constant 3 : i32
      %get3A_1219 = arith.index_cast %get3A_1218 : i32 to index
      %get3A_1220 = arith.index_cast %mul3A_1206 : i32 to index
      %get3A_1221 = tpu.vector_load %arg23[%get3A_1219, %get3A_1220] {strides = array<i32>} : memref<8x512xi32, #tpu.memory_space<vmem>>, vector<1x16xi32>,
      %get3A_1222 = vector.shape_cast %get3A_1221 : vector<1x16xi32> to vector<16xi32>
      %shift_left3A_1223 = arith.constant 16 : i32
      %shift_left3A_1224 = vector.broadcast %shift_left3A_1223 : i32 to vector<16xi32>
      %shift_left3A_1225 = arith.shli %get3A_1222, %shift_left3A_1224 : vector<16xi32>
      %bitcast_convert_type3A_1226 = tpu.bitcast %shift_left3A_1225 : vector<16xi32> -> vector<16xf32>
      %and3A_1227 = arith.andi %get3A_1222, %broadcast_in_dim3A_388 : vector<16xi32>
      %bitcast_convert_type3A_1228 = tpu.bitcast %and3A_1227 : vector<16xi32> -> vector<16xf32>
      %get3A_1229 = arith.constant 3 : i32
      %get3A_1230 = arith.index_cast %get3A_1229 : i32 to index
      %get3A_1231 = arith.index_cast %mul3A_1206 : i32 to index
      %get3A_1232 = tpu.vector_load %arg26[%get3A_1230, %get3A_1231] {strides = array<i32>} : memref<8x512xi32, #tpu.memory_space<vmem>>, vector<1x16xi32>,
      %get3A_1233 = vector.shape_cast %get3A_1232 : vector<1x16xi32> to vector<16xi32>
      %shift_left3A_1234 = arith.constant 16 : i32
      %shift_left3A_1235 = vector.broadcast %shift_left3A_1234 : i32 to vector<16xi32>
      %shift_left3A_1236 = arith.shli %get3A_1233, %shift_left3A_1235 : vector<16xi32>
      %bitcast_convert_type3A_1237 = tpu.bitcast %shift_left3A_1236 : vector<16xi32> -> vector<16xf32>
      %and3A_1238 = arith.andi %get3A_1233, %broadcast_in_dim3A_388 : vector<16xi32>
      %bitcast_convert_type3A_1239 = tpu.bitcast %and3A_1238 : vector<16xi32> -> vector<16xf32>
      %get3A_1240 = arith.constant 3 : i32
      %get3A_1241 = arith.index_cast %get3A_1240 : i32 to index
      %get3A_1242 = arith.index_cast %mul3A_1206 : i32 to index
      %get3A_1243 = tpu.vector_load %arg27[%get3A_1241, %get3A_1242] {strides = array<i32>} : memref<8x512xi32, #tpu.memory_space<vmem>>, vector<1x16xi32>,
      %get3A_1244 = vector.shape_cast %get3A_1243 : vector<1x16xi32> to vector<16xi32>
      %shift_left3A_1245 = arith.constant 16 : i32
      %shift_left3A_1246 = vector.broadcast %shift_left3A_1245 : i32 to vector<16xi32>
      %shift_left3A_1247 = arith.shli %get3A_1244, %shift_left3A_1246 : vector<16xi32>
      %bitcast_convert_type3A_1248 = tpu.bitcast %shift_left3A_1247 : vector<16xi32> -> vector<16xf32>
      %and3A_1249 = arith.andi %get3A_1244, %broadcast_in_dim3A_388 : vector<16xi32>
      %bitcast_convert_type3A_1250 = tpu.bitcast %and3A_1249 : vector<16xi32> -> vector<16xf32>
      %sub3A_1251 = arith.subf %bitcast_convert_type3A_1215, %bitcast_convert_type3A_1226 : vector<16xf32>
      %mul3A_1252 = arith.mulf %bitcast_convert_type3A_1248, %bitcast_convert_type3A_1248 : vector<16xf32>
      %add3A_1253 = arith.addf %add3A_1194, %mul3A_1252 : vector<16xf32>
      %mul3A_1254 = arith.mulf %bitcast_convert_type3A_1248, %sub3A_1251 : vector<16xf32>
      %add3A_1255 = arith.addf %add3A_1196, %mul3A_1254 : vector<16xf32>
      %mul3A_1256 = arith.mulf %sub3A_1251, %sub3A_1251 : vector<16xf32>
      %add3A_1257 = arith.addf %add3A_1198, %mul3A_1256 : vector<16xf32>
      %mul3A_1258 = arith.mulf %sub3A_1251, %bitcast_convert_type3A_1237 : vector<16xf32>
      %add3A_1259 = arith.addf %add3A_1200, %mul3A_1258 : vector<16xf32>
      %mul3A_1260 = arith.mulf %bitcast_convert_type3A_1248, %bitcast_convert_type3A_1237 : vector<16xf32>
      %add3A_1261 = arith.addf %add3A_1202, %mul3A_1260 : vector<16xf32>
      %mul3A_1262 = arith.mulf %bitcast_convert_type3A_1237, %bitcast_convert_type3A_1237 : vector<16xf32>
      %add3A_1263 = arith.addf %add3A_1204, %mul3A_1262 : vector<16xf32>
      %sub3A_1264 = arith.subf %bitcast_convert_type3A_1217, %bitcast_convert_type3A_1228 : vector<16xf32>
      %mul3A_1265 = arith.mulf %bitcast_convert_type3A_1250, %bitcast_convert_type3A_1250 : vector<16xf32>
      %add3A_1266 = arith.addf %add3A_1253, %mul3A_1265 : vector<16xf32>
      %mul3A_1267 = arith.mulf %bitcast_convert_type3A_1250, %sub3A_1264 : vector<16xf32>
      %add3A_1268 = arith.addf %add3A_1255, %mul3A_1267 : vector<16xf32>
      %mul3A_1269 = arith.mulf %sub3A_1264, %sub3A_1264 : vector<16xf32>
      %add3A_1270 = arith.addf %add3A_1257, %mul3A_1269 : vector<16xf32>
      %mul3A_1271 = arith.mulf %sub3A_1264, %bitcast_convert_type3A_1239 : vector<16xf32>
      %add3A_1272 = arith.addf %add3A_1259, %mul3A_1271 : vector<16xf32>
      %mul3A_1273 = arith.mulf %bitcast_convert_type3A_1250, %bitcast_convert_type3A_1239 : vector<16xf32>
      %add3A_1274 = arith.addf %add3A_1261, %mul3A_1273 : vector<16xf32>
      %mul3A_1275 = arith.mulf %bitcast_convert_type3A_1239, %bitcast_convert_type3A_1239 : vector<16xf32>
      %add3A_1276 = arith.addf %add3A_1263, %mul3A_1275 : vector<16xf32>
      %mul3A_1277 = arith.constant 16 : i32
      %mul3A_1278 = arith.muli %scan3A_399, %mul3A_1277 : i32
      %get3A_1279 = arith.constant 4 : i32
      %get3A_1280 = arith.index_cast %get3A_1279 : i32 to index
      %get3A_1281 = arith.index_cast %mul3A_1278 : i32 to index
      %get3A_1282 = tpu.vector_load %arg22[%get3A_1280, %get3A_1281] {strides = array<i32>} : memref<8x512xi32, #tpu.memory_space<vmem>>, vector<1x16xi32>,
      %get3A_1283 = vector.shape_cast %get3A_1282 : vector<1x16xi32> to vector<16xi32>
      %shift_left3A_1284 = arith.constant 16 : i32
      %shift_left3A_1285 = vector.broadcast %shift_left3A_1284 : i32 to vector<16xi32>
      %shift_left3A_1286 = arith.shli %get3A_1283, %shift_left3A_1285 : vector<16xi32>
      %bitcast_convert_type3A_1287 = tpu.bitcast %shift_left3A_1286 : vector<16xi32> -> vector<16xf32>
      %and3A_1288 = arith.andi %get3A_1283, %broadcast_in_dim3A_388 : vector<16xi32>
      %bitcast_convert_type3A_1289 = tpu.bitcast %and3A_1288 : vector<16xi32> -> vector<16xf32>
      %get3A_1290 = arith.constant 4 : i32
      %get3A_1291 = arith.index_cast %get3A_1290 : i32 to index
      %get3A_1292 = arith.index_cast %mul3A_1278 : i32 to index
      %get3A_1293 = tpu.vector_load %arg23[%get3A_1291, %get3A_1292] {strides = array<i32>} : memref<8x512xi32, #tpu.memory_space<vmem>>, vector<1x16xi32>,
      %get3A_1294 = vector.shape_cast %get3A_1293 : vector<1x16xi32> to vector<16xi32>
      %shift_left3A_1295 = arith.constant 16 : i32
      %shift_left3A_1296 = vector.broadcast %shift_left3A_1295 : i32 to vector<16xi32>
      %shift_left3A_1297 = arith.shli %get3A_1294, %shift_left3A_1296 : vector<16xi32>
      %bitcast_convert_type3A_1298 = tpu.bitcast %shift_left3A_1297 : vector<16xi32> -> vector<16xf32>
      %and3A_1299 = arith.andi %get3A_1294, %broadcast_in_dim3A_388 : vector<16xi32>
      %bitcast_convert_type3A_1300 = tpu.bitcast %and3A_1299 : vector<16xi32> -> vector<16xf32>
      %get3A_1301 = arith.constant 4 : i32
      %get3A_1302 = arith.index_cast %get3A_1301 : i32 to index
      %get3A_1303 = arith.index_cast %mul3A_1278 : i32 to index
      %get3A_1304 = tpu.vector_load %arg26[%get3A_1302, %get3A_1303] {strides = array<i32>} : memref<8x512xi32, #tpu.memory_space<vmem>>, vector<1x16xi32>,
      %get3A_1305 = vector.shape_cast %get3A_1304 : vector<1x16xi32> to vector<16xi32>
      %shift_left3A_1306 = arith.constant 16 : i32
      %shift_left3A_1307 = vector.broadcast %shift_left3A_1306 : i32 to vector<16xi32>
      %shift_left3A_1308 = arith.shli %get3A_1305, %shift_left3A_1307 : vector<16xi32>
      %bitcast_convert_type3A_1309 = tpu.bitcast %shift_left3A_1308 : vector<16xi32> -> vector<16xf32>
      %and3A_1310 = arith.andi %get3A_1305, %broadcast_in_dim3A_388 : vector<16xi32>
      %bitcast_convert_type3A_1311 = tpu.bitcast %and3A_1310 : vector<16xi32> -> vector<16xf32>
      %get3A_1312 = arith.constant 4 : i32
      %get3A_1313 = arith.index_cast %get3A_1312 : i32 to index
      %get3A_1314 = arith.index_cast %mul3A_1278 : i32 to index
      %get3A_1315 = tpu.vector_load %arg27[%get3A_1313, %get3A_1314] {strides = array<i32>} : memref<8x512xi32, #tpu.memory_space<vmem>>, vector<1x16xi32>,
      %get3A_1316 = vector.shape_cast %get3A_1315 : vector<1x16xi32> to vector<16xi32>
      %shift_left3A_1317 = arith.constant 16 : i32
      %shift_left3A_1318 = vector.broadcast %shift_left3A_1317 : i32 to vector<16xi32>
      %shift_left3A_1319 = arith.shli %get3A_1316, %shift_left3A_1318 : vector<16xi32>
      %bitcast_convert_type3A_1320 = tpu.bitcast %shift_left3A_1319 : vector<16xi32> -> vector<16xf32>
      %and3A_1321 = arith.andi %get3A_1316, %broadcast_in_dim3A_388 : vector<16xi32>
      %bitcast_convert_type3A_1322 = tpu.bitcast %and3A_1321 : vector<16xi32> -> vector<16xf32>
      %sub3A_1323 = arith.subf %bitcast_convert_type3A_1287, %bitcast_convert_type3A_1298 : vector<16xf32>
      %mul3A_1324 = arith.mulf %bitcast_convert_type3A_1320, %bitcast_convert_type3A_1320 : vector<16xf32>
      %add3A_1325 = arith.addf %add3A_1266, %mul3A_1324 : vector<16xf32>
      %mul3A_1326 = arith.mulf %bitcast_convert_type3A_1320, %sub3A_1323 : vector<16xf32>
      %add3A_1327 = arith.addf %add3A_1268, %mul3A_1326 : vector<16xf32>
      %mul3A_1328 = arith.mulf %sub3A_1323, %sub3A_1323 : vector<16xf32>
      %add3A_1329 = arith.addf %add3A_1270, %mul3A_1328 : vector<16xf32>
      %mul3A_1330 = arith.mulf %sub3A_1323, %bitcast_convert_type3A_1309 : vector<16xf32>
      %add3A_1331 = arith.addf %add3A_1272, %mul3A_1330 : vector<16xf32>
      %mul3A_1332 = arith.mulf %bitcast_convert_type3A_1320, %bitcast_convert_type3A_1309 : vector<16xf32>
      %add3A_1333 = arith.addf %add3A_1274, %mul3A_1332 : vector<16xf32>
      %mul3A_1334 = arith.mulf %bitcast_convert_type3A_1309, %bitcast_convert_type3A_1309 : vector<16xf32>
      %add3A_1335 = arith.addf %add3A_1276, %mul3A_1334 : vector<16xf32>
      %sub3A_1336 = arith.subf %bitcast_convert_type3A_1289, %bitcast_convert_type3A_1300 : vector<16xf32>
      %mul3A_1337 = arith.mulf %bitcast_convert_type3A_1322, %bitcast_convert_type3A_1322 : vector<16xf32>
      %add3A_1338 = arith.addf %add3A_1325, %mul3A_1337 : vector<16xf32>
      %mul3A_1339 = arith.mulf %bitcast_convert_type3A_1322, %sub3A_1336 : vector<16xf32>
      %add3A_1340 = arith.addf %add3A_1327, %mul3A_1339 : vector<16xf32>
      %mul3A_1341 = arith.mulf %sub3A_1336, %sub3A_1336 : vector<16xf32>
      %add3A_1342 = arith.addf %add3A_1329, %mul3A_1341 : vector<16xf32>
      %mul3A_1343 = arith.mulf %sub3A_1336, %bitcast_convert_type3A_1311 : vector<16xf32>
      %add3A_1344 = arith.addf %add3A_1331, %mul3A_1343 : vector<16xf32>
      %mul3A_1345 = arith.mulf %bitcast_convert_type3A_1322, %bitcast_convert_type3A_1311 : vector<16xf32>
      %add3A_1346 = arith.addf %add3A_1333, %mul3A_1345 : vector<16xf32>
      %mul3A_1347 = arith.mulf %bitcast_convert_type3A_1311, %bitcast_convert_type3A_1311 : vector<16xf32>
      %add3A_1348 = arith.addf %add3A_1335, %mul3A_1347 : vector<16xf32>
      %mul3A_1349 = arith.constant 16 : i32
      %mul3A_1350 = arith.muli %scan3A_399, %mul3A_1349 : i32
      %get3A_1351 = arith.constant 5 : i32
      %get3A_1352 = arith.index_cast %get3A_1351 : i32 to index
      %get3A_1353 = arith.index_cast %mul3A_1350 : i32 to index
      %get3A_1354 = tpu.vector_load %arg22[%get3A_1352, %get3A_1353] {strides = array<i32>} : memref<8x512xi32, #tpu.memory_space<vmem>>, vector<1x16xi32>,
      %get3A_1355 = vector.shape_cast %get3A_1354 : vector<1x16xi32> to vector<16xi32>
      %shift_left3A_1356 = arith.constant 16 : i32
      %shift_left3A_1357 = vector.broadcast %shift_left3A_1356 : i32 to vector<16xi32>
      %shift_left3A_1358 = arith.shli %get3A_1355, %shift_left3A_1357 : vector<16xi32>
      %bitcast_convert_type3A_1359 = tpu.bitcast %shift_left3A_1358 : vector<16xi32> -> vector<16xf32>
      %and3A_1360 = arith.andi %get3A_1355, %broadcast_in_dim3A_388 : vector<16xi32>
      %bitcast_convert_type3A_1361 = tpu.bitcast %and3A_1360 : vector<16xi32> -> vector<16xf32>
      %get3A_1362 = arith.constant 5 : i32
      %get3A_1363 = arith.index_cast %get3A_1362 : i32 to index
      %get3A_1364 = arith.index_cast %mul3A_1350 : i32 to index
      %get3A_1365 = tpu.vector_load %arg23[%get3A_1363, %get3A_1364] {strides = array<i32>} : memref<8x512xi32, #tpu.memory_space<vmem>>, vector<1x16xi32>,
      %get3A_1366 = vector.shape_cast %get3A_1365 : vector<1x16xi32> to vector<16xi32>
      %shift_left3A_1367 = arith.constant 16 : i32
      %shift_left3A_1368 = vector.broadcast %shift_left3A_1367 : i32 to vector<16xi32>
      %shift_left3A_1369 = arith.shli %get3A_1366, %shift_left3A_1368 : vector<16xi32>
      %bitcast_convert_type3A_1370 = tpu.bitcast %shift_left3A_1369 : vector<16xi32> -> vector<16xf32>
      %and3A_1371 = arith.andi %get3A_1366, %broadcast_in_dim3A_388 : vector<16xi32>
      %bitcast_convert_type3A_1372 = tpu.bitcast %and3A_1371 : vector<16xi32> -> vector<16xf32>
      %get3A_1373 = arith.constant 5 : i32
      %get3A_1374 = arith.index_cast %get3A_1373 : i32 to index
      %get3A_1375 = arith.index_cast %mul3A_1350 : i32 to index
      %get3A_1376 = tpu.vector_load %arg26[%get3A_1374, %get3A_1375] {strides = array<i32>} : memref<8x512xi32, #tpu.memory_space<vmem>>, vector<1x16xi32>,
      %get3A_1377 = vector.shape_cast %get3A_1376 : vector<1x16xi32> to vector<16xi32>
      %shift_left3A_1378 = arith.constant 16 : i32
      %shift_left3A_1379 = vector.broadcast %shift_left3A_1378 : i32 to vector<16xi32>
      %shift_left3A_1380 = arith.shli %get3A_1377, %shift_left3A_1379 : vector<16xi32>
      %bitcast_convert_type3A_1381 = tpu.bitcast %shift_left3A_1380 : vector<16xi32> -> vector<16xf32>
      %and3A_1382 = arith.andi %get3A_1377, %broadcast_in_dim3A_388 : vector<16xi32>
      %bitcast_convert_type3A_1383 = tpu.bitcast %and3A_1382 : vector<16xi32> -> vector<16xf32>
      %get3A_1384 = arith.constant 5 : i32
      %get3A_1385 = arith.index_cast %get3A_1384 : i32 to index
      %get3A_1386 = arith.index_cast %mul3A_1350 : i32 to index
      %get3A_1387 = tpu.vector_load %arg27[%get3A_1385, %get3A_1386] {strides = array<i32>} : memref<8x512xi32, #tpu.memory_space<vmem>>, vector<1x16xi32>,
      %get3A_1388 = vector.shape_cast %get3A_1387 : vector<1x16xi32> to vector<16xi32>
      %shift_left3A_1389 = arith.constant 16 : i32
      %shift_left3A_1390 = vector.broadcast %shift_left3A_1389 : i32 to vector<16xi32>
      %shift_left3A_1391 = arith.shli %get3A_1388, %shift_left3A_1390 : vector<16xi32>
      %bitcast_convert_type3A_1392 = tpu.bitcast %shift_left3A_1391 : vector<16xi32> -> vector<16xf32>
      %and3A_1393 = arith.andi %get3A_1388, %broadcast_in_dim3A_388 : vector<16xi32>
      %bitcast_convert_type3A_1394 = tpu.bitcast %and3A_1393 : vector<16xi32> -> vector<16xf32>
      %sub3A_1395 = arith.subf %bitcast_convert_type3A_1359, %bitcast_convert_type3A_1370 : vector<16xf32>
      %mul3A_1396 = arith.mulf %bitcast_convert_type3A_1392, %bitcast_convert_type3A_1392 : vector<16xf32>
      %add3A_1397 = arith.addf %add3A_1338, %mul3A_1396 : vector<16xf32>
      %mul3A_1398 = arith.mulf %bitcast_convert_type3A_1392, %sub3A_1395 : vector<16xf32>
      %add3A_1399 = arith.addf %add3A_1340, %mul3A_1398 : vector<16xf32>
      %mul3A_1400 = arith.mulf %sub3A_1395, %sub3A_1395 : vector<16xf32>
      %add3A_1401 = arith.addf %add3A_1342, %mul3A_1400 : vector<16xf32>
      %mul3A_1402 = arith.mulf %sub3A_1395, %bitcast_convert_type3A_1381 : vector<16xf32>
      %add3A_1403 = arith.addf %add3A_1344, %mul3A_1402 : vector<16xf32>
      %mul3A_1404 = arith.mulf %bitcast_convert_type3A_1392, %bitcast_convert_type3A_1381 : vector<16xf32>
      %add3A_1405 = arith.addf %add3A_1346, %mul3A_1404 : vector<16xf32>
      %mul3A_1406 = arith.mulf %bitcast_convert_type3A_1381, %bitcast_convert_type3A_1381 : vector<16xf32>
      %add3A_1407 = arith.addf %add3A_1348, %mul3A_1406 : vector<16xf32>
      %sub3A_1408 = arith.subf %bitcast_convert_type3A_1361, %bitcast_convert_type3A_1372 : vector<16xf32>
      %mul3A_1409 = arith.mulf %bitcast_convert_type3A_1394, %bitcast_convert_type3A_1394 : vector<16xf32>
      %add3A_1410 = arith.addf %add3A_1397, %mul3A_1409 : vector<16xf32>
      %mul3A_1411 = arith.mulf %bitcast_convert_type3A_1394, %sub3A_1408 : vector<16xf32>
      %add3A_1412 = arith.addf %add3A_1399, %mul3A_1411 : vector<16xf32>
      %mul3A_1413 = arith.mulf %sub3A_1408, %sub3A_1408 : vector<16xf32>
      %add3A_1414 = arith.addf %add3A_1401, %mul3A_1413 : vector<16xf32>
      %mul3A_1415 = arith.mulf %sub3A_1408, %bitcast_convert_type3A_1383 : vector<16xf32>
      %add3A_1416 = arith.addf %add3A_1403, %mul3A_1415 : vector<16xf32>
      %mul3A_1417 = arith.mulf %bitcast_convert_type3A_1394, %bitcast_convert_type3A_1383 : vector<16xf32>
      %add3A_1418 = arith.addf %add3A_1405, %mul3A_1417 : vector<16xf32>
      %mul3A_1419 = arith.mulf %bitcast_convert_type3A_1383, %bitcast_convert_type3A_1383 : vector<16xf32>
      %add3A_1420 = arith.addf %add3A_1407, %mul3A_1419 : vector<16xf32>
      %mul3A_1421 = arith.constant 16 : i32
      %mul3A_1422 = arith.muli %scan3A_399, %mul3A_1421 : i32
      %get3A_1423 = arith.constant 6 : i32
      %get3A_1424 = arith.index_cast %get3A_1423 : i32 to index
      %get3A_1425 = arith.index_cast %mul3A_1422 : i32 to index
      %get3A_1426 = tpu.vector_load %arg22[%get3A_1424, %get3A_1425] {strides = array<i32>} : memref<8x512xi32, #tpu.memory_space<vmem>>, vector<1x16xi32>,
      %get3A_1427 = vector.shape_cast %get3A_1426 : vector<1x16xi32> to vector<16xi32>
      %shift_left3A_1428 = arith.constant 16 : i32
      %shift_left3A_1429 = vector.broadcast %shift_left3A_1428 : i32 to vector<16xi32>
      %shift_left3A_1430 = arith.shli %get3A_1427, %shift_left3A_1429 : vector<16xi32>
      %bitcast_convert_type3A_1431 = tpu.bitcast %shift_left3A_1430 : vector<16xi32> -> vector<16xf32>
      %and3A_1432 = arith.andi %get3A_1427, %broadcast_in_dim3A_388 : vector<16xi32>
      %bitcast_convert_type3A_1433 = tpu.bitcast %and3A_1432 : vector<16xi32> -> vector<16xf32>
      %get3A_1434 = arith.constant 6 : i32
      %get3A_1435 = arith.index_cast %get3A_1434 : i32 to index
      %get3A_1436 = arith.index_cast %mul3A_1422 : i32 to index
      %get3A_1437 = tpu.vector_load %arg23[%get3A_1435, %get3A_1436] {strides = array<i32>} : memref<8x512xi32, #tpu.memory_space<vmem>>, vector<1x16xi32>,
      %get3A_1438 = vector.shape_cast %get3A_1437 : vector<1x16xi32> to vector<16xi32>
      %shift_left3A_1439 = arith.constant 16 : i32
      %shift_left3A_1440 = vector.broadcast %shift_left3A_1439 : i32 to vector<16xi32>
      %shift_left3A_1441 = arith.shli %get3A_1438, %shift_left3A_1440 : vector<16xi32>
      %bitcast_convert_type3A_1442 = tpu.bitcast %shift_left3A_1441 : vector<16xi32> -> vector<16xf32>
      %and3A_1443 = arith.andi %get3A_1438, %broadcast_in_dim3A_388 : vector<16xi32>
      %bitcast_convert_type3A_1444 = tpu.bitcast %and3A_1443 : vector<16xi32> -> vector<16xf32>
      %get3A_1445 = arith.constant 6 : i32
      %get3A_1446 = arith.index_cast %get3A_1445 : i32 to index
      %get3A_1447 = arith.index_cast %mul3A_1422 : i32 to index
      %get3A_1448 = tpu.vector_load %arg26[%get3A_1446, %get3A_1447] {strides = array<i32>} : memref<8x512xi32, #tpu.memory_space<vmem>>, vector<1x16xi32>,
      %get3A_1449 = vector.shape_cast %get3A_1448 : vector<1x16xi32> to vector<16xi32>
      %shift_left3A_1450 = arith.constant 16 : i32
      %shift_left3A_1451 = vector.broadcast %shift_left3A_1450 : i32 to vector<16xi32>
      %shift_left3A_1452 = arith.shli %get3A_1449, %shift_left3A_1451 : vector<16xi32>
      %bitcast_convert_type3A_1453 = tpu.bitcast %shift_left3A_1452 : vector<16xi32> -> vector<16xf32>
      %and3A_1454 = arith.andi %get3A_1449, %broadcast_in_dim3A_388 : vector<16xi32>
      %bitcast_convert_type3A_1455 = tpu.bitcast %and3A_1454 : vector<16xi32> -> vector<16xf32>
      %get3A_1456 = arith.constant 6 : i32
      %get3A_1457 = arith.index_cast %get3A_1456 : i32 to index
      %get3A_1458 = arith.index_cast %mul3A_1422 : i32 to index
      %get3A_1459 = tpu.vector_load %arg27[%get3A_1457, %get3A_1458] {strides = array<i32>} : memref<8x512xi32, #tpu.memory_space<vmem>>, vector<1x16xi32>,
      %get3A_1460 = vector.shape_cast %get3A_1459 : vector<1x16xi32> to vector<16xi32>
      %shift_left3A_1461 = arith.constant 16 : i32
      %shift_left3A_1462 = vector.broadcast %shift_left3A_1461 : i32 to vector<16xi32>
      %shift_left3A_1463 = arith.shli %get3A_1460, %shift_left3A_1462 : vector<16xi32>
      %bitcast_convert_type3A_1464 = tpu.bitcast %shift_left3A_1463 : vector<16xi32> -> vector<16xf32>
      %and3A_1465 = arith.andi %get3A_1460, %broadcast_in_dim3A_388 : vector<16xi32>
      %bitcast_convert_type3A_1466 = tpu.bitcast %and3A_1465 : vector<16xi32> -> vector<16xf32>
      %sub3A_1467 = arith.subf %bitcast_convert_type3A_1431, %bitcast_convert_type3A_1442 : vector<16xf32>
      %mul3A_1468 = arith.mulf %bitcast_convert_type3A_1464, %bitcast_convert_type3A_1464 : vector<16xf32>
      %add3A_1469 = arith.addf %add3A_1410, %mul3A_1468 : vector<16xf32>
      %mul3A_1470 = arith.mulf %bitcast_convert_type3A_1464, %sub3A_1467 : vector<16xf32>
      %add3A_1471 = arith.addf %add3A_1412, %mul3A_1470 : vector<16xf32>
      %mul3A_1472 = arith.mulf %sub3A_1467, %sub3A_1467 : vector<16xf32>
      %add3A_1473 = arith.addf %add3A_1414, %mul3A_1472 : vector<16xf32>
      %mul3A_1474 = arith.mulf %sub3A_1467, %bitcast_convert_type3A_1453 : vector<16xf32>
      %add3A_1475 = arith.addf %add3A_1416, %mul3A_1474 : vector<16xf32>
      %mul3A_1476 = arith.mulf %bitcast_convert_type3A_1464, %bitcast_convert_type3A_1453 : vector<16xf32>
      %add3A_1477 = arith.addf %add3A_1418, %mul3A_1476 : vector<16xf32>
      %mul3A_1478 = arith.mulf %bitcast_convert_type3A_1453, %bitcast_convert_type3A_1453 : vector<16xf32>
      %add3A_1479 = arith.addf %add3A_1420, %mul3A_1478 : vector<16xf32>
      %sub3A_1480 = arith.subf %bitcast_convert_type3A_1433, %bitcast_convert_type3A_1444 : vector<16xf32>
      %mul3A_1481 = arith.mulf %bitcast_convert_type3A_1466, %bitcast_convert_type3A_1466 : vector<16xf32>
      %add3A_1482 = arith.addf %add3A_1469, %mul3A_1481 : vector<16xf32>
      %mul3A_1483 = arith.mulf %bitcast_convert_type3A_1466, %sub3A_1480 : vector<16xf32>
      %add3A_1484 = arith.addf %add3A_1471, %mul3A_1483 : vector<16xf32>
      %mul3A_1485 = arith.mulf %sub3A_1480, %sub3A_1480 : vector<16xf32>
      %add3A_1486 = arith.addf %add3A_1473, %mul3A_1485 : vector<16xf32>
      %mul3A_1487 = arith.mulf %sub3A_1480, %bitcast_convert_type3A_1455 : vector<16xf32>
      %add3A_1488 = arith.addf %add3A_1475, %mul3A_1487 : vector<16xf32>
      %mul3A_1489 = arith.mulf %bitcast_convert_type3A_1466, %bitcast_convert_type3A_1455 : vector<16xf32>
      %add3A_1490 = arith.addf %add3A_1477, %mul3A_1489 : vector<16xf32>
      %mul3A_1491 = arith.mulf %bitcast_convert_type3A_1455, %bitcast_convert_type3A_1455 : vector<16xf32>
      %add3A_1492 = arith.addf %add3A_1479, %mul3A_1491 : vector<16xf32>
      %mul3A_1493 = arith.constant 16 : i32
      %mul3A_1494 = arith.muli %scan3A_399, %mul3A_1493 : i32
      %get3A_1495 = arith.constant 7 : i32
      %get3A_1496 = arith.index_cast %get3A_1495 : i32 to index
      %get3A_1497 = arith.index_cast %mul3A_1494 : i32 to index
      %get3A_1498 = tpu.vector_load %arg22[%get3A_1496, %get3A_1497] {strides = array<i32>} : memref<8x512xi32, #tpu.memory_space<vmem>>, vector<1x16xi32>,
      %get3A_1499 = vector.shape_cast %get3A_1498 : vector<1x16xi32> to vector<16xi32>
      %shift_left3A_1500 = arith.constant 16 : i32
      %shift_left3A_1501 = vector.broadcast %shift_left3A_1500 : i32 to vector<16xi32>
      %shift_left3A_1502 = arith.shli %get3A_1499, %shift_left3A_1501 : vector<16xi32>
      %bitcast_convert_type3A_1503 = tpu.bitcast %shift_left3A_1502 : vector<16xi32> -> vector<16xf32>
      %and3A_1504 = arith.andi %get3A_1499, %broadcast_in_dim3A_388 : vector<16xi32>
      %bitcast_convert_type3A_1505 = tpu.bitcast %and3A_1504 : vector<16xi32> -> vector<16xf32>
      %get3A_1506 = arith.constant 7 : i32
      %get3A_1507 = arith.index_cast %get3A_1506 : i32 to index
      %get3A_1508 = arith.index_cast %mul3A_1494 : i32 to index
      %get3A_1509 = tpu.vector_load %arg23[%get3A_1507, %get3A_1508] {strides = array<i32>} : memref<8x512xi32, #tpu.memory_space<vmem>>, vector<1x16xi32>,
      %get3A_1510 = vector.shape_cast %get3A_1509 : vector<1x16xi32> to vector<16xi32>
      %shift_left3A_1511 = arith.constant 16 : i32
      %shift_left3A_1512 = vector.broadcast %shift_left3A_1511 : i32 to vector<16xi32>
      %shift_left3A_1513 = arith.shli %get3A_1510, %shift_left3A_1512 : vector<16xi32>
      %bitcast_convert_type3A_1514 = tpu.bitcast %shift_left3A_1513 : vector<16xi32> -> vector<16xf32>
      %and3A_1515 = arith.andi %get3A_1510, %broadcast_in_dim3A_388 : vector<16xi32>
      %bitcast_convert_type3A_1516 = tpu.bitcast %and3A_1515 : vector<16xi32> -> vector<16xf32>
      %get3A_1517 = arith.constant 7 : i32
      %get3A_1518 = arith.index_cast %get3A_1517 : i32 to index
      %get3A_1519 = arith.index_cast %mul3A_1494 : i32 to index
      %get3A_1520 = tpu.vector_load %arg26[%get3A_1518, %get3A_1519] {strides = array<i32>} : memref<8x512xi32, #tpu.memory_space<vmem>>, vector<1x16xi32>,
      %get3A_1521 = vector.shape_cast %get3A_1520 : vector<1x16xi32> to vector<16xi32>
      %shift_left3A_1522 = arith.constant 16 : i32
      %shift_left3A_1523 = vector.broadcast %shift_left3A_1522 : i32 to vector<16xi32>
      %shift_left3A_1524 = arith.shli %get3A_1521, %shift_left3A_1523 : vector<16xi32>
      %bitcast_convert_type3A_1525 = tpu.bitcast %shift_left3A_1524 : vector<16xi32> -> vector<16xf32>
      %and3A_1526 = arith.andi %get3A_1521, %broadcast_in_dim3A_388 : vector<16xi32>
      %bitcast_convert_type3A_1527 = tpu.bitcast %and3A_1526 : vector<16xi32> -> vector<16xf32>
      %get3A_1528 = arith.constant 7 : i32
      %get3A_1529 = arith.index_cast %get3A_1528 : i32 to index
      %get3A_1530 = arith.index_cast %mul3A_1494 : i32 to index
      %get3A_1531 = tpu.vector_load %arg27[%get3A_1529, %get3A_1530] {strides = array<i32>} : memref<8x512xi32, #tpu.memory_space<vmem>>, vector<1x16xi32>,
      %get3A_1532 = vector.shape_cast %get3A_1531 : vector<1x16xi32> to vector<16xi32>
      %shift_left3A_1533 = arith.constant 16 : i32
      %shift_left3A_1534 = vector.broadcast %shift_left3A_1533 : i32 to vector<16xi32>
      %shift_left3A_1535 = arith.shli %get3A_1532, %shift_left3A_1534 : vector<16xi32>
      %bitcast_convert_type3A_1536 = tpu.bitcast %shift_left3A_1535 : vector<16xi32> -> vector<16xf32>
      %and3A_1537 = arith.andi %get3A_1532, %broadcast_in_dim3A_388 : vector<16xi32>
      %bitcast_convert_type3A_1538 = tpu.bitcast %and3A_1537 : vector<16xi32> -> vector<16xf32>
      %sub3A_1539 = arith.subf %bitcast_convert_type3A_1503, %bitcast_convert_type3A_1514 : vector<16xf32>
      %mul3A_1540 = arith.mulf %bitcast_convert_type3A_1536, %bitcast_convert_type3A_1536 : vector<16xf32>
      %add3A_1541 = arith.addf %add3A_1482, %mul3A_1540 : vector<16xf32>
      %mul3A_1542 = arith.mulf %bitcast_convert_type3A_1536, %sub3A_1539 : vector<16xf32>
      %add3A_1543 = arith.addf %add3A_1484, %mul3A_1542 : vector<16xf32>
      %mul3A_1544 = arith.mulf %sub3A_1539, %sub3A_1539 : vector<16xf32>
      %add3A_1545 = arith.addf %add3A_1486, %mul3A_1544 : vector<16xf32>
      %mul3A_1546 = arith.mulf %sub3A_1539, %bitcast_convert_type3A_1525 : vector<16xf32>
      %add3A_1547 = arith.addf %add3A_1488, %mul3A_1546 : vector<16xf32>
      %mul3A_1548 = arith.mulf %bitcast_convert_type3A_1536, %bitcast_convert_type3A_1525 : vector<16xf32>
      %add3A_1549 = arith.addf %add3A_1490, %mul3A_1548 : vector<16xf32>
      %mul3A_1550 = arith.mulf %bitcast_convert_type3A_1525, %bitcast_convert_type3A_1525 : vector<16xf32>
      %add3A_1551 = arith.addf %add3A_1492, %mul3A_1550 : vector<16xf32>
      %sub3A_1552 = arith.subf %bitcast_convert_type3A_1505, %bitcast_convert_type3A_1516 : vector<16xf32>
      %mul3A_1553 = arith.mulf %bitcast_convert_type3A_1538, %bitcast_convert_type3A_1538 : vector<16xf32>
      %add3A_1554 = arith.addf %add3A_1541, %mul3A_1553 : vector<16xf32>
      %mul3A_1555 = arith.mulf %bitcast_convert_type3A_1538, %sub3A_1552 : vector<16xf32>
      %add3A_1556 = arith.addf %add3A_1543, %mul3A_1555 : vector<16xf32>
      %mul3A_1557 = arith.mulf %sub3A_1552, %sub3A_1552 : vector<16xf32>
      %add3A_1558 = arith.addf %add3A_1545, %mul3A_1557 : vector<16xf32>
      %mul3A_1559 = arith.mulf %sub3A_1552, %bitcast_convert_type3A_1527 : vector<16xf32>
      %add3A_1560 = arith.addf %add3A_1547, %mul3A_1559 : vector<16xf32>
      %mul3A_1561 = arith.mulf %bitcast_convert_type3A_1538, %bitcast_convert_type3A_1527 : vector<16xf32>
      %add3A_1562 = arith.addf %add3A_1549, %mul3A_1561 : vector<16xf32>
      %mul3A_1563 = arith.mulf %bitcast_convert_type3A_1527, %bitcast_convert_type3A_1527 : vector<16xf32>
      %add3A_1564 = arith.addf %add3A_1551, %mul3A_1563 : vector<16xf32>
      %mul3A_1565 = arith.mulf %add3A_1556, %add3A_1556 : vector<16xf32>
      %div3A_1566 = arith.divf %mul3A_1565, %add3A_1554 : vector<16xf32>
      %sub3A_1567 = arith.subf %add3A_1558, %div3A_1566 : vector<16xf32>
      %add3A_1568 = arith.addf %sub3A_1567, %add3A_1564 : vector<16xf32>
      %mul3A_1569 = arith.constant 2.000000e+00 : f32
      %mul3A_1570 = vector.broadcast %mul3A_1569 : f32 to vector<16xf32>
      %mul3A_1571 = arith.mulf %mul3A_1570, %add3A_1560 : vector<16xf32>
      %add3A_1572 = arith.addf %add3A_1568, %mul3A_1571 : vector<16xf32>
      %mul3A_1573 = arith.constant 2.000000e+00 : f32
      %mul3A_1574 = vector.broadcast %mul3A_1573 : f32 to vector<16xf32>
      %mul3A_1575 = arith.mulf %mul3A_1574, %add3A_1556 : vector<16xf32>
      %mul3A_1576 = arith.mulf %mul3A_1575, %add3A_1562 : vector<16xf32>
      %div3A_1577 = arith.divf %mul3A_1576, %add3A_1554 : vector<16xf32>
      %sub3A_1578 = arith.subf %add3A_1572, %div3A_1577 : vector<16xf32>
      %sub3A_1579 = arith.subf %sub3A_986, %sub3A_1578 : vector<16xf32>
      %add3A_1580 = arith.constant 1.000000e+00 : f32
      %add3A_1581 = vector.broadcast %add3A_1580 : f32 to vector<16xf32>
      %add3A_1582 = arith.addf %sub3A_1579, %add3A_1581 : vector<16xf32>
      %max3A = arith.constant 0.000000e+00 : f32
      %max3A_1583 = vector.broadcast %max3A : f32 to vector<16xf32>
      %max3A_1584 = arith.maximumf %add3A_1582, %max3A_1583 : vector<16xf32>
      %add3A_1585 = arith.addf %scan3A_400, %max3A_1584 : vector<16xf32>
      scf.yield %add3A_1585 : vector<16xf32>
    }
    %scan3A_395 = arith.constant 32 : i32
    %swap3A = arith.constant 0 : index
    %swap3A_396 = tpu.vector_load %arg28[%swap3A] {strides = array<i32>} : memref<16xf32, #tpu.memory_space<vmem>>, vector<16xf32>,
    %swap3A_397 = vector.shape_cast %swap3A_396 : vector<16xf32> to vector<16xf32>
    %swap3A_398 = vector.shape_cast %scan3A_394 : vector<16xf32> to vector<16xf32>
    tpu.vector_store %arg28[%swap3A], %swap3A_398 {strides = array<i32>} : memref<16xf32, #tpu.memory_space<vmem>>, vector<16xf32>,
    "tpu.region"() ({
      %run_scoped3A_399 = tpu.sem_alloc : memref<!tpu.dma_semaphore, #tpu.memory_space<semaphore_mem>>
      %dma_start3A_400 = arith.constant 0 : i32
      %dma_start3A_401 = tpu.memref_slice %arg15[%add3A, %dma_start3A_400] : memref<32x16xf32, #tpu.memory_space<hbm>> -> memref<1x16xf32, #tpu.memory_space<hbm>>
      %dma_start3A_402 = tpu.memref_squeeze %dma_start3A_401 : memref<1x16xf32, #tpu.memory_space<hbm>> -> memref<16xf32, #tpu.memory_space<hbm>>
      %dma_start3A_403 = arith.constant 0 : i32
      %dma_start3A_404 = tpu.memref_slice %arg15[%add3A, %dma_start3A_403] : memref<32x16xf32, #tpu.memory_space<hbm>> -> memref<1x16xf32, #tpu.memory_space<hbm>>
      %dma_start3A_405 = tpu.memref_squeeze %dma_start3A_404 : memref<1x16xf32, #tpu.memory_space<hbm>> -> memref<16xf32, #tpu.memory_space<hbm>>
      tpu.enqueue_dma source(%arg28 : memref<16xf32, #tpu.memory_space<vmem>>) target(%dma_start3A_405 : memref<16xf32, #tpu.memory_space<hbm>>) target_semaphore(%run_scoped3A_399 : memref<!tpu.dma_semaphore, #tpu.memory_space<semaphore_mem>>)
      %dma_wait3A_406 = arith.constant 0 : i32
      %dma_wait3A_407 = tpu.memref_slice %arg15[%add3A, %dma_wait3A_406] : memref<32x16xf32, #tpu.memory_space<hbm>> -> memref<1x16xf32, #tpu.memory_space<hbm>>
      %dma_wait3A_408 = tpu.memref_squeeze %dma_wait3A_407 : memref<1x16xf32, #tpu.memory_space<hbm>> -> memref<16xf32, #tpu.memory_space<hbm>>
      %dma_wait3A_409 = arith.constant 0 : i32
      %dma_wait3A_410 = tpu.memref_slice %arg15[%add3A, %dma_wait3A_409] : memref<32x16xf32, #tpu.memory_space<hbm>> -> memref<1x16xf32, #tpu.memory_space<hbm>>
      %dma_wait3A_411 = tpu.memref_squeeze %dma_wait3A_410 : memref<1x16xf32, #tpu.memory_space<hbm>> -> memref<16xf32, #tpu.memory_space<hbm>>
      tpu.wait_dma2 semaphore(%run_scoped3A_399 : memref<!tpu.dma_semaphore, #tpu.memory_space<semaphore_mem>>) src(%arg28 : memref<16xf32, #tpu.memory_space<vmem>>) dst(%dma_wait3A_411 : memref<16xf32, #tpu.memory_space<hbm>>)
      tpu.yield
    }) : () -> ()
    return
  }
}

#map = affine_map<(d0, d1) -> (0)>
#map1 = affine_map<(d0, d1) -> (0, 0, 0, 0)>
module attributes {stable_mosaic.version = 14 : i64} {
  func.func @_sc_relgather_kernel(%arg0: i32, %arg1: i32, %arg2: memref<16384xi32, #tpu.memory_space<hbm>>, %arg3: memref<16384xi32, #tpu.memory_space<hbm>>, %arg4: memref<131072xi32, #tpu.memory_space<hbm>>, %arg5: memref<131072xi32, #tpu.memory_space<hbm>>, %arg6: memref<131072xi32, #tpu.memory_space<hbm>>, %arg7: memref<131072xi32, #tpu.memory_space<hbm>>, %arg8: memref<131072xi32, #tpu.memory_space<hbm>>, %arg9: memref<131072xi32, #tpu.memory_space<hbm>>, %arg10: memref<131072xi32, #tpu.memory_space<hbm>>, %arg11: memref<131072xi32, #tpu.memory_space<hbm>>, %arg12: memref<131072xi32, #tpu.memory_space<hbm>>, %arg13: memref<131072xi32, #tpu.memory_space<hbm>>, %arg14: memref<131072xi32, #tpu.memory_space<hbm>>, %arg15: memref<131072xi32, #tpu.memory_space<hbm>>, %arg16: memref<131072xi32, #tpu.memory_space<hbm>>, %arg17: memref<131072xi32, #tpu.memory_space<hbm>>, %arg18: memref<131072xi32, #tpu.memory_space<hbm>>, %arg19: memref<131072xi32, #tpu.memory_space<hbm>>, %arg20: memref<32x4x8x512xi32, #tpu.memory_space<hbm>>, %arg21: memref<512xi32, #tpu.memory_space<vmem>>, %arg22: memref<512xi32, #tpu.memory_space<vmem>>, %arg23: memref<8x512xi32, #tpu.memory_space<vmem>>, %arg24: memref<8x512xi32, #tpu.memory_space<vmem>>, %arg25: memref<8x512xi32, #tpu.memory_space<vmem>>, %arg26: memref<8x512xi32, #tpu.memory_space<vmem>>, %arg27: memref<!tpu.dma_semaphore, #tpu.memory_space<semaphore_mem>>) attributes {dimension_semantics = [#tpu.dimension_semantics<core_parallel>, #tpu.dimension_semantics<subcore_parallel>], iteration_bounds = array<i64: 2, 16>, scalar_prefetch = 0 : i64, scratch_operands = 7 : i64, tpu.core_type = #tpu.core_type<sc_vector_subcore>, window_params = [{transform_indices = #map}, {transform_indices = #map}, {transform_indices = #map}, {transform_indices = #map}, {transform_indices = #map}, {transform_indices = #map}, {transform_indices = #map}, {transform_indices = #map}, {transform_indices = #map}, {transform_indices = #map}, {transform_indices = #map}, {transform_indices = #map}, {transform_indices = #map}, {transform_indices = #map}, {transform_indices = #map}, {transform_indices = #map}, {transform_indices = #map}, {transform_indices = #map}, {transform_indices = #map1}]} {
    %mul3A = arith.constant 2 : i32
    %mul3A_0 = arith.muli %arg1, %mul3A : i32
    %add3A = arith.addi %mul3A_0, %arg0 : i32
    %mul3A_1 = arith.constant 512 : i32
    %mul3A_2 = arith.muli %add3A, %mul3A_1 : i32
    "tpu.region"() ({
      %run_scoped3A_388 = tpu.sem_alloc : memref<!tpu.dma_semaphore, #tpu.memory_space<semaphore_mem>>
      %dma_start3A_389 = tpu.memref_slice %arg2[%mul3A_2] : memref<16384xi32, #tpu.memory_space<hbm>> -> memref<512xi32, #tpu.memory_space<hbm>>
      %dma_start3A_390 = tpu.memref_slice %arg2[%mul3A_2] : memref<16384xi32, #tpu.memory_space<hbm>> -> memref<512xi32, #tpu.memory_space<hbm>>
      tpu.enqueue_dma source(%dma_start3A_390 : memref<512xi32, #tpu.memory_space<hbm>>) target(%arg21 : memref<512xi32, #tpu.memory_space<vmem>>) target_semaphore(%run_scoped3A_388 : memref<!tpu.dma_semaphore, #tpu.memory_space<semaphore_mem>>)
      %dma_wait3A_391 = tpu.memref_slice %arg2[%mul3A_2] : memref<16384xi32, #tpu.memory_space<hbm>> -> memref<512xi32, #tpu.memory_space<hbm>>
      %dma_wait3A_392 = tpu.memref_slice %arg2[%mul3A_2] : memref<16384xi32, #tpu.memory_space<hbm>> -> memref<512xi32, #tpu.memory_space<hbm>>
      tpu.wait_dma2 semaphore(%run_scoped3A_388 : memref<!tpu.dma_semaphore, #tpu.memory_space<semaphore_mem>>) src(%dma_wait3A_392 : memref<512xi32, #tpu.memory_space<hbm>>) dst(%arg21 : memref<512xi32, #tpu.memory_space<vmem>>)
      tpu.yield
    }) : () -> ()
    "tpu.region"() ({
      %run_scoped3A_388 = tpu.sem_alloc : memref<!tpu.dma_semaphore, #tpu.memory_space<semaphore_mem>>
      %dma_start3A_389 = tpu.memref_slice %arg3[%mul3A_2] : memref<16384xi32, #tpu.memory_space<hbm>> -> memref<512xi32, #tpu.memory_space<hbm>>
      %dma_start3A_390 = tpu.memref_slice %arg3[%mul3A_2] : memref<16384xi32, #tpu.memory_space<hbm>> -> memref<512xi32, #tpu.memory_space<hbm>>
      tpu.enqueue_dma source(%dma_start3A_390 : memref<512xi32, #tpu.memory_space<hbm>>) target(%arg22 : memref<512xi32, #tpu.memory_space<vmem>>) target_semaphore(%run_scoped3A_388 : memref<!tpu.dma_semaphore, #tpu.memory_space<semaphore_mem>>)
      %dma_wait3A_391 = tpu.memref_slice %arg3[%mul3A_2] : memref<16384xi32, #tpu.memory_space<hbm>> -> memref<512xi32, #tpu.memory_space<hbm>>
      %dma_wait3A_392 = tpu.memref_slice %arg3[%mul3A_2] : memref<16384xi32, #tpu.memory_space<hbm>> -> memref<512xi32, #tpu.memory_space<hbm>>
      tpu.wait_dma2 semaphore(%run_scoped3A_388 : memref<!tpu.dma_semaphore, #tpu.memory_space<semaphore_mem>>) src(%dma_wait3A_392 : memref<512xi32, #tpu.memory_space<hbm>>) dst(%arg22 : memref<512xi32, #tpu.memory_space<vmem>>)
      tpu.yield
    }) : () -> ()
    %dma_start3A = arith.constant 0 : i32
    %dma_start3A_3 = arith.constant 0 : i32
    %dma_start3A_4 = tpu.memref_slice %arg23[%dma_start3A, %dma_start3A_3] : memref<8x512xi32, #tpu.memory_space<vmem>> -> memref<1x512xi32, #tpu.memory_space<vmem>>
    %dma_start3A_5 = tpu.memref_squeeze %dma_start3A_4 : memref<1x512xi32, #tpu.memory_space<vmem>> -> memref<512xi32, #tpu.memory_space<vmem>>
    %dma_start3A_6 = arith.constant 0 : i32
    %dma_start3A_7 = tpu.memref_slice %arg4[%dma_start3A_6] : memref<131072xi32, #tpu.memory_space<hbm>> -> memref<131072xi32, #tpu.memory_space<hbm>>
    tpu.enqueue_indirect_dma source(%dma_start3A_7 : memref<131072xi32, #tpu.memory_space<hbm>>) target(%dma_start3A_5 : memref<512xi32, #tpu.memory_space<vmem>>) offsets(%arg21 : memref<512xi32, #tpu.memory_space<vmem>>) semaphore(%arg27 : memref<!tpu.dma_semaphore, #tpu.memory_space<semaphore_mem>>)
    %dma_start3A_8 = arith.constant 1 : i32
    %dma_start3A_9 = arith.constant 0 : i32
    %dma_start3A_10 = tpu.memref_slice %arg23[%dma_start3A_8, %dma_start3A_9] : memref<8x512xi32, #tpu.memory_space<vmem>> -> memref<1x512xi32, #tpu.memory_space<vmem>>
    %dma_start3A_11 = tpu.memref_squeeze %dma_start3A_10 : memref<1x512xi32, #tpu.memory_space<vmem>> -> memref<512xi32, #tpu.memory_space<vmem>>
    %dma_start3A_12 = arith.constant 0 : i32
    %dma_start3A_13 = tpu.memref_slice %arg5[%dma_start3A_12] : memref<131072xi32, #tpu.memory_space<hbm>> -> memref<131072xi32, #tpu.memory_space<hbm>>
    tpu.enqueue_indirect_dma source(%dma_start3A_13 : memref<131072xi32, #tpu.memory_space<hbm>>) target(%dma_start3A_11 : memref<512xi32, #tpu.memory_space<vmem>>) offsets(%arg21 : memref<512xi32, #tpu.memory_space<vmem>>) semaphore(%arg27 : memref<!tpu.dma_semaphore, #tpu.memory_space<semaphore_mem>>)
    %dma_start3A_14 = arith.constant 2 : i32
    %dma_start3A_15 = arith.constant 0 : i32
    %dma_start3A_16 = tpu.memref_slice %arg23[%dma_start3A_14, %dma_start3A_15] : memref<8x512xi32, #tpu.memory_space<vmem>> -> memref<1x512xi32, #tpu.memory_space<vmem>>
    %dma_start3A_17 = tpu.memref_squeeze %dma_start3A_16 : memref<1x512xi32, #tpu.memory_space<vmem>> -> memref<512xi32, #tpu.memory_space<vmem>>
    %dma_start3A_18 = arith.constant 0 : i32
    %dma_start3A_19 = tpu.memref_slice %arg6[%dma_start3A_18] : memref<131072xi32, #tpu.memory_space<hbm>> -> memref<131072xi32, #tpu.memory_space<hbm>>
    tpu.enqueue_indirect_dma source(%dma_start3A_19 : memref<131072xi32, #tpu.memory_space<hbm>>) target(%dma_start3A_17 : memref<512xi32, #tpu.memory_space<vmem>>) offsets(%arg21 : memref<512xi32, #tpu.memory_space<vmem>>) semaphore(%arg27 : memref<!tpu.dma_semaphore, #tpu.memory_space<semaphore_mem>>)
    %dma_start3A_20 = arith.constant 3 : i32
    %dma_start3A_21 = arith.constant 0 : i32
    %dma_start3A_22 = tpu.memref_slice %arg23[%dma_start3A_20, %dma_start3A_21] : memref<8x512xi32, #tpu.memory_space<vmem>> -> memref<1x512xi32, #tpu.memory_space<vmem>>
    %dma_start3A_23 = tpu.memref_squeeze %dma_start3A_22 : memref<1x512xi32, #tpu.memory_space<vmem>> -> memref<512xi32, #tpu.memory_space<vmem>>
    %dma_start3A_24 = arith.constant 0 : i32
    %dma_start3A_25 = tpu.memref_slice %arg7[%dma_start3A_24] : memref<131072xi32, #tpu.memory_space<hbm>> -> memref<131072xi32, #tpu.memory_space<hbm>>
    tpu.enqueue_indirect_dma source(%dma_start3A_25 : memref<131072xi32, #tpu.memory_space<hbm>>) target(%dma_start3A_23 : memref<512xi32, #tpu.memory_space<vmem>>) offsets(%arg21 : memref<512xi32, #tpu.memory_space<vmem>>) semaphore(%arg27 : memref<!tpu.dma_semaphore, #tpu.memory_space<semaphore_mem>>)
    %dma_start3A_26 = arith.constant 4 : i32
    %dma_start3A_27 = arith.constant 0 : i32
    %dma_start3A_28 = tpu.memref_slice %arg23[%dma_start3A_26, %dma_start3A_27] : memref<8x512xi32, #tpu.memory_space<vmem>> -> memref<1x512xi32, #tpu.memory_space<vmem>>
    %dma_start3A_29 = tpu.memref_squeeze %dma_start3A_28 : memref<1x512xi32, #tpu.memory_space<vmem>> -> memref<512xi32, #tpu.memory_space<vmem>>
    %dma_start3A_30 = arith.constant 0 : i32
    %dma_start3A_31 = tpu.memref_slice %arg8[%dma_start3A_30] : memref<131072xi32, #tpu.memory_space<hbm>> -> memref<131072xi32, #tpu.memory_space<hbm>>
    tpu.enqueue_indirect_dma source(%dma_start3A_31 : memref<131072xi32, #tpu.memory_space<hbm>>) target(%dma_start3A_29 : memref<512xi32, #tpu.memory_space<vmem>>) offsets(%arg21 : memref<512xi32, #tpu.memory_space<vmem>>) semaphore(%arg27 : memref<!tpu.dma_semaphore, #tpu.memory_space<semaphore_mem>>)
    %dma_start3A_32 = arith.constant 5 : i32
    %dma_start3A_33 = arith.constant 0 : i32
    %dma_start3A_34 = tpu.memref_slice %arg23[%dma_start3A_32, %dma_start3A_33] : memref<8x512xi32, #tpu.memory_space<vmem>> -> memref<1x512xi32, #tpu.memory_space<vmem>>
    %dma_start3A_35 = tpu.memref_squeeze %dma_start3A_34 : memref<1x512xi32, #tpu.memory_space<vmem>> -> memref<512xi32, #tpu.memory_space<vmem>>
    %dma_start3A_36 = arith.constant 0 : i32
    %dma_start3A_37 = tpu.memref_slice %arg9[%dma_start3A_36] : memref<131072xi32, #tpu.memory_space<hbm>> -> memref<131072xi32, #tpu.memory_space<hbm>>
    tpu.enqueue_indirect_dma source(%dma_start3A_37 : memref<131072xi32, #tpu.memory_space<hbm>>) target(%dma_start3A_35 : memref<512xi32, #tpu.memory_space<vmem>>) offsets(%arg21 : memref<512xi32, #tpu.memory_space<vmem>>) semaphore(%arg27 : memref<!tpu.dma_semaphore, #tpu.memory_space<semaphore_mem>>)
    %dma_start3A_38 = arith.constant 6 : i32
    %dma_start3A_39 = arith.constant 0 : i32
    %dma_start3A_40 = tpu.memref_slice %arg23[%dma_start3A_38, %dma_start3A_39] : memref<8x512xi32, #tpu.memory_space<vmem>> -> memref<1x512xi32, #tpu.memory_space<vmem>>
    %dma_start3A_41 = tpu.memref_squeeze %dma_start3A_40 : memref<1x512xi32, #tpu.memory_space<vmem>> -> memref<512xi32, #tpu.memory_space<vmem>>
    %dma_start3A_42 = arith.constant 0 : i32
    %dma_start3A_43 = tpu.memref_slice %arg10[%dma_start3A_42] : memref<131072xi32, #tpu.memory_space<hbm>> -> memref<131072xi32, #tpu.memory_space<hbm>>
    tpu.enqueue_indirect_dma source(%dma_start3A_43 : memref<131072xi32, #tpu.memory_space<hbm>>) target(%dma_start3A_41 : memref<512xi32, #tpu.memory_space<vmem>>) offsets(%arg21 : memref<512xi32, #tpu.memory_space<vmem>>) semaphore(%arg27 : memref<!tpu.dma_semaphore, #tpu.memory_space<semaphore_mem>>)
    %dma_start3A_44 = arith.constant 7 : i32
    %dma_start3A_45 = arith.constant 0 : i32
    %dma_start3A_46 = tpu.memref_slice %arg23[%dma_start3A_44, %dma_start3A_45] : memref<8x512xi32, #tpu.memory_space<vmem>> -> memref<1x512xi32, #tpu.memory_space<vmem>>
    %dma_start3A_47 = tpu.memref_squeeze %dma_start3A_46 : memref<1x512xi32, #tpu.memory_space<vmem>> -> memref<512xi32, #tpu.memory_space<vmem>>
    %dma_start3A_48 = arith.constant 0 : i32
    %dma_start3A_49 = tpu.memref_slice %arg11[%dma_start3A_48] : memref<131072xi32, #tpu.memory_space<hbm>> -> memref<131072xi32, #tpu.memory_space<hbm>>
    tpu.enqueue_indirect_dma source(%dma_start3A_49 : memref<131072xi32, #tpu.memory_space<hbm>>) target(%dma_start3A_47 : memref<512xi32, #tpu.memory_space<vmem>>) offsets(%arg21 : memref<512xi32, #tpu.memory_space<vmem>>) semaphore(%arg27 : memref<!tpu.dma_semaphore, #tpu.memory_space<semaphore_mem>>)
    %dma_start3A_50 = arith.constant 0 : i32
    %dma_start3A_51 = arith.constant 0 : i32
    %dma_start3A_52 = tpu.memref_slice %arg24[%dma_start3A_50, %dma_start3A_51] : memref<8x512xi32, #tpu.memory_space<vmem>> -> memref<1x512xi32, #tpu.memory_space<vmem>>
    %dma_start3A_53 = tpu.memref_squeeze %dma_start3A_52 : memref<1x512xi32, #tpu.memory_space<vmem>> -> memref<512xi32, #tpu.memory_space<vmem>>
    %dma_start3A_54 = arith.constant 0 : i32
    %dma_start3A_55 = tpu.memref_slice %arg12[%dma_start3A_54] : memref<131072xi32, #tpu.memory_space<hbm>> -> memref<131072xi32, #tpu.memory_space<hbm>>
    tpu.enqueue_indirect_dma source(%dma_start3A_55 : memref<131072xi32, #tpu.memory_space<hbm>>) target(%dma_start3A_53 : memref<512xi32, #tpu.memory_space<vmem>>) offsets(%arg21 : memref<512xi32, #tpu.memory_space<vmem>>) semaphore(%arg27 : memref<!tpu.dma_semaphore, #tpu.memory_space<semaphore_mem>>)
    %dma_start3A_56 = arith.constant 1 : i32
    %dma_start3A_57 = arith.constant 0 : i32
    %dma_start3A_58 = tpu.memref_slice %arg24[%dma_start3A_56, %dma_start3A_57] : memref<8x512xi32, #tpu.memory_space<vmem>> -> memref<1x512xi32, #tpu.memory_space<vmem>>
    %dma_start3A_59 = tpu.memref_squeeze %dma_start3A_58 : memref<1x512xi32, #tpu.memory_space<vmem>> -> memref<512xi32, #tpu.memory_space<vmem>>
    %dma_start3A_60 = arith.constant 0 : i32
    %dma_start3A_61 = tpu.memref_slice %arg13[%dma_start3A_60] : memref<131072xi32, #tpu.memory_space<hbm>> -> memref<131072xi32, #tpu.memory_space<hbm>>
    tpu.enqueue_indirect_dma source(%dma_start3A_61 : memref<131072xi32, #tpu.memory_space<hbm>>) target(%dma_start3A_59 : memref<512xi32, #tpu.memory_space<vmem>>) offsets(%arg21 : memref<512xi32, #tpu.memory_space<vmem>>) semaphore(%arg27 : memref<!tpu.dma_semaphore, #tpu.memory_space<semaphore_mem>>)
    %dma_start3A_62 = arith.constant 2 : i32
    %dma_start3A_63 = arith.constant 0 : i32
    %dma_start3A_64 = tpu.memref_slice %arg24[%dma_start3A_62, %dma_start3A_63] : memref<8x512xi32, #tpu.memory_space<vmem>> -> memref<1x512xi32, #tpu.memory_space<vmem>>
    %dma_start3A_65 = tpu.memref_squeeze %dma_start3A_64 : memref<1x512xi32, #tpu.memory_space<vmem>> -> memref<512xi32, #tpu.memory_space<vmem>>
    %dma_start3A_66 = arith.constant 0 : i32
    %dma_start3A_67 = tpu.memref_slice %arg14[%dma_start3A_66] : memref<131072xi32, #tpu.memory_space<hbm>> -> memref<131072xi32, #tpu.memory_space<hbm>>
    tpu.enqueue_indirect_dma source(%dma_start3A_67 : memref<131072xi32, #tpu.memory_space<hbm>>) target(%dma_start3A_65 : memref<512xi32, #tpu.memory_space<vmem>>) offsets(%arg21 : memref<512xi32, #tpu.memory_space<vmem>>) semaphore(%arg27 : memref<!tpu.dma_semaphore, #tpu.memory_space<semaphore_mem>>)
    %dma_start3A_68 = arith.constant 3 : i32
    %dma_start3A_69 = arith.constant 0 : i32
    %dma_start3A_70 = tpu.memref_slice %arg24[%dma_start3A_68, %dma_start3A_69] : memref<8x512xi32, #tpu.memory_space<vmem>> -> memref<1x512xi32, #tpu.memory_space<vmem>>
    %dma_start3A_71 = tpu.memref_squeeze %dma_start3A_70 : memref<1x512xi32, #tpu.memory_space<vmem>> -> memref<512xi32, #tpu.memory_space<vmem>>
    %dma_start3A_72 = arith.constant 0 : i32
    %dma_start3A_73 = tpu.memref_slice %arg15[%dma_start3A_72] : memref<131072xi32, #tpu.memory_space<hbm>> -> memref<131072xi32, #tpu.memory_space<hbm>>
    tpu.enqueue_indirect_dma source(%dma_start3A_73 : memref<131072xi32, #tpu.memory_space<hbm>>) target(%dma_start3A_71 : memref<512xi32, #tpu.memory_space<vmem>>) offsets(%arg21 : memref<512xi32, #tpu.memory_space<vmem>>) semaphore(%arg27 : memref<!tpu.dma_semaphore, #tpu.memory_space<semaphore_mem>>)
    %dma_start3A_74 = arith.constant 4 : i32
    %dma_start3A_75 = arith.constant 0 : i32
    %dma_start3A_76 = tpu.memref_slice %arg24[%dma_start3A_74, %dma_start3A_75] : memref<8x512xi32, #tpu.memory_space<vmem>> -> memref<1x512xi32, #tpu.memory_space<vmem>>
    %dma_start3A_77 = tpu.memref_squeeze %dma_start3A_76 : memref<1x512xi32, #tpu.memory_space<vmem>> -> memref<512xi32, #tpu.memory_space<vmem>>
    %dma_start3A_78 = arith.constant 0 : i32
    %dma_start3A_79 = tpu.memref_slice %arg16[%dma_start3A_78] : memref<131072xi32, #tpu.memory_space<hbm>> -> memref<131072xi32, #tpu.memory_space<hbm>>
    tpu.enqueue_indirect_dma source(%dma_start3A_79 : memref<131072xi32, #tpu.memory_space<hbm>>) target(%dma_start3A_77 : memref<512xi32, #tpu.memory_space<vmem>>) offsets(%arg21 : memref<512xi32, #tpu.memory_space<vmem>>) semaphore(%arg27 : memref<!tpu.dma_semaphore, #tpu.memory_space<semaphore_mem>>)
    %dma_start3A_80 = arith.constant 5 : i32
    %dma_start3A_81 = arith.constant 0 : i32
    %dma_start3A_82 = tpu.memref_slice %arg24[%dma_start3A_80, %dma_start3A_81] : memref<8x512xi32, #tpu.memory_space<vmem>> -> memref<1x512xi32, #tpu.memory_space<vmem>>
    %dma_start3A_83 = tpu.memref_squeeze %dma_start3A_82 : memref<1x512xi32, #tpu.memory_space<vmem>> -> memref<512xi32, #tpu.memory_space<vmem>>
    %dma_start3A_84 = arith.constant 0 : i32
    %dma_start3A_85 = tpu.memref_slice %arg17[%dma_start3A_84] : memref<131072xi32, #tpu.memory_space<hbm>> -> memref<131072xi32, #tpu.memory_space<hbm>>
    tpu.enqueue_indirect_dma source(%dma_start3A_85 : memref<131072xi32, #tpu.memory_space<hbm>>) target(%dma_start3A_83 : memref<512xi32, #tpu.memory_space<vmem>>) offsets(%arg21 : memref<512xi32, #tpu.memory_space<vmem>>) semaphore(%arg27 : memref<!tpu.dma_semaphore, #tpu.memory_space<semaphore_mem>>)
    %dma_start3A_86 = arith.constant 6 : i32
    %dma_start3A_87 = arith.constant 0 : i32
    %dma_start3A_88 = tpu.memref_slice %arg24[%dma_start3A_86, %dma_start3A_87] : memref<8x512xi32, #tpu.memory_space<vmem>> -> memref<1x512xi32, #tpu.memory_space<vmem>>
    %dma_start3A_89 = tpu.memref_squeeze %dma_start3A_88 : memref<1x512xi32, #tpu.memory_space<vmem>> -> memref<512xi32, #tpu.memory_space<vmem>>
    %dma_start3A_90 = arith.constant 0 : i32
    %dma_start3A_91 = tpu.memref_slice %arg18[%dma_start3A_90] : memref<131072xi32, #tpu.memory_space<hbm>> -> memref<131072xi32, #tpu.memory_space<hbm>>
    tpu.enqueue_indirect_dma source(%dma_start3A_91 : memref<131072xi32, #tpu.memory_space<hbm>>) target(%dma_start3A_89 : memref<512xi32, #tpu.memory_space<vmem>>) offsets(%arg21 : memref<512xi32, #tpu.memory_space<vmem>>) semaphore(%arg27 : memref<!tpu.dma_semaphore, #tpu.memory_space<semaphore_mem>>)
    %dma_start3A_92 = arith.constant 7 : i32
    %dma_start3A_93 = arith.constant 0 : i32
    %dma_start3A_94 = tpu.memref_slice %arg24[%dma_start3A_92, %dma_start3A_93] : memref<8x512xi32, #tpu.memory_space<vmem>> -> memref<1x512xi32, #tpu.memory_space<vmem>>
    %dma_start3A_95 = tpu.memref_squeeze %dma_start3A_94 : memref<1x512xi32, #tpu.memory_space<vmem>> -> memref<512xi32, #tpu.memory_space<vmem>>
    %dma_start3A_96 = arith.constant 0 : i32
    %dma_start3A_97 = tpu.memref_slice %arg19[%dma_start3A_96] : memref<131072xi32, #tpu.memory_space<hbm>> -> memref<131072xi32, #tpu.memory_space<hbm>>
    tpu.enqueue_indirect_dma source(%dma_start3A_97 : memref<131072xi32, #tpu.memory_space<hbm>>) target(%dma_start3A_95 : memref<512xi32, #tpu.memory_space<vmem>>) offsets(%arg21 : memref<512xi32, #tpu.memory_space<vmem>>) semaphore(%arg27 : memref<!tpu.dma_semaphore, #tpu.memory_space<semaphore_mem>>)
    %dma_start3A_98 = arith.constant 0 : i32
    %dma_start3A_99 = arith.constant 0 : i32
    %dma_start3A_100 = tpu.memref_slice %arg25[%dma_start3A_98, %dma_start3A_99] : memref<8x512xi32, #tpu.memory_space<vmem>> -> memref<1x512xi32, #tpu.memory_space<vmem>>
    %dma_start3A_101 = tpu.memref_squeeze %dma_start3A_100 : memref<1x512xi32, #tpu.memory_space<vmem>> -> memref<512xi32, #tpu.memory_space<vmem>>
    %dma_start3A_102 = arith.constant 0 : i32
    %dma_start3A_103 = tpu.memref_slice %arg4[%dma_start3A_102] : memref<131072xi32, #tpu.memory_space<hbm>> -> memref<131072xi32, #tpu.memory_space<hbm>>
    tpu.enqueue_indirect_dma source(%dma_start3A_103 : memref<131072xi32, #tpu.memory_space<hbm>>) target(%dma_start3A_101 : memref<512xi32, #tpu.memory_space<vmem>>) offsets(%arg22 : memref<512xi32, #tpu.memory_space<vmem>>) semaphore(%arg27 : memref<!tpu.dma_semaphore, #tpu.memory_space<semaphore_mem>>)
    %dma_start3A_104 = arith.constant 1 : i32
    %dma_start3A_105 = arith.constant 0 : i32
    %dma_start3A_106 = tpu.memref_slice %arg25[%dma_start3A_104, %dma_start3A_105] : memref<8x512xi32, #tpu.memory_space<vmem>> -> memref<1x512xi32, #tpu.memory_space<vmem>>
    %dma_start3A_107 = tpu.memref_squeeze %dma_start3A_106 : memref<1x512xi32, #tpu.memory_space<vmem>> -> memref<512xi32, #tpu.memory_space<vmem>>
    %dma_start3A_108 = arith.constant 0 : i32
    %dma_start3A_109 = tpu.memref_slice %arg5[%dma_start3A_108] : memref<131072xi32, #tpu.memory_space<hbm>> -> memref<131072xi32, #tpu.memory_space<hbm>>
    tpu.enqueue_indirect_dma source(%dma_start3A_109 : memref<131072xi32, #tpu.memory_space<hbm>>) target(%dma_start3A_107 : memref<512xi32, #tpu.memory_space<vmem>>) offsets(%arg22 : memref<512xi32, #tpu.memory_space<vmem>>) semaphore(%arg27 : memref<!tpu.dma_semaphore, #tpu.memory_space<semaphore_mem>>)
    %dma_start3A_110 = arith.constant 2 : i32
    %dma_start3A_111 = arith.constant 0 : i32
    %dma_start3A_112 = tpu.memref_slice %arg25[%dma_start3A_110, %dma_start3A_111] : memref<8x512xi32, #tpu.memory_space<vmem>> -> memref<1x512xi32, #tpu.memory_space<vmem>>
    %dma_start3A_113 = tpu.memref_squeeze %dma_start3A_112 : memref<1x512xi32, #tpu.memory_space<vmem>> -> memref<512xi32, #tpu.memory_space<vmem>>
    %dma_start3A_114 = arith.constant 0 : i32
    %dma_start3A_115 = tpu.memref_slice %arg6[%dma_start3A_114] : memref<131072xi32, #tpu.memory_space<hbm>> -> memref<131072xi32, #tpu.memory_space<hbm>>
    tpu.enqueue_indirect_dma source(%dma_start3A_115 : memref<131072xi32, #tpu.memory_space<hbm>>) target(%dma_start3A_113 : memref<512xi32, #tpu.memory_space<vmem>>) offsets(%arg22 : memref<512xi32, #tpu.memory_space<vmem>>) semaphore(%arg27 : memref<!tpu.dma_semaphore, #tpu.memory_space<semaphore_mem>>)
    %dma_start3A_116 = arith.constant 3 : i32
    %dma_start3A_117 = arith.constant 0 : i32
    %dma_start3A_118 = tpu.memref_slice %arg25[%dma_start3A_116, %dma_start3A_117] : memref<8x512xi32, #tpu.memory_space<vmem>> -> memref<1x512xi32, #tpu.memory_space<vmem>>
    %dma_start3A_119 = tpu.memref_squeeze %dma_start3A_118 : memref<1x512xi32, #tpu.memory_space<vmem>> -> memref<512xi32, #tpu.memory_space<vmem>>
    %dma_start3A_120 = arith.constant 0 : i32
    %dma_start3A_121 = tpu.memref_slice %arg7[%dma_start3A_120] : memref<131072xi32, #tpu.memory_space<hbm>> -> memref<131072xi32, #tpu.memory_space<hbm>>
    tpu.enqueue_indirect_dma source(%dma_start3A_121 : memref<131072xi32, #tpu.memory_space<hbm>>) target(%dma_start3A_119 : memref<512xi32, #tpu.memory_space<vmem>>) offsets(%arg22 : memref<512xi32, #tpu.memory_space<vmem>>) semaphore(%arg27 : memref<!tpu.dma_semaphore, #tpu.memory_space<semaphore_mem>>)
    %dma_start3A_122 = arith.constant 4 : i32
    %dma_start3A_123 = arith.constant 0 : i32
    %dma_start3A_124 = tpu.memref_slice %arg25[%dma_start3A_122, %dma_start3A_123] : memref<8x512xi32, #tpu.memory_space<vmem>> -> memref<1x512xi32, #tpu.memory_space<vmem>>
    %dma_start3A_125 = tpu.memref_squeeze %dma_start3A_124 : memref<1x512xi32, #tpu.memory_space<vmem>> -> memref<512xi32, #tpu.memory_space<vmem>>
    %dma_start3A_126 = arith.constant 0 : i32
    %dma_start3A_127 = tpu.memref_slice %arg8[%dma_start3A_126] : memref<131072xi32, #tpu.memory_space<hbm>> -> memref<131072xi32, #tpu.memory_space<hbm>>
    tpu.enqueue_indirect_dma source(%dma_start3A_127 : memref<131072xi32, #tpu.memory_space<hbm>>) target(%dma_start3A_125 : memref<512xi32, #tpu.memory_space<vmem>>) offsets(%arg22 : memref<512xi32, #tpu.memory_space<vmem>>) semaphore(%arg27 : memref<!tpu.dma_semaphore, #tpu.memory_space<semaphore_mem>>)
    %dma_start3A_128 = arith.constant 5 : i32
    %dma_start3A_129 = arith.constant 0 : i32
    %dma_start3A_130 = tpu.memref_slice %arg25[%dma_start3A_128, %dma_start3A_129] : memref<8x512xi32, #tpu.memory_space<vmem>> -> memref<1x512xi32, #tpu.memory_space<vmem>>
    %dma_start3A_131 = tpu.memref_squeeze %dma_start3A_130 : memref<1x512xi32, #tpu.memory_space<vmem>> -> memref<512xi32, #tpu.memory_space<vmem>>
    %dma_start3A_132 = arith.constant 0 : i32
    %dma_start3A_133 = tpu.memref_slice %arg9[%dma_start3A_132] : memref<131072xi32, #tpu.memory_space<hbm>> -> memref<131072xi32, #tpu.memory_space<hbm>>
    tpu.enqueue_indirect_dma source(%dma_start3A_133 : memref<131072xi32, #tpu.memory_space<hbm>>) target(%dma_start3A_131 : memref<512xi32, #tpu.memory_space<vmem>>) offsets(%arg22 : memref<512xi32, #tpu.memory_space<vmem>>) semaphore(%arg27 : memref<!tpu.dma_semaphore, #tpu.memory_space<semaphore_mem>>)
    %dma_start3A_134 = arith.constant 6 : i32
    %dma_start3A_135 = arith.constant 0 : i32
    %dma_start3A_136 = tpu.memref_slice %arg25[%dma_start3A_134, %dma_start3A_135] : memref<8x512xi32, #tpu.memory_space<vmem>> -> memref<1x512xi32, #tpu.memory_space<vmem>>
    %dma_start3A_137 = tpu.memref_squeeze %dma_start3A_136 : memref<1x512xi32, #tpu.memory_space<vmem>> -> memref<512xi32, #tpu.memory_space<vmem>>
    %dma_start3A_138 = arith.constant 0 : i32
    %dma_start3A_139 = tpu.memref_slice %arg10[%dma_start3A_138] : memref<131072xi32, #tpu.memory_space<hbm>> -> memref<131072xi32, #tpu.memory_space<hbm>>
    tpu.enqueue_indirect_dma source(%dma_start3A_139 : memref<131072xi32, #tpu.memory_space<hbm>>) target(%dma_start3A_137 : memref<512xi32, #tpu.memory_space<vmem>>) offsets(%arg22 : memref<512xi32, #tpu.memory_space<vmem>>) semaphore(%arg27 : memref<!tpu.dma_semaphore, #tpu.memory_space<semaphore_mem>>)
    %dma_start3A_140 = arith.constant 7 : i32
    %dma_start3A_141 = arith.constant 0 : i32
    %dma_start3A_142 = tpu.memref_slice %arg25[%dma_start3A_140, %dma_start3A_141] : memref<8x512xi32, #tpu.memory_space<vmem>> -> memref<1x512xi32, #tpu.memory_space<vmem>>
    %dma_start3A_143 = tpu.memref_squeeze %dma_start3A_142 : memref<1x512xi32, #tpu.memory_space<vmem>> -> memref<512xi32, #tpu.memory_space<vmem>>
    %dma_start3A_144 = arith.constant 0 : i32
    %dma_start3A_145 = tpu.memref_slice %arg11[%dma_start3A_144] : memref<131072xi32, #tpu.memory_space<hbm>> -> memref<131072xi32, #tpu.memory_space<hbm>>
    tpu.enqueue_indirect_dma source(%dma_start3A_145 : memref<131072xi32, #tpu.memory_space<hbm>>) target(%dma_start3A_143 : memref<512xi32, #tpu.memory_space<vmem>>) offsets(%arg22 : memref<512xi32, #tpu.memory_space<vmem>>) semaphore(%arg27 : memref<!tpu.dma_semaphore, #tpu.memory_space<semaphore_mem>>)
    %dma_start3A_146 = arith.constant 0 : i32
    %dma_start3A_147 = arith.constant 0 : i32
    %dma_start3A_148 = tpu.memref_slice %arg26[%dma_start3A_146, %dma_start3A_147] : memref<8x512xi32, #tpu.memory_space<vmem>> -> memref<1x512xi32, #tpu.memory_space<vmem>>
    %dma_start3A_149 = tpu.memref_squeeze %dma_start3A_148 : memref<1x512xi32, #tpu.memory_space<vmem>> -> memref<512xi32, #tpu.memory_space<vmem>>
    %dma_start3A_150 = arith.constant 0 : i32
    %dma_start3A_151 = tpu.memref_slice %arg12[%dma_start3A_150] : memref<131072xi32, #tpu.memory_space<hbm>> -> memref<131072xi32, #tpu.memory_space<hbm>>
    tpu.enqueue_indirect_dma source(%dma_start3A_151 : memref<131072xi32, #tpu.memory_space<hbm>>) target(%dma_start3A_149 : memref<512xi32, #tpu.memory_space<vmem>>) offsets(%arg22 : memref<512xi32, #tpu.memory_space<vmem>>) semaphore(%arg27 : memref<!tpu.dma_semaphore, #tpu.memory_space<semaphore_mem>>)
    %dma_start3A_152 = arith.constant 1 : i32
    %dma_start3A_153 = arith.constant 0 : i32
    %dma_start3A_154 = tpu.memref_slice %arg26[%dma_start3A_152, %dma_start3A_153] : memref<8x512xi32, #tpu.memory_space<vmem>> -> memref<1x512xi32, #tpu.memory_space<vmem>>
    %dma_start3A_155 = tpu.memref_squeeze %dma_start3A_154 : memref<1x512xi32, #tpu.memory_space<vmem>> -> memref<512xi32, #tpu.memory_space<vmem>>
    %dma_start3A_156 = arith.constant 0 : i32
    %dma_start3A_157 = tpu.memref_slice %arg13[%dma_start3A_156] : memref<131072xi32, #tpu.memory_space<hbm>> -> memref<131072xi32, #tpu.memory_space<hbm>>
    tpu.enqueue_indirect_dma source(%dma_start3A_157 : memref<131072xi32, #tpu.memory_space<hbm>>) target(%dma_start3A_155 : memref<512xi32, #tpu.memory_space<vmem>>) offsets(%arg22 : memref<512xi32, #tpu.memory_space<vmem>>) semaphore(%arg27 : memref<!tpu.dma_semaphore, #tpu.memory_space<semaphore_mem>>)
    %dma_start3A_158 = arith.constant 2 : i32
    %dma_start3A_159 = arith.constant 0 : i32
    %dma_start3A_160 = tpu.memref_slice %arg26[%dma_start3A_158, %dma_start3A_159] : memref<8x512xi32, #tpu.memory_space<vmem>> -> memref<1x512xi32, #tpu.memory_space<vmem>>
    %dma_start3A_161 = tpu.memref_squeeze %dma_start3A_160 : memref<1x512xi32, #tpu.memory_space<vmem>> -> memref<512xi32, #tpu.memory_space<vmem>>
    %dma_start3A_162 = arith.constant 0 : i32
    %dma_start3A_163 = tpu.memref_slice %arg14[%dma_start3A_162] : memref<131072xi32, #tpu.memory_space<hbm>> -> memref<131072xi32, #tpu.memory_space<hbm>>
    tpu.enqueue_indirect_dma source(%dma_start3A_163 : memref<131072xi32, #tpu.memory_space<hbm>>) target(%dma_start3A_161 : memref<512xi32, #tpu.memory_space<vmem>>) offsets(%arg22 : memref<512xi32, #tpu.memory_space<vmem>>) semaphore(%arg27 : memref<!tpu.dma_semaphore, #tpu.memory_space<semaphore_mem>>)
    %dma_start3A_164 = arith.constant 3 : i32
    %dma_start3A_165 = arith.constant 0 : i32
    %dma_start3A_166 = tpu.memref_slice %arg26[%dma_start3A_164, %dma_start3A_165] : memref<8x512xi32, #tpu.memory_space<vmem>> -> memref<1x512xi32, #tpu.memory_space<vmem>>
    %dma_start3A_167 = tpu.memref_squeeze %dma_start3A_166 : memref<1x512xi32, #tpu.memory_space<vmem>> -> memref<512xi32, #tpu.memory_space<vmem>>
    %dma_start3A_168 = arith.constant 0 : i32
    %dma_start3A_169 = tpu.memref_slice %arg15[%dma_start3A_168] : memref<131072xi32, #tpu.memory_space<hbm>> -> memref<131072xi32, #tpu.memory_space<hbm>>
    tpu.enqueue_indirect_dma source(%dma_start3A_169 : memref<131072xi32, #tpu.memory_space<hbm>>) target(%dma_start3A_167 : memref<512xi32, #tpu.memory_space<vmem>>) offsets(%arg22 : memref<512xi32, #tpu.memory_space<vmem>>) semaphore(%arg27 : memref<!tpu.dma_semaphore, #tpu.memory_space<semaphore_mem>>)
    %dma_start3A_170 = arith.constant 4 : i32
    %dma_start3A_171 = arith.constant 0 : i32
    %dma_start3A_172 = tpu.memref_slice %arg26[%dma_start3A_170, %dma_start3A_171] : memref<8x512xi32, #tpu.memory_space<vmem>> -> memref<1x512xi32, #tpu.memory_space<vmem>>
    %dma_start3A_173 = tpu.memref_squeeze %dma_start3A_172 : memref<1x512xi32, #tpu.memory_space<vmem>> -> memref<512xi32, #tpu.memory_space<vmem>>
    %dma_start3A_174 = arith.constant 0 : i32
    %dma_start3A_175 = tpu.memref_slice %arg16[%dma_start3A_174] : memref<131072xi32, #tpu.memory_space<hbm>> -> memref<131072xi32, #tpu.memory_space<hbm>>
    tpu.enqueue_indirect_dma source(%dma_start3A_175 : memref<131072xi32, #tpu.memory_space<hbm>>) target(%dma_start3A_173 : memref<512xi32, #tpu.memory_space<vmem>>) offsets(%arg22 : memref<512xi32, #tpu.memory_space<vmem>>) semaphore(%arg27 : memref<!tpu.dma_semaphore, #tpu.memory_space<semaphore_mem>>)
    %dma_start3A_176 = arith.constant 5 : i32
    %dma_start3A_177 = arith.constant 0 : i32
    %dma_start3A_178 = tpu.memref_slice %arg26[%dma_start3A_176, %dma_start3A_177] : memref<8x512xi32, #tpu.memory_space<vmem>> -> memref<1x512xi32, #tpu.memory_space<vmem>>
    %dma_start3A_179 = tpu.memref_squeeze %dma_start3A_178 : memref<1x512xi32, #tpu.memory_space<vmem>> -> memref<512xi32, #tpu.memory_space<vmem>>
    %dma_start3A_180 = arith.constant 0 : i32
    %dma_start3A_181 = tpu.memref_slice %arg17[%dma_start3A_180] : memref<131072xi32, #tpu.memory_space<hbm>> -> memref<131072xi32, #tpu.memory_space<hbm>>
    tpu.enqueue_indirect_dma source(%dma_start3A_181 : memref<131072xi32, #tpu.memory_space<hbm>>) target(%dma_start3A_179 : memref<512xi32, #tpu.memory_space<vmem>>) offsets(%arg22 : memref<512xi32, #tpu.memory_space<vmem>>) semaphore(%arg27 : memref<!tpu.dma_semaphore, #tpu.memory_space<semaphore_mem>>)
    %dma_start3A_182 = arith.constant 6 : i32
    %dma_start3A_183 = arith.constant 0 : i32
    %dma_start3A_184 = tpu.memref_slice %arg26[%dma_start3A_182, %dma_start3A_183] : memref<8x512xi32, #tpu.memory_space<vmem>> -> memref<1x512xi32, #tpu.memory_space<vmem>>
    %dma_start3A_185 = tpu.memref_squeeze %dma_start3A_184 : memref<1x512xi32, #tpu.memory_space<vmem>> -> memref<512xi32, #tpu.memory_space<vmem>>
    %dma_start3A_186 = arith.constant 0 : i32
    %dma_start3A_187 = tpu.memref_slice %arg18[%dma_start3A_186] : memref<131072xi32, #tpu.memory_space<hbm>> -> memref<131072xi32, #tpu.memory_space<hbm>>
    tpu.enqueue_indirect_dma source(%dma_start3A_187 : memref<131072xi32, #tpu.memory_space<hbm>>) target(%dma_start3A_185 : memref<512xi32, #tpu.memory_space<vmem>>) offsets(%arg22 : memref<512xi32, #tpu.memory_space<vmem>>) semaphore(%arg27 : memref<!tpu.dma_semaphore, #tpu.memory_space<semaphore_mem>>)
    %dma_start3A_188 = arith.constant 7 : i32
    %dma_start3A_189 = arith.constant 0 : i32
    %dma_start3A_190 = tpu.memref_slice %arg26[%dma_start3A_188, %dma_start3A_189] : memref<8x512xi32, #tpu.memory_space<vmem>> -> memref<1x512xi32, #tpu.memory_space<vmem>>
    %dma_start3A_191 = tpu.memref_squeeze %dma_start3A_190 : memref<1x512xi32, #tpu.memory_space<vmem>> -> memref<512xi32, #tpu.memory_space<vmem>>
    %dma_start3A_192 = arith.constant 0 : i32
    %dma_start3A_193 = tpu.memref_slice %arg19[%dma_start3A_192] : memref<131072xi32, #tpu.memory_space<hbm>> -> memref<131072xi32, #tpu.memory_space<hbm>>
    tpu.enqueue_indirect_dma source(%dma_start3A_193 : memref<131072xi32, #tpu.memory_space<hbm>>) target(%dma_start3A_191 : memref<512xi32, #tpu.memory_space<vmem>>) offsets(%arg22 : memref<512xi32, #tpu.memory_space<vmem>>) semaphore(%arg27 : memref<!tpu.dma_semaphore, #tpu.memory_space<semaphore_mem>>)
    %dma_wait3A = arith.constant 0 : i32
    %dma_wait3A_194 = arith.constant 0 : i32
    %dma_wait3A_195 = tpu.memref_slice %arg23[%dma_wait3A, %dma_wait3A_194] : memref<8x512xi32, #tpu.memory_space<vmem>> -> memref<1x512xi32, #tpu.memory_space<vmem>>
    %dma_wait3A_196 = tpu.memref_squeeze %dma_wait3A_195 : memref<1x512xi32, #tpu.memory_space<vmem>> -> memref<512xi32, #tpu.memory_space<vmem>>
    %dma_wait3A_197 = arith.constant 0 : i32
    %dma_wait3A_198 = tpu.memref_slice %arg4[%dma_wait3A_197] : memref<131072xi32, #tpu.memory_space<hbm>> -> memref<131072xi32, #tpu.memory_space<hbm>>
    tpu.wait_indirect_dma semaphore(%arg27 : memref<!tpu.dma_semaphore, #tpu.memory_space<semaphore_mem>>) src(%dma_wait3A_198 : memref<131072xi32, #tpu.memory_space<hbm>>) dst(%dma_wait3A_196 : memref<512xi32, #tpu.memory_space<vmem>>)
    %dma_wait3A_199 = arith.constant 1 : i32
    %dma_wait3A_200 = arith.constant 0 : i32
    %dma_wait3A_201 = tpu.memref_slice %arg23[%dma_wait3A_199, %dma_wait3A_200] : memref<8x512xi32, #tpu.memory_space<vmem>> -> memref<1x512xi32, #tpu.memory_space<vmem>>
    %dma_wait3A_202 = tpu.memref_squeeze %dma_wait3A_201 : memref<1x512xi32, #tpu.memory_space<vmem>> -> memref<512xi32, #tpu.memory_space<vmem>>
    %dma_wait3A_203 = arith.constant 0 : i32
    %dma_wait3A_204 = tpu.memref_slice %arg5[%dma_wait3A_203] : memref<131072xi32, #tpu.memory_space<hbm>> -> memref<131072xi32, #tpu.memory_space<hbm>>
    tpu.wait_indirect_dma semaphore(%arg27 : memref<!tpu.dma_semaphore, #tpu.memory_space<semaphore_mem>>) src(%dma_wait3A_204 : memref<131072xi32, #tpu.memory_space<hbm>>) dst(%dma_wait3A_202 : memref<512xi32, #tpu.memory_space<vmem>>)
    %dma_wait3A_205 = arith.constant 2 : i32
    %dma_wait3A_206 = arith.constant 0 : i32
    %dma_wait3A_207 = tpu.memref_slice %arg23[%dma_wait3A_205, %dma_wait3A_206] : memref<8x512xi32, #tpu.memory_space<vmem>> -> memref<1x512xi32, #tpu.memory_space<vmem>>
    %dma_wait3A_208 = tpu.memref_squeeze %dma_wait3A_207 : memref<1x512xi32, #tpu.memory_space<vmem>> -> memref<512xi32, #tpu.memory_space<vmem>>
    %dma_wait3A_209 = arith.constant 0 : i32
    %dma_wait3A_210 = tpu.memref_slice %arg6[%dma_wait3A_209] : memref<131072xi32, #tpu.memory_space<hbm>> -> memref<131072xi32, #tpu.memory_space<hbm>>
    tpu.wait_indirect_dma semaphore(%arg27 : memref<!tpu.dma_semaphore, #tpu.memory_space<semaphore_mem>>) src(%dma_wait3A_210 : memref<131072xi32, #tpu.memory_space<hbm>>) dst(%dma_wait3A_208 : memref<512xi32, #tpu.memory_space<vmem>>)
    %dma_wait3A_211 = arith.constant 3 : i32
    %dma_wait3A_212 = arith.constant 0 : i32
    %dma_wait3A_213 = tpu.memref_slice %arg23[%dma_wait3A_211, %dma_wait3A_212] : memref<8x512xi32, #tpu.memory_space<vmem>> -> memref<1x512xi32, #tpu.memory_space<vmem>>
    %dma_wait3A_214 = tpu.memref_squeeze %dma_wait3A_213 : memref<1x512xi32, #tpu.memory_space<vmem>> -> memref<512xi32, #tpu.memory_space<vmem>>
    %dma_wait3A_215 = arith.constant 0 : i32
    %dma_wait3A_216 = tpu.memref_slice %arg7[%dma_wait3A_215] : memref<131072xi32, #tpu.memory_space<hbm>> -> memref<131072xi32, #tpu.memory_space<hbm>>
    tpu.wait_indirect_dma semaphore(%arg27 : memref<!tpu.dma_semaphore, #tpu.memory_space<semaphore_mem>>) src(%dma_wait3A_216 : memref<131072xi32, #tpu.memory_space<hbm>>) dst(%dma_wait3A_214 : memref<512xi32, #tpu.memory_space<vmem>>)
    %dma_wait3A_217 = arith.constant 4 : i32
    %dma_wait3A_218 = arith.constant 0 : i32
    %dma_wait3A_219 = tpu.memref_slice %arg23[%dma_wait3A_217, %dma_wait3A_218] : memref<8x512xi32, #tpu.memory_space<vmem>> -> memref<1x512xi32, #tpu.memory_space<vmem>>
    %dma_wait3A_220 = tpu.memref_squeeze %dma_wait3A_219 : memref<1x512xi32, #tpu.memory_space<vmem>> -> memref<512xi32, #tpu.memory_space<vmem>>
    %dma_wait3A_221 = arith.constant 0 : i32
    %dma_wait3A_222 = tpu.memref_slice %arg8[%dma_wait3A_221] : memref<131072xi32, #tpu.memory_space<hbm>> -> memref<131072xi32, #tpu.memory_space<hbm>>
    tpu.wait_indirect_dma semaphore(%arg27 : memref<!tpu.dma_semaphore, #tpu.memory_space<semaphore_mem>>) src(%dma_wait3A_222 : memref<131072xi32, #tpu.memory_space<hbm>>) dst(%dma_wait3A_220 : memref<512xi32, #tpu.memory_space<vmem>>)
    %dma_wait3A_223 = arith.constant 5 : i32
    %dma_wait3A_224 = arith.constant 0 : i32
    %dma_wait3A_225 = tpu.memref_slice %arg23[%dma_wait3A_223, %dma_wait3A_224] : memref<8x512xi32, #tpu.memory_space<vmem>> -> memref<1x512xi32, #tpu.memory_space<vmem>>
    %dma_wait3A_226 = tpu.memref_squeeze %dma_wait3A_225 : memref<1x512xi32, #tpu.memory_space<vmem>> -> memref<512xi32, #tpu.memory_space<vmem>>
    %dma_wait3A_227 = arith.constant 0 : i32
    %dma_wait3A_228 = tpu.memref_slice %arg9[%dma_wait3A_227] : memref<131072xi32, #tpu.memory_space<hbm>> -> memref<131072xi32, #tpu.memory_space<hbm>>
    tpu.wait_indirect_dma semaphore(%arg27 : memref<!tpu.dma_semaphore, #tpu.memory_space<semaphore_mem>>) src(%dma_wait3A_228 : memref<131072xi32, #tpu.memory_space<hbm>>) dst(%dma_wait3A_226 : memref<512xi32, #tpu.memory_space<vmem>>)
    %dma_wait3A_229 = arith.constant 6 : i32
    %dma_wait3A_230 = arith.constant 0 : i32
    %dma_wait3A_231 = tpu.memref_slice %arg23[%dma_wait3A_229, %dma_wait3A_230] : memref<8x512xi32, #tpu.memory_space<vmem>> -> memref<1x512xi32, #tpu.memory_space<vmem>>
    %dma_wait3A_232 = tpu.memref_squeeze %dma_wait3A_231 : memref<1x512xi32, #tpu.memory_space<vmem>> -> memref<512xi32, #tpu.memory_space<vmem>>
    %dma_wait3A_233 = arith.constant 0 : i32
    %dma_wait3A_234 = tpu.memref_slice %arg10[%dma_wait3A_233] : memref<131072xi32, #tpu.memory_space<hbm>> -> memref<131072xi32, #tpu.memory_space<hbm>>
    tpu.wait_indirect_dma semaphore(%arg27 : memref<!tpu.dma_semaphore, #tpu.memory_space<semaphore_mem>>) src(%dma_wait3A_234 : memref<131072xi32, #tpu.memory_space<hbm>>) dst(%dma_wait3A_232 : memref<512xi32, #tpu.memory_space<vmem>>)
    %dma_wait3A_235 = arith.constant 7 : i32
    %dma_wait3A_236 = arith.constant 0 : i32
    %dma_wait3A_237 = tpu.memref_slice %arg23[%dma_wait3A_235, %dma_wait3A_236] : memref<8x512xi32, #tpu.memory_space<vmem>> -> memref<1x512xi32, #tpu.memory_space<vmem>>
    %dma_wait3A_238 = tpu.memref_squeeze %dma_wait3A_237 : memref<1x512xi32, #tpu.memory_space<vmem>> -> memref<512xi32, #tpu.memory_space<vmem>>
    %dma_wait3A_239 = arith.constant 0 : i32
    %dma_wait3A_240 = tpu.memref_slice %arg11[%dma_wait3A_239] : memref<131072xi32, #tpu.memory_space<hbm>> -> memref<131072xi32, #tpu.memory_space<hbm>>
    tpu.wait_indirect_dma semaphore(%arg27 : memref<!tpu.dma_semaphore, #tpu.memory_space<semaphore_mem>>) src(%dma_wait3A_240 : memref<131072xi32, #tpu.memory_space<hbm>>) dst(%dma_wait3A_238 : memref<512xi32, #tpu.memory_space<vmem>>)
    %dma_wait3A_241 = arith.constant 0 : i32
    %dma_wait3A_242 = arith.constant 0 : i32
    %dma_wait3A_243 = tpu.memref_slice %arg24[%dma_wait3A_241, %dma_wait3A_242] : memref<8x512xi32, #tpu.memory_space<vmem>> -> memref<1x512xi32, #tpu.memory_space<vmem>>
    %dma_wait3A_244 = tpu.memref_squeeze %dma_wait3A_243 : memref<1x512xi32, #tpu.memory_space<vmem>> -> memref<512xi32, #tpu.memory_space<vmem>>
    %dma_wait3A_245 = arith.constant 0 : i32
    %dma_wait3A_246 = tpu.memref_slice %arg12[%dma_wait3A_245] : memref<131072xi32, #tpu.memory_space<hbm>> -> memref<131072xi32, #tpu.memory_space<hbm>>
    tpu.wait_indirect_dma semaphore(%arg27 : memref<!tpu.dma_semaphore, #tpu.memory_space<semaphore_mem>>) src(%dma_wait3A_246 : memref<131072xi32, #tpu.memory_space<hbm>>) dst(%dma_wait3A_244 : memref<512xi32, #tpu.memory_space<vmem>>)
    %dma_wait3A_247 = arith.constant 1 : i32
    %dma_wait3A_248 = arith.constant 0 : i32
    %dma_wait3A_249 = tpu.memref_slice %arg24[%dma_wait3A_247, %dma_wait3A_248] : memref<8x512xi32, #tpu.memory_space<vmem>> -> memref<1x512xi32, #tpu.memory_space<vmem>>
    %dma_wait3A_250 = tpu.memref_squeeze %dma_wait3A_249 : memref<1x512xi32, #tpu.memory_space<vmem>> -> memref<512xi32, #tpu.memory_space<vmem>>
    %dma_wait3A_251 = arith.constant 0 : i32
    %dma_wait3A_252 = tpu.memref_slice %arg13[%dma_wait3A_251] : memref<131072xi32, #tpu.memory_space<hbm>> -> memref<131072xi32, #tpu.memory_space<hbm>>
    tpu.wait_indirect_dma semaphore(%arg27 : memref<!tpu.dma_semaphore, #tpu.memory_space<semaphore_mem>>) src(%dma_wait3A_252 : memref<131072xi32, #tpu.memory_space<hbm>>) dst(%dma_wait3A_250 : memref<512xi32, #tpu.memory_space<vmem>>)
    %dma_wait3A_253 = arith.constant 2 : i32
    %dma_wait3A_254 = arith.constant 0 : i32
    %dma_wait3A_255 = tpu.memref_slice %arg24[%dma_wait3A_253, %dma_wait3A_254] : memref<8x512xi32, #tpu.memory_space<vmem>> -> memref<1x512xi32, #tpu.memory_space<vmem>>
    %dma_wait3A_256 = tpu.memref_squeeze %dma_wait3A_255 : memref<1x512xi32, #tpu.memory_space<vmem>> -> memref<512xi32, #tpu.memory_space<vmem>>
    %dma_wait3A_257 = arith.constant 0 : i32
    %dma_wait3A_258 = tpu.memref_slice %arg14[%dma_wait3A_257] : memref<131072xi32, #tpu.memory_space<hbm>> -> memref<131072xi32, #tpu.memory_space<hbm>>
    tpu.wait_indirect_dma semaphore(%arg27 : memref<!tpu.dma_semaphore, #tpu.memory_space<semaphore_mem>>) src(%dma_wait3A_258 : memref<131072xi32, #tpu.memory_space<hbm>>) dst(%dma_wait3A_256 : memref<512xi32, #tpu.memory_space<vmem>>)
    %dma_wait3A_259 = arith.constant 3 : i32
    %dma_wait3A_260 = arith.constant 0 : i32
    %dma_wait3A_261 = tpu.memref_slice %arg24[%dma_wait3A_259, %dma_wait3A_260] : memref<8x512xi32, #tpu.memory_space<vmem>> -> memref<1x512xi32, #tpu.memory_space<vmem>>
    %dma_wait3A_262 = tpu.memref_squeeze %dma_wait3A_261 : memref<1x512xi32, #tpu.memory_space<vmem>> -> memref<512xi32, #tpu.memory_space<vmem>>
    %dma_wait3A_263 = arith.constant 0 : i32
    %dma_wait3A_264 = tpu.memref_slice %arg15[%dma_wait3A_263] : memref<131072xi32, #tpu.memory_space<hbm>> -> memref<131072xi32, #tpu.memory_space<hbm>>
    tpu.wait_indirect_dma semaphore(%arg27 : memref<!tpu.dma_semaphore, #tpu.memory_space<semaphore_mem>>) src(%dma_wait3A_264 : memref<131072xi32, #tpu.memory_space<hbm>>) dst(%dma_wait3A_262 : memref<512xi32, #tpu.memory_space<vmem>>)
    %dma_wait3A_265 = arith.constant 4 : i32
    %dma_wait3A_266 = arith.constant 0 : i32
    %dma_wait3A_267 = tpu.memref_slice %arg24[%dma_wait3A_265, %dma_wait3A_266] : memref<8x512xi32, #tpu.memory_space<vmem>> -> memref<1x512xi32, #tpu.memory_space<vmem>>
    %dma_wait3A_268 = tpu.memref_squeeze %dma_wait3A_267 : memref<1x512xi32, #tpu.memory_space<vmem>> -> memref<512xi32, #tpu.memory_space<vmem>>
    %dma_wait3A_269 = arith.constant 0 : i32
    %dma_wait3A_270 = tpu.memref_slice %arg16[%dma_wait3A_269] : memref<131072xi32, #tpu.memory_space<hbm>> -> memref<131072xi32, #tpu.memory_space<hbm>>
    tpu.wait_indirect_dma semaphore(%arg27 : memref<!tpu.dma_semaphore, #tpu.memory_space<semaphore_mem>>) src(%dma_wait3A_270 : memref<131072xi32, #tpu.memory_space<hbm>>) dst(%dma_wait3A_268 : memref<512xi32, #tpu.memory_space<vmem>>)
    %dma_wait3A_271 = arith.constant 5 : i32
    %dma_wait3A_272 = arith.constant 0 : i32
    %dma_wait3A_273 = tpu.memref_slice %arg24[%dma_wait3A_271, %dma_wait3A_272] : memref<8x512xi32, #tpu.memory_space<vmem>> -> memref<1x512xi32, #tpu.memory_space<vmem>>
    %dma_wait3A_274 = tpu.memref_squeeze %dma_wait3A_273 : memref<1x512xi32, #tpu.memory_space<vmem>> -> memref<512xi32, #tpu.memory_space<vmem>>
    %dma_wait3A_275 = arith.constant 0 : i32
    %dma_wait3A_276 = tpu.memref_slice %arg17[%dma_wait3A_275] : memref<131072xi32, #tpu.memory_space<hbm>> -> memref<131072xi32, #tpu.memory_space<hbm>>
    tpu.wait_indirect_dma semaphore(%arg27 : memref<!tpu.dma_semaphore, #tpu.memory_space<semaphore_mem>>) src(%dma_wait3A_276 : memref<131072xi32, #tpu.memory_space<hbm>>) dst(%dma_wait3A_274 : memref<512xi32, #tpu.memory_space<vmem>>)
    %dma_wait3A_277 = arith.constant 6 : i32
    %dma_wait3A_278 = arith.constant 0 : i32
    %dma_wait3A_279 = tpu.memref_slice %arg24[%dma_wait3A_277, %dma_wait3A_278] : memref<8x512xi32, #tpu.memory_space<vmem>> -> memref<1x512xi32, #tpu.memory_space<vmem>>
    %dma_wait3A_280 = tpu.memref_squeeze %dma_wait3A_279 : memref<1x512xi32, #tpu.memory_space<vmem>> -> memref<512xi32, #tpu.memory_space<vmem>>
    %dma_wait3A_281 = arith.constant 0 : i32
    %dma_wait3A_282 = tpu.memref_slice %arg18[%dma_wait3A_281] : memref<131072xi32, #tpu.memory_space<hbm>> -> memref<131072xi32, #tpu.memory_space<hbm>>
    tpu.wait_indirect_dma semaphore(%arg27 : memref<!tpu.dma_semaphore, #tpu.memory_space<semaphore_mem>>) src(%dma_wait3A_282 : memref<131072xi32, #tpu.memory_space<hbm>>) dst(%dma_wait3A_280 : memref<512xi32, #tpu.memory_space<vmem>>)
    %dma_wait3A_283 = arith.constant 7 : i32
    %dma_wait3A_284 = arith.constant 0 : i32
    %dma_wait3A_285 = tpu.memref_slice %arg24[%dma_wait3A_283, %dma_wait3A_284] : memref<8x512xi32, #tpu.memory_space<vmem>> -> memref<1x512xi32, #tpu.memory_space<vmem>>
    %dma_wait3A_286 = tpu.memref_squeeze %dma_wait3A_285 : memref<1x512xi32, #tpu.memory_space<vmem>> -> memref<512xi32, #tpu.memory_space<vmem>>
    %dma_wait3A_287 = arith.constant 0 : i32
    %dma_wait3A_288 = tpu.memref_slice %arg19[%dma_wait3A_287] : memref<131072xi32, #tpu.memory_space<hbm>> -> memref<131072xi32, #tpu.memory_space<hbm>>
    tpu.wait_indirect_dma semaphore(%arg27 : memref<!tpu.dma_semaphore, #tpu.memory_space<semaphore_mem>>) src(%dma_wait3A_288 : memref<131072xi32, #tpu.memory_space<hbm>>) dst(%dma_wait3A_286 : memref<512xi32, #tpu.memory_space<vmem>>)
    %dma_wait3A_289 = arith.constant 0 : i32
    %dma_wait3A_290 = arith.constant 0 : i32
    %dma_wait3A_291 = tpu.memref_slice %arg25[%dma_wait3A_289, %dma_wait3A_290] : memref<8x512xi32, #tpu.memory_space<vmem>> -> memref<1x512xi32, #tpu.memory_space<vmem>>
    %dma_wait3A_292 = tpu.memref_squeeze %dma_wait3A_291 : memref<1x512xi32, #tpu.memory_space<vmem>> -> memref<512xi32, #tpu.memory_space<vmem>>
    %dma_wait3A_293 = arith.constant 0 : i32
    %dma_wait3A_294 = tpu.memref_slice %arg4[%dma_wait3A_293] : memref<131072xi32, #tpu.memory_space<hbm>> -> memref<131072xi32, #tpu.memory_space<hbm>>
    tpu.wait_indirect_dma semaphore(%arg27 : memref<!tpu.dma_semaphore, #tpu.memory_space<semaphore_mem>>) src(%dma_wait3A_294 : memref<131072xi32, #tpu.memory_space<hbm>>) dst(%dma_wait3A_292 : memref<512xi32, #tpu.memory_space<vmem>>)
    %dma_wait3A_295 = arith.constant 1 : i32
    %dma_wait3A_296 = arith.constant 0 : i32
    %dma_wait3A_297 = tpu.memref_slice %arg25[%dma_wait3A_295, %dma_wait3A_296] : memref<8x512xi32, #tpu.memory_space<vmem>> -> memref<1x512xi32, #tpu.memory_space<vmem>>
    %dma_wait3A_298 = tpu.memref_squeeze %dma_wait3A_297 : memref<1x512xi32, #tpu.memory_space<vmem>> -> memref<512xi32, #tpu.memory_space<vmem>>
    %dma_wait3A_299 = arith.constant 0 : i32
    %dma_wait3A_300 = tpu.memref_slice %arg5[%dma_wait3A_299] : memref<131072xi32, #tpu.memory_space<hbm>> -> memref<131072xi32, #tpu.memory_space<hbm>>
    tpu.wait_indirect_dma semaphore(%arg27 : memref<!tpu.dma_semaphore, #tpu.memory_space<semaphore_mem>>) src(%dma_wait3A_300 : memref<131072xi32, #tpu.memory_space<hbm>>) dst(%dma_wait3A_298 : memref<512xi32, #tpu.memory_space<vmem>>)
    %dma_wait3A_301 = arith.constant 2 : i32
    %dma_wait3A_302 = arith.constant 0 : i32
    %dma_wait3A_303 = tpu.memref_slice %arg25[%dma_wait3A_301, %dma_wait3A_302] : memref<8x512xi32, #tpu.memory_space<vmem>> -> memref<1x512xi32, #tpu.memory_space<vmem>>
    %dma_wait3A_304 = tpu.memref_squeeze %dma_wait3A_303 : memref<1x512xi32, #tpu.memory_space<vmem>> -> memref<512xi32, #tpu.memory_space<vmem>>
    %dma_wait3A_305 = arith.constant 0 : i32
    %dma_wait3A_306 = tpu.memref_slice %arg6[%dma_wait3A_305] : memref<131072xi32, #tpu.memory_space<hbm>> -> memref<131072xi32, #tpu.memory_space<hbm>>
    tpu.wait_indirect_dma semaphore(%arg27 : memref<!tpu.dma_semaphore, #tpu.memory_space<semaphore_mem>>) src(%dma_wait3A_306 : memref<131072xi32, #tpu.memory_space<hbm>>) dst(%dma_wait3A_304 : memref<512xi32, #tpu.memory_space<vmem>>)
    %dma_wait3A_307 = arith.constant 3 : i32
    %dma_wait3A_308 = arith.constant 0 : i32
    %dma_wait3A_309 = tpu.memref_slice %arg25[%dma_wait3A_307, %dma_wait3A_308] : memref<8x512xi32, #tpu.memory_space<vmem>> -> memref<1x512xi32, #tpu.memory_space<vmem>>
    %dma_wait3A_310 = tpu.memref_squeeze %dma_wait3A_309 : memref<1x512xi32, #tpu.memory_space<vmem>> -> memref<512xi32, #tpu.memory_space<vmem>>
    %dma_wait3A_311 = arith.constant 0 : i32
    %dma_wait3A_312 = tpu.memref_slice %arg7[%dma_wait3A_311] : memref<131072xi32, #tpu.memory_space<hbm>> -> memref<131072xi32, #tpu.memory_space<hbm>>
    tpu.wait_indirect_dma semaphore(%arg27 : memref<!tpu.dma_semaphore, #tpu.memory_space<semaphore_mem>>) src(%dma_wait3A_312 : memref<131072xi32, #tpu.memory_space<hbm>>) dst(%dma_wait3A_310 : memref<512xi32, #tpu.memory_space<vmem>>)
    %dma_wait3A_313 = arith.constant 4 : i32
    %dma_wait3A_314 = arith.constant 0 : i32
    %dma_wait3A_315 = tpu.memref_slice %arg25[%dma_wait3A_313, %dma_wait3A_314] : memref<8x512xi32, #tpu.memory_space<vmem>> -> memref<1x512xi32, #tpu.memory_space<vmem>>
    %dma_wait3A_316 = tpu.memref_squeeze %dma_wait3A_315 : memref<1x512xi32, #tpu.memory_space<vmem>> -> memref<512xi32, #tpu.memory_space<vmem>>
    %dma_wait3A_317 = arith.constant 0 : i32
    %dma_wait3A_318 = tpu.memref_slice %arg8[%dma_wait3A_317] : memref<131072xi32, #tpu.memory_space<hbm>> -> memref<131072xi32, #tpu.memory_space<hbm>>
    tpu.wait_indirect_dma semaphore(%arg27 : memref<!tpu.dma_semaphore, #tpu.memory_space<semaphore_mem>>) src(%dma_wait3A_318 : memref<131072xi32, #tpu.memory_space<hbm>>) dst(%dma_wait3A_316 : memref<512xi32, #tpu.memory_space<vmem>>)
    %dma_wait3A_319 = arith.constant 5 : i32
    %dma_wait3A_320 = arith.constant 0 : i32
    %dma_wait3A_321 = tpu.memref_slice %arg25[%dma_wait3A_319, %dma_wait3A_320] : memref<8x512xi32, #tpu.memory_space<vmem>> -> memref<1x512xi32, #tpu.memory_space<vmem>>
    %dma_wait3A_322 = tpu.memref_squeeze %dma_wait3A_321 : memref<1x512xi32, #tpu.memory_space<vmem>> -> memref<512xi32, #tpu.memory_space<vmem>>
    %dma_wait3A_323 = arith.constant 0 : i32
    %dma_wait3A_324 = tpu.memref_slice %arg9[%dma_wait3A_323] : memref<131072xi32, #tpu.memory_space<hbm>> -> memref<131072xi32, #tpu.memory_space<hbm>>
    tpu.wait_indirect_dma semaphore(%arg27 : memref<!tpu.dma_semaphore, #tpu.memory_space<semaphore_mem>>) src(%dma_wait3A_324 : memref<131072xi32, #tpu.memory_space<hbm>>) dst(%dma_wait3A_322 : memref<512xi32, #tpu.memory_space<vmem>>)
    %dma_wait3A_325 = arith.constant 6 : i32
    %dma_wait3A_326 = arith.constant 0 : i32
    %dma_wait3A_327 = tpu.memref_slice %arg25[%dma_wait3A_325, %dma_wait3A_326] : memref<8x512xi32, #tpu.memory_space<vmem>> -> memref<1x512xi32, #tpu.memory_space<vmem>>
    %dma_wait3A_328 = tpu.memref_squeeze %dma_wait3A_327 : memref<1x512xi32, #tpu.memory_space<vmem>> -> memref<512xi32, #tpu.memory_space<vmem>>
    %dma_wait3A_329 = arith.constant 0 : i32
    %dma_wait3A_330 = tpu.memref_slice %arg10[%dma_wait3A_329] : memref<131072xi32, #tpu.memory_space<hbm>> -> memref<131072xi32, #tpu.memory_space<hbm>>
    tpu.wait_indirect_dma semaphore(%arg27 : memref<!tpu.dma_semaphore, #tpu.memory_space<semaphore_mem>>) src(%dma_wait3A_330 : memref<131072xi32, #tpu.memory_space<hbm>>) dst(%dma_wait3A_328 : memref<512xi32, #tpu.memory_space<vmem>>)
    %dma_wait3A_331 = arith.constant 7 : i32
    %dma_wait3A_332 = arith.constant 0 : i32
    %dma_wait3A_333 = tpu.memref_slice %arg25[%dma_wait3A_331, %dma_wait3A_332] : memref<8x512xi32, #tpu.memory_space<vmem>> -> memref<1x512xi32, #tpu.memory_space<vmem>>
    %dma_wait3A_334 = tpu.memref_squeeze %dma_wait3A_333 : memref<1x512xi32, #tpu.memory_space<vmem>> -> memref<512xi32, #tpu.memory_space<vmem>>
    %dma_wait3A_335 = arith.constant 0 : i32
    %dma_wait3A_336 = tpu.memref_slice %arg11[%dma_wait3A_335] : memref<131072xi32, #tpu.memory_space<hbm>> -> memref<131072xi32, #tpu.memory_space<hbm>>
    tpu.wait_indirect_dma semaphore(%arg27 : memref<!tpu.dma_semaphore, #tpu.memory_space<semaphore_mem>>) src(%dma_wait3A_336 : memref<131072xi32, #tpu.memory_space<hbm>>) dst(%dma_wait3A_334 : memref<512xi32, #tpu.memory_space<vmem>>)
    %dma_wait3A_337 = arith.constant 0 : i32
    %dma_wait3A_338 = arith.constant 0 : i32
    %dma_wait3A_339 = tpu.memref_slice %arg26[%dma_wait3A_337, %dma_wait3A_338] : memref<8x512xi32, #tpu.memory_space<vmem>> -> memref<1x512xi32, #tpu.memory_space<vmem>>
    %dma_wait3A_340 = tpu.memref_squeeze %dma_wait3A_339 : memref<1x512xi32, #tpu.memory_space<vmem>> -> memref<512xi32, #tpu.memory_space<vmem>>
    %dma_wait3A_341 = arith.constant 0 : i32
    %dma_wait3A_342 = tpu.memref_slice %arg12[%dma_wait3A_341] : memref<131072xi32, #tpu.memory_space<hbm>> -> memref<131072xi32, #tpu.memory_space<hbm>>
    tpu.wait_indirect_dma semaphore(%arg27 : memref<!tpu.dma_semaphore, #tpu.memory_space<semaphore_mem>>) src(%dma_wait3A_342 : memref<131072xi32, #tpu.memory_space<hbm>>) dst(%dma_wait3A_340 : memref<512xi32, #tpu.memory_space<vmem>>)
    %dma_wait3A_343 = arith.constant 1 : i32
    %dma_wait3A_344 = arith.constant 0 : i32
    %dma_wait3A_345 = tpu.memref_slice %arg26[%dma_wait3A_343, %dma_wait3A_344] : memref<8x512xi32, #tpu.memory_space<vmem>> -> memref<1x512xi32, #tpu.memory_space<vmem>>
    %dma_wait3A_346 = tpu.memref_squeeze %dma_wait3A_345 : memref<1x512xi32, #tpu.memory_space<vmem>> -> memref<512xi32, #tpu.memory_space<vmem>>
    %dma_wait3A_347 = arith.constant 0 : i32
    %dma_wait3A_348 = tpu.memref_slice %arg13[%dma_wait3A_347] : memref<131072xi32, #tpu.memory_space<hbm>> -> memref<131072xi32, #tpu.memory_space<hbm>>
    tpu.wait_indirect_dma semaphore(%arg27 : memref<!tpu.dma_semaphore, #tpu.memory_space<semaphore_mem>>) src(%dma_wait3A_348 : memref<131072xi32, #tpu.memory_space<hbm>>) dst(%dma_wait3A_346 : memref<512xi32, #tpu.memory_space<vmem>>)
    %dma_wait3A_349 = arith.constant 2 : i32
    %dma_wait3A_350 = arith.constant 0 : i32
    %dma_wait3A_351 = tpu.memref_slice %arg26[%dma_wait3A_349, %dma_wait3A_350] : memref<8x512xi32, #tpu.memory_space<vmem>> -> memref<1x512xi32, #tpu.memory_space<vmem>>
    %dma_wait3A_352 = tpu.memref_squeeze %dma_wait3A_351 : memref<1x512xi32, #tpu.memory_space<vmem>> -> memref<512xi32, #tpu.memory_space<vmem>>
    %dma_wait3A_353 = arith.constant 0 : i32
    %dma_wait3A_354 = tpu.memref_slice %arg14[%dma_wait3A_353] : memref<131072xi32, #tpu.memory_space<hbm>> -> memref<131072xi32, #tpu.memory_space<hbm>>
    tpu.wait_indirect_dma semaphore(%arg27 : memref<!tpu.dma_semaphore, #tpu.memory_space<semaphore_mem>>) src(%dma_wait3A_354 : memref<131072xi32, #tpu.memory_space<hbm>>) dst(%dma_wait3A_352 : memref<512xi32, #tpu.memory_space<vmem>>)
    %dma_wait3A_355 = arith.constant 3 : i32
    %dma_wait3A_356 = arith.constant 0 : i32
    %dma_wait3A_357 = tpu.memref_slice %arg26[%dma_wait3A_355, %dma_wait3A_356] : memref<8x512xi32, #tpu.memory_space<vmem>> -> memref<1x512xi32, #tpu.memory_space<vmem>>
    %dma_wait3A_358 = tpu.memref_squeeze %dma_wait3A_357 : memref<1x512xi32, #tpu.memory_space<vmem>> -> memref<512xi32, #tpu.memory_space<vmem>>
    %dma_wait3A_359 = arith.constant 0 : i32
    %dma_wait3A_360 = tpu.memref_slice %arg15[%dma_wait3A_359] : memref<131072xi32, #tpu.memory_space<hbm>> -> memref<131072xi32, #tpu.memory_space<hbm>>
    tpu.wait_indirect_dma semaphore(%arg27 : memref<!tpu.dma_semaphore, #tpu.memory_space<semaphore_mem>>) src(%dma_wait3A_360 : memref<131072xi32, #tpu.memory_space<hbm>>) dst(%dma_wait3A_358 : memref<512xi32, #tpu.memory_space<vmem>>)
    %dma_wait3A_361 = arith.constant 4 : i32
    %dma_wait3A_362 = arith.constant 0 : i32
    %dma_wait3A_363 = tpu.memref_slice %arg26[%dma_wait3A_361, %dma_wait3A_362] : memref<8x512xi32, #tpu.memory_space<vmem>> -> memref<1x512xi32, #tpu.memory_space<vmem>>
    %dma_wait3A_364 = tpu.memref_squeeze %dma_wait3A_363 : memref<1x512xi32, #tpu.memory_space<vmem>> -> memref<512xi32, #tpu.memory_space<vmem>>
    %dma_wait3A_365 = arith.constant 0 : i32
    %dma_wait3A_366 = tpu.memref_slice %arg16[%dma_wait3A_365] : memref<131072xi32, #tpu.memory_space<hbm>> -> memref<131072xi32, #tpu.memory_space<hbm>>
    tpu.wait_indirect_dma semaphore(%arg27 : memref<!tpu.dma_semaphore, #tpu.memory_space<semaphore_mem>>) src(%dma_wait3A_366 : memref<131072xi32, #tpu.memory_space<hbm>>) dst(%dma_wait3A_364 : memref<512xi32, #tpu.memory_space<vmem>>)
    %dma_wait3A_367 = arith.constant 5 : i32
    %dma_wait3A_368 = arith.constant 0 : i32
    %dma_wait3A_369 = tpu.memref_slice %arg26[%dma_wait3A_367, %dma_wait3A_368] : memref<8x512xi32, #tpu.memory_space<vmem>> -> memref<1x512xi32, #tpu.memory_space<vmem>>
    %dma_wait3A_370 = tpu.memref_squeeze %dma_wait3A_369 : memref<1x512xi32, #tpu.memory_space<vmem>> -> memref<512xi32, #tpu.memory_space<vmem>>
    %dma_wait3A_371 = arith.constant 0 : i32
    %dma_wait3A_372 = tpu.memref_slice %arg17[%dma_wait3A_371] : memref<131072xi32, #tpu.memory_space<hbm>> -> memref<131072xi32, #tpu.memory_space<hbm>>
    tpu.wait_indirect_dma semaphore(%arg27 : memref<!tpu.dma_semaphore, #tpu.memory_space<semaphore_mem>>) src(%dma_wait3A_372 : memref<131072xi32, #tpu.memory_space<hbm>>) dst(%dma_wait3A_370 : memref<512xi32, #tpu.memory_space<vmem>>)
    %dma_wait3A_373 = arith.constant 6 : i32
    %dma_wait3A_374 = arith.constant 0 : i32
    %dma_wait3A_375 = tpu.memref_slice %arg26[%dma_wait3A_373, %dma_wait3A_374] : memref<8x512xi32, #tpu.memory_space<vmem>> -> memref<1x512xi32, #tpu.memory_space<vmem>>
    %dma_wait3A_376 = tpu.memref_squeeze %dma_wait3A_375 : memref<1x512xi32, #tpu.memory_space<vmem>> -> memref<512xi32, #tpu.memory_space<vmem>>
    %dma_wait3A_377 = arith.constant 0 : i32
    %dma_wait3A_378 = tpu.memref_slice %arg18[%dma_wait3A_377] : memref<131072xi32, #tpu.memory_space<hbm>> -> memref<131072xi32, #tpu.memory_space<hbm>>
    tpu.wait_indirect_dma semaphore(%arg27 : memref<!tpu.dma_semaphore, #tpu.memory_space<semaphore_mem>>) src(%dma_wait3A_378 : memref<131072xi32, #tpu.memory_space<hbm>>) dst(%dma_wait3A_376 : memref<512xi32, #tpu.memory_space<vmem>>)
    %dma_wait3A_379 = arith.constant 7 : i32
    %dma_wait3A_380 = arith.constant 0 : i32
    %dma_wait3A_381 = tpu.memref_slice %arg26[%dma_wait3A_379, %dma_wait3A_380] : memref<8x512xi32, #tpu.memory_space<vmem>> -> memref<1x512xi32, #tpu.memory_space<vmem>>
    %dma_wait3A_382 = tpu.memref_squeeze %dma_wait3A_381 : memref<1x512xi32, #tpu.memory_space<vmem>> -> memref<512xi32, #tpu.memory_space<vmem>>
    %dma_wait3A_383 = arith.constant 0 : i32
    %dma_wait3A_384 = tpu.memref_slice %arg19[%dma_wait3A_383] : memref<131072xi32, #tpu.memory_space<hbm>> -> memref<131072xi32, #tpu.memory_space<hbm>>
    tpu.wait_indirect_dma semaphore(%arg27 : memref<!tpu.dma_semaphore, #tpu.memory_space<semaphore_mem>>) src(%dma_wait3A_384 : memref<131072xi32, #tpu.memory_space<hbm>>) dst(%dma_wait3A_382 : memref<512xi32, #tpu.memory_space<vmem>>)
    %run_scoped3A = arith.constant 0 : i32
    "tpu.region"() ({
      %run_scoped3A_388 = tpu.sem_alloc : memref<!tpu.dma_semaphore, #tpu.memory_space<semaphore_mem>>
      %dma_start3A_389 = arith.constant 0 : i32
      %dma_start3A_390 = arith.constant 0 : i32
      %dma_start3A_391 = tpu.memref_slice %arg20[%add3A, %run_scoped3A, %dma_start3A_389, %dma_start3A_390] : memref<32x4x8x512xi32, #tpu.memory_space<hbm>> -> memref<1x1x8x512xi32, #tpu.memory_space<hbm>>
      %dma_start3A_392 = tpu.memref_squeeze %dma_start3A_391 : memref<1x1x8x512xi32, #tpu.memory_space<hbm>> -> memref<8x512xi32, #tpu.memory_space<hbm>>
      %dma_start3A_393 = arith.constant 0 : i32
      %dma_start3A_394 = arith.constant 0 : i32
      %dma_start3A_395 = tpu.memref_slice %arg20[%add3A, %run_scoped3A, %dma_start3A_393, %dma_start3A_394] : memref<32x4x8x512xi32, #tpu.memory_space<hbm>> -> memref<1x1x8x512xi32, #tpu.memory_space<hbm>>
      %dma_start3A_396 = tpu.memref_squeeze %dma_start3A_395 : memref<1x1x8x512xi32, #tpu.memory_space<hbm>> -> memref<8x512xi32, #tpu.memory_space<hbm>>
      tpu.enqueue_dma source(%arg23 : memref<8x512xi32, #tpu.memory_space<vmem>>) target(%dma_start3A_396 : memref<8x512xi32, #tpu.memory_space<hbm>>) target_semaphore(%run_scoped3A_388 : memref<!tpu.dma_semaphore, #tpu.memory_space<semaphore_mem>>)
      %dma_wait3A_397 = arith.constant 0 : i32
      %dma_wait3A_398 = arith.constant 0 : i32
      %dma_wait3A_399 = tpu.memref_slice %arg20[%add3A, %run_scoped3A, %dma_wait3A_397, %dma_wait3A_398] : memref<32x4x8x512xi32, #tpu.memory_space<hbm>> -> memref<1x1x8x512xi32, #tpu.memory_space<hbm>>
      %dma_wait3A_400 = tpu.memref_squeeze %dma_wait3A_399 : memref<1x1x8x512xi32, #tpu.memory_space<hbm>> -> memref<8x512xi32, #tpu.memory_space<hbm>>
      %dma_wait3A_401 = arith.constant 0 : i32
      %dma_wait3A_402 = arith.constant 0 : i32
      %dma_wait3A_403 = tpu.memref_slice %arg20[%add3A, %run_scoped3A, %dma_wait3A_401, %dma_wait3A_402] : memref<32x4x8x512xi32, #tpu.memory_space<hbm>> -> memref<1x1x8x512xi32, #tpu.memory_space<hbm>>
      %dma_wait3A_404 = tpu.memref_squeeze %dma_wait3A_403 : memref<1x1x8x512xi32, #tpu.memory_space<hbm>> -> memref<8x512xi32, #tpu.memory_space<hbm>>
      tpu.wait_dma2 semaphore(%run_scoped3A_388 : memref<!tpu.dma_semaphore, #tpu.memory_space<semaphore_mem>>) src(%arg23 : memref<8x512xi32, #tpu.memory_space<vmem>>) dst(%dma_wait3A_404 : memref<8x512xi32, #tpu.memory_space<hbm>>)
      tpu.yield
    }) : () -> ()
    %run_scoped3A_385 = arith.constant 1 : i32
    "tpu.region"() ({
      %run_scoped3A_388 = tpu.sem_alloc : memref<!tpu.dma_semaphore, #tpu.memory_space<semaphore_mem>>
      %dma_start3A_389 = arith.constant 0 : i32
      %dma_start3A_390 = arith.constant 0 : i32
      %dma_start3A_391 = tpu.memref_slice %arg20[%add3A, %run_scoped3A_385, %dma_start3A_389, %dma_start3A_390] : memref<32x4x8x512xi32, #tpu.memory_space<hbm>> -> memref<1x1x8x512xi32, #tpu.memory_space<hbm>>
      %dma_start3A_392 = tpu.memref_squeeze %dma_start3A_391 : memref<1x1x8x512xi32, #tpu.memory_space<hbm>> -> memref<8x512xi32, #tpu.memory_space<hbm>>
      %dma_start3A_393 = arith.constant 0 : i32
      %dma_start3A_394 = arith.constant 0 : i32
      %dma_start3A_395 = tpu.memref_slice %arg20[%add3A, %run_scoped3A_385, %dma_start3A_393, %dma_start3A_394] : memref<32x4x8x512xi32, #tpu.memory_space<hbm>> -> memref<1x1x8x512xi32, #tpu.memory_space<hbm>>
      %dma_start3A_396 = tpu.memref_squeeze %dma_start3A_395 : memref<1x1x8x512xi32, #tpu.memory_space<hbm>> -> memref<8x512xi32, #tpu.memory_space<hbm>>
      tpu.enqueue_dma source(%arg24 : memref<8x512xi32, #tpu.memory_space<vmem>>) target(%dma_start3A_396 : memref<8x512xi32, #tpu.memory_space<hbm>>) target_semaphore(%run_scoped3A_388 : memref<!tpu.dma_semaphore, #tpu.memory_space<semaphore_mem>>)
      %dma_wait3A_397 = arith.constant 0 : i32
      %dma_wait3A_398 = arith.constant 0 : i32
      %dma_wait3A_399 = tpu.memref_slice %arg20[%add3A, %run_scoped3A_385, %dma_wait3A_397, %dma_wait3A_398] : memref<32x4x8x512xi32, #tpu.memory_space<hbm>> -> memref<1x1x8x512xi32, #tpu.memory_space<hbm>>
      %dma_wait3A_400 = tpu.memref_squeeze %dma_wait3A_399 : memref<1x1x8x512xi32, #tpu.memory_space<hbm>> -> memref<8x512xi32, #tpu.memory_space<hbm>>
      %dma_wait3A_401 = arith.constant 0 : i32
      %dma_wait3A_402 = arith.constant 0 : i32
      %dma_wait3A_403 = tpu.memref_slice %arg20[%add3A, %run_scoped3A_385, %dma_wait3A_401, %dma_wait3A_402] : memref<32x4x8x512xi32, #tpu.memory_space<hbm>> -> memref<1x1x8x512xi32, #tpu.memory_space<hbm>>
      %dma_wait3A_404 = tpu.memref_squeeze %dma_wait3A_403 : memref<1x1x8x512xi32, #tpu.memory_space<hbm>> -> memref<8x512xi32, #tpu.memory_space<hbm>>
      tpu.wait_dma2 semaphore(%run_scoped3A_388 : memref<!tpu.dma_semaphore, #tpu.memory_space<semaphore_mem>>) src(%arg24 : memref<8x512xi32, #tpu.memory_space<vmem>>) dst(%dma_wait3A_404 : memref<8x512xi32, #tpu.memory_space<hbm>>)
      tpu.yield
    }) : () -> ()
    %run_scoped3A_386 = arith.constant 2 : i32
    "tpu.region"() ({
      %run_scoped3A_388 = tpu.sem_alloc : memref<!tpu.dma_semaphore, #tpu.memory_space<semaphore_mem>>
      %dma_start3A_389 = arith.constant 0 : i32
      %dma_start3A_390 = arith.constant 0 : i32
      %dma_start3A_391 = tpu.memref_slice %arg20[%add3A, %run_scoped3A_386, %dma_start3A_389, %dma_start3A_390] : memref<32x4x8x512xi32, #tpu.memory_space<hbm>> -> memref<1x1x8x512xi32, #tpu.memory_space<hbm>>
      %dma_start3A_392 = tpu.memref_squeeze %dma_start3A_391 : memref<1x1x8x512xi32, #tpu.memory_space<hbm>> -> memref<8x512xi32, #tpu.memory_space<hbm>>
      %dma_start3A_393 = arith.constant 0 : i32
      %dma_start3A_394 = arith.constant 0 : i32
      %dma_start3A_395 = tpu.memref_slice %arg20[%add3A, %run_scoped3A_386, %dma_start3A_393, %dma_start3A_394] : memref<32x4x8x512xi32, #tpu.memory_space<hbm>> -> memref<1x1x8x512xi32, #tpu.memory_space<hbm>>
      %dma_start3A_396 = tpu.memref_squeeze %dma_start3A_395 : memref<1x1x8x512xi32, #tpu.memory_space<hbm>> -> memref<8x512xi32, #tpu.memory_space<hbm>>
      tpu.enqueue_dma source(%arg25 : memref<8x512xi32, #tpu.memory_space<vmem>>) target(%dma_start3A_396 : memref<8x512xi32, #tpu.memory_space<hbm>>) target_semaphore(%run_scoped3A_388 : memref<!tpu.dma_semaphore, #tpu.memory_space<semaphore_mem>>)
      %dma_wait3A_397 = arith.constant 0 : i32
      %dma_wait3A_398 = arith.constant 0 : i32
      %dma_wait3A_399 = tpu.memref_slice %arg20[%add3A, %run_scoped3A_386, %dma_wait3A_397, %dma_wait3A_398] : memref<32x4x8x512xi32, #tpu.memory_space<hbm>> -> memref<1x1x8x512xi32, #tpu.memory_space<hbm>>
      %dma_wait3A_400 = tpu.memref_squeeze %dma_wait3A_399 : memref<1x1x8x512xi32, #tpu.memory_space<hbm>> -> memref<8x512xi32, #tpu.memory_space<hbm>>
      %dma_wait3A_401 = arith.constant 0 : i32
      %dma_wait3A_402 = arith.constant 0 : i32
      %dma_wait3A_403 = tpu.memref_slice %arg20[%add3A, %run_scoped3A_386, %dma_wait3A_401, %dma_wait3A_402] : memref<32x4x8x512xi32, #tpu.memory_space<hbm>> -> memref<1x1x8x512xi32, #tpu.memory_space<hbm>>
      %dma_wait3A_404 = tpu.memref_squeeze %dma_wait3A_403 : memref<1x1x8x512xi32, #tpu.memory_space<hbm>> -> memref<8x512xi32, #tpu.memory_space<hbm>>
      tpu.wait_dma2 semaphore(%run_scoped3A_388 : memref<!tpu.dma_semaphore, #tpu.memory_space<semaphore_mem>>) src(%arg25 : memref<8x512xi32, #tpu.memory_space<vmem>>) dst(%dma_wait3A_404 : memref<8x512xi32, #tpu.memory_space<hbm>>)
      tpu.yield
    }) : () -> ()
    %run_scoped3A_387 = arith.constant 3 : i32
    "tpu.region"() ({
      %run_scoped3A_388 = tpu.sem_alloc : memref<!tpu.dma_semaphore, #tpu.memory_space<semaphore_mem>>
      %dma_start3A_389 = arith.constant 0 : i32
      %dma_start3A_390 = arith.constant 0 : i32
      %dma_start3A_391 = tpu.memref_slice %arg20[%add3A, %run_scoped3A_387, %dma_start3A_389, %dma_start3A_390] : memref<32x4x8x512xi32, #tpu.memory_space<hbm>> -> memref<1x1x8x512xi32, #tpu.memory_space<hbm>>
      %dma_start3A_392 = tpu.memref_squeeze %dma_start3A_391 : memref<1x1x8x512xi32, #tpu.memory_space<hbm>> -> memref<8x512xi32, #tpu.memory_space<hbm>>
      %dma_start3A_393 = arith.constant 0 : i32
      %dma_start3A_394 = arith.constant 0 : i32
      %dma_start3A_395 = tpu.memref_slice %arg20[%add3A, %run_scoped3A_387, %dma_start3A_393, %dma_start3A_394] : memref<32x4x8x512xi32, #tpu.memory_space<hbm>> -> memref<1x1x8x512xi32, #tpu.memory_space<hbm>>
      %dma_start3A_396 = tpu.memref_squeeze %dma_start3A_395 : memref<1x1x8x512xi32, #tpu.memory_space<hbm>> -> memref<8x512xi32, #tpu.memory_space<hbm>>
      tpu.enqueue_dma source(%arg26 : memref<8x512xi32, #tpu.memory_space<vmem>>) target(%dma_start3A_396 : memref<8x512xi32, #tpu.memory_space<hbm>>) target_semaphore(%run_scoped3A_388 : memref<!tpu.dma_semaphore, #tpu.memory_space<semaphore_mem>>)
      %dma_wait3A_397 = arith.constant 0 : i32
      %dma_wait3A_398 = arith.constant 0 : i32
      %dma_wait3A_399 = tpu.memref_slice %arg20[%add3A, %run_scoped3A_387, %dma_wait3A_397, %dma_wait3A_398] : memref<32x4x8x512xi32, #tpu.memory_space<hbm>> -> memref<1x1x8x512xi32, #tpu.memory_space<hbm>>
      %dma_wait3A_400 = tpu.memref_squeeze %dma_wait3A_399 : memref<1x1x8x512xi32, #tpu.memory_space<hbm>> -> memref<8x512xi32, #tpu.memory_space<hbm>>
      %dma_wait3A_401 = arith.constant 0 : i32
      %dma_wait3A_402 = arith.constant 0 : i32
      %dma_wait3A_403 = tpu.memref_slice %arg20[%add3A, %run_scoped3A_387, %dma_wait3A_401, %dma_wait3A_402] : memref<32x4x8x512xi32, #tpu.memory_space<hbm>> -> memref<1x1x8x512xi32, #tpu.memory_space<hbm>>
      %dma_wait3A_404 = tpu.memref_squeeze %dma_wait3A_403 : memref<1x1x8x512xi32, #tpu.memory_space<hbm>> -> memref<8x512xi32, #tpu.memory_space<hbm>>
      tpu.wait_dma2 semaphore(%run_scoped3A_388 : memref<!tpu.dma_semaphore, #tpu.memory_space<semaphore_mem>>) src(%arg26 : memref<8x512xi32, #tpu.memory_space<vmem>>) dst(%dma_wait3A_404 : memref<8x512xi32, #tpu.memory_space<hbm>>)
      tpu.yield
    }) : () -> ()
    return
  }
}

module attributes {stable_mosaic.version = 14 : i64} {
  func.func @_tc_entity_kernel(%arg0: i32, %arg1: memref<1xf32, #tpu.memory_space<smem>>, %arg2: memref<16x65536xf32, #tpu.memory_space<vmem>>, %arg3: memref<65536xi32, #tpu.memory_space<vmem>>, %arg4: memref<65536xi32, #tpu.memory_space<vmem>>, %arg5: memref<65536xi32, #tpu.memory_space<vmem>>, %arg6: memref<65536xi32, #tpu.memory_space<vmem>>, %arg7: memref<65536xi32, #tpu.memory_space<vmem>>, %arg8: memref<65536xi32, #tpu.memory_space<vmem>>, %arg9: memref<65536xi32, #tpu.memory_space<vmem>>, %arg10: memref<65536xi32, #tpu.memory_space<vmem>>, %arg11: memref<1x1xf32, #tpu.memory_space<smem>>) attributes {dimension_semantics = [#tpu.dimension_semantics<arbitrary>], iteration_bounds = array<i64: 16>, scalar_prefetch = 0 : i64, scratch_operands = 0 : i64, tpu.core_type = #tpu.core_type<tc>, window_params = [{transform_indices = @transform_0, window_bounds = array<i64: 1>}, {transform_indices = @transform_1, window_bounds = array<i64: 16, 65536>}, {transform_indices = @transform_2, window_bounds = array<i64: 65536>}, {transform_indices = @transform_3, window_bounds = array<i64: 65536>}, {transform_indices = @transform_4, window_bounds = array<i64: 65536>}, {transform_indices = @transform_5, window_bounds = array<i64: 65536>}, {transform_indices = @transform_6, window_bounds = array<i64: 65536>}, {transform_indices = @transform_7, window_bounds = array<i64: 65536>}, {transform_indices = @transform_8, window_bounds = array<i64: 65536>}, {transform_indices = @transform_9, window_bounds = array<i64: 65536>}, {transform_indices = @transform_10, window_bounds = array<i64: 1, 1>}]} {
    %get3A = arith.constant 0 : index
    %get3A_0 = arith.constant 0 : index
    %get3A_1 = vector.load %arg2[%get3A, %get3A_0] : memref<16x65536xf32, #tpu.memory_space<vmem>>, vector<16x65536xf32>
    %bitcast_convert_type3A = tpu.bitcast %get3A_1 : vector<16x65536xf32> -> vector<16x65536xi32>
    %slice3A = vector.extract_strided_slice %bitcast_convert_type3A {offsets = [0, 0], sizes = [1, 65536], strides = [1, 1]} : vector<16x65536xi32> to vector<1x65536xi32>
    %squeeze3A = vector.shape_cast %slice3A : vector<1x65536xi32> to vector<65536xi32>
    %shift_right_logical3A = arith.constant 16 : i32
    %shift_right_logical3A_2 = vector.broadcast %shift_right_logical3A : i32 to vector<65536xi32>
    %shift_right_logical3A_3 = arith.shrui %squeeze3A, %shift_right_logical3A_2 : vector<65536xi32>
    %slice3A_4 = vector.extract_strided_slice %bitcast_convert_type3A {offsets = [1, 0], sizes = [1, 65536], strides = [1, 1]} : vector<16x65536xi32> to vector<1x65536xi32>
    %squeeze3A_5 = vector.shape_cast %slice3A_4 : vector<1x65536xi32> to vector<65536xi32>
    %and3A = arith.constant -65536 : i32
    %and3A_6 = vector.broadcast %and3A : i32 to vector<65536xi32>
    %and3A_7 = arith.andi %squeeze3A_5, %and3A_6 : vector<65536xi32>
    %or3A = arith.ori %shift_right_logical3A_3, %and3A_7 : vector<65536xi32>
    %slice3A_8 = vector.extract_strided_slice %bitcast_convert_type3A {offsets = [2, 0], sizes = [1, 65536], strides = [1, 1]} : vector<16x65536xi32> to vector<1x65536xi32>
    %squeeze3A_9 = vector.shape_cast %slice3A_8 : vector<1x65536xi32> to vector<65536xi32>
    %shift_right_logical3A_10 = arith.constant 16 : i32
    %shift_right_logical3A_11 = vector.broadcast %shift_right_logical3A_10 : i32 to vector<65536xi32>
    %shift_right_logical3A_12 = arith.shrui %squeeze3A_9, %shift_right_logical3A_11 : vector<65536xi32>
    %slice3A_13 = vector.extract_strided_slice %bitcast_convert_type3A {offsets = [3, 0], sizes = [1, 65536], strides = [1, 1]} : vector<16x65536xi32> to vector<1x65536xi32>
    %squeeze3A_14 = vector.shape_cast %slice3A_13 : vector<1x65536xi32> to vector<65536xi32>
    %and3A_15 = arith.constant -65536 : i32
    %and3A_16 = vector.broadcast %and3A_15 : i32 to vector<65536xi32>
    %and3A_17 = arith.andi %squeeze3A_14, %and3A_16 : vector<65536xi32>
    %or3A_18 = arith.ori %shift_right_logical3A_12, %and3A_17 : vector<65536xi32>
    %slice3A_19 = vector.extract_strided_slice %bitcast_convert_type3A {offsets = [4, 0], sizes = [1, 65536], strides = [1, 1]} : vector<16x65536xi32> to vector<1x65536xi32>
    %squeeze3A_20 = vector.shape_cast %slice3A_19 : vector<1x65536xi32> to vector<65536xi32>
    %shift_right_logical3A_21 = arith.constant 16 : i32
    %shift_right_logical3A_22 = vector.broadcast %shift_right_logical3A_21 : i32 to vector<65536xi32>
    %shift_right_logical3A_23 = arith.shrui %squeeze3A_20, %shift_right_logical3A_22 : vector<65536xi32>
    %slice3A_24 = vector.extract_strided_slice %bitcast_convert_type3A {offsets = [5, 0], sizes = [1, 65536], strides = [1, 1]} : vector<16x65536xi32> to vector<1x65536xi32>
    %squeeze3A_25 = vector.shape_cast %slice3A_24 : vector<1x65536xi32> to vector<65536xi32>
    %and3A_26 = arith.constant -65536 : i32
    %and3A_27 = vector.broadcast %and3A_26 : i32 to vector<65536xi32>
    %and3A_28 = arith.andi %squeeze3A_25, %and3A_27 : vector<65536xi32>
    %or3A_29 = arith.ori %shift_right_logical3A_23, %and3A_28 : vector<65536xi32>
    %slice3A_30 = vector.extract_strided_slice %bitcast_convert_type3A {offsets = [6, 0], sizes = [1, 65536], strides = [1, 1]} : vector<16x65536xi32> to vector<1x65536xi32>
    %squeeze3A_31 = vector.shape_cast %slice3A_30 : vector<1x65536xi32> to vector<65536xi32>
    %shift_right_logical3A_32 = arith.constant 16 : i32
    %shift_right_logical3A_33 = vector.broadcast %shift_right_logical3A_32 : i32 to vector<65536xi32>
    %shift_right_logical3A_34 = arith.shrui %squeeze3A_31, %shift_right_logical3A_33 : vector<65536xi32>
    %slice3A_35 = vector.extract_strided_slice %bitcast_convert_type3A {offsets = [7, 0], sizes = [1, 65536], strides = [1, 1]} : vector<16x65536xi32> to vector<1x65536xi32>
    %squeeze3A_36 = vector.shape_cast %slice3A_35 : vector<1x65536xi32> to vector<65536xi32>
    %and3A_37 = arith.constant -65536 : i32
    %and3A_38 = vector.broadcast %and3A_37 : i32 to vector<65536xi32>
    %and3A_39 = arith.andi %squeeze3A_36, %and3A_38 : vector<65536xi32>
    %or3A_40 = arith.ori %shift_right_logical3A_34, %and3A_39 : vector<65536xi32>
    %slice3A_41 = vector.extract_strided_slice %bitcast_convert_type3A {offsets = [8, 0], sizes = [1, 65536], strides = [1, 1]} : vector<16x65536xi32> to vector<1x65536xi32>
    %squeeze3A_42 = vector.shape_cast %slice3A_41 : vector<1x65536xi32> to vector<65536xi32>
    %shift_right_logical3A_43 = arith.constant 16 : i32
    %shift_right_logical3A_44 = vector.broadcast %shift_right_logical3A_43 : i32 to vector<65536xi32>
    %shift_right_logical3A_45 = arith.shrui %squeeze3A_42, %shift_right_logical3A_44 : vector<65536xi32>
    %slice3A_46 = vector.extract_strided_slice %bitcast_convert_type3A {offsets = [9, 0], sizes = [1, 65536], strides = [1, 1]} : vector<16x65536xi32> to vector<1x65536xi32>
    %squeeze3A_47 = vector.shape_cast %slice3A_46 : vector<1x65536xi32> to vector<65536xi32>
    %and3A_48 = arith.constant -65536 : i32
    %and3A_49 = vector.broadcast %and3A_48 : i32 to vector<65536xi32>
    %and3A_50 = arith.andi %squeeze3A_47, %and3A_49 : vector<65536xi32>
    %or3A_51 = arith.ori %shift_right_logical3A_45, %and3A_50 : vector<65536xi32>
    %slice3A_52 = vector.extract_strided_slice %bitcast_convert_type3A {offsets = [10, 0], sizes = [1, 65536], strides = [1, 1]} : vector<16x65536xi32> to vector<1x65536xi32>
    %squeeze3A_53 = vector.shape_cast %slice3A_52 : vector<1x65536xi32> to vector<65536xi32>
    %shift_right_logical3A_54 = arith.constant 16 : i32
    %shift_right_logical3A_55 = vector.broadcast %shift_right_logical3A_54 : i32 to vector<65536xi32>
    %shift_right_logical3A_56 = arith.shrui %squeeze3A_53, %shift_right_logical3A_55 : vector<65536xi32>
    %slice3A_57 = vector.extract_strided_slice %bitcast_convert_type3A {offsets = [11, 0], sizes = [1, 65536], strides = [1, 1]} : vector<16x65536xi32> to vector<1x65536xi32>
    %squeeze3A_58 = vector.shape_cast %slice3A_57 : vector<1x65536xi32> to vector<65536xi32>
    %and3A_59 = arith.constant -65536 : i32
    %and3A_60 = vector.broadcast %and3A_59 : i32 to vector<65536xi32>
    %and3A_61 = arith.andi %squeeze3A_58, %and3A_60 : vector<65536xi32>
    %or3A_62 = arith.ori %shift_right_logical3A_56, %and3A_61 : vector<65536xi32>
    %slice3A_63 = vector.extract_strided_slice %bitcast_convert_type3A {offsets = [12, 0], sizes = [1, 65536], strides = [1, 1]} : vector<16x65536xi32> to vector<1x65536xi32>
    %squeeze3A_64 = vector.shape_cast %slice3A_63 : vector<1x65536xi32> to vector<65536xi32>
    %shift_right_logical3A_65 = arith.constant 16 : i32
    %shift_right_logical3A_66 = vector.broadcast %shift_right_logical3A_65 : i32 to vector<65536xi32>
    %shift_right_logical3A_67 = arith.shrui %squeeze3A_64, %shift_right_logical3A_66 : vector<65536xi32>
    %slice3A_68 = vector.extract_strided_slice %bitcast_convert_type3A {offsets = [13, 0], sizes = [1, 65536], strides = [1, 1]} : vector<16x65536xi32> to vector<1x65536xi32>
    %squeeze3A_69 = vector.shape_cast %slice3A_68 : vector<1x65536xi32> to vector<65536xi32>
    %and3A_70 = arith.constant -65536 : i32
    %and3A_71 = vector.broadcast %and3A_70 : i32 to vector<65536xi32>
    %and3A_72 = arith.andi %squeeze3A_69, %and3A_71 : vector<65536xi32>
    %or3A_73 = arith.ori %shift_right_logical3A_67, %and3A_72 : vector<65536xi32>
    %slice3A_74 = vector.extract_strided_slice %bitcast_convert_type3A {offsets = [14, 0], sizes = [1, 65536], strides = [1, 1]} : vector<16x65536xi32> to vector<1x65536xi32>
    %squeeze3A_75 = vector.shape_cast %slice3A_74 : vector<1x65536xi32> to vector<65536xi32>
    %shift_right_logical3A_76 = arith.constant 16 : i32
    %shift_right_logical3A_77 = vector.broadcast %shift_right_logical3A_76 : i32 to vector<65536xi32>
    %shift_right_logical3A_78 = arith.shrui %squeeze3A_75, %shift_right_logical3A_77 : vector<65536xi32>
    %slice3A_79 = vector.extract_strided_slice %bitcast_convert_type3A {offsets = [15, 0], sizes = [1, 65536], strides = [1, 1]} : vector<16x65536xi32> to vector<1x65536xi32>
    %squeeze3A_80 = vector.shape_cast %slice3A_79 : vector<1x65536xi32> to vector<65536xi32>
    %and3A_81 = arith.constant -65536 : i32
    %and3A_82 = vector.broadcast %and3A_81 : i32 to vector<65536xi32>
    %and3A_83 = arith.andi %squeeze3A_80, %and3A_82 : vector<65536xi32>
    %or3A_84 = arith.ori %shift_right_logical3A_78, %and3A_83 : vector<65536xi32>
    %swap3A = arith.constant 0 : index
    %swap3A_85 = vector.load %arg3[%swap3A] : memref<65536xi32, #tpu.memory_space<vmem>>, vector<65536xi32>
    tpu.vector_store %arg3[%swap3A], %or3A {strides = array<i32>} : memref<65536xi32, #tpu.memory_space<vmem>>, vector<65536xi32>,
    %swap3A_86 = arith.constant 0 : index
    %swap3A_87 = vector.load %arg4[%swap3A_86] : memref<65536xi32, #tpu.memory_space<vmem>>, vector<65536xi32>
    tpu.vector_store %arg4[%swap3A_86], %or3A_18 {strides = array<i32>} : memref<65536xi32, #tpu.memory_space<vmem>>, vector<65536xi32>,
    %swap3A_88 = arith.constant 0 : index
    %swap3A_89 = vector.load %arg5[%swap3A_88] : memref<65536xi32, #tpu.memory_space<vmem>>, vector<65536xi32>
    tpu.vector_store %arg5[%swap3A_88], %or3A_29 {strides = array<i32>} : memref<65536xi32, #tpu.memory_space<vmem>>, vector<65536xi32>,
    %swap3A_90 = arith.constant 0 : index
    %swap3A_91 = vector.load %arg6[%swap3A_90] : memref<65536xi32, #tpu.memory_space<vmem>>, vector<65536xi32>
    tpu.vector_store %arg6[%swap3A_90], %or3A_40 {strides = array<i32>} : memref<65536xi32, #tpu.memory_space<vmem>>, vector<65536xi32>,
    %swap3A_92 = arith.constant 0 : index
    %swap3A_93 = vector.load %arg7[%swap3A_92] : memref<65536xi32, #tpu.memory_space<vmem>>, vector<65536xi32>
    tpu.vector_store %arg7[%swap3A_92], %or3A_51 {strides = array<i32>} : memref<65536xi32, #tpu.memory_space<vmem>>, vector<65536xi32>,
    %swap3A_94 = arith.constant 0 : index
    %swap3A_95 = vector.load %arg8[%swap3A_94] : memref<65536xi32, #tpu.memory_space<vmem>>, vector<65536xi32>
    tpu.vector_store %arg8[%swap3A_94], %or3A_62 {strides = array<i32>} : memref<65536xi32, #tpu.memory_space<vmem>>, vector<65536xi32>,
    %swap3A_96 = arith.constant 0 : index
    %swap3A_97 = vector.load %arg9[%swap3A_96] : memref<65536xi32, #tpu.memory_space<vmem>>, vector<65536xi32>
    tpu.vector_store %arg9[%swap3A_96], %or3A_73 {strides = array<i32>} : memref<65536xi32, #tpu.memory_space<vmem>>, vector<65536xi32>,
    %swap3A_98 = arith.constant 0 : index
    %swap3A_99 = vector.load %arg10[%swap3A_98] : memref<65536xi32, #tpu.memory_space<vmem>>, vector<65536xi32>
    tpu.vector_store %arg10[%swap3A_98], %or3A_84 {strides = array<i32>} : memref<65536xi32, #tpu.memory_space<vmem>>, vector<65536xi32>,
    %iota3A = tpu.iota {dimensions = array<i32: 1>} : vector<1x65536xi32>
    %mul3A = arith.constant 65536 : i32
    %mul3A_100 = arith.muli %arg0, %mul3A : i32
    %add3A = vector.broadcast %mul3A_100 : i32 to vector<1x65536xi32>
    %add3A_101 = arith.addi %iota3A, %add3A : vector<1x65536xi32>
    %lt3A = arith.constant 1000000 : i32
    %lt3A_102 = vector.broadcast %lt3A : i32 to vector<1x65536xi32>
    %lt3A_103 = arith.cmpi slt, %add3A_101, %lt3A_102 : vector<1x65536xi32>
    %mul3A_104 = arith.mulf %get3A_1, %get3A_1 : vector<16x65536xf32>
    %reduce_sum3A = arith.constant dense<0.000000e+00> : vector<65536xf32>
    %reduce_sum3A_105 = vector.multi_reduction <add>, %mul3A_104, %reduce_sum3A [0] : vector<16x65536xf32> to vector<65536xf32>
    %broadcast_in_dim3A = vector.shape_cast %reduce_sum3A_105 : vector<65536xf32> to vector<1x65536xf32>
    %jit3A = arith.constant 0.000000e+00 : f32
    %broadcast_in_dim3A_106 = vector.broadcast %jit3A : f32 to vector<1x65536xf32>
    %select_n3A = arith.select %lt3A_103, %broadcast_in_dim3A, %broadcast_in_dim3A_106 : vector<1x65536xi1>, vector<1x65536xf32>
    %eq3A = arith.constant 0 : i32
    %eq3A_107 = arith.cmpi eq, %arg0, %eq3A : i32
    %convert_element_type3A = arith.extui %eq3A_107 : i1 to i32
    %cond3A = arith.constant 0 : i32
    %cond3A_108 = arith.cmpi ne, %convert_element_type3A, %cond3A : i32
    scf.if %cond3A_108 {
      %swap3A_126 = arith.constant 0.000000e+00 : f32
      %swap3A_127 = arith.constant 0 : index
      %swap3A_128 = arith.constant 0 : index
      %swap3A_129 = memref.load %arg11[%swap3A_127, %swap3A_128] : memref<1x1xf32, #tpu.memory_space<smem>>
      memref.store %swap3A_126, %arg11[%swap3A_127, %swap3A_128] : memref<1x1xf32, #tpu.memory_space<smem>>
    } else {
    }
    %get3A_109 = arith.constant 0 : index
    %get3A_110 = arith.constant 0 : index
    %get3A_111 = memref.load %arg11[%get3A_109, %get3A_110] : memref<1x1xf32, #tpu.memory_space<smem>>
    %reduce_sum3A_112 = vector.shape_cast %select_n3A : vector<1x65536xf32> to vector<1x1x65536xf32>
    %reduce_sum3A_113 = arith.constant dense<0.000000e+00> : vector<1xf32>
    %reduce_sum3A_114 = vector.multi_reduction <add>, %reduce_sum3A_112, %reduce_sum3A_113 [1, 2] : vector<1x1x65536xf32> to vector<1xf32>
    %reduce_sum3A_115 = vector.shape_cast %reduce_sum3A_114 : vector<1xf32> to vector<1x1x1xf32>
    %reduce_sum3A_116 = vector.extract %reduce_sum3A_115[0, 0, 0] : f32 from vector<1x1x1xf32>
    %add3A_117 = arith.addf %get3A_111, %reduce_sum3A_116 : f32
    %swap3A_118 = arith.constant 0 : index
    %swap3A_119 = arith.constant 0 : index
    %swap3A_120 = memref.load %arg11[%swap3A_118, %swap3A_119] : memref<1x1xf32, #tpu.memory_space<smem>>
    memref.store %add3A_117, %arg11[%swap3A_118, %swap3A_119] : memref<1x1xf32, #tpu.memory_space<smem>>
    %eq3A_121 = arith.constant 15 : i32
    %eq3A_122 = arith.cmpi eq, %arg0, %eq3A_121 : i32
    %convert_element_type3A_123 = arith.extui %eq3A_122 : i1 to i32
    %cond3A_124 = arith.constant 0 : i32
    %cond3A_125 = arith.cmpi ne, %convert_element_type3A_123, %cond3A_124 : i32
    scf.if %cond3A_125 {
      %get3A_126 = arith.constant 0 : index
      %get3A_127 = memref.load %arg1[%get3A_126] : memref<1xf32, #tpu.memory_space<smem>>
      %get3A_128 = arith.constant 0 : index
      %get3A_129 = arith.constant 0 : index
      %get3A_130 = memref.load %arg11[%get3A_128, %get3A_129] : memref<1x1xf32, #tpu.memory_space<smem>>
      %sub3A = arith.constant 9.99999995E+11 : f32
      %sub3A_131 = arith.subf %sub3A, %get3A_130 : f32
      %mul3A_132 = arith.constant 2.500000e-01 : f32
      %mul3A_133 = arith.mulf %mul3A_132, %sub3A_131 : f32
      %add3A_134 = arith.addf %get3A_127, %mul3A_133 : f32
      %swap3A_135 = arith.constant 0 : index
      %swap3A_136 = arith.constant 0 : index
      %swap3A_137 = memref.load %arg11[%swap3A_135, %swap3A_136] : memref<1x1xf32, #tpu.memory_space<smem>>
      memref.store %add3A_134, %arg11[%swap3A_135, %swap3A_136] : memref<1x1xf32, #tpu.memory_space<smem>>
    } else {
    }
    return
  }
  func.func @transform_0(%arg0: i32) -> i32 {
    %c0_i32 = arith.constant 0 : i32
    %c0_i32_0 = arith.constant 0 : i32
    return %c0_i32 : i32
  }
  func.func @transform_1(%arg0: i32) -> (i32, i32) {
    %c0_i32 = arith.constant 0 : i32
    %c0_i32_0 = arith.constant 0 : i32
    return %c0_i32, %arg0 : i32, i32
  }
  func.func @transform_2(%arg0: i32) -> i32 {
    %c0_i32 = arith.constant 0 : i32
    return %arg0 : i32
  }
  func.func @transform_3(%arg0: i32) -> i32 {
    %c0_i32 = arith.constant 0 : i32
    return %arg0 : i32
  }
  func.func @transform_4(%arg0: i32) -> i32 {
    %c0_i32 = arith.constant 0 : i32
    return %arg0 : i32
  }
  func.func @transform_5(%arg0: i32) -> i32 {
    %c0_i32 = arith.constant 0 : i32
    return %arg0 : i32
  }
  func.func @transform_6(%arg0: i32) -> i32 {
    %c0_i32 = arith.constant 0 : i32
    return %arg0 : i32
  }
  func.func @transform_7(%arg0: i32) -> i32 {
    %c0_i32 = arith.constant 0 : i32
    return %arg0 : i32
  }
  func.func @transform_8(%arg0: i32) -> i32 {
    %c0_i32 = arith.constant 0 : i32
    return %arg0 : i32
  }
  func.func @transform_9(%arg0: i32) -> i32 {
    %c0_i32 = arith.constant 0 : i32
    return %arg0 : i32
  }
  func.func @transform_10(%arg0: i32) -> (i32, i32) {
    %c0_i32 = arith.constant 0 : i32
    %c0_i32_0 = arith.constant 0 : i32
    %c0_i32_1 = arith.constant 0 : i32
    return %c0_i32, %c0_i32_0 : i32, i32
  }
}

module attributes {stable_mosaic.version = 14 : i64} {
  func.func @_tc_rel_kernel(%arg0: i32, %arg1: memref<1xf32, #tpu.memory_space<smem>>, %arg2: memref<16x65536xf32, #tpu.memory_space<vmem>>, %arg3: memref<16x65536xf32, #tpu.memory_space<vmem>>, %arg4: memref<65536xi32, #tpu.memory_space<vmem>>, %arg5: memref<65536xi32, #tpu.memory_space<vmem>>, %arg6: memref<65536xi32, #tpu.memory_space<vmem>>, %arg7: memref<65536xi32, #tpu.memory_space<vmem>>, %arg8: memref<65536xi32, #tpu.memory_space<vmem>>, %arg9: memref<65536xi32, #tpu.memory_space<vmem>>, %arg10: memref<65536xi32, #tpu.memory_space<vmem>>, %arg11: memref<65536xi32, #tpu.memory_space<vmem>>, %arg12: memref<65536xi32, #tpu.memory_space<vmem>>, %arg13: memref<65536xi32, #tpu.memory_space<vmem>>, %arg14: memref<65536xi32, #tpu.memory_space<vmem>>, %arg15: memref<65536xi32, #tpu.memory_space<vmem>>, %arg16: memref<65536xi32, #tpu.memory_space<vmem>>, %arg17: memref<65536xi32, #tpu.memory_space<vmem>>, %arg18: memref<65536xi32, #tpu.memory_space<vmem>>, %arg19: memref<65536xi32, #tpu.memory_space<vmem>>, %arg20: memref<1x1xf32, #tpu.memory_space<smem>>) attributes {dimension_semantics = [#tpu.dimension_semantics<arbitrary>], iteration_bounds = array<i64: 2>, scalar_prefetch = 0 : i64, scratch_operands = 0 : i64, tpu.core_type = #tpu.core_type<tc>, window_params = [{transform_indices = @transform_0, window_bounds = array<i64: 1>}, {transform_indices = @transform_1, window_bounds = array<i64: 16, 65536>}, {transform_indices = @transform_2, window_bounds = array<i64: 16, 65536>}, {transform_indices = @transform_3, window_bounds = array<i64: 65536>}, {transform_indices = @transform_4, window_bounds = array<i64: 65536>}, {transform_indices = @transform_5, window_bounds = array<i64: 65536>}, {transform_indices = @transform_6, window_bounds = array<i64: 65536>}, {transform_indices = @transform_7, window_bounds = array<i64: 65536>}, {transform_indices = @transform_8, window_bounds = array<i64: 65536>}, {transform_indices = @transform_9, window_bounds = array<i64: 65536>}, {transform_indices = @transform_10, window_bounds = array<i64: 65536>}, {transform_indices = @transform_11, window_bounds = array<i64: 65536>}, {transform_indices = @transform_12, window_bounds = array<i64: 65536>}, {transform_indices = @transform_13, window_bounds = array<i64: 65536>}, {transform_indices = @transform_14, window_bounds = array<i64: 65536>}, {transform_indices = @transform_15, window_bounds = array<i64: 65536>}, {transform_indices = @transform_16, window_bounds = array<i64: 65536>}, {transform_indices = @transform_17, window_bounds = array<i64: 65536>}, {transform_indices = @transform_18, window_bounds = array<i64: 65536>}, {transform_indices = @transform_19, window_bounds = array<i64: 1, 1>}]} {
    %get3A = arith.constant 0 : index
    %get3A_0 = arith.constant 0 : index
    %get3A_1 = vector.load %arg2[%get3A, %get3A_0] : memref<16x65536xf32, #tpu.memory_space<vmem>>, vector<16x65536xf32>
    %get3A_2 = arith.constant 0 : index
    %get3A_3 = arith.constant 0 : index
    %get3A_4 = vector.load %arg3[%get3A_2, %get3A_3] : memref<16x65536xf32, #tpu.memory_space<vmem>>, vector<16x65536xf32>
    %bitcast_convert_type3A = tpu.bitcast %get3A_1 : vector<16x65536xf32> -> vector<16x65536xi32>
    %slice3A = vector.extract_strided_slice %bitcast_convert_type3A {offsets = [0, 0], sizes = [1, 65536], strides = [1, 1]} : vector<16x65536xi32> to vector<1x65536xi32>
    %squeeze3A = vector.shape_cast %slice3A : vector<1x65536xi32> to vector<65536xi32>
    %shift_right_logical3A = arith.constant 16 : i32
    %shift_right_logical3A_5 = vector.broadcast %shift_right_logical3A : i32 to vector<65536xi32>
    %shift_right_logical3A_6 = arith.shrui %squeeze3A, %shift_right_logical3A_5 : vector<65536xi32>
    %slice3A_7 = vector.extract_strided_slice %bitcast_convert_type3A {offsets = [1, 0], sizes = [1, 65536], strides = [1, 1]} : vector<16x65536xi32> to vector<1x65536xi32>
    %squeeze3A_8 = vector.shape_cast %slice3A_7 : vector<1x65536xi32> to vector<65536xi32>
    %and3A = arith.constant -65536 : i32
    %and3A_9 = vector.broadcast %and3A : i32 to vector<65536xi32>
    %and3A_10 = arith.andi %squeeze3A_8, %and3A_9 : vector<65536xi32>
    %or3A = arith.ori %shift_right_logical3A_6, %and3A_10 : vector<65536xi32>
    %slice3A_11 = vector.extract_strided_slice %bitcast_convert_type3A {offsets = [2, 0], sizes = [1, 65536], strides = [1, 1]} : vector<16x65536xi32> to vector<1x65536xi32>
    %squeeze3A_12 = vector.shape_cast %slice3A_11 : vector<1x65536xi32> to vector<65536xi32>
    %shift_right_logical3A_13 = arith.constant 16 : i32
    %shift_right_logical3A_14 = vector.broadcast %shift_right_logical3A_13 : i32 to vector<65536xi32>
    %shift_right_logical3A_15 = arith.shrui %squeeze3A_12, %shift_right_logical3A_14 : vector<65536xi32>
    %slice3A_16 = vector.extract_strided_slice %bitcast_convert_type3A {offsets = [3, 0], sizes = [1, 65536], strides = [1, 1]} : vector<16x65536xi32> to vector<1x65536xi32>
    %squeeze3A_17 = vector.shape_cast %slice3A_16 : vector<1x65536xi32> to vector<65536xi32>
    %and3A_18 = arith.constant -65536 : i32
    %and3A_19 = vector.broadcast %and3A_18 : i32 to vector<65536xi32>
    %and3A_20 = arith.andi %squeeze3A_17, %and3A_19 : vector<65536xi32>
    %or3A_21 = arith.ori %shift_right_logical3A_15, %and3A_20 : vector<65536xi32>
    %slice3A_22 = vector.extract_strided_slice %bitcast_convert_type3A {offsets = [4, 0], sizes = [1, 65536], strides = [1, 1]} : vector<16x65536xi32> to vector<1x65536xi32>
    %squeeze3A_23 = vector.shape_cast %slice3A_22 : vector<1x65536xi32> to vector<65536xi32>
    %shift_right_logical3A_24 = arith.constant 16 : i32
    %shift_right_logical3A_25 = vector.broadcast %shift_right_logical3A_24 : i32 to vector<65536xi32>
    %shift_right_logical3A_26 = arith.shrui %squeeze3A_23, %shift_right_logical3A_25 : vector<65536xi32>
    %slice3A_27 = vector.extract_strided_slice %bitcast_convert_type3A {offsets = [5, 0], sizes = [1, 65536], strides = [1, 1]} : vector<16x65536xi32> to vector<1x65536xi32>
    %squeeze3A_28 = vector.shape_cast %slice3A_27 : vector<1x65536xi32> to vector<65536xi32>
    %and3A_29 = arith.constant -65536 : i32
    %and3A_30 = vector.broadcast %and3A_29 : i32 to vector<65536xi32>
    %and3A_31 = arith.andi %squeeze3A_28, %and3A_30 : vector<65536xi32>
    %or3A_32 = arith.ori %shift_right_logical3A_26, %and3A_31 : vector<65536xi32>
    %slice3A_33 = vector.extract_strided_slice %bitcast_convert_type3A {offsets = [6, 0], sizes = [1, 65536], strides = [1, 1]} : vector<16x65536xi32> to vector<1x65536xi32>
    %squeeze3A_34 = vector.shape_cast %slice3A_33 : vector<1x65536xi32> to vector<65536xi32>
    %shift_right_logical3A_35 = arith.constant 16 : i32
    %shift_right_logical3A_36 = vector.broadcast %shift_right_logical3A_35 : i32 to vector<65536xi32>
    %shift_right_logical3A_37 = arith.shrui %squeeze3A_34, %shift_right_logical3A_36 : vector<65536xi32>
    %slice3A_38 = vector.extract_strided_slice %bitcast_convert_type3A {offsets = [7, 0], sizes = [1, 65536], strides = [1, 1]} : vector<16x65536xi32> to vector<1x65536xi32>
    %squeeze3A_39 = vector.shape_cast %slice3A_38 : vector<1x65536xi32> to vector<65536xi32>
    %and3A_40 = arith.constant -65536 : i32
    %and3A_41 = vector.broadcast %and3A_40 : i32 to vector<65536xi32>
    %and3A_42 = arith.andi %squeeze3A_39, %and3A_41 : vector<65536xi32>
    %or3A_43 = arith.ori %shift_right_logical3A_37, %and3A_42 : vector<65536xi32>
    %slice3A_44 = vector.extract_strided_slice %bitcast_convert_type3A {offsets = [8, 0], sizes = [1, 65536], strides = [1, 1]} : vector<16x65536xi32> to vector<1x65536xi32>
    %squeeze3A_45 = vector.shape_cast %slice3A_44 : vector<1x65536xi32> to vector<65536xi32>
    %shift_right_logical3A_46 = arith.constant 16 : i32
    %shift_right_logical3A_47 = vector.broadcast %shift_right_logical3A_46 : i32 to vector<65536xi32>
    %shift_right_logical3A_48 = arith.shrui %squeeze3A_45, %shift_right_logical3A_47 : vector<65536xi32>
    %slice3A_49 = vector.extract_strided_slice %bitcast_convert_type3A {offsets = [9, 0], sizes = [1, 65536], strides = [1, 1]} : vector<16x65536xi32> to vector<1x65536xi32>
    %squeeze3A_50 = vector.shape_cast %slice3A_49 : vector<1x65536xi32> to vector<65536xi32>
    %and3A_51 = arith.constant -65536 : i32
    %and3A_52 = vector.broadcast %and3A_51 : i32 to vector<65536xi32>
    %and3A_53 = arith.andi %squeeze3A_50, %and3A_52 : vector<65536xi32>
    %or3A_54 = arith.ori %shift_right_logical3A_48, %and3A_53 : vector<65536xi32>
    %slice3A_55 = vector.extract_strided_slice %bitcast_convert_type3A {offsets = [10, 0], sizes = [1, 65536], strides = [1, 1]} : vector<16x65536xi32> to vector<1x65536xi32>
    %squeeze3A_56 = vector.shape_cast %slice3A_55 : vector<1x65536xi32> to vector<65536xi32>
    %shift_right_logical3A_57 = arith.constant 16 : i32
    %shift_right_logical3A_58 = vector.broadcast %shift_right_logical3A_57 : i32 to vector<65536xi32>
    %shift_right_logical3A_59 = arith.shrui %squeeze3A_56, %shift_right_logical3A_58 : vector<65536xi32>
    %slice3A_60 = vector.extract_strided_slice %bitcast_convert_type3A {offsets = [11, 0], sizes = [1, 65536], strides = [1, 1]} : vector<16x65536xi32> to vector<1x65536xi32>
    %squeeze3A_61 = vector.shape_cast %slice3A_60 : vector<1x65536xi32> to vector<65536xi32>
    %and3A_62 = arith.constant -65536 : i32
    %and3A_63 = vector.broadcast %and3A_62 : i32 to vector<65536xi32>
    %and3A_64 = arith.andi %squeeze3A_61, %and3A_63 : vector<65536xi32>
    %or3A_65 = arith.ori %shift_right_logical3A_59, %and3A_64 : vector<65536xi32>
    %slice3A_66 = vector.extract_strided_slice %bitcast_convert_type3A {offsets = [12, 0], sizes = [1, 65536], strides = [1, 1]} : vector<16x65536xi32> to vector<1x65536xi32>
    %squeeze3A_67 = vector.shape_cast %slice3A_66 : vector<1x65536xi32> to vector<65536xi32>
    %shift_right_logical3A_68 = arith.constant 16 : i32
    %shift_right_logical3A_69 = vector.broadcast %shift_right_logical3A_68 : i32 to vector<65536xi32>
    %shift_right_logical3A_70 = arith.shrui %squeeze3A_67, %shift_right_logical3A_69 : vector<65536xi32>
    %slice3A_71 = vector.extract_strided_slice %bitcast_convert_type3A {offsets = [13, 0], sizes = [1, 65536], strides = [1, 1]} : vector<16x65536xi32> to vector<1x65536xi32>
    %squeeze3A_72 = vector.shape_cast %slice3A_71 : vector<1x65536xi32> to vector<65536xi32>
    %and3A_73 = arith.constant -65536 : i32
    %and3A_74 = vector.broadcast %and3A_73 : i32 to vector<65536xi32>
    %and3A_75 = arith.andi %squeeze3A_72, %and3A_74 : vector<65536xi32>
    %or3A_76 = arith.ori %shift_right_logical3A_70, %and3A_75 : vector<65536xi32>
    %slice3A_77 = vector.extract_strided_slice %bitcast_convert_type3A {offsets = [14, 0], sizes = [1, 65536], strides = [1, 1]} : vector<16x65536xi32> to vector<1x65536xi32>
    %squeeze3A_78 = vector.shape_cast %slice3A_77 : vector<1x65536xi32> to vector<65536xi32>
    %shift_right_logical3A_79 = arith.constant 16 : i32
    %shift_right_logical3A_80 = vector.broadcast %shift_right_logical3A_79 : i32 to vector<65536xi32>
    %shift_right_logical3A_81 = arith.shrui %squeeze3A_78, %shift_right_logical3A_80 : vector<65536xi32>
    %slice3A_82 = vector.extract_strided_slice %bitcast_convert_type3A {offsets = [15, 0], sizes = [1, 65536], strides = [1, 1]} : vector<16x65536xi32> to vector<1x65536xi32>
    %squeeze3A_83 = vector.shape_cast %slice3A_82 : vector<1x65536xi32> to vector<65536xi32>
    %and3A_84 = arith.constant -65536 : i32
    %and3A_85 = vector.broadcast %and3A_84 : i32 to vector<65536xi32>
    %and3A_86 = arith.andi %squeeze3A_83, %and3A_85 : vector<65536xi32>
    %or3A_87 = arith.ori %shift_right_logical3A_81, %and3A_86 : vector<65536xi32>
    %swap3A = arith.constant 0 : index
    %swap3A_88 = vector.load %arg4[%swap3A] : memref<65536xi32, #tpu.memory_space<vmem>>, vector<65536xi32>
    tpu.vector_store %arg4[%swap3A], %or3A {strides = array<i32>} : memref<65536xi32, #tpu.memory_space<vmem>>, vector<65536xi32>,
    %swap3A_89 = arith.constant 0 : index
    %swap3A_90 = vector.load %arg5[%swap3A_89] : memref<65536xi32, #tpu.memory_space<vmem>>, vector<65536xi32>
    tpu.vector_store %arg5[%swap3A_89], %or3A_21 {strides = array<i32>} : memref<65536xi32, #tpu.memory_space<vmem>>, vector<65536xi32>,
    %swap3A_91 = arith.constant 0 : index
    %swap3A_92 = vector.load %arg6[%swap3A_91] : memref<65536xi32, #tpu.memory_space<vmem>>, vector<65536xi32>
    tpu.vector_store %arg6[%swap3A_91], %or3A_32 {strides = array<i32>} : memref<65536xi32, #tpu.memory_space<vmem>>, vector<65536xi32>,
    %swap3A_93 = arith.constant 0 : index
    %swap3A_94 = vector.load %arg7[%swap3A_93] : memref<65536xi32, #tpu.memory_space<vmem>>, vector<65536xi32>
    tpu.vector_store %arg7[%swap3A_93], %or3A_43 {strides = array<i32>} : memref<65536xi32, #tpu.memory_space<vmem>>, vector<65536xi32>,
    %swap3A_95 = arith.constant 0 : index
    %swap3A_96 = vector.load %arg8[%swap3A_95] : memref<65536xi32, #tpu.memory_space<vmem>>, vector<65536xi32>
    tpu.vector_store %arg8[%swap3A_95], %or3A_54 {strides = array<i32>} : memref<65536xi32, #tpu.memory_space<vmem>>, vector<65536xi32>,
    %swap3A_97 = arith.constant 0 : index
    %swap3A_98 = vector.load %arg9[%swap3A_97] : memref<65536xi32, #tpu.memory_space<vmem>>, vector<65536xi32>
    tpu.vector_store %arg9[%swap3A_97], %or3A_65 {strides = array<i32>} : memref<65536xi32, #tpu.memory_space<vmem>>, vector<65536xi32>,
    %swap3A_99 = arith.constant 0 : index
    %swap3A_100 = vector.load %arg10[%swap3A_99] : memref<65536xi32, #tpu.memory_space<vmem>>, vector<65536xi32>
    tpu.vector_store %arg10[%swap3A_99], %or3A_76 {strides = array<i32>} : memref<65536xi32, #tpu.memory_space<vmem>>, vector<65536xi32>,
    %swap3A_101 = arith.constant 0 : index
    %swap3A_102 = vector.load %arg11[%swap3A_101] : memref<65536xi32, #tpu.memory_space<vmem>>, vector<65536xi32>
    tpu.vector_store %arg11[%swap3A_101], %or3A_87 {strides = array<i32>} : memref<65536xi32, #tpu.memory_space<vmem>>, vector<65536xi32>,
    %bitcast_convert_type3A_103 = tpu.bitcast %get3A_4 : vector<16x65536xf32> -> vector<16x65536xi32>
    %slice3A_104 = vector.extract_strided_slice %bitcast_convert_type3A_103 {offsets = [0, 0], sizes = [1, 65536], strides = [1, 1]} : vector<16x65536xi32> to vector<1x65536xi32>
    %squeeze3A_105 = vector.shape_cast %slice3A_104 : vector<1x65536xi32> to vector<65536xi32>
    %shift_right_logical3A_106 = arith.constant 16 : i32
    %shift_right_logical3A_107 = vector.broadcast %shift_right_logical3A_106 : i32 to vector<65536xi32>
    %shift_right_logical3A_108 = arith.shrui %squeeze3A_105, %shift_right_logical3A_107 : vector<65536xi32>
    %slice3A_109 = vector.extract_strided_slice %bitcast_convert_type3A_103 {offsets = [1, 0], sizes = [1, 65536], strides = [1, 1]} : vector<16x65536xi32> to vector<1x65536xi32>
    %squeeze3A_110 = vector.shape_cast %slice3A_109 : vector<1x65536xi32> to vector<65536xi32>
    %and3A_111 = arith.constant -65536 : i32
    %and3A_112 = vector.broadcast %and3A_111 : i32 to vector<65536xi32>
    %and3A_113 = arith.andi %squeeze3A_110, %and3A_112 : vector<65536xi32>
    %or3A_114 = arith.ori %shift_right_logical3A_108, %and3A_113 : vector<65536xi32>
    %slice3A_115 = vector.extract_strided_slice %bitcast_convert_type3A_103 {offsets = [2, 0], sizes = [1, 65536], strides = [1, 1]} : vector<16x65536xi32> to vector<1x65536xi32>
    %squeeze3A_116 = vector.shape_cast %slice3A_115 : vector<1x65536xi32> to vector<65536xi32>
    %shift_right_logical3A_117 = arith.constant 16 : i32
    %shift_right_logical3A_118 = vector.broadcast %shift_right_logical3A_117 : i32 to vector<65536xi32>
    %shift_right_logical3A_119 = arith.shrui %squeeze3A_116, %shift_right_logical3A_118 : vector<65536xi32>
    %slice3A_120 = vector.extract_strided_slice %bitcast_convert_type3A_103 {offsets = [3, 0], sizes = [1, 65536], strides = [1, 1]} : vector<16x65536xi32> to vector<1x65536xi32>
    %squeeze3A_121 = vector.shape_cast %slice3A_120 : vector<1x65536xi32> to vector<65536xi32>
    %and3A_122 = arith.constant -65536 : i32
    %and3A_123 = vector.broadcast %and3A_122 : i32 to vector<65536xi32>
    %and3A_124 = arith.andi %squeeze3A_121, %and3A_123 : vector<65536xi32>
    %or3A_125 = arith.ori %shift_right_logical3A_119, %and3A_124 : vector<65536xi32>
    %slice3A_126 = vector.extract_strided_slice %bitcast_convert_type3A_103 {offsets = [4, 0], sizes = [1, 65536], strides = [1, 1]} : vector<16x65536xi32> to vector<1x65536xi32>
    %squeeze3A_127 = vector.shape_cast %slice3A_126 : vector<1x65536xi32> to vector<65536xi32>
    %shift_right_logical3A_128 = arith.constant 16 : i32
    %shift_right_logical3A_129 = vector.broadcast %shift_right_logical3A_128 : i32 to vector<65536xi32>
    %shift_right_logical3A_130 = arith.shrui %squeeze3A_127, %shift_right_logical3A_129 : vector<65536xi32>
    %slice3A_131 = vector.extract_strided_slice %bitcast_convert_type3A_103 {offsets = [5, 0], sizes = [1, 65536], strides = [1, 1]} : vector<16x65536xi32> to vector<1x65536xi32>
    %squeeze3A_132 = vector.shape_cast %slice3A_131 : vector<1x65536xi32> to vector<65536xi32>
    %and3A_133 = arith.constant -65536 : i32
    %and3A_134 = vector.broadcast %and3A_133 : i32 to vector<65536xi32>
    %and3A_135 = arith.andi %squeeze3A_132, %and3A_134 : vector<65536xi32>
    %or3A_136 = arith.ori %shift_right_logical3A_130, %and3A_135 : vector<65536xi32>
    %slice3A_137 = vector.extract_strided_slice %bitcast_convert_type3A_103 {offsets = [6, 0], sizes = [1, 65536], strides = [1, 1]} : vector<16x65536xi32> to vector<1x65536xi32>
    %squeeze3A_138 = vector.shape_cast %slice3A_137 : vector<1x65536xi32> to vector<65536xi32>
    %shift_right_logical3A_139 = arith.constant 16 : i32
    %shift_right_logical3A_140 = vector.broadcast %shift_right_logical3A_139 : i32 to vector<65536xi32>
    %shift_right_logical3A_141 = arith.shrui %squeeze3A_138, %shift_right_logical3A_140 : vector<65536xi32>
    %slice3A_142 = vector.extract_strided_slice %bitcast_convert_type3A_103 {offsets = [7, 0], sizes = [1, 65536], strides = [1, 1]} : vector<16x65536xi32> to vector<1x65536xi32>
    %squeeze3A_143 = vector.shape_cast %slice3A_142 : vector<1x65536xi32> to vector<65536xi32>
    %and3A_144 = arith.constant -65536 : i32
    %and3A_145 = vector.broadcast %and3A_144 : i32 to vector<65536xi32>
    %and3A_146 = arith.andi %squeeze3A_143, %and3A_145 : vector<65536xi32>
    %or3A_147 = arith.ori %shift_right_logical3A_141, %and3A_146 : vector<65536xi32>
    %slice3A_148 = vector.extract_strided_slice %bitcast_convert_type3A_103 {offsets = [8, 0], sizes = [1, 65536], strides = [1, 1]} : vector<16x65536xi32> to vector<1x65536xi32>
    %squeeze3A_149 = vector.shape_cast %slice3A_148 : vector<1x65536xi32> to vector<65536xi32>
    %shift_right_logical3A_150 = arith.constant 16 : i32
    %shift_right_logical3A_151 = vector.broadcast %shift_right_logical3A_150 : i32 to vector<65536xi32>
    %shift_right_logical3A_152 = arith.shrui %squeeze3A_149, %shift_right_logical3A_151 : vector<65536xi32>
    %slice3A_153 = vector.extract_strided_slice %bitcast_convert_type3A_103 {offsets = [9, 0], sizes = [1, 65536], strides = [1, 1]} : vector<16x65536xi32> to vector<1x65536xi32>
    %squeeze3A_154 = vector.shape_cast %slice3A_153 : vector<1x65536xi32> to vector<65536xi32>
    %and3A_155 = arith.constant -65536 : i32
    %and3A_156 = vector.broadcast %and3A_155 : i32 to vector<65536xi32>
    %and3A_157 = arith.andi %squeeze3A_154, %and3A_156 : vector<65536xi32>
    %or3A_158 = arith.ori %shift_right_logical3A_152, %and3A_157 : vector<65536xi32>
    %slice3A_159 = vector.extract_strided_slice %bitcast_convert_type3A_103 {offsets = [10, 0], sizes = [1, 65536], strides = [1, 1]} : vector<16x65536xi32> to vector<1x65536xi32>
    %squeeze3A_160 = vector.shape_cast %slice3A_159 : vector<1x65536xi32> to vector<65536xi32>
    %shift_right_logical3A_161 = arith.constant 16 : i32
    %shift_right_logical3A_162 = vector.broadcast %shift_right_logical3A_161 : i32 to vector<65536xi32>
    %shift_right_logical3A_163 = arith.shrui %squeeze3A_160, %shift_right_logical3A_162 : vector<65536xi32>
    %slice3A_164 = vector.extract_strided_slice %bitcast_convert_type3A_103 {offsets = [11, 0], sizes = [1, 65536], strides = [1, 1]} : vector<16x65536xi32> to vector<1x65536xi32>
    %squeeze3A_165 = vector.shape_cast %slice3A_164 : vector<1x65536xi32> to vector<65536xi32>
    %and3A_166 = arith.constant -65536 : i32
    %and3A_167 = vector.broadcast %and3A_166 : i32 to vector<65536xi32>
    %and3A_168 = arith.andi %squeeze3A_165, %and3A_167 : vector<65536xi32>
    %or3A_169 = arith.ori %shift_right_logical3A_163, %and3A_168 : vector<65536xi32>
    %slice3A_170 = vector.extract_strided_slice %bitcast_convert_type3A_103 {offsets = [12, 0], sizes = [1, 65536], strides = [1, 1]} : vector<16x65536xi32> to vector<1x65536xi32>
    %squeeze3A_171 = vector.shape_cast %slice3A_170 : vector<1x65536xi32> to vector<65536xi32>
    %shift_right_logical3A_172 = arith.constant 16 : i32
    %shift_right_logical3A_173 = vector.broadcast %shift_right_logical3A_172 : i32 to vector<65536xi32>
    %shift_right_logical3A_174 = arith.shrui %squeeze3A_171, %shift_right_logical3A_173 : vector<65536xi32>
    %slice3A_175 = vector.extract_strided_slice %bitcast_convert_type3A_103 {offsets = [13, 0], sizes = [1, 65536], strides = [1, 1]} : vector<16x65536xi32> to vector<1x65536xi32>
    %squeeze3A_176 = vector.shape_cast %slice3A_175 : vector<1x65536xi32> to vector<65536xi32>
    %and3A_177 = arith.constant -65536 : i32
    %and3A_178 = vector.broadcast %and3A_177 : i32 to vector<65536xi32>
    %and3A_179 = arith.andi %squeeze3A_176, %and3A_178 : vector<65536xi32>
    %or3A_180 = arith.ori %shift_right_logical3A_174, %and3A_179 : vector<65536xi32>
    %slice3A_181 = vector.extract_strided_slice %bitcast_convert_type3A_103 {offsets = [14, 0], sizes = [1, 65536], strides = [1, 1]} : vector<16x65536xi32> to vector<1x65536xi32>
    %squeeze3A_182 = vector.shape_cast %slice3A_181 : vector<1x65536xi32> to vector<65536xi32>
    %shift_right_logical3A_183 = arith.constant 16 : i32
    %shift_right_logical3A_184 = vector.broadcast %shift_right_logical3A_183 : i32 to vector<65536xi32>
    %shift_right_logical3A_185 = arith.shrui %squeeze3A_182, %shift_right_logical3A_184 : vector<65536xi32>
    %slice3A_186 = vector.extract_strided_slice %bitcast_convert_type3A_103 {offsets = [15, 0], sizes = [1, 65536], strides = [1, 1]} : vector<16x65536xi32> to vector<1x65536xi32>
    %squeeze3A_187 = vector.shape_cast %slice3A_186 : vector<1x65536xi32> to vector<65536xi32>
    %and3A_188 = arith.constant -65536 : i32
    %and3A_189 = vector.broadcast %and3A_188 : i32 to vector<65536xi32>
    %and3A_190 = arith.andi %squeeze3A_187, %and3A_189 : vector<65536xi32>
    %or3A_191 = arith.ori %shift_right_logical3A_185, %and3A_190 : vector<65536xi32>
    %swap3A_192 = arith.constant 0 : index
    %swap3A_193 = vector.load %arg12[%swap3A_192] : memref<65536xi32, #tpu.memory_space<vmem>>, vector<65536xi32>
    tpu.vector_store %arg12[%swap3A_192], %or3A_114 {strides = array<i32>} : memref<65536xi32, #tpu.memory_space<vmem>>, vector<65536xi32>,
    %swap3A_194 = arith.constant 0 : index
    %swap3A_195 = vector.load %arg13[%swap3A_194] : memref<65536xi32, #tpu.memory_space<vmem>>, vector<65536xi32>
    tpu.vector_store %arg13[%swap3A_194], %or3A_125 {strides = array<i32>} : memref<65536xi32, #tpu.memory_space<vmem>>, vector<65536xi32>,
    %swap3A_196 = arith.constant 0 : index
    %swap3A_197 = vector.load %arg14[%swap3A_196] : memref<65536xi32, #tpu.memory_space<vmem>>, vector<65536xi32>
    tpu.vector_store %arg14[%swap3A_196], %or3A_136 {strides = array<i32>} : memref<65536xi32, #tpu.memory_space<vmem>>, vector<65536xi32>,
    %swap3A_198 = arith.constant 0 : index
    %swap3A_199 = vector.load %arg15[%swap3A_198] : memref<65536xi32, #tpu.memory_space<vmem>>, vector<65536xi32>
    tpu.vector_store %arg15[%swap3A_198], %or3A_147 {strides = array<i32>} : memref<65536xi32, #tpu.memory_space<vmem>>, vector<65536xi32>,
    %swap3A_200 = arith.constant 0 : index
    %swap3A_201 = vector.load %arg16[%swap3A_200] : memref<65536xi32, #tpu.memory_space<vmem>>, vector<65536xi32>
    tpu.vector_store %arg16[%swap3A_200], %or3A_158 {strides = array<i32>} : memref<65536xi32, #tpu.memory_space<vmem>>, vector<65536xi32>,
    %swap3A_202 = arith.constant 0 : index
    %swap3A_203 = vector.load %arg17[%swap3A_202] : memref<65536xi32, #tpu.memory_space<vmem>>, vector<65536xi32>
    tpu.vector_store %arg17[%swap3A_202], %or3A_169 {strides = array<i32>} : memref<65536xi32, #tpu.memory_space<vmem>>, vector<65536xi32>,
    %swap3A_204 = arith.constant 0 : index
    %swap3A_205 = vector.load %arg18[%swap3A_204] : memref<65536xi32, #tpu.memory_space<vmem>>, vector<65536xi32>
    tpu.vector_store %arg18[%swap3A_204], %or3A_180 {strides = array<i32>} : memref<65536xi32, #tpu.memory_space<vmem>>, vector<65536xi32>,
    %swap3A_206 = arith.constant 0 : index
    %swap3A_207 = vector.load %arg19[%swap3A_206] : memref<65536xi32, #tpu.memory_space<vmem>>, vector<65536xi32>
    tpu.vector_store %arg19[%swap3A_206], %or3A_191 {strides = array<i32>} : memref<65536xi32, #tpu.memory_space<vmem>>, vector<65536xi32>,
    %mul3A = arith.mulf %get3A_4, %get3A_1 : vector<16x65536xf32>
    %reduce_sum3A = arith.constant dense<0.000000e+00> : vector<65536xf32>
    %reduce_sum3A_208 = vector.multi_reduction <add>, %mul3A, %reduce_sum3A [0] : vector<16x65536xf32> to vector<65536xf32>
    %broadcast_in_dim3A = vector.shape_cast %reduce_sum3A_208 : vector<65536xf32> to vector<1x65536xf32>
    %mul3A_209 = arith.mulf %get3A_4, %get3A_4 : vector<16x65536xf32>
    %reduce_sum3A_210 = arith.constant dense<0.000000e+00> : vector<65536xf32>
    %reduce_sum3A_211 = vector.multi_reduction <add>, %mul3A_209, %reduce_sum3A_210 [0] : vector<16x65536xf32> to vector<65536xf32>
    %broadcast_in_dim3A_212 = vector.shape_cast %reduce_sum3A_211 : vector<65536xf32> to vector<1x65536xf32>
    %mul3A_213 = arith.mulf %get3A_1, %get3A_1 : vector<16x65536xf32>
    %reduce_sum3A_214 = arith.constant dense<0.000000e+00> : vector<65536xf32>
    %reduce_sum3A_215 = vector.multi_reduction <add>, %mul3A_213, %reduce_sum3A_214 [0] : vector<16x65536xf32> to vector<65536xf32>
    %broadcast_in_dim3A_216 = vector.shape_cast %reduce_sum3A_215 : vector<65536xf32> to vector<1x65536xf32>
    %mul3A_217 = arith.constant 65536 : i32
    %mul3A_218 = arith.muli %arg0, %mul3A_217 : i32
    %iota3A = tpu.iota {dimensions = array<i32: 1>} : vector<1x65536xi32>
    %add3A = vector.broadcast %mul3A_218 : i32 to vector<1x65536xi32>
    %add3A_219 = arith.addi %add3A, %iota3A : vector<1x65536xi32>
    %lt3A = arith.constant 100000 : i32
    %lt3A_220 = vector.broadcast %lt3A : i32 to vector<1x65536xi32>
    %lt3A_221 = arith.cmpi slt, %add3A_219, %lt3A_220 : vector<1x65536xi32>
    %mul3A_222 = arith.mulf %broadcast_in_dim3A, %broadcast_in_dim3A : vector<1x65536xf32>
    %mul3A_223 = arith.mulf %broadcast_in_dim3A_212, %broadcast_in_dim3A_216 : vector<1x65536xf32>
    %div3A = arith.divf %mul3A_222, %mul3A_223 : vector<1x65536xf32>
    %get3A_224 = arith.constant 0 : index
    %get3A_225 = memref.load %arg1[%get3A_224] : memref<1xf32, #tpu.memory_space<smem>>
    %mul3A_226 = arith.constant 1.000000e+05 : f32
    %mul3A_227 = arith.mulf %mul3A_226, %get3A_225 : f32
    %sub3A = vector.broadcast %mul3A_227 : f32 to vector<1x65536xf32>
    %sub3A_228 = arith.subf %div3A, %sub3A : vector<1x65536xf32>
    %abs3A = math.absf %sub3A_228 : vector<1x65536xf32>
    %jit3A = arith.constant 0.000000e+00 : f32
    %broadcast_in_dim3A_229 = vector.broadcast %jit3A : f32 to vector<1x65536xf32>
    %select_n3A = arith.select %lt3A_221, %abs3A, %broadcast_in_dim3A_229 : vector<1x65536xi1>, vector<1x65536xf32>
    %eq3A = arith.constant 0 : i32
    %eq3A_230 = arith.cmpi eq, %arg0, %eq3A : i32
    %convert_element_type3A = arith.extui %eq3A_230 : i1 to i32
    %cond3A = arith.constant 0 : i32
    %cond3A_231 = arith.cmpi ne, %convert_element_type3A, %cond3A : i32
    scf.if %cond3A_231 {
      %swap3A_246 = arith.constant 0.000000e+00 : f32
      %swap3A_247 = arith.constant 0 : index
      %swap3A_248 = arith.constant 0 : index
      %swap3A_249 = memref.load %arg20[%swap3A_247, %swap3A_248] : memref<1x1xf32, #tpu.memory_space<smem>>
      memref.store %swap3A_246, %arg20[%swap3A_247, %swap3A_248] : memref<1x1xf32, #tpu.memory_space<smem>>
    } else {
    }
    %get3A_232 = arith.constant 0 : index
    %get3A_233 = arith.constant 0 : index
    %get3A_234 = memref.load %arg20[%get3A_232, %get3A_233] : memref<1x1xf32, #tpu.memory_space<smem>>
    %reduce_sum3A_235 = vector.shape_cast %select_n3A : vector<1x65536xf32> to vector<1x1x65536xf32>
    %reduce_sum3A_236 = arith.constant dense<0.000000e+00> : vector<1xf32>
    %reduce_sum3A_237 = vector.multi_reduction <add>, %reduce_sum3A_235, %reduce_sum3A_236 [1, 2] : vector<1x1x65536xf32> to vector<1xf32>
    %reduce_sum3A_238 = vector.shape_cast %reduce_sum3A_237 : vector<1xf32> to vector<1x1x1xf32>
    %reduce_sum3A_239 = vector.extract %reduce_sum3A_238[0, 0, 0] : f32 from vector<1x1x1xf32>
    %mul3A_240 = arith.constant 2.500000e-01 : f32
    %mul3A_241 = arith.mulf %mul3A_240, %reduce_sum3A_239 : f32
    %add3A_242 = arith.addf %get3A_234, %mul3A_241 : f32
    %swap3A_243 = arith.constant 0 : index
    %swap3A_244 = arith.constant 0 : index
    %swap3A_245 = memref.load %arg20[%swap3A_243, %swap3A_244] : memref<1x1xf32, #tpu.memory_space<smem>>
    memref.store %add3A_242, %arg20[%swap3A_243, %swap3A_244] : memref<1x1xf32, #tpu.memory_space<smem>>
    return
  }
  func.func @transform_0(%arg0: i32) -> i32 {
    %c0_i32 = arith.constant 0 : i32
    %c0_i32_0 = arith.constant 0 : i32
    return %c0_i32 : i32
  }
  func.func @transform_1(%arg0: i32) -> (i32, i32) {
    %c0_i32 = arith.constant 0 : i32
    %c0_i32_0 = arith.constant 0 : i32
    return %c0_i32, %arg0 : i32, i32
  }
  func.func @transform_2(%arg0: i32) -> (i32, i32) {
    %c0_i32 = arith.constant 0 : i32
    %c0_i32_0 = arith.constant 0 : i32
    return %c0_i32, %arg0 : i32, i32
  }
  func.func @transform_3(%arg0: i32) -> i32 {
    %c0_i32 = arith.constant 0 : i32
    return %arg0 : i32
  }
  func.func @transform_4(%arg0: i32) -> i32 {
    %c0_i32 = arith.constant 0 : i32
    return %arg0 : i32
  }
  func.func @transform_5(%arg0: i32) -> i32 {
    %c0_i32 = arith.constant 0 : i32
    return %arg0 : i32
  }
  func.func @transform_6(%arg0: i32) -> i32 {
    %c0_i32 = arith.constant 0 : i32
    return %arg0 : i32
  }
  func.func @transform_7(%arg0: i32) -> i32 {
    %c0_i32 = arith.constant 0 : i32
    return %arg0 : i32
  }
  func.func @transform_8(%arg0: i32) -> i32 {
    %c0_i32 = arith.constant 0 : i32
    return %arg0 : i32
  }
  func.func @transform_9(%arg0: i32) -> i32 {
    %c0_i32 = arith.constant 0 : i32
    return %arg0 : i32
  }
  func.func @transform_10(%arg0: i32) -> i32 {
    %c0_i32 = arith.constant 0 : i32
    return %arg0 : i32
  }
  func.func @transform_11(%arg0: i32) -> i32 {
    %c0_i32 = arith.constant 0 : i32
    return %arg0 : i32
  }
  func.func @transform_12(%arg0: i32) -> i32 {
    %c0_i32 = arith.constant 0 : i32
    return %arg0 : i32
  }
  func.func @transform_13(%arg0: i32) -> i32 {
    %c0_i32 = arith.constant 0 : i32
    return %arg0 : i32
  }
  func.func @transform_14(%arg0: i32) -> i32 {
    %c0_i32 = arith.constant 0 : i32
    return %arg0 : i32
  }
  func.func @transform_15(%arg0: i32) -> i32 {
    %c0_i32 = arith.constant 0 : i32
    return %arg0 : i32
  }
  func.func @transform_16(%arg0: i32) -> i32 {
    %c0_i32 = arith.constant 0 : i32
    return %arg0 : i32
  }
  func.func @transform_17(%arg0: i32) -> i32 {
    %c0_i32 = arith.constant 0 : i32
    return %arg0 : i32
  }
  func.func @transform_18(%arg0: i32) -> i32 {
    %c0_i32 = arith.constant 0 : i32
    return %arg0 : i32
  }
  func.func @transform_19(%arg0: i32) -> (i32, i32) {
    %c0_i32 = arith.constant 0 : i32
    %c0_i32_0 = arith.constant 0 : i32
    %c0_i32_1 = arith.constant 0 : i32
    return %c0_i32, %c0_i32_0 : i32, i32
  }
}

</mosaic_0001>

<sc_bundles>
// kernel: kernel.6.cloned.1.call-start
scs
__scs_entry_jumppad:
0x0: {  	(pc) =	sbr.rel $0x88, $3  }
0x1: {  	(tag) =	ssettag $0x0;
	lr =	simm.s32 $0x1  }
0x2: {  	[smem:$0x3F9B] =	sst lr;
	_ =	strace $0xD0000000  }
0x3: {  	_ = 	snop  }
0x4: {  	_ = 	snop  }
0x5: {  	_ = 	snop  }
0x6: {  	_ = 	snop  }
0x7: {  	_ = 	snop  }
__scs_overlays_trampoline_lowered:
0x8: {  	[smem:$0x3FAA] =	sst s0  }
0x9: {  	[smem:$0x3FAB] =	sst s1  }
0xa: {  	[smem:$0x3FAC] =	sst s2  }
0xb: {  	[smem:$0x3FAD] =	sst s3  }
0xc: {  	[smem:$0x3FAE] =	sst s4  }
0xd: {  	[smem:$0x3FAF] =	sst s5  }
0xe: {  	[smem:$0x3FB0] =	sst s6  }
0xf: {  	[smem:$0x3FB1] =	sst s7  }
0x10: {  	[smem:$0x3FB2] =	sst s8  }
0x11: {  	[smem:$0x3FB3] =	sst s9;
	s0 =	simm.s32 @!p0 $0x0  }
0x12: {  	s1 =	sld [smem:$0x3F99];
	s0 =	simm.s32 @p0 $0x1  }
0x13: {  	[smem:$0x3FB4] =	sst s0;
	s0 =	simm.s32 @!p1 $0x0  }
0x14: {  	s2 =	sld [smem:$0x3F98];
	s0 =	simm.s32 @p1 $0x1  }
0x15: {  	[smem:$0x3FB5] =	sst s0;
	s0 =	simm.s32 @!p2 $0x0  }
0x16: {  	s3 =	sld [smem:$0x3FDB];
	s0 =	simm.s32 @p2 $0x1  }
0x17: {  	s4 =	simm.s32 $0x1BF5;
	[smem:$0x3FB7] =	sst s0  }
0x18: {  	s0 =	sld [smem:$0x3F9A];
	_ =	swait.ge [sflag:s4], $0x0  }
0x19: {  	s7 =	sld [smem:$0x3F9B]  }
0x1a: {  	s8 =	sadd.s32 $0xFFFFE003, lr  }
0x1b: {  	s9 =	sadd.s32 $0xFFFFFEF7, lr;
	s5 =	simm.s32 $0xFFFFFFFF;
	p2 =	slt.u32 s8, $0xFFFFF086  }
0x1c: {  	p1 =	slt.u32 s9, $0xF7A;
	s5 =	simm.s32 @!p2 $0x0  }
0x1d: {  	s5 =	simm.s32 @p1 $0x1;
	p0 =	seq.s32 s7, s2  }
0x1e: {  	s7 =	smul.u32 @!p0 $0xF7A, s2;
	p2 =	seq.s32 @!p0 s5, $0x0  }
0x1f: {  	s9 =	smul.u32 $0xF7A, s1;
	s8 =	simm.s32 @!p0 $0x1BF5;
	p2 =	por !p2, p0  }
0x20: {  	[sflag:s8] =	ssyncset.s32 @!p0 $0xFFFFF086;
	s6 =	sadd.s32 @!p0 s3, s7;
	s7 =	simm.s32 @!p0 $0x108  }
0x21: {  	s3 =	sadd.s32 s3, s9;
	s6 =	sadd.s32 @!p0 $0x88, s6;
	s7 =	simm.s32 @p2 $0x1082  }
0x22: {  	[simem:s7], [sflag:s8] =	dma.local @!p0 [hbm:s6], $0xF7A  }
0x23: {  	s9 =	sor.u32 $0xD0000000, s2;
	s6 =	simm.s32 $0x108;
	_ =	swait.ge @!p0 [sflag:s8], $0x0  }
0x24: {  	s3 =	sadd.s32 $0x88, s3;
	s6 =	simm.s32 @!p1 $0x1082;
	[sflag:s4] =	ssyncset.s32 $0xFFFFF086  }
0x25: {  	[simem:s6], [sflag:s4] =	dma.local [hbm:s3], $0xF7A  }
0x26: {  	[smem:$0x3F9B] =	sst s1;
	(tag) =	ssettag s2;
	_ =	strace s9  }
0x27: {  	s1 =	sld [smem:$0x3FAB]  }
0x28: {  	s2 =	sld [smem:$0x3FAC]  }
0x29: {  	s4 =	sld [smem:$0x3FAE]  }
0x2a: {  	p0 =	seq.s32 s5, $0x0;
	s5 =	sld [smem:$0x3FAF]  }
0x2b: {  	s6 =	sld [smem:$0x3FB0]  }
0x2c: {  	s7 =	sld [smem:$0x3FB1]  }
0x2d: {  	s3 =	simm.s32 $0x108;
	s8 =	sld [smem:$0x3FB2]  }
0x2e: {  	s3 =	simm.s32 @!p0 $0x1082;
	s9 =	sld [smem:$0x3FB3]  }
0x2f: {  	lr =	sadd.s32 s0, s3;
	s0 =	sld [smem:$0x3FAA]  }
0x30: {  	s3 =	sld [smem:$0x3FAD]  }
0x31: {  	[smem:$0x3FB6] =	sst s10  }
0x32: {  	s10 =	sld [smem:$0x3FB4];
	_ =	sdelay $0x3  }
0x33: {  	p0 =	seq.s32 s10, $0x1;
	s10 =	sld [smem:$0x3FB6];
	_ =	sdelay $0x3  }
0x34: {  	[smem:$0x3FB6] =	sst s10  }
0x35: {  	s10 =	sld [smem:$0x3FB5];
	_ =	sdelay $0x3  }
0x36: {  	p1 =	seq.s32 s10, $0x1;
	s10 =	sld [smem:$0x3FB6];
	_ =	sdelay $0x3  }
0x37: {  	[smem:$0x3FB6] =	sst s10  }
0x38: {  	s10 =	sld [smem:$0x3FB7]  }
0x39: {  	_ = 	snop;
	(pc) =	sbr.ind lr, $3  }
0x3a: {  	_ = 	snop  }
0x3b: {  	_ = 	snop  }
0x3c: {  	p2 =	seq.s32 s10, $0x1;
	s10 =	sld [smem:$0x3FB6]  }
0x3d: {  	_ =	shalt  }
0x3e: {  	_ =	shalt  }
0x3f: {  	_ =	shalt  }
0x40: {  	_ =	shalt  }
0x41: {  	_ =	shalt  }
0x42: {  	_ =	shalt  }
0x43: {  	_ =	shalt  }
0x44: {  	_ =	shalt  }
0x45: {  	_ =	shalt  }
0x46: {  	_ =	shalt  }
0x47: {  	_ =	shalt  }
0x48: {  	_ =	shalt  }
0x49: {  	_ =	shalt  }
0x4a: {  	_ =	shalt  }
0x4b: {  	_ =	shalt  }
0x4c: {  	_ =	shalt  }
0x4d: {  	_ =	shalt  }
0x4e: {  	_ =	shalt  }
0x4f: {  	_ =	shalt  }
0x50: {  	_ =	shalt  }
0x51: {  	_ =	shalt  }
0x52: {  	_ =	shalt  }
0x53: {  	_ =	shalt  }
0x54: {  	_ =	shalt  }
0x55: {  	_ =	shalt  }
0x56: {  	_ =	shalt  }
0x57: {  	_ =	shalt  }
0x58: {  	_ =	shalt  }
0x59: {  	_ =	shalt  }
0x5a: {  	_ =	shalt  }
0x5b: {  	_ =	shalt  }
0x5c: {  	_ =	shalt  }
0x5d: {  	_ =	shalt  }
0x5e: {  	_ =	shalt  }
0x5f: {  	_ =	shalt  }
0x60: {  	_ =	shalt  }
0x61: {  	_ =	shalt  }
0x62: {  	_ =	shalt  }
0x63: {  	_ =	shalt  }
0x64: {  	_ =	shalt  }
0x65: {  	_ =	shalt  }
0x66: {  	_ =	shalt  }
0x67: {  	_ =	shalt  }
0x68: {  	_ =	shalt  }
0x69: {  	_ =	shalt  }
0x6a: {  	_ =	shalt  }
0x6b: {  	_ =	shalt  }
0x6c: {  	_ =	shalt  }
0x6d: {  	_ =	shalt  }
0x6e: {  	_ =	shalt  }
0x6f: {  	_ =	shalt  }
0x70: {  	_ =	shalt  }
0x71: {  	_ =	shalt  }
0x72: {  	_ =	shalt  }
0x73: {  	_ =	shalt  }
0x74: {  	_ =	shalt  }
0x75: {  	_ =	shalt  }
0x76: {  	_ =	shalt  }
0x77: {  	_ =	shalt  }
0x78: {  	_ =	shalt  }
0x79: {  	_ =	shalt  }
0x7a: {  	_ =	shalt  }
0x7b: {  	_ =	shalt  }
0x7c: {  	_ =	shalt  }
0x7d: {  	_ =	shalt  }
0x7e: {  	_ =	shalt  }
0x7f: {  	_ =	shalt  }
0x80: {  	_ =	shalt  }
0x81: {  	_ =	shalt  }
0x82: {  	_ =	shalt  }
0x83: {  	_ =	shalt  }
0x84: {  	_ =	shalt  }
0x85: {  	_ =	shalt  }
0x86: {  	_ =	shalt  }
0x87: {  	_ =	shalt  }
.Lfunc_end0:
.L_simem_size_0:
called_computation_lowered:
.L_overlay_start_0:
0x88: {  	s2 =	sld [smem:$0x3FD9]  }
0x89: {  	s3 =	sld [smem:$0x3FFE];
	_ =	sdelay $0x1  }
0x8a: {  	s1 =	srdreg.scid  }
0x8b: {  	s0 =	sand.u32 $0x1, s1  }
0x8c: {  	s16 =	sshll.u32 s0, $0xA;
	s2 =	sadd.s32 s3, s2  }
0x8d: {  	s2 =	sadd.s32 s2, s16  }
0x8e: {  	[smem:$0x3FC2] =	sst s2  }
0x8f: {  	_ = 	snop  }
0x90: {  	(tm) =	ssettm $0x1  }
0x91: {  	s17 =	sld [smem:$0x3FFB];
	_ =	sdelay $0x3  }
0x92: {  	_ =	strace s17  }
0x93: {  	s2 =	sld [smem:$0x3FFC];
	_ =	sdelay $0x3  }
0x94: {  	_ =	strace s2  }
0x95: {  	s2 =	sld [smem:$0x3FFD];
	_ =	sdelay $0x3  }
0x96: {  	_ =	strace s2  }
0x97: {  	_ =	strace $0x8FFFFFFF  }
0x98: {  	s18 =	sld [smem:$0x3FDB];
	_ =	sdelay $0x1  }
0x99: {  	s19 =	simm.s32 $_scs_section_size  }
0x9a: {  	s4 =	simm.s32 $_size__tile_overlayer_lowered;
	s5 =	simm.s32 $_tile_overlayer_lowered  }
0x9b: {  	s22 =	simm.s32 $0x1BFF;
	s21 =	sshll.u32 s5, $0x1;
	s2 =	sadd.s32 s19, s18  }
0x9c: {  	s6 =	simm.s32 $0x0;
	s20 =	sshll.u32 s4, $0x1;
	s4 =	sadd.s32 s21, s2  }
0x9d: {  	[timem:s6], [sflag:s22] =	dma.local [hbm:s4], s20  }
0x9e: {  	_ =	swait.ge [sflag:s22], s20  }
0x9f: {  	s3 =	ssub.s32 $0x0, s20;
	[sflag:s22] =	ssyncset.done $0x0  }
0xa0: {  	[sflag:s22] =	ssyncadd.s32 s3;
	_ =	sdelay $0x1  }
0xa1: {  	s23 =	simm.s32 $0x1B8B  }
0xa2: {  	_ =	swait.ge [sflag:s23], $0x1  }
0xa3: {  	[sflag:s23] =	ssyncset.done $0x0  }
0xa4: {  	s25 =	simm.s32 $0x1B8E;
	s24 =	sld [smem:$0x3FFE];
	[sflag:s23] =	ssyncadd.s32 $0xFFFFFFFF  }
0xa5: {  	s26 =	simm.s32 $execute0_lowered;
	[smem:$0x3FD2] =	sst s25  }
0xa6: {  	s4 =	sshll.u32 s26, $0x1;
	_ =	strace $0x80000046;
	[dreg:$0x1] =	wrdreg $0xFFFFFFFF  }
0xa7: {  	s28 =	simm.s32 $_size_execute0_lowered;
	s2 =	sadd.s32 s2, s4;
	[dreg:$0x0] =	wrdreg $0x0  }
0xa8: {  	s4 =	sshll.u32 s28, $0x1;
	[dreg:$0x2] =	wrdreg s2  }
0xa9: {  	[dreg:$0x3] =	wrdreg s4  }
0xaa: {  	[dreg:$0x4] =	wrdreg $0xC0  }
0xab: {  	_ =	task [dreg:s6], $0x5FFFF  }
0xac: {  	[dreg:$0x1] =	wrdreg $0xFFFFFFFF  }
0xad: {  	[dreg:$0x0] =	wrdreg $0x60  }
0xae: {  	[dreg:$0x2] =	wrdreg s24  }
0xaf: {  	[dreg:$0x3] =	wrdreg $0x9  }
0xb0: {  	_ =	task.clear_ibuf [dreg:s6], $0x4FFFF;
	_ =	strace $0x90000046  }
0xb1: {  	s29 =	simm.s32 $0x9;
	_ =	strace $0x80000048  }
0xb2: {  	_ =	swait.ge [sflag:s29], $0x1  }
0xb3: {  	[sflag:s29] =	ssyncadd.s32 $0xFFFFFFFF  }
0xb4: {  	_ =	strace $0x90000048  }
0xb5: {  	_ =	sfence  }
0xb6: {  	s30 =	sld [smem:$0x0];
	_ =	sdelay $0x2  }
0xb7: {  	s31 =	sshll.u32 s1, $0xD;
	s1 =	sshrl.u32 s1, $0x2  }
0xb8: {  	s3 =	sand.u32 $0x4000, s31;
	s1 =	sadd.s32 s1, s30  }
0xb9: {  	s0 =	sor.u32 s3, s0;
	s1 =	sshll.u32 s1, $0x11  }
0xba: {  	s0 =	sor.u32 s1, s0  }
0xbb: {  	s0 =	sadd.s32 $0x8F2B, s0  }
0xbc: {  	[sflag:s0] =	ssyncadd.remote.s32 $0x1  }
0xbd: {  	_ =	sfence.sel $0xFFFF  }
0xbe: {  	[dreg:$0x0] =	wrdreg $0xFFFFFFFF;
	(pc) =	sbr.abs _section_cstart, $3  }
0xbf: {  	[dreg:$0x1] =	wrdreg $0xFFFFFFFF  }
0xc0: {  	_ =	task.clear_ibuf [dreg:s6], $0x2FFFF;
	_ =	strace $0x9FFFFFFF  }
0xc1: {  	(tm) =	ssettm $0x7FFFFFFF  }
tec
execute0_lowered:
.L_overlay_start_1:
0x0: {  	(tag) =	ssettag $0x1  }
0x1: {  	s0 =	srdreg.scid;
	s2 =	stileid.u32  }
0x2: {  	s3 =	rddreg [dreg:$0x0];
	s14 =	simm.s32 $0x600;
	s15 =	simm.s32 $0x800  }
0x3: {  	s16 =	simm.s32 $0xA00;
	s17 =	simm.s32 $0xC00;
	s18 =	simm.s32 $0xE00  }
0x4: {  	s19 =	simm.s32 $0x1000;
	s20 =	simm.s32 $0x1200;
	s21 =	simm.s32 $0x1600  }
0x5: {  	s22 =	simm.s32 $0x1800;
	s10 =	sshll.u32 s2, $0x1;
	s2 =	simm.s32 $0x0  }
0x6: {  	s23 =	simm.s32 $0x1A00;
	s24 =	simm.s32 $0x1C00;
	[smem:$0x7FF] =	sst s2  }
0x7: {  	s25 =	simm.s32 $0x1E00;
	_ =	strace $0x80000047;
	[dreg:$0x8] =	wrdreg s14  }
0x8: {  	s26 =	simm.s32 $0x2000;
	s7 =	simm.s32 $0x2800;
	[dreg:$0x9] =	wrdreg s15  }
0x9: {  	s8 =	simm.s32 $0x2A00;
	p0 =	por $0x0, $0x0;
	[dreg:$0xa] =	wrdreg s16  }
0xa: {  	s29 =	simm.s32 $0x3C00;
	s30 =	simm.s32 $0x3E00;
	[dreg:$0xb] =	wrdreg s17  }
0xb: {  	s31 =	simm.s32 $0x4000;
	s28 =	simm.s32 $0x4200;
	[dreg:$0xc] =	wrdreg s18  }
0xc: {  	s1 =	sand.u32 $0x1, s0;
	s9 =	sadd.s32 $0x6C00, s3;
	[dreg:$0xd] =	wrdreg s19  }
0xd: {  	s0 =	sor.u32 s1, s10;
	s10 =	sadd.s32 $0xAC00, s3;
	[dreg:$0xe] =	wrdreg s20  }
0xe: {  	s1 =	ssub.s32 $0x2, s1;
	s4 =	sshll.u32 s0, $0x6;
	[dreg:$0xf] =	wrdreg s21  }
0xf: {  	s0 =	sshll.u32 s0, $0xB;
	s14 =	sadd.s32 $0x1AC00, s3;
	[dreg:$0x10] =	wrdreg s22  }
0x10: {  	s15 =	sadd.s32 $0x1EC00, s3;
	s16 =	sadd.s32 $0x22C00, s3;
	[dreg:$0x11] =	wrdreg s23  }
0x11: {  	s17 =	sadd.s32 $0x26C00, s3;
	s18 =	sadd.s32 $0x2AC00, s3;
	[dreg:$0x12] =	wrdreg s24  }
0x12: {  	s19 =	sadd.s32 $0x2EC00, s3;
	s20 =	sadd.s32 $0x32C00, s3;
	[dreg:$0x13] =	wrdreg s25  }
0x13: {  	s21 =	sadd.s32 $0x36C00, s3;
	s22 =	sadd.s32 $0x3AC00, s3;
	[dreg:$0x14] =	wrdreg s26  }
0x14: {  	s23 =	sadd.s32 $0x3EC00, s3;
	s24 =	sadd.s32 $0x42C00, s3;
	[dreg:$0x17] =	wrdreg s7  }
0x15: {  	s6 =	sshrl.u32 s1, $0x1;
	[dreg:$0x18] =	wrdreg s8;
	s25 =	simm.s32 $0x2C00  }
0x16: {  	s26 =	simm.s32 $0x2E00;
	s7 =	simm.s32 $0x400;
	[dreg:$0x19] =	wrdreg s25  }
0x17: {  	s8 =	simm.s32 $0x3600;
	s4 =	sadd.s32 s4, s3;
	[dreg:$0x1a] =	wrdreg s26  }
0x18: {  	s0 =	sadd.s32 s0, s3;
	[dreg:$0x1d] =	wrdreg s8;
	s26 =	simm.s32 $0x3800  }
0x19: {  	s1 =	ssub.s32 s1, s6;
	s5 =	sadd.s32 $0x3A00, s4;
	[dreg:$0x1e] =	wrdreg s26  }
0x1a: {  	s25 =	simm.s32 $0x200;
	s4 =	sadd.s32 $0x5200, s4;
	[dreg:$0x2] =	wrdreg s5  }
0x1b: {  	s6 =	simm.s32 $0x1400;
	s11 =	sadd.s32 $0x46C00, s0;
	[dreg:$0x3] =	wrdreg s4  }
0x1c: {  	s8 =	simm.s32 $0x1;
	s12 =	sadd.s32 $0x46E00, s0;
	[dreg:$0x4] =	wrdreg s11  }
0x1d: {  	s13 =	sadd.s32 $0x47000, s0;
	s0 =	sadd.s32 $0x47200, s0;
	[dreg:$0x5] =	wrdreg s12  }
0x1e: {  	s1 =	smax.u32 s1, $0x1;
	[dreg:$0x6] =	wrdreg s13;
	s11 =	sadd.s32 $0xEC00, s3  }
0x1f: {  	[dreg:$0x7] =	wrdreg s0;
	s4 =	simm.s32 $0x2200;
	p1 =	sne.s32 s1, $0x1  }
.Ltmp0:
0x20: {  	s5 =	simm.s32 $0x2600;
	[dreg:$0x15] =	wrdreg s4;
	(pc) =	sbr.rel @!p1 .LBB2_1-.Ltmp0, $4  }
0x21: {  	s12 =	sadd.s32 $0x12C00, s3;
	s13 =	sadd.s32 $0x16C00, s3;
	[dreg:$0x16] =	wrdreg s5  }
0x22: {  	s3 =	simm.s32 $0x2;
	s4 =	simm.s32 $0x3000;
	s0 =	rddreg [dreg:$0x2]  }
0x23: {  	s26 =	sadd.s32 $0xFFFFFFFF, s1;
	s5 =	simm.s32 $0x3200;
	[dreg:$0x1b] =	wrdreg s4  }
0x24: {  	[dreg:$0x1c] =	wrdreg s5;
	s5 =	simm.s32 $0x2400;
	s4 =	simm.s32 $0x3400  }
0x25: {  	[tilespmem:s2], [sflag:$0x2] =	stream.linear.gather [hbm4b:s0+s2], $0x200, $0x38;
	[tilespmem:$0x4400] =	vst v63  }
0x26: {  	_ =	swait.ge [sflag:s3], $0x200  }
0x27: {  	[sflag:s3] =	ssyncset.done $0x0  }
0x28: {  	s1 =	rddreg [dreg:$0x3];
	[sflag:s3] =	ssyncadd.s32 $0xFFFFFE00  }
0x29: {  	[tilespmem:s25], [sflag:$0x2] =	stream.linear.gather [hbm4b:s1+s2], $0x200, $0x38;
	[tilespmem:$0x4400] =	vst v63  }
0x2a: {  	_ =	swait.ge [sflag:s3], $0x200  }
0x2b: {  	[sflag:s3] =	ssyncset.done $0x0  }
0x2c: {  	[sflag:s3] =	ssyncadd.s32 $0xFFFFFE00  }
0x2d: {  	[tilespmem:s7], [sflag:$0x1] =	stream.indirect.gather [hbm4b:s9+s25], $0x1, s2, s25, $0xb8;
	[tilespmem:$0x4400] =	vst v63  }
0x2e: {  	s0 =	rddreg [dreg:$0x8]  }
0x2f: {  	[tilespmem:s0], [sflag:$0x1] =	stream.indirect.gather [hbm4b:s10+s25], $0x1, s2, s25, $0xb8;
	[tilespmem:$0x4400] =	vst v63  }
0x30: {  	s1 =	rddreg [dreg:$0x9]  }
0x31: {  	[tilespmem:s1], [sflag:$0x1] =	stream.indirect.gather [hbm4b:s11+s25], $0x1, s2, s25, $0xb8;
	[tilespmem:$0x4400] =	vst v63  }
0x32: {  	s0 =	rddreg [dreg:$0xa]  }
0x33: {  	[tilespmem:s0], [sflag:$0x1] =	stream.indirect.gather [hbm4b:s12+s25], $0x1, s2, s25, $0xb8;
	[tilespmem:$0x4400] =	vst v63  }
0x34: {  	s1 =	rddreg [dreg:$0xb]  }
0x35: {  	[tilespmem:s1], [sflag:$0x1] =	stream.indirect.gather [hbm4b:s13+s25], $0x1, s2, s25, $0xb8;
	[tilespmem:$0x4400] =	vst v63  }
0x36: {  	s0 =	rddreg [dreg:$0xc]  }
0x37: {  	[tilespmem:s0], [sflag:$0x1] =	stream.indirect.gather [hbm4b:s14+s25], $0x1, s2, s25, $0xb8;
	[tilespmem:$0x4400] =	vst v63  }
0x38: {  	s1 =	rddreg [dreg:$0xd]  }
0x39: {  	[tilespmem:s1], [sflag:$0x1] =	stream.indirect.gather [hbm4b:s15+s25], $0x1, s2, s25, $0xb8;
	[tilespmem:$0x4400] =	vst v63  }
0x3a: {  	s0 =	rddreg [dreg:$0xe]  }
0x3b: {  	[tilespmem:s0], [sflag:$0x1] =	stream.indirect.gather [hbm4b:s16+s25], $0x1, s2, s25, $0xb8;
	[tilespmem:$0x4400] =	vst v63  }
0x3c: {  	_ = 	snop  }
0x3d: {  	[tilespmem:s6], [sflag:$0x1] =	stream.indirect.gather [hbm4b:s17+s25], $0x1, s2, s25, $0xb8;
	[tilespmem:$0x4400] =	vst v63  }
0x3e: {  	s0 =	rddreg [dreg:$0xf]  }
0x3f: {  	[tilespmem:s0], [sflag:$0x1] =	stream.indirect.gather [hbm4b:s18+s25], $0x1, s2, s25, $0xb8;
	[tilespmem:$0x4400] =	vst v63  }
0x40: {  	s1 =	rddreg [dreg:$0x10]  }
0x41: {  	[tilespmem:s1], [sflag:$0x1] =	stream.indirect.gather [hbm4b:s19+s25], $0x1, s2, s25, $0xb8;
	[tilespmem:$0x4400] =	vst v63  }
0x42: {  	s0 =	rddreg [dreg:$0x11]  }
0x43: {  	[tilespmem:s0], [sflag:$0x1] =	stream.indirect.gather [hbm4b:s20+s25], $0x1, s2, s25, $0xb8;
	[tilespmem:$0x4400] =	vst v63  }
0x44: {  	s1 =	rddreg [dreg:$0x12]  }
0x45: {  	[tilespmem:s1], [sflag:$0x1] =	stream.indirect.gather [hbm4b:s21+s25], $0x1, s2, s25, $0xb8;
	[tilespmem:$0x4400] =	vst v63  }
0x46: {  	s0 =	rddreg [dreg:$0x13]  }
0x47: {  	[tilespmem:s0], [sflag:$0x1] =	stream.indirect.gather [hbm4b:s22+s25], $0x1, s2, s25, $0xb8;
	[tilespmem:$0x4400] =	vst v63  }
0x48: {  	s1 =	rddreg [dreg:$0x14]  }
0x49: {  	[tilespmem:s1], [sflag:$0x1] =	stream.indirect.gather [hbm4b:s23+s25], $0x1, s2, s25, $0xb8;
	[tilespmem:$0x4400] =	vst v63  }
0x4a: {  	s0 =	rddreg [dreg:$0x15]  }
0x4b: {  	[tilespmem:s0], [sflag:$0x1] =	stream.indirect.gather [hbm4b:s24+s25], $0x1, s2, s25, $0xb8;
	[tilespmem:$0x4400] =	vst v63  }
0x4c: {  	_ = 	snop  }
0x4d: {  	[tilespmem:s5], [sflag:$0x1] =	stream.indirect.gather [hbm4b:s9+s25], $0x1, s25, s25, $0xb8;
	[tilespmem:$0x4400] =	vst v63  }
0x4e: {  	s0 =	rddreg [dreg:$0x16]  }
0x4f: {  	[tilespmem:s0], [sflag:$0x1] =	stream.indirect.gather [hbm4b:s10+s25], $0x1, s25, s25, $0xb8;
	[tilespmem:$0x4400] =	vst v63  }
0x50: {  	s1 =	rddreg [dreg:$0x17]  }
0x51: {  	[tilespmem:s1], [sflag:$0x1] =	stream.indirect.gather [hbm4b:s11+s25], $0x1, s25, s25, $0xb8;
	[tilespmem:$0x4400] =	vst v63  }
0x52: {  	s0 =	rddreg [dreg:$0x18]  }
0x53: {  	[tilespmem:s0], [sflag:$0x1] =	stream.indirect.gather [hbm4b:s12+s25], $0x1, s25, s25, $0xb8;
	[tilespmem:$0x4400] =	vst v63  }
0x54: {  	s1 =	rddreg [dreg:$0x19]  }
0x55: {  	[tilespmem:s1], [sflag:$0x1] =	stream.indirect.gather [hbm4b:s13+s25], $0x1, s25, s25, $0xb8;
	[tilespmem:$0x4400] =	vst v63  }
0x56: {  	s0 =	rddreg [dreg:$0x1a]  }
0x57: {  	[tilespmem:s0], [sflag:$0x1] =	stream.indirect.gather [hbm4b:s14+s25], $0x1, s25, s25, $0xb8;
	[tilespmem:$0x4400] =	vst v63  }
0x58: {  	s1 =	rddreg [dreg:$0x1b]  }
0x59: {  	[tilespmem:s1], [sflag:$0x1] =	stream.indirect.gather [hbm4b:s15+s25], $0x1, s25, s25, $0xb8;
	[tilespmem:$0x4400] =	vst v63  }
0x5a: {  	s0 =	rddreg [dreg:$0x1c]  }
0x5b: {  	[tilespmem:s0], [sflag:$0x1] =	stream.indirect.gather [hbm4b:s16+s25], $0x1, s25, s25, $0xb8;
	[tilespmem:$0x4400] =	vst v63  }
0x5c: {  	_ = 	snop  }
0x5d: {  	[tilespmem:s4], [sflag:$0x1] =	stream.indirect.gather [hbm4b:s17+s25], $0x1, s25, s25, $0xb8;
	[tilespmem:$0x4400] =	vst v63  }
0x5e: {  	s0 =	rddreg [dreg:$0x1d]  }
0x5f: {  	[tilespmem:s0], [sflag:$0x1] =	stream.indirect.gather [hbm4b:s18+s25], $0x1, s25, s25, $0xb8;
	[tilespmem:$0x4400] =	vst v63  }
0x60: {  	s1 =	rddreg [dreg:$0x1e]  }
0x61: {  	[tilespmem:s1], [sflag:$0x1] =	stream.indirect.gather [hbm4b:s19+s25], $0x1, s25, s25, $0xb8;
	[tilespmem:$0x4400] =	vst v63  }
0x62: {  	s1 =	simm.s32 $0x3A00  }
0x63: {  	[tilespmem:s1], [sflag:$0x1] =	stream.indirect.gather [hbm4b:s20+s25], $0x1, s25, s25, $0xb8;
	[tilespmem:$0x4400] =	vst v63  }
0x64: {  	_ = 	snop  }
0x65: {  	[tilespmem:s29], [sflag:$0x1] =	stream.indirect.gather [hbm4b:s21+s25], $0x1, s25, s25, $0xb8;
	[tilespmem:$0x4400] =	vst v63  }
0x66: {  	_ = 	snop  }
0x67: {  	[tilespmem:s30], [sflag:$0x1] =	stream.indirect.gather [hbm4b:s22+s25], $0x1, s25, s25, $0xb8;
	[tilespmem:$0x4400] =	vst v63  }
0x68: {  	_ = 	snop  }
0x69: {  	[tilespmem:s31], [sflag:$0x1] =	stream.indirect.gather [hbm4b:s23+s25], $0x1, s25, s25, $0xb8;
	[tilespmem:$0x4400] =	vst v63  }
0x6a: {  	_ = 	snop  }
0x6b: {  	[tilespmem:s28], [sflag:$0x1] =	stream.indirect.gather [hbm4b:s24+s25], $0x1, s25, s25, $0xb8;
	[tilespmem:$0x4400] =	vst v63  }
0x6c: {  	_ =	swait.ge [sflag:s8], $0x200  }
0x6d: {  	[sflag:s8] =	ssyncset.done $0x0  }
0x6e: {  	[sflag:s8] =	ssyncadd.s32 $0xFFFFFE00  }
0x6f: {  	_ =	swait.ge [sflag:s8], $0x200  }
0x70: {  	[sflag:s8] =	ssyncset.done $0x0  }
0x71: {  	[sflag:s8] =	ssyncadd.s32 $0xFFFFFE00  }
0x72: {  	_ =	swait.ge [sflag:s8], $0x200  }
0x73: {  	[sflag:s8] =	ssyncset.done $0x0  }
0x74: {  	[sflag:s8] =	ssyncadd.s32 $0xFFFFFE00  }
0x75: {  	_ =	swait.ge [sflag:s8], $0x200  }
0x76: {  	[sflag:s8] =	ssyncset.done $0x0  }
0x77: {  	[sflag:s8] =	ssyncadd.s32 $0xFFFFFE00  }
0x78: {  	_ =	swait.ge [sflag:s8], $0x200  }
0x79: {  	[sflag:s8] =	ssyncset.done $0x0  }
0x7a: {  	[sflag:s8] =	ssyncadd.s32 $0xFFFFFE00  }
0x7b: {  	_ =	swait.ge [sflag:s8], $0x200  }
0x7c: {  	[sflag:s8] =	ssyncset.done $0x0  }
0x7d: {  	[sflag:s8] =	ssyncadd.s32 $0xFFFFFE00  }
0x7e: {  	_ =	swait.ge [sflag:s8], $0x200  }
0x7f: {  	[sflag:s8] =	ssyncset.done $0x0  }
0x80: {  	[sflag:s8] =	ssyncadd.s32 $0xFFFFFE00  }
0x81: {  	_ =	swait.ge [sflag:s8], $0x200  }
0x82: {  	[sflag:s8] =	ssyncset.done $0x0  }
0x83: {  	[sflag:s8] =	ssyncadd.s32 $0xFFFFFE00  }
0x84: {  	_ =	swait.ge [sflag:s8], $0x200  }
0x85: {  	[sflag:s8] =	ssyncset.done $0x0  }
0x86: {  	[sflag:s8] =	ssyncadd.s32 $0xFFFFFE00  }
0x87: {  	_ =	swait.ge [sflag:s8], $0x200  }
0x88: {  	[sflag:s8] =	ssyncset.done $0x0  }
0x89: {  	[sflag:s8] =	ssyncadd.s32 $0xFFFFFE00  }
0x8a: {  	_ =	swait.ge [sflag:s8], $0x200  }
0x8b: {  	[sflag:s8] =	ssyncset.done $0x0  }
0x8c: {  	[sflag:s8] =	ssyncadd.s32 $0xFFFFFE00  }
0x8d: {  	_ =	swait.ge [sflag:s8], $0x200  }
0x8e: {  	[sflag:s8] =	ssyncset.done $0x0  }
0x8f: {  	[sflag:s8] =	ssyncadd.s32 $0xFFFFFE00  }
0x90: {  	_ =	swait.ge [sflag:s8], $0x200  }
0x91: {  	[sflag:s8] =	ssyncset.done $0x0  }
0x92: {  	[sflag:s8] =	ssyncadd.s32 $0xFFFFFE00  }
0x93: {  	_ =	swait.ge [sflag:s8], $0x200  }
0x94: {  	[sflag:s8] =	ssyncset.done $0x0  }
0x95: {  	[sflag:s8] =	ssyncadd.s32 $0xFFFFFE00  }
0x96: {  	_ =	swait.ge [sflag:s8], $0x200  }
0x97: {  	[sflag:s8] =	ssyncset.done $0x0  }
0x98: {  	[sflag:s8] =	ssyncadd.s32 $0xFFFFFE00  }
0x99: {  	_ =	swait.ge [sflag:s8], $0x200  }
0x9a: {  	[sflag:s8] =	ssyncset.done $0x0  }
0x9b: {  	[sflag:s8] =	ssyncadd.s32 $0xFFFFFE00  }
0x9c: {  	_ =	swait.ge [sflag:s8], $0x200  }
0x9d: {  	[sflag:s8] =	ssyncset.done $0x0  }
0x9e: {  	[sflag:s8] =	ssyncadd.s32 $0xFFFFFE00  }
0x9f: {  	_ =	swait.ge [sflag:s8], $0x200  }
0xa0: {  	[sflag:s8] =	ssyncset.done $0x0  }
0xa1: {  	[sflag:s8] =	ssyncadd.s32 $0xFFFFFE00  }
0xa2: {  	_ =	swait.ge [sflag:s8], $0x200  }
0xa3: {  	[sflag:s8] =	ssyncset.done $0x0  }
0xa4: {  	[sflag:s8] =	ssyncadd.s32 $0xFFFFFE00  }
0xa5: {  	_ =	swait.ge [sflag:s8], $0x200  }
0xa6: {  	[sflag:s8] =	ssyncset.done $0x0  }
0xa7: {  	[sflag:s8] =	ssyncadd.s32 $0xFFFFFE00  }
0xa8: {  	_ =	swait.ge [sflag:s8], $0x200  }
0xa9: {  	[sflag:s8] =	ssyncset.done $0x0  }
0xaa: {  	[sflag:s8] =	ssyncadd.s32 $0xFFFFFE00  }
0xab: {  	_ =	swait.ge [sflag:s8], $0x200  }
0xac: {  	[sflag:s8] =	ssyncset.done $0x0  }
0xad: {  	[sflag:s8] =	ssyncadd.s32 $0xFFFFFE00  }
0xae: {  	_ =	swait.ge [sflag:s8], $0x200  }
0xaf: {  	[sflag:s8] =	ssyncset.done $0x0  }
0xb0: {  	[sflag:s8] =	ssyncadd.s32 $0xFFFFFE00  }
0xb1: {  	_ =	swait.ge [sflag:s8], $0x200  }
0xb2: {  	[sflag:s8] =	ssyncset.done $0x0  }
0xb3: {  	[sflag:s8] =	ssyncadd.s32 $0xFFFFFE00  }
0xb4: {  	_ =	swait.ge [sflag:s8], $0x200  }
0xb5: {  	[sflag:s8] =	ssyncset.done $0x0  }
0xb6: {  	[sflag:s8] =	ssyncadd.s32 $0xFFFFFE00  }
0xb7: {  	_ =	swait.ge [sflag:s8], $0x200  }
0xb8: {  	[sflag:s8] =	ssyncset.done $0x0  }
0xb9: {  	[sflag:s8] =	ssyncadd.s32 $0xFFFFFE00  }
0xba: {  	_ =	swait.ge [sflag:s8], $0x200  }
0xbb: {  	[sflag:s8] =	ssyncset.done $0x0  }
0xbc: {  	[sflag:s8] =	ssyncadd.s32 $0xFFFFFE00  }
0xbd: {  	_ =	swait.ge [sflag:s8], $0x200  }
0xbe: {  	[sflag:s8] =	ssyncset.done $0x0  }
0xbf: {  	[sflag:s8] =	ssyncadd.s32 $0xFFFFFE00  }
0xc0: {  	_ =	swait.ge [sflag:s8], $0x200  }
0xc1: {  	[sflag:s8] =	ssyncset.done $0x0  }
0xc2: {  	[sflag:s8] =	ssyncadd.s32 $0xFFFFFE00  }
0xc3: {  	_ =	swait.ge [sflag:s8], $0x200  }
0xc4: {  	[sflag:s8] =	ssyncset.done $0x0  }
0xc5: {  	[sflag:s8] =	ssyncadd.s32 $0xFFFFFE00  }
0xc6: {  	_ =	swait.ge [sflag:s8], $0x200  }
0xc7: {  	[sflag:s8] =	ssyncset.done $0x0  }
0xc8: {  	[sflag:s8] =	ssyncadd.s32 $0xFFFFFE00  }
0xc9: {  	_ =	swait.ge [sflag:s8], $0x200  }
0xca: {  	[sflag:s8] =	ssyncset.done $0x0  }
0xcb: {  	s1 =	rddreg [dreg:$0x4];
	[sflag:s8] =	ssyncadd.s32 $0xFFFFFE00  }
0xcc: {  	[hbm4b:s1+s2] =	stream.linear.scatter [tilespmem:s7], [sflag:$0x2], $0x1000, $0x38;
	[tilespmem:$0x4400] =	vst v63  }
0xcd: {  	_ =	swait.ge [sflag:s3], $0x1000  }
0xce: {  	[sflag:s3] =	ssyncset.done $0x0  }
0xcf: {  	s1 =	rddreg [dreg:$0x5];
	[sflag:s3] =	ssyncadd.s32 $0xFFFFF000  }
0xd0: {  	[hbm4b:s1+s2] =	stream.linear.scatter [tilespmem:s6], [sflag:$0x2], $0x1000, $0x38;
	[tilespmem:$0x4400] =	vst v63  }
0xd1: {  	_ =	swait.ge [sflag:s3], $0x1000  }
0xd2: {  	[sflag:s3] =	ssyncset.done $0x0  }
0xd3: {  	s1 =	rddreg [dreg:$0x6];
	[sflag:s3] =	ssyncadd.s32 $0xFFFFF000  }
0xd4: {  	[hbm4b:s1+s2] =	stream.linear.scatter [tilespmem:s5], [sflag:$0x2], $0x1000, $0x38;
	[tilespmem:$0x4400] =	vst v63  }
0xd5: {  	p1 =	sne.s32 s26, $0x1;
	_ =	swait.ge [sflag:s3], $0x1000  }
.Ltmp1:
0xd6: {  	[sflag:s3] =	ssyncset.done $0x0;
	(pc) =	sbr.rel @!p1 .LBB2_3-.Ltmp1, $4  }
0xd7: {  	s1 =	rddreg [dreg:$0x7];
	[sflag:s3] =	ssyncadd.s32 $0xFFFFF000  }
0xd8: {  	[hbm4b:s1+s2] =	stream.linear.scatter [tilespmem:s4], [sflag:$0x2], $0x1000, $0x38;
	[tilespmem:$0x4400] =	vst v63  }
0xd9: {  	p0 =	por $0x1, $0x1;
	_ =	swait.ge [sflag:s3], $0x1000  }
0xda: {  	s1 =	sadd.s32 $0xFFFFFFFF, s26;
	s0 =	rddreg [dreg:$0x2];
	[sflag:s3] =	ssyncset.done $0x0  }
.LBB2_4:
0xdb: {  	[sflag:s3] =	ssyncadd.s32 $0xFFFFF000  }
0xdc: {  	[tilespmem:s2], [sflag:$0x2] =	stream.linear.gather [hbm4b:s0+s2], $0x200, $0x38;
	[tilespmem:$0x4400] =	vst v63  }
0xdd: {  	_ =	swait.ge [sflag:s3], $0x200  }
0xde: {  	[sflag:s3] =	ssyncset.done $0x0  }
0xdf: {  	s26 =	rddreg [dreg:$0x3];
	[sflag:s3] =	ssyncadd.s32 $0xFFFFFE00  }
0xe0: {  	[tilespmem:s25], [sflag:$0x2] =	stream.linear.gather [hbm4b:s26+s2], $0x200, $0x38;
	[tilespmem:$0x4400] =	vst v63  }
0xe1: {  	_ =	swait.ge [sflag:s3], $0x200  }
0xe2: {  	[sflag:s3] =	ssyncset.done $0x0  }
0xe3: {  	[sflag:s3] =	ssyncadd.s32 $0xFFFFFE00  }
0xe4: {  	[tilespmem:s7], [sflag:$0x1] =	stream.indirect.gather [hbm4b:s9+s25], $0x1, s2, s25, $0xb8;
	[tilespmem:$0x4400] =	vst v63  }
0xe5: {  	s0 =	rddreg [dreg:$0x8]  }
0xe6: {  	[tilespmem:s0], [sflag:$0x1] =	stream.indirect.gather [hbm4b:s10+s25], $0x1, s2, s25, $0xb8;
	[tilespmem:$0x4400] =	vst v63  }
0xe7: {  	s26 =	rddreg [dreg:$0x9]  }
0xe8: {  	[tilespmem:s26], [sflag:$0x1] =	stream.indirect.gather [hbm4b:s11+s25], $0x1, s2, s25, $0xb8;
	[tilespmem:$0x4400] =	vst v63  }
0xe9: {  	s0 =	rddreg [dreg:$0xa]  }
0xea: {  	[tilespmem:s0], [sflag:$0x1] =	stream.indirect.gather [hbm4b:s12+s25], $0x1, s2, s25, $0xb8;
	[tilespmem:$0x4400] =	vst v63  }
0xeb: {  	s26 =	rddreg [dreg:$0xb]  }
0xec: {  	[tilespmem:s26], [sflag:$0x1] =	stream.indirect.gather [hbm4b:s13+s25], $0x1, s2, s25, $0xb8;
	[tilespmem:$0x4400] =	vst v63  }
0xed: {  	s0 =	rddreg [dreg:$0xc]  }
0xee: {  	[tilespmem:s0], [sflag:$0x1] =	stream.indirect.gather [hbm4b:s14+s25], $0x1, s2, s25, $0xb8;
	[tilespmem:$0x4400] =	vst v63  }
0xef: {  	s26 =	rddreg [dreg:$0xd]  }
0xf0: {  	[tilespmem:s26], [sflag:$0x1] =	stream.indirect.gather [hbm4b:s15+s25], $0x1, s2, s25, $0xb8;
	[tilespmem:$0x4400] =	vst v63  }
0xf1: {  	s0 =	rddreg [dreg:$0xe]  }
0xf2: {  	[tilespmem:s0], [sflag:$0x1] =	stream.indirect.gather [hbm4b:s16+s25], $0x1, s2, s25, $0xb8;
	[tilespmem:$0x4400] =	vst v63  }
0xf3: {  	_ = 	snop  }
0xf4: {  	[tilespmem:s6], [sflag:$0x1] =	stream.indirect.gather [hbm4b:s17+s25], $0x1, s2, s25, $0xb8;
	[tilespmem:$0x4400] =	vst v63  }
0xf5: {  	s0 =	rddreg [dreg:$0xf]  }
0xf6: {  	[tilespmem:s0], [sflag:$0x1] =	stream.indirect.gather [hbm4b:s18+s25], $0x1, s2, s25, $0xb8;
	[tilespmem:$0x4400] =	vst v63  }
0xf7: {  	s26 =	rddreg [dreg:$0x10]  }
0xf8: {  	[tilespmem:s26], [sflag:$0x1] =	stream.indirect.gather [hbm4b:s19+s25], $0x1, s2, s25, $0xb8;
	[tilespmem:$0x4400] =	vst v63  }
0xf9: {  	s0 =	rddreg [dreg:$0x11]  }
0xfa: {  	[tilespmem:s0], [sflag:$0x1] =	stream.indirect.gather [hbm4b:s20+s25], $0x1, s2, s25, $0xb8;
	[tilespmem:$0x4400] =	vst v63  }
0xfb: {  	s26 =	rddreg [dreg:$0x12]  }
0xfc: {  	[tilespmem:s26], [sflag:$0x1] =	stream.indirect.gather [hbm4b:s21+s25], $0x1, s2, s25, $0xb8;
	[tilespmem:$0x4400] =	vst v63  }
0xfd: {  	s0 =	rddreg [dreg:$0x13]  }
0xfe: {  	[tilespmem:s0], [sflag:$0x1] =	stream.indirect.gather [hbm4b:s22+s25], $0x1, s2, s25, $0xb8;
	[tilespmem:$0x4400] =	vst v63  }
0xff: {  	s26 =	rddreg [dreg:$0x14]  }
0x100: {  	[tilespmem:s26], [sflag:$0x1] =	stream.indirect.gather [hbm4b:s23+s25], $0x1, s2, s25, $0xb8;
	[tilespmem:$0x4400] =	vst v63  }
0x101: {  	s0 =	rddreg [dreg:$0x15]  }
0x102: {  	[tilespmem:s0], [sflag:$0x1] =	stream.indirect.gather [hbm4b:s24+s25], $0x1, s2, s25, $0xb8;
	[tilespmem:$0x4400] =	vst v63  }
0x103: {  	_ = 	snop  }
0x104: {  	[tilespmem:s5], [sflag:$0x1] =	stream.indirect.gather [hbm4b:s9+s25], $0x1, s25, s25, $0xb8;
	[tilespmem:$0x4400] =	vst v63  }
0x105: {  	s0 =	rddreg [dreg:$0x16]  }
0x106: {  	[tilespmem:s0], [sflag:$0x1] =	stream.indirect.gather [hbm4b:s10+s25], $0x1, s25, s25, $0xb8;
	[tilespmem:$0x4400] =	vst v63  }
0x107: {  	s26 =	rddreg [dreg:$0x17]  }
0x108: {  	[tilespmem:s26], [sflag:$0x1] =	stream.indirect.gather [hbm4b:s11+s25], $0x1, s25, s25, $0xb8;
	[tilespmem:$0x4400] =	vst v63  }
0x109: {  	s0 =	rddreg [dreg:$0x18]  }
0x10a: {  	[tilespmem:s0], [sflag:$0x1] =	stream.indirect.gather [hbm4b:s12+s25], $0x1, s25, s25, $0xb8;
	[tilespmem:$0x4400] =	vst v63  }
0x10b: {  	s26 =	rddreg [dreg:$0x19]  }
0x10c: {  	[tilespmem:s26], [sflag:$0x1] =	stream.indirect.gather [hbm4b:s13+s25], $0x1, s25, s25, $0xb8;
	[tilespmem:$0x4400] =	vst v63  }
0x10d: {  	s0 =	rddreg [dreg:$0x1a]  }
0x10e: {  	[tilespmem:s0], [sflag:$0x1] =	stream.indirect.gather [hbm4b:s14+s25], $0x1, s25, s25, $0xb8;
	[tilespmem:$0x4400] =	vst v63  }
0x10f: {  	s26 =	rddreg [dreg:$0x1b]  }
0x110: {  	[tilespmem:s26], [sflag:$0x1] =	stream.indirect.gather [hbm4b:s15+s25], $0x1, s25, s25, $0xb8;
	[tilespmem:$0x4400] =	vst v63  }
0x111: {  	s0 =	rddreg [dreg:$0x1c]  }
0x112: {  	[tilespmem:s0], [sflag:$0x1] =	stream.indirect.gather [hbm4b:s16+s25], $0x1, s25, s25, $0xb8;
	[tilespmem:$0x4400] =	vst v63  }
0x113: {  	_ = 	snop  }
0x114: {  	[tilespmem:s4], [sflag:$0x1] =	stream.indirect.gather [hbm4b:s17+s25], $0x1, s25, s25, $0xb8;
	[tilespmem:$0x4400] =	vst v63  }
0x115: {  	s0 =	rddreg [dreg:$0x1d]  }
0x116: {  	[tilespmem:s0], [sflag:$0x1] =	stream.indirect.gather [hbm4b:s18+s25], $0x1, s25, s25, $0xb8;
	[tilespmem:$0x4400] =	vst v63  }
0x117: {  	s26 =	rddreg [dreg:$0x1e]  }
0x118: {  	[tilespmem:s26], [sflag:$0x1] =	stream.indirect.gather [hbm4b:s19+s25], $0x1, s25, s25, $0xb8;
	[tilespmem:$0x4400] =	vst v63  }
0x119: {  	s26 =	simm.s32 $0x3A00  }
0x11a: {  	[tilespmem:s26], [sflag:$0x1] =	stream.indirect.gather [hbm4b:s20+s25], $0x1, s25, s25, $0xb8;
	[tilespmem:$0x4400] =	vst v63  }
0x11b: {  	_ = 	snop  }
0x11c: {  	[tilespmem:s29], [sflag:$0x1] =	stream.indirect.gather [hbm4b:s21+s25], $0x1, s25, s25, $0xb8;
	[tilespmem:$0x4400] =	vst v63  }
0x11d: {  	_ = 	snop  }
0x11e: {  	[tilespmem:s30], [sflag:$0x1] =	stream.indirect.gather [hbm4b:s22+s25], $0x1, s25, s25, $0xb8;
	[tilespmem:$0x4400] =	vst v63  }
0x11f: {  	_ = 	snop  }
0x120: {  	[tilespmem:s31], [sflag:$0x1] =	stream.indirect.gather [hbm4b:s23+s25], $0x1, s25, s25, $0xb8;
	[tilespmem:$0x4400] =	vst v63  }
0x121: {  	_ = 	snop  }
0x122: {  	[tilespmem:s28], [sflag:$0x1] =	stream.indirect.gather [hbm4b:s24+s25], $0x1, s25, s25, $0xb8;
	[tilespmem:$0x4400] =	vst v63  }
0x123: {  	_ =	swait.ge [sflag:s8], $0x200  }
0x124: {  	[sflag:s8] =	ssyncset.done $0x0  }
0x125: {  	[sflag:s8] =	ssyncadd.s32 $0xFFFFFE00  }
0x126: {  	_ =	swait.ge [sflag:s8], $0x200  }
0x127: {  	[sflag:s8] =	ssyncset.done $0x0  }
0x128: {  	[sflag:s8] =	ssyncadd.s32 $0xFFFFFE00  }
0x129: {  	_ =	swait.ge [sflag:s8], $0x200  }
0x12a: {  	[sflag:s8] =	ssyncset.done $0x0  }
0x12b: {  	[sflag:s8] =	ssyncadd.s32 $0xFFFFFE00  }
0x12c: {  	_ =	swait.ge [sflag:s8], $0x200  }
0x12d: {  	[sflag:s8] =	ssyncset.done $0x0  }
0x12e: {  	[sflag:s8] =	ssyncadd.s32 $0xFFFFFE00  }
0x12f: {  	_ =	swait.ge [sflag:s8], $0x200  }
0x130: {  	[sflag:s8] =	ssyncset.done $0x0  }
0x131: {  	[sflag:s8] =	ssyncadd.s32 $0xFFFFFE00  }
0x132: {  	_ =	swait.ge [sflag:s8], $0x200  }
0x133: {  	[sflag:s8] =	ssyncset.done $0x0  }
0x134: {  	[sflag:s8] =	ssyncadd.s32 $0xFFFFFE00  }
0x135: {  	_ =	swait.ge [sflag:s8], $0x200  }
0x136: {  	[sflag:s8] =	ssyncset.done $0x0  }
0x137: {  	[sflag:s8] =	ssyncadd.s32 $0xFFFFFE00  }
0x138: {  	_ =	swait.ge [sflag:s8], $0x200  }
0x139: {  	[sflag:s8] =	ssyncset.done $0x0  }
0x13a: {  	[sflag:s8] =	ssyncadd.s32 $0xFFFFFE00  }
0x13b: {  	_ =	swait.ge [sflag:s8], $0x200  }
0x13c: {  	[sflag:s8] =	ssyncset.done $0x0  }
0x13d: {  	[sflag:s8] =	ssyncadd.s32 $0xFFFFFE00  }
0x13e: {  	_ =	swait.ge [sflag:s8], $0x200  }
0x13f: {  	[sflag:s8] =	ssyncset.done $0x0  }
0x140: {  	[sflag:s8] =	ssyncadd.s32 $0xFFFFFE00  }
0x141: {  	_ =	swait.ge [sflag:s8], $0x200  }
0x142: {  	[sflag:s8] =	ssyncset.done $0x0  }
0x143: {  	[sflag:s8] =	ssyncadd.s32 $0xFFFFFE00  }
0x144: {  	_ =	swait.ge [sflag:s8], $0x200  }
0x145: {  	[sflag:s8] =	ssyncset.done $0x0  }
0x146: {  	[sflag:s8] =	ssyncadd.s32 $0xFFFFFE00  }
0x147: {  	_ =	swait.ge [sflag:s8], $0x200  }
0x148: {  	[sflag:s8] =	ssyncset.done $0x0  }
0x149: {  	[sflag:s8] =	ssyncadd.s32 $0xFFFFFE00  }
0x14a: {  	_ =	swait.ge [sflag:s8], $0x200  }
0x14b: {  	[sflag:s8] =	ssyncset.done $0x0  }
0x14c: {  	[sflag:s8] =	ssyncadd.s32 $0xFFFFFE00  }
0x14d: {  	_ =	swait.ge [sflag:s8], $0x200  }
0x14e: {  	[sflag:s8] =	ssyncset.done $0x0  }
0x14f: {  	[sflag:s8] =	ssyncadd.s32 $0xFFFFFE00  }
0x150: {  	_ =	swait.ge [sflag:s8], $0x200  }
0x151: {  	[sflag:s8] =	ssyncset.done $0x0  }
0x152: {  	[sflag:s8] =	ssyncadd.s32 $0xFFFFFE00  }
0x153: {  	_ =	swait.ge [sflag:s8], $0x200  }
0x154: {  	[sflag:s8] =	ssyncset.done $0x0  }
0x155: {  	[sflag:s8] =	ssyncadd.s32 $0xFFFFFE00  }
0x156: {  	_ =	swait.ge [sflag:s8], $0x200  }
0x157: {  	[sflag:s8] =	ssyncset.done $0x0  }
0x158: {  	[sflag:s8] =	ssyncadd.s32 $0xFFFFFE00  }
0x159: {  	_ =	swait.ge [sflag:s8], $0x200  }
0x15a: {  	[sflag:s8] =	ssyncset.done $0x0  }
0x15b: {  	[sflag:s8] =	ssyncadd.s32 $0xFFFFFE00  }
0x15c: {  	_ =	swait.ge [sflag:s8], $0x200  }
0x15d: {  	[sflag:s8] =	ssyncset.done $0x0  }
0x15e: {  	[sflag:s8] =	ssyncadd.s32 $0xFFFFFE00  }
0x15f: {  	_ =	swait.ge [sflag:s8], $0x200  }
0x160: {  	[sflag:s8] =	ssyncset.done $0x0  }
0x161: {  	[sflag:s8] =	ssyncadd.s32 $0xFFFFFE00  }
0x162: {  	_ =	swait.ge [sflag:s8], $0x200  }
0x163: {  	[sflag:s8] =	ssyncset.done $0x0  }
0x164: {  	[sflag:s8] =	ssyncadd.s32 $0xFFFFFE00  }
0x165: {  	_ =	swait.ge [sflag:s8], $0x200  }
0x166: {  	[sflag:s8] =	ssyncset.done $0x0  }
0x167: {  	[sflag:s8] =	ssyncadd.s32 $0xFFFFFE00  }
0x168: {  	_ =	swait.ge [sflag:s8], $0x200  }
0x169: {  	[sflag:s8] =	ssyncset.done $0x0  }
0x16a: {  	[sflag:s8] =	ssyncadd.s32 $0xFFFFFE00  }
0x16b: {  	_ =	swait.ge [sflag:s8], $0x200  }
0x16c: {  	[sflag:s8] =	ssyncset.done $0x0  }
0x16d: {  	[sflag:s8] =	ssyncadd.s32 $0xFFFFFE00  }
0x16e: {  	_ =	swait.ge [sflag:s8], $0x200  }
0x16f: {  	[sflag:s8] =	ssyncset.done $0x0  }
0x170: {  	[sflag:s8] =	ssyncadd.s32 $0xFFFFFE00  }
0x171: {  	_ =	swait.ge [sflag:s8], $0x200  }
0x172: {  	[sflag:s8] =	ssyncset.done $0x0  }
0x173: {  	[sflag:s8] =	ssyncadd.s32 $0xFFFFFE00  }
0x174: {  	_ =	swait.ge [sflag:s8], $0x200  }
0x175: {  	[sflag:s8] =	ssyncset.done $0x0  }
0x176: {  	[sflag:s8] =	ssyncadd.s32 $0xFFFFFE00  }
0x177: {  	_ =	swait.ge [sflag:s8], $0x200  }
0x178: {  	[sflag:s8] =	ssyncset.done $0x0  }
0x179: {  	[sflag:s8] =	ssyncadd.s32 $0xFFFFFE00  }
0x17a: {  	_ =	swait.ge [sflag:s8], $0x200  }
0x17b: {  	[sflag:s8] =	ssyncset.done $0x0  }
0x17c: {  	[sflag:s8] =	ssyncadd.s32 $0xFFFFFE00  }
0x17d: {  	_ =	swait.ge [sflag:s8], $0x200  }
0x17e: {  	[sflag:s8] =	ssyncset.done $0x0  }
0x17f: {  	[sflag:s8] =	ssyncadd.s32 $0xFFFFFE00  }
0x180: {  	_ =	swait.ge [sflag:s8], $0x200  }
0x181: {  	[sflag:s8] =	ssyncset.done $0x0  }
0x182: {  	s26 =	rddreg [dreg:$0x4];
	[sflag:s8] =	ssyncadd.s32 $0xFFFFFE00  }
0x183: {  	[hbm4b:s26+s2] =	stream.linear.scatter [tilespmem:s7], [sflag:$0x2], $0x1000, $0x38;
	[tilespmem:$0x4400] =	vst v63  }
0x184: {  	_ =	swait.ge [sflag:s3], $0x1000  }
0x185: {  	[sflag:s3] =	ssyncset.done $0x0  }
0x186: {  	s26 =	rddreg [dreg:$0x5];
	[sflag:s3] =	ssyncadd.s32 $0xFFFFF000  }
0x187: {  	[hbm4b:s26+s2] =	stream.linear.scatter [tilespmem:s6], [sflag:$0x2], $0x1000, $0x38;
	[tilespmem:$0x4400] =	vst v63  }
0x188: {  	_ =	swait.ge [sflag:s3], $0x1000  }
0x189: {  	[sflag:s3] =	ssyncset.done $0x0  }
0x18a: {  	s26 =	rddreg [dreg:$0x6];
	[sflag:s3] =	ssyncadd.s32 $0xFFFFF000  }
0x18b: {  	[hbm4b:s26+s2] =	stream.linear.scatter [tilespmem:s5], [sflag:$0x2], $0x1000, $0x38;
	[tilespmem:$0x4400] =	vst v63  }
0x18c: {  	p1 =	sne.s32 s1, $0x1;
	_ =	swait.ge [sflag:s3], $0x1000  }
.Ltmp2:
0x18d: {  	[sflag:s3] =	ssyncset.done $0x0;
	(pc) =	sbr.rel @p1 .LBB2_4-.Ltmp2, $4  }
0x18e: {  	s26 =	rddreg [dreg:$0x7];
	[sflag:s3] =	ssyncadd.s32 $0xFFFFF000  }
0x18f: {  	[hbm4b:s26+s2] =	stream.linear.scatter [tilespmem:s4], [sflag:$0x2], $0x1000, $0x38;
	[tilespmem:$0x4400] =	vst v63  }
0x190: {  	_ =	swait.ge [sflag:s3], $0x1000  }
0x191: {  	s1 =	sadd.s32 $0xFFFFFFFF, s1;
	s0 =	rddreg [dreg:$0x2];
	[sflag:s3] =	ssyncset.done $0x0  }
0x192: {  	s26 =	simm.s32 $0x4200;
	s31 =	simm.s32 $0x4000  }
0x193: {  	s30 =	simm.s32 $0x3E00;
	s29 =	simm.s32 $0x3C00;
	s28 =	simm.s32 $0x3A00  }
.LBB2_6:
0x194: {  	[sflag:s3] =	ssyncadd.s32 @p0 $0xFFFFF000  }
0x195: {  	[tilespmem:s2], [sflag:$0x2] =	stream.linear.gather [hbm4b:s0+s2], $0x200, $0x38;
	[tilespmem:$0x4400] =	vst v63  }
0x196: {  	_ =	swait.ge [sflag:s3], $0x200  }
0x197: {  	[sflag:s3] =	ssyncset.done $0x0  }
0x198: {  	s1 =	rddreg [dreg:$0x3];
	[sflag:s3] =	ssyncadd.s32 $0xFFFFFE00  }
0x199: {  	[tilespmem:s25], [sflag:$0x2] =	stream.linear.gather [hbm4b:s1+s2], $0x200, $0x38;
	[tilespmem:$0x4400] =	vst v63  }
0x19a: {  	_ =	swait.ge [sflag:s3], $0x200  }
0x19b: {  	[sflag:s3] =	ssyncset.done $0x0  }
0x19c: {  	[sflag:s3] =	ssyncadd.s32 $0xFFFFFE00  }
0x19d: {  	[tilespmem:s7], [sflag:$0x1] =	stream.indirect.gather [hbm4b:s9+s25], $0x1, s2, s25, $0xb8;
	[tilespmem:$0x4400] =	vst v63  }
0x19e: {  	s0 =	rddreg [dreg:$0x8]  }
0x19f: {  	[tilespmem:s0], [sflag:$0x1] =	stream.indirect.gather [hbm4b:s10+s25], $0x1, s2, s25, $0xb8;
	[tilespmem:$0x4400] =	vst v63  }
0x1a0: {  	s1 =	rddreg [dreg:$0x9]  }
0x1a1: {  	[tilespmem:s1], [sflag:$0x1] =	stream.indirect.gather [hbm4b:s11+s25], $0x1, s2, s25, $0xb8;
	[tilespmem:$0x4400] =	vst v63  }
0x1a2: {  	s0 =	rddreg [dreg:$0xa]  }
0x1a3: {  	[tilespmem:s0], [sflag:$0x1] =	stream.indirect.gather [hbm4b:s12+s25], $0x1, s2, s25, $0xb8;
	[tilespmem:$0x4400] =	vst v63  }
0x1a4: {  	s1 =	rddreg [dreg:$0xb]  }
0x1a5: {  	[tilespmem:s1], [sflag:$0x1] =	stream.indirect.gather [hbm4b:s13+s25], $0x1, s2, s25, $0xb8;
	[tilespmem:$0x4400] =	vst v63  }
0x1a6: {  	s0 =	rddreg [dreg:$0xc]  }
0x1a7: {  	[tilespmem:s0], [sflag:$0x1] =	stream.indirect.gather [hbm4b:s14+s25], $0x1, s2, s25, $0xb8;
	[tilespmem:$0x4400] =	vst v63  }
0x1a8: {  	s1 =	rddreg [dreg:$0xd]  }
0x1a9: {  	[tilespmem:s1], [sflag:$0x1] =	stream.indirect.gather [hbm4b:s15+s25], $0x1, s2, s25, $0xb8;
	[tilespmem:$0x4400] =	vst v63  }
0x1aa: {  	s0 =	rddreg [dreg:$0xe]  }
0x1ab: {  	[tilespmem:s0], [sflag:$0x1] =	stream.indirect.gather [hbm4b:s16+s25], $0x1, s2, s25, $0xb8;
	[tilespmem:$0x4400] =	vst v63  }
0x1ac: {  	_ = 	snop  }
0x1ad: {  	[tilespmem:s6], [sflag:$0x1] =	stream.indirect.gather [hbm4b:s17+s25], $0x1, s2, s25, $0xb8;
	[tilespmem:$0x4400] =	vst v63  }
0x1ae: {  	s0 =	rddreg [dreg:$0xf]  }
0x1af: {  	[tilespmem:s0], [sflag:$0x1] =	stream.indirect.gather [hbm4b:s18+s25], $0x1, s2, s25, $0xb8;
	[tilespmem:$0x4400] =	vst v63  }
0x1b0: {  	s1 =	rddreg [dreg:$0x10]  }
0x1b1: {  	[tilespmem:s1], [sflag:$0x1] =	stream.indirect.gather [hbm4b:s19+s25], $0x1, s2, s25, $0xb8;
	[tilespmem:$0x4400] =	vst v63  }
0x1b2: {  	s0 =	rddreg [dreg:$0x11]  }
0x1b3: {  	[tilespmem:s0], [sflag:$0x1] =	stream.indirect.gather [hbm4b:s20+s25], $0x1, s2, s25, $0xb8;
	[tilespmem:$0x4400] =	vst v63  }
0x1b4: {  	s1 =	rddreg [dreg:$0x12]  }
0x1b5: {  	[tilespmem:s1], [sflag:$0x1] =	stream.indirect.gather [hbm4b:s21+s25], $0x1, s2, s25, $0xb8;
	[tilespmem:$0x4400] =	vst v63  }
0x1b6: {  	s0 =	rddreg [dreg:$0x13]  }
0x1b7: {  	[tilespmem:s0], [sflag:$0x1] =	stream.indirect.gather [hbm4b:s22+s25], $0x1, s2, s25, $0xb8;
	[tilespmem:$0x4400] =	vst v63  }
0x1b8: {  	s1 =	rddreg [dreg:$0x14]  }
0x1b9: {  	[tilespmem:s1], [sflag:$0x1] =	stream.indirect.gather [hbm4b:s23+s25], $0x1, s2, s25, $0xb8;
	[tilespmem:$0x4400] =	vst v63  }
0x1ba: {  	s0 =	rddreg [dreg:$0x15]  }
0x1bb: {  	[tilespmem:s0], [sflag:$0x1] =	stream.indirect.gather [hbm4b:s24+s25], $0x1, s2, s25, $0xb8;
	[tilespmem:$0x4400] =	vst v63  }
0x1bc: {  	_ = 	snop  }
0x1bd: {  	[tilespmem:s5], [sflag:$0x1] =	stream.indirect.gather [hbm4b:s9+s25], $0x1, s25, s25, $0xb8;
	[tilespmem:$0x4400] =	vst v63  }
0x1be: {  	s1 =	rddreg [dreg:$0x16]  }
0x1bf: {  	[tilespmem:s1], [sflag:$0x1] =	stream.indirect.gather [hbm4b:s10+s25], $0x1, s25, s25, $0xb8;
	[tilespmem:$0x4400] =	vst v63  }
0x1c0: {  	s9 =	rddreg [dreg:$0x17]  }
0x1c1: {  	[tilespmem:s9], [sflag:$0x1] =	stream.indirect.gather [hbm4b:s11+s25], $0x1, s25, s25, $0xb8;
	[tilespmem:$0x4400] =	vst v63  }
0x1c2: {  	s10 =	rddreg [dreg:$0x18]  }
0x1c3: {  	[tilespmem:s10], [sflag:$0x1] =	stream.indirect.gather [hbm4b:s12+s25], $0x1, s25, s25, $0xb8;
	[tilespmem:$0x4400] =	vst v63  }
0x1c4: {  	s11 =	rddreg [dreg:$0x19]  }
0x1c5: {  	[tilespmem:s11], [sflag:$0x1] =	stream.indirect.gather [hbm4b:s13+s25], $0x1, s25, s25, $0xb8;
	[tilespmem:$0x4400] =	vst v63  }
0x1c6: {  	s12 =	rddreg [dreg:$0x1a]  }
0x1c7: {  	[tilespmem:s12], [sflag:$0x1] =	stream.indirect.gather [hbm4b:s14+s25], $0x1, s25, s25, $0xb8;
	[tilespmem:$0x4400] =	vst v63  }
0x1c8: {  	s13 =	rddreg [dreg:$0x1b]  }
0x1c9: {  	[tilespmem:s13], [sflag:$0x1] =	stream.indirect.gather [hbm4b:s15+s25], $0x1, s25, s25, $0xb8;
	[tilespmem:$0x4400] =	vst v63  }
0x1ca: {  	s14 =	rddreg [dreg:$0x1c]  }
0x1cb: {  	[tilespmem:s14], [sflag:$0x1] =	stream.indirect.gather [hbm4b:s16+s25], $0x1, s25, s25, $0xb8;
	[tilespmem:$0x4400] =	vst v63  }
0x1cc: {  	_ = 	snop  }
0x1cd: {  	[tilespmem:s4], [sflag:$0x1] =	stream.indirect.gather [hbm4b:s17+s25], $0x1, s25, s25, $0xb8;
	[tilespmem:$0x4400] =	vst v63  }
0x1ce: {  	s16 =	rddreg [dreg:$0x1d]  }
0x1cf: {  	[tilespmem:s16], [sflag:$0x1] =	stream.indirect.gather [hbm4b:s18+s25], $0x1, s25, s25, $0xb8;
	[tilespmem:$0x4400] =	vst v63  }
0x1d0: {  	s17 =	rddreg [dreg:$0x1e]  }
0x1d1: {  	[tilespmem:s17], [sflag:$0x1] =	stream.indirect.gather [hbm4b:s19+s25], $0x1, s25, s25, $0xb8;
	[tilespmem:$0x4400] =	vst v63  }
0x1d2: {  	_ = 	snop  }
0x1d3: {  	[tilespmem:s28], [sflag:$0x1] =	stream.indirect.gather [hbm4b:s20+s25], $0x1, s25, s25, $0xb8;
	[tilespmem:$0x4400] =	vst v63  }
0x1d4: {  	_ = 	snop  }
0x1d5: {  	[tilespmem:s29], [sflag:$0x1] =	stream.indirect.gather [hbm4b:s21+s25], $0x1, s25, s25, $0xb8;
	[tilespmem:$0x4400] =	vst v63  }
0x1d6: {  	_ = 	snop  }
0x1d7: {  	[tilespmem:s30], [sflag:$0x1] =	stream.indirect.gather [hbm4b:s22+s25], $0x1, s25, s25, $0xb8;
	[tilespmem:$0x4400] =	vst v63  }
0x1d8: {  	_ = 	snop  }
0x1d9: {  	[tilespmem:s31], [sflag:$0x1] =	stream.indirect.gather [hbm4b:s23+s25], $0x1, s25, s25, $0xb8;
	[tilespmem:$0x4400] =	vst v63  }
0x1da: {  	_ = 	snop  }
0x1db: {  	[tilespmem:s26], [sflag:$0x1] =	stream.indirect.gather [hbm4b:s24+s25], $0x1, s25, s25, $0xb8;
	[tilespmem:$0x4400] =	vst v63  }
0x1dc: {  	_ =	swait.ge [sflag:s8], $0x200  }
0x1dd: {  	[sflag:s8] =	ssyncset.done $0x0  }
0x1de: {  	[sflag:s8] =	ssyncadd.s32 $0xFFFFFE00  }
0x1df: {  	_ =	swait.ge [sflag:s8], $0x200  }
0x1e0: {  	[sflag:s8] =	ssyncset.done $0x0  }
0x1e1: {  	[sflag:s8] =	ssyncadd.s32 $0xFFFFFE00  }
0x1e2: {  	_ =	swait.ge [sflag:s8], $0x200  }
0x1e3: {  	[sflag:s8] =	ssyncset.done $0x0  }
0x1e4: {  	[sflag:s8] =	ssyncadd.s32 $0xFFFFFE00  }
0x1e5: {  	_ =	swait.ge [sflag:s8], $0x200  }
0x1e6: {  	[sflag:s8] =	ssyncset.done $0x0  }
0x1e7: {  	[sflag:s8] =	ssyncadd.s32 $0xFFFFFE00  }
0x1e8: {  	_ =	swait.ge [sflag:s8], $0x200  }
0x1e9: {  	[sflag:s8] =	ssyncset.done $0x0  }
0x1ea: {  	[sflag:s8] =	ssyncadd.s32 $0xFFFFFE00  }
0x1eb: {  	_ =	swait.ge [sflag:s8], $0x200  }
0x1ec: {  	[sflag:s8] =	ssyncset.done $0x0  }
0x1ed: {  	[sflag:s8] =	ssyncadd.s32 $0xFFFFFE00  }
0x1ee: {  	_ =	swait.ge [sflag:s8], $0x200  }
0x1ef: {  	[sflag:s8] =	ssyncset.done $0x0  }
0x1f0: {  	[sflag:s8] =	ssyncadd.s32 $0xFFFFFE00  }
0x1f1: {  	_ =	swait.ge [sflag:s8], $0x200  }
0x1f2: {  	[sflag:s8] =	ssyncset.done $0x0  }
0x1f3: {  	[sflag:s8] =	ssyncadd.s32 $0xFFFFFE00  }
0x1f4: {  	_ =	swait.ge [sflag:s8], $0x200  }
0x1f5: {  	[sflag:s8] =	ssyncset.done $0x0  }
0x1f6: {  	[sflag:s8] =	ssyncadd.s32 $0xFFFFFE00  }
0x1f7: {  	_ =	swait.ge [sflag:s8], $0x200  }
0x1f8: {  	[sflag:s8] =	ssyncset.done $0x0  }
0x1f9: {  	[sflag:s8] =	ssyncadd.s32 $0xFFFFFE00  }
0x1fa: {  	_ =	swait.ge [sflag:s8], $0x200  }
0x1fb: {  	[sflag:s8] =	ssyncset.done $0x0  }
0x1fc: {  	[sflag:s8] =	ssyncadd.s32 $0xFFFFFE00  }
0x1fd: {  	_ =	swait.ge [sflag:s8], $0x200  }
0x1fe: {  	[sflag:s8] =	ssyncset.done $0x0  }
0x1ff: {  	[sflag:s8] =	ssyncadd.s32 $0xFFFFFE00  }
0x200: {  	_ =	swait.ge [sflag:s8], $0x200  }
0x201: {  	[sflag:s8] =	ssyncset.done $0x0  }
0x202: {  	[sflag:s8] =	ssyncadd.s32 $0xFFFFFE00  }
0x203: {  	_ =	swait.ge [sflag:s8], $0x200  }
0x204: {  	[sflag:s8] =	ssyncset.done $0x0  }
0x205: {  	[sflag:s8] =	ssyncadd.s32 $0xFFFFFE00  }
0x206: {  	_ =	swait.ge [sflag:s8], $0x200  }
0x207: {  	[sflag:s8] =	ssyncset.done $0x0  }
0x208: {  	[sflag:s8] =	ssyncadd.s32 $0xFFFFFE00  }
0x209: {  	_ =	swait.ge [sflag:s8], $0x200  }
0x20a: {  	[sflag:s8] =	ssyncset.done $0x0  }
0x20b: {  	[sflag:s8] =	ssyncadd.s32 $0xFFFFFE00  }
0x20c: {  	_ =	swait.ge [sflag:s8], $0x200  }
0x20d: {  	[sflag:s8] =	ssyncset.done $0x0  }
0x20e: {  	[sflag:s8] =	ssyncadd.s32 $0xFFFFFE00  }
0x20f: {  	_ =	swait.ge [sflag:s8], $0x200  }
0x210: {  	[sflag:s8] =	ssyncset.done $0x0  }
0x211: {  	[sflag:s8] =	ssyncadd.s32 $0xFFFFFE00  }
0x212: {  	_ =	swait.ge [sflag:s8], $0x200  }
0x213: {  	[sflag:s8] =	ssyncset.done $0x0  }
0x214: {  	[sflag:s8] =	ssyncadd.s32 $0xFFFFFE00  }
0x215: {  	_ =	swait.ge [sflag:s8], $0x200  }
0x216: {  	[sflag:s8] =	ssyncset.done $0x0  }
0x217: {  	[sflag:s8] =	ssyncadd.s32 $0xFFFFFE00  }
0x218: {  	_ =	swait.ge [sflag:s8], $0x200  }
0x219: {  	[sflag:s8] =	ssyncset.done $0x0  }
0x21a: {  	[sflag:s8] =	ssyncadd.s32 $0xFFFFFE00  }
0x21b: {  	_ =	swait.ge [sflag:s8], $0x200  }
0x21c: {  	[sflag:s8] =	ssyncset.done $0x0  }
0x21d: {  	[sflag:s8] =	ssyncadd.s32 $0xFFFFFE00  }
0x21e: {  	_ =	swait.ge [sflag:s8], $0x200  }
0x21f: {  	[sflag:s8] =	ssyncset.done $0x0  }
0x220: {  	[sflag:s8] =	ssyncadd.s32 $0xFFFFFE00  }
0x221: {  	_ =	swait.ge [sflag:s8], $0x200  }
0x222: {  	[sflag:s8] =	ssyncset.done $0x0  }
0x223: {  	[sflag:s8] =	ssyncadd.s32 $0xFFFFFE00  }
0x224: {  	_ =	swait.ge [sflag:s8], $0x200  }
0x225: {  	[sflag:s8] =	ssyncset.done $0x0  }
0x226: {  	[sflag:s8] =	ssyncadd.s32 $0xFFFFFE00  }
0x227: {  	_ =	swait.ge [sflag:s8], $0x200  }
0x228: {  	[sflag:s8] =	ssyncset.done $0x0  }
0x229: {  	[sflag:s8] =	ssyncadd.s32 $0xFFFFFE00  }
0x22a: {  	_ =	swait.ge [sflag:s8], $0x200  }
0x22b: {  	[sflag:s8] =	ssyncset.done $0x0  }
0x22c: {  	[sflag:s8] =	ssyncadd.s32 $0xFFFFFE00  }
0x22d: {  	_ =	swait.ge [sflag:s8], $0x200  }
0x22e: {  	[sflag:s8] =	ssyncset.done $0x0  }
0x22f: {  	[sflag:s8] =	ssyncadd.s32 $0xFFFFFE00  }
0x230: {  	_ =	swait.ge [sflag:s8], $0x200  }
0x231: {  	[sflag:s8] =	ssyncset.done $0x0  }
0x232: {  	[sflag:s8] =	ssyncadd.s32 $0xFFFFFE00  }
0x233: {  	_ =	swait.ge [sflag:s8], $0x200  }
0x234: {  	[sflag:s8] =	ssyncset.done $0x0  }
0x235: {  	[sflag:s8] =	ssyncadd.s32 $0xFFFFFE00  }
0x236: {  	_ =	swait.ge [sflag:s8], $0x200  }
0x237: {  	[sflag:s8] =	ssyncset.done $0x0  }
0x238: {  	[sflag:s8] =	ssyncadd.s32 $0xFFFFFE00  }
0x239: {  	_ =	swait.ge [sflag:s8], $0x200  }
0x23a: {  	[sflag:s8] =	ssyncset.done $0x0  }
0x23b: {  	s26 =	rddreg [dreg:$0x4];
	[sflag:s8] =	ssyncadd.s32 $0xFFFFFE00  }
0x23c: {  	[hbm4b:s26+s2] =	stream.linear.scatter [tilespmem:s7], [sflag:$0x2], $0x1000, $0x38;
	[tilespmem:$0x4400] =	vst v63  }
0x23d: {  	_ =	swait.ge [sflag:s3], $0x1000  }
0x23e: {  	[sflag:s3] =	ssyncset.done $0x0  }
0x23f: {  	s28 =	rddreg [dreg:$0x5];
	[sflag:s3] =	ssyncadd.s32 $0xFFFFF000  }
0x240: {  	[hbm4b:s28+s2] =	stream.linear.scatter [tilespmem:s6], [sflag:$0x2], $0x1000, $0x38;
	[tilespmem:$0x4400] =	vst v63  }
0x241: {  	_ =	swait.ge [sflag:s3], $0x1000  }
0x242: {  	[sflag:s3] =	ssyncset.done $0x0  }
0x243: {  	s29 =	rddreg [dreg:$0x6];
	[sflag:s3] =	ssyncadd.s32 $0xFFFFF000  }
0x244: {  	[hbm4b:s29+s2] =	stream.linear.scatter [tilespmem:s5], [sflag:$0x2], $0x1000, $0x38;
	[tilespmem:$0x4400] =	vst v63  }
0x245: {  	_ =	swait.ge [sflag:s3], $0x1000  }
0x246: {  	[sflag:s3] =	ssyncset.done $0x0  }
0x247: {  	s30 =	rddreg [dreg:$0x7];
	[sflag:s3] =	ssyncadd.s32 $0xFFFFF000  }
0x248: {  	[hbm4b:s30+s2] =	stream.linear.scatter [tilespmem:s4], [sflag:$0x2], $0x1000, $0x38;
	[tilespmem:$0x4400] =	vst v63  }
0x249: {  	_ =	swait.ge [sflag:s3], $0x1000  }
0x24a: {  	[sflag:s3] =	ssyncset.done $0x0  }
0x24b: {  	[sflag:s3] =	ssyncadd.s32 $0xFFFFF000  }
0x24c: {  	_ =	sfence.sel $0x180000  }
0x24d: {  	[bflag:$0x0] =	sbarrier.arrive $0xFFFF  }
0x24e: {  	_ =	strace $0x90000047  }
0x24f: {  	s31 =	stileid.u32;
	[bflag:$0x2] =	sbarrier.arrive $0xFFFF  }
0x250: {  	p0 =	sne.s32 s31, $0x0;
	s0 =	rddreg [dreg:$0x1]  }
0x251: {  	s0 =	sadd.s32 @!p0 $0x100000, s0  }
0x252: {  	[sflag:s0] =	ssyncadd.tile.s32 @!p0 $0x1;
	_ =	shalt  }
.LBB2_1:
.Ltmp3:
0x253: {  	(pc) =	sbr.rel .LBB2_6-.Ltmp3, $3  }
0x254: {  	_ =	sdelay $0x1  }
0x255: {  	s26 =	simm.s32 $0x4200;
	s31 =	simm.s32 $0x4000  }
0x256: {  	s30 =	simm.s32 $0x3E00;
	s29 =	simm.s32 $0x3C00;
	s28 =	simm.s32 $0x3A00  }
.LBB2_3:
.Ltmp4:
0x257: {  	(pc) =	sbr.rel .LBB2_6-.Ltmp4, $3  }
0x258: {  	_ =	sdelay $0x1  }
0x259: {  	s26 =	simm.s32 $0x4200;
	s31 =	simm.s32 $0x4000  }
0x25a: {  	s30 =	simm.s32 $0x3E00;
	s29 =	simm.s32 $0x3C00;
	s28 =	simm.s32 $0x3A00  }
.Lfunc_end2:
_tile_overlayer_lowered:
.L_overlay_start_2:
0x25b: {  	(tag) =	ssettag $0x2  }
0x25c: {  	s0 =	rddreg [dreg:$0x0];
	s2 =	stileid.u32  }
0x25d: {  	s1 =	rddreg [dreg:$0x1];
	p0 =	sne.s32 s2, $0x0  }
0x25e: {  	s3 =	rddreg [dreg:$0x2];
	[bflag:$0x3] =	sbarrier.arrive $0xFFFF;
	s2 =	simm.s32 @!p0 $0x1C02  }
0x25f: {  	[timem:s3], [sflag:s2] =	dma.local @!p0 [hbm:s0], s1  }
0x260: {  	s0 =	simm.s32 @!p0 $0x2  }
0x261: {  	_ =	swait.ge @!p0 [sflag:s0], s1  }
0x262: {  	s1 =	ssub.s32 @!p0 $0x0, s1;
	[sflag:s0] =	ssyncset.done @!p0 $0x0  }
0x263: {  	[sflag:s0] =	ssyncadd.s32 @!p0 s1  }
0x264: {  	[bflag:$0x3] =	sbarrier.arrive $0xFFFF  }
0x265: {  	_ =	shalt  }

// kernel: kernel.9.cloned.1.call-start
scs
__scs_entry_jumppad:
0x0: {  	(pc) =	sbr.rel $0x88, $3  }
0x1: {  	(tag) =	ssettag $0x0;
	lr =	simm.s32 $0x1  }
0x2: {  	[smem:$0x3F9B] =	sst lr;
	_ =	strace $0xD0000000  }
0x3: {  	_ = 	snop  }
0x4: {  	_ = 	snop  }
0x5: {  	_ = 	snop  }
0x6: {  	_ = 	snop  }
0x7: {  	_ = 	snop  }
__scs_overlays_trampoline_lowered:
0x8: {  	[smem:$0x3FAA] =	sst s0  }
0x9: {  	[smem:$0x3FAB] =	sst s1  }
0xa: {  	[smem:$0x3FAC] =	sst s2  }
0xb: {  	[smem:$0x3FAD] =	sst s3  }
0xc: {  	[smem:$0x3FAE] =	sst s4  }
0xd: {  	[smem:$0x3FAF] =	sst s5  }
0xe: {  	[smem:$0x3FB0] =	sst s6  }
0xf: {  	[smem:$0x3FB1] =	sst s7  }
0x10: {  	[smem:$0x3FB2] =	sst s8  }
0x11: {  	[smem:$0x3FB3] =	sst s9;
	s0 =	simm.s32 @!p0 $0x0  }
0x12: {  	s1 =	sld [smem:$0x3F99];
	s0 =	simm.s32 @p0 $0x1  }
0x13: {  	[smem:$0x3FB4] =	sst s0;
	s0 =	simm.s32 @!p1 $0x0  }
0x14: {  	s2 =	sld [smem:$0x3F98];
	s0 =	simm.s32 @p1 $0x1  }
0x15: {  	[smem:$0x3FB5] =	sst s0;
	s0 =	simm.s32 @!p2 $0x0  }
0x16: {  	s3 =	sld [smem:$0x3FDB];
	s0 =	simm.s32 @p2 $0x1  }
0x17: {  	s4 =	simm.s32 $0x1BF5;
	[smem:$0x3FB7] =	sst s0  }
0x18: {  	s0 =	sld [smem:$0x3F9A];
	_ =	swait.ge [sflag:s4], $0x0  }
0x19: {  	s7 =	sld [smem:$0x3F9B]  }
0x1a: {  	s8 =	sadd.s32 $0xFFFFE003, lr  }
0x1b: {  	s9 =	sadd.s32 $0xFFFFFEF7, lr;
	s5 =	simm.s32 $0xFFFFFFFF;
	p2 =	slt.u32 s8, $0xFFFFF086  }
0x1c: {  	p1 =	slt.u32 s9, $0xF7A;
	s5 =	simm.s32 @!p2 $0x0  }
0x1d: {  	s5 =	simm.s32 @p1 $0x1;
	p0 =	seq.s32 s7, s2  }
0x1e: {  	s7 =	smul.u32 @!p0 $0xF7A, s2;
	p2 =	seq.s32 @!p0 s5, $0x0  }
0x1f: {  	s9 =	smul.u32 $0xF7A, s1;
	s8 =	simm.s32 @!p0 $0x1BF5;
	p2 =	por !p2, p0  }
0x20: {  	[sflag:s8] =	ssyncset.s32 @!p0 $0xFFFFF086;
	s6 =	sadd.s32 @!p0 s3, s7;
	s7 =	simm.s32 @!p0 $0x108  }
0x21: {  	s3 =	sadd.s32 s3, s9;
	s6 =	sadd.s32 @!p0 $0x88, s6;
	s7 =	simm.s32 @p2 $0x1082  }
0x22: {  	[simem:s7], [sflag:s8] =	dma.local @!p0 [hbm:s6], $0xF7A  }
0x23: {  	s9 =	sor.u32 $0xD0000000, s2;
	s6 =	simm.s32 $0x108;
	_ =	swait.ge @!p0 [sflag:s8], $0x0  }
0x24: {  	s3 =	sadd.s32 $0x88, s3;
	s6 =	simm.s32 @!p1 $0x1082;
	[sflag:s4] =	ssyncset.s32 $0xFFFFF086  }
0x25: {  	[simem:s6], [sflag:s4] =	dma.local [hbm:s3], $0xF7A  }
0x26: {  	[smem:$0x3F9B] =	sst s1;
	(tag) =	ssettag s2;
	_ =	strace s9  }
0x27: {  	s1 =	sld [smem:$0x3FAB]  }
0x28: {  	s2 =	sld [smem:$0x3FAC]  }
0x29: {  	s4 =	sld [smem:$0x3FAE]  }
0x2a: {  	p0 =	seq.s32 s5, $0x0;
	s5 =	sld [smem:$0x3FAF]  }
0x2b: {  	s6 =	sld [smem:$0x3FB0]  }
0x2c: {  	s7 =	sld [smem:$0x3FB1]  }
0x2d: {  	s3 =	simm.s32 $0x108;
	s8 =	sld [smem:$0x3FB2]  }
0x2e: {  	s3 =	simm.s32 @!p0 $0x1082;
	s9 =	sld [smem:$0x3FB3]  }
0x2f: {  	lr =	sadd.s32 s0, s3;
	s0 =	sld [smem:$0x3FAA]  }
0x30: {  	s3 =	sld [smem:$0x3FAD]  }
0x31: {  	[smem:$0x3FB6] =	sst s10  }
0x32: {  	s10 =	sld [smem:$0x3FB4];
	_ =	sdelay $0x3  }
0x33: {  	p0 =	seq.s32 s10, $0x1;
	s10 =	sld [smem:$0x3FB6];
	_ =	sdelay $0x3  }
0x34: {  	[smem:$0x3FB6] =	sst s10  }
0x35: {  	s10 =	sld [smem:$0x3FB5];
	_ =	sdelay $0x3  }
0x36: {  	p1 =	seq.s32 s10, $0x1;
	s10 =	sld [smem:$0x3FB6];
	_ =	sdelay $0x3  }
0x37: {  	[smem:$0x3FB6] =	sst s10  }
0x38: {  	s10 =	sld [smem:$0x3FB7]  }
0x39: {  	_ = 	snop;
	(pc) =	sbr.ind lr, $3  }
0x3a: {  	_ = 	snop  }
0x3b: {  	_ = 	snop  }
0x3c: {  	p2 =	seq.s32 s10, $0x1;
	s10 =	sld [smem:$0x3FB6]  }
0x3d: {  	_ =	shalt  }
0x3e: {  	_ =	shalt  }
0x3f: {  	_ =	shalt  }
0x40: {  	_ =	shalt  }
0x41: {  	_ =	shalt  }
0x42: {  	_ =	shalt  }
0x43: {  	_ =	shalt  }
0x44: {  	_ =	shalt  }
0x45: {  	_ =	shalt  }
0x46: {  	_ =	shalt  }
0x47: {  	_ =	shalt  }
0x48: {  	_ =	shalt  }
0x49: {  	_ =	shalt  }
0x4a: {  	_ =	shalt  }
0x4b: {  	_ =	shalt  }
0x4c: {  	_ =	shalt  }
0x4d: {  	_ =	shalt  }
0x4e: {  	_ =	shalt  }
0x4f: {  	_ =	shalt  }
0x50: {  	_ =	shalt  }
0x51: {  	_ =	shalt  }
0x52: {  	_ =	shalt  }
0x53: {  	_ =	shalt  }
0x54: {  	_ =	shalt  }
0x55: {  	_ =	shalt  }
0x56: {  	_ =	shalt  }
0x57: {  	_ =	shalt  }
0x58: {  	_ =	shalt  }
0x59: {  	_ =	shalt  }
0x5a: {  	_ =	shalt  }
0x5b: {  	_ =	shalt  }
0x5c: {  	_ =	shalt  }
0x5d: {  	_ =	shalt  }
0x5e: {  	_ =	shalt  }
0x5f: {  	_ =	shalt  }
0x60: {  	_ =	shalt  }
0x61: {  	_ =	shalt  }
0x62: {  	_ =	shalt  }
0x63: {  	_ =	shalt  }
0x64: {  	_ =	shalt  }
0x65: {  	_ =	shalt  }
0x66: {  	_ =	shalt  }
0x67: {  	_ =	shalt  }
0x68: {  	_ =	shalt  }
0x69: {  	_ =	shalt  }
0x6a: {  	_ =	shalt  }
0x6b: {  	_ =	shalt  }
0x6c: {  	_ =	shalt  }
0x6d: {  	_ =	shalt  }
0x6e: {  	_ =	shalt  }
0x6f: {  	_ =	shalt  }
0x70: {  	_ =	shalt  }
0x71: {  	_ =	shalt  }
0x72: {  	_ =	shalt  }
0x73: {  	_ =	shalt  }
0x74: {  	_ =	shalt  }
0x75: {  	_ =	shalt  }
0x76: {  	_ =	shalt  }
0x77: {  	_ =	shalt  }
0x78: {  	_ =	shalt  }
0x79: {  	_ =	shalt  }
0x7a: {  	_ =	shalt  }
0x7b: {  	_ =	shalt  }
0x7c: {  	_ =	shalt  }
0x7d: {  	_ =	shalt  }
0x7e: {  	_ =	shalt  }
0x7f: {  	_ =	shalt  }
0x80: {  	_ =	shalt  }
0x81: {  	_ =	shalt  }
0x82: {  	_ =	shalt  }
0x83: {  	_ =	shalt  }
0x84: {  	_ =	shalt  }
0x85: {  	_ =	shalt  }
0x86: {  	_ =	shalt  }
0x87: {  	_ =	shalt  }
.Lfunc_end0:
.L_simem_size_0:
called_computation.1_lowered:
.L_overlay_start_0:
0x88: {  	s2 =	sld [smem:$0x3FD9]  }
0x89: {  	s3 =	sld [smem:$0x3FFE];
	_ =	sdelay $0x1  }
0x8a: {  	s1 =	srdreg.scid  }
0x8b: {  	s0 =	sand.u32 $0x1, s1  }
0x8c: {  	s16 =	sshll.u32 s0, $0xA;
	s2 =	sadd.s32 s3, s2  }
0x8d: {  	s2 =	sadd.s32 s2, s16  }
0x8e: {  	[smem:$0x3FC2] =	sst s2  }
0x8f: {  	_ = 	snop  }
0x90: {  	(tm) =	ssettm $0x1  }
0x91: {  	s17 =	sld [smem:$0x3FFB];
	_ =	sdelay $0x3  }
0x92: {  	_ =	strace s17  }
0x93: {  	s2 =	sld [smem:$0x3FFC];
	_ =	sdelay $0x3  }
0x94: {  	_ =	strace s2  }
0x95: {  	s2 =	sld [smem:$0x3FFD];
	_ =	sdelay $0x3  }
0x96: {  	_ =	strace s2  }
0x97: {  	_ =	strace $0x8FFFFFFF  }
0x98: {  	s18 =	sld [smem:$0x3FDB];
	_ =	sdelay $0x1  }
0x99: {  	s19 =	simm.s32 $_scs_section_size  }
0x9a: {  	s4 =	simm.s32 $_size__tile_overlayer_lowered;
	s5 =	simm.s32 $_tile_overlayer_lowered  }
0x9b: {  	s22 =	simm.s32 $0x1BFF;
	s21 =	sshll.u32 s5, $0x1;
	s2 =	sadd.s32 s19, s18  }
0x9c: {  	s6 =	simm.s32 $0x0;
	s20 =	sshll.u32 s4, $0x1;
	s4 =	sadd.s32 s21, s2  }
0x9d: {  	[timem:s6], [sflag:s22] =	dma.local [hbm:s4], s20  }
0x9e: {  	_ =	swait.ge [sflag:s22], s20  }
0x9f: {  	s3 =	ssub.s32 $0x0, s20;
	[sflag:s22] =	ssyncset.done $0x0  }
0xa0: {  	[sflag:s22] =	ssyncadd.s32 s3;
	_ =	sdelay $0x1  }
0xa1: {  	s23 =	simm.s32 $0x1B8B  }
0xa2: {  	_ =	swait.ge [sflag:s23], $0x1  }
0xa3: {  	[sflag:s23] =	ssyncset.done $0x0  }
0xa4: {  	s25 =	simm.s32 $0x1B8E;
	s24 =	sld [smem:$0x3FFE];
	[sflag:s23] =	ssyncadd.s32 $0xFFFFFFFF  }
0xa5: {  	s26 =	simm.s32 $execute0_lowered;
	[smem:$0x3FD2] =	sst s25  }
0xa6: {  	s4 =	sshll.u32 s26, $0x1;
	_ =	strace $0x80000049;
	[dreg:$0x1] =	wrdreg $0xFFFFFFFF  }
0xa7: {  	s28 =	simm.s32 $_size_execute0_lowered;
	s2 =	sadd.s32 s2, s4;
	[dreg:$0x0] =	wrdreg $0x0  }
0xa8: {  	s4 =	sshll.u32 s28, $0x1;
	[dreg:$0x2] =	wrdreg s2  }
0xa9: {  	[dreg:$0x3] =	wrdreg s4  }
0xaa: {  	[dreg:$0x4] =	wrdreg $0xC0  }
0xab: {  	_ =	task [dreg:s6], $0x5FFFF  }
0xac: {  	[dreg:$0x1] =	wrdreg $0xFFFFFFFF  }
0xad: {  	[dreg:$0x0] =	wrdreg $0x60  }
0xae: {  	[dreg:$0x2] =	wrdreg s24  }
0xaf: {  	[dreg:$0x3] =	wrdreg $0x9  }
0xb0: {  	_ =	task.clear_ibuf [dreg:s6], $0x4FFFF;
	_ =	strace $0x90000049  }
0xb1: {  	s29 =	simm.s32 $0x9;
	_ =	strace $0x8000004B  }
0xb2: {  	_ =	swait.ge [sflag:s29], $0x1  }
0xb3: {  	[sflag:s29] =	ssyncadd.s32 $0xFFFFFFFF  }
0xb4: {  	_ =	strace $0x9000004B  }
0xb5: {  	_ =	sfence  }
0xb6: {  	s30 =	sld [smem:$0x0];
	_ =	sdelay $0x2  }
0xb7: {  	s31 =	sshll.u32 s1, $0xD;
	s1 =	sshrl.u32 s1, $0x2  }
0xb8: {  	s3 =	sand.u32 $0x4000, s31;
	s1 =	sadd.s32 s1, s30  }
0xb9: {  	s0 =	sor.u32 s3, s0;
	s1 =	sshll.u32 s1, $0x11  }
0xba: {  	s0 =	sor.u32 s1, s0  }
0xbb: {  	s0 =	sadd.s32 $0x8F2B, s0  }
0xbc: {  	[sflag:s0] =	ssyncadd.remote.s32 $0x1  }
0xbd: {  	_ =	sfence.sel $0xFFFF  }
0xbe: {  	[dreg:$0x0] =	wrdreg $0xFFFFFFFF;
	(pc) =	sbr.abs _section_cstart, $3  }
0xbf: {  	[dreg:$0x1] =	wrdreg $0xFFFFFFFF  }
0xc0: {  	_ =	task.clear_ibuf [dreg:s6], $0x2FFFF;
	_ =	strace $0x9FFFFFFF  }
0xc1: {  	(tm) =	ssettm $0x7FFFFFFF  }
tec
execute0_lowered:
.L_overlay_start_1:
0x0: {  	(tag) =	ssettag $0x1  }
0x1: {  	s0 =	srdreg.scid  }
0x2: {  	s2 =	stileid.u32;
	s1 =	rddreg [dreg:$0x0];
	s21 =	simm.s32 $0x2  }
0x3: {  	s22 =	simm.s32 $0x200;
	s23 =	simm.s32 $0x400;
	s24 =	simm.s32 $0x600  }
0x4: {  	s28 =	simm.s32 $0x4400;
	s29 =	simm.s32 $0x4600;
	s30 =	simm.s32 $0x1  }
0x5: {  	s31 =	simm.s32 $0x8800;
	s0 =	sand.u32 $0x1, s0;
	s3 =	sshll.u32 s2, $0x1  }
0x6: {  	s2 =	simm.s32 $0x0;
	s5 =	sadd.s32 $0x116C00, s1;
	s6 =	sadd.s32 $0xF6C00, s1  }
0x7: {  	s7 =	sadd.s32 $0x136C00, s1;
	s8 =	sadd.s32 $0x56C00, s1;
	s9 =	sadd.s32 $0x76C00, s1  }
0x8: {  	s10 =	sor.u32 s0, s3;
	[smem:$0x7FF] =	sst s2;
	s0 =	ssub.s32 $0x2, s0  }
0x9: {  	s3 =	sshll.u32 s10, $0x6;
	s4 =	sshll.u32 s10, $0xB;
	_ =	strace $0x8000004A  }
0xa: {  	s11 =	sshll.u32 s10, $0x1;
	s10 =	sadd.s32 $0x96C00, s1;
	s26 =	sshrl.u32 s0, $0x1  }
0xb: {  	s14 =	sadd.s32 s3, s1;
	s18 =	sadd.s32 s4, s1;
	s3 =	sadd.s32 $0xB6C00, s1  }
0xc: {  	s4 =	sadd.s32 $0xD6C00, s1;
	s1 =	sadd.s32 s11, s1;
	s0 =	ssub.s32 s0, s26  }
0xd: {  	s26 =	simm.s32 $0x4200;
	s11 =	sadd.s32 $0x4A00, s14;
	s12 =	sadd.s32 $0x4200, s14  }
0xe: {  	s13 =	sadd.s32 $0x6200, s14;
	s14 =	sadd.s32 $0x5A00, s14;
	s15 =	sadd.s32 $0x46C00, s18  }
0xf: {  	s16 =	sadd.s32 $0x46E00, s18;
	s17 =	sadd.s32 $0x47000, s18;
	s18 =	sadd.s32 $0x47200, s18  }
0x10: {  	s19 =	sadd.s32 $0x3A00, s1;
	s20 =	smax.u32 s0, $0x1;
	s1 =	simm.s32 $0x0  }
.LBB2_1:
0x11: {  	[tilespmem:s2], [sflag:$0x2] =	stream.linear.gather [hbm4b:s11+s2], $0x200, $0x38;
	[tilespmem:$0x8810] =	vst v63  }
0x12: {  	_ =	swait.ge [sflag:s21], $0x200  }
0x13: {  	[sflag:s21] =	ssyncset.done $0x0  }
0x14: {  	[sflag:s21] =	ssyncadd.s32 $0xFFFFFE00  }
0x15: {  	[tilespmem:s22], [sflag:$0x2] =	stream.linear.gather [hbm4b:s12+s2], $0x200, $0x38;
	[tilespmem:$0x8810] =	vst v63  }
0x16: {  	_ =	swait.ge [sflag:s21], $0x200  }
0x17: {  	[sflag:s21] =	ssyncset.done $0x0  }
0x18: {  	[sflag:s21] =	ssyncadd.s32 $0xFFFFFE00  }
0x19: {  	[tilespmem:s23], [sflag:$0x2] =	stream.linear.gather [hbm4b:s13+s2], $0x200, $0x38;
	[tilespmem:$0x8810] =	vst v63  }
0x1a: {  	_ =	swait.ge [sflag:s21], $0x200  }
0x1b: {  	[sflag:s21] =	ssyncset.done $0x0  }
0x1c: {  	[sflag:s21] =	ssyncadd.s32 $0xFFFFFE00  }
0x1d: {  	[tilespmem:s24], [sflag:$0x2] =	stream.linear.gather [hbm4b:s14+s2], $0x200, $0x38;
	[tilespmem:$0x8810] =	vst v63  }
0x1e: {  	_ =	swait.ge [sflag:s21], $0x200  }
0x1f: {  	[sflag:s21] =	ssyncset.done $0x0  }
0x20: {  	s0 =	simm.s32 $0x4800;
	[sflag:s21] =	ssyncadd.s32 $0xFFFFFE00  }
0x21: {  	[tilespmem:s0], [sflag:$0x2] =	stream.linear.gather [hbm4b:s15+s2], $0x1000, $0x38;
	[tilespmem:$0x8810] =	vst v63  }
0x22: {  	_ =	swait.ge [sflag:s21], $0x1000  }
0x23: {  	[sflag:s21] =	ssyncset.done $0x0  }
0x24: {  	s25 =	simm.s32 $0x5800;
	[sflag:s21] =	ssyncadd.s32 $0xFFFFF000  }
0x25: {  	[tilespmem:s25], [sflag:$0x2] =	stream.linear.gather [hbm4b:s16+s2], $0x1000, $0x38;
	[tilespmem:$0x8810] =	vst v63  }
0x26: {  	_ =	swait.ge [sflag:s21], $0x1000  }
0x27: {  	[sflag:s21] =	ssyncset.done $0x0  }
0x28: {  	s25 =	simm.s32 $0x6800;
	[sflag:s21] =	ssyncadd.s32 $0xFFFFF000  }
0x29: {  	[tilespmem:s25], [sflag:$0x2] =	stream.linear.gather [hbm4b:s17+s2], $0x1000, $0x38;
	[tilespmem:$0x8810] =	vst v63  }
0x2a: {  	_ =	swait.ge [sflag:s21], $0x1000  }
0x2b: {  	[sflag:s21] =	ssyncset.done $0x0  }
0x2c: {  	s25 =	simm.s32 $0x7800;
	[sflag:s21] =	ssyncadd.s32 $0xFFFFF000  }
0x2d: {  	[tilespmem:s25], [sflag:$0x2] =	stream.linear.gather [hbm4b:s18+s2], $0x1000, $0x38;
	[tilespmem:$0x8810] =	vst v63  }
0x2e: {  	_ =	swait.ge [sflag:s21], $0x1000  }
0x2f: {  	[sflag:s21] =	ssyncset.done $0x0  }
0x30: {  	s25 =	simm.s32 $0x800;
	[sflag:s21] =	ssyncadd.s32 $0xFFFFF000  }
0x31: {  	[tilespmem:s25], [sflag:$0x1] =	stream.indirect.gather [hbm4b:s3+s22], $0x1, s2, s22, $0xb8;
	[tilespmem:$0x8810] =	vst v63  }
0x32: {  	s25 =	simm.s32 $0xA00  }
0x33: {  	[tilespmem:s25], [sflag:$0x1] =	stream.indirect.gather [hbm4b:s4+s22], $0x1, s2, s22, $0xb8;
	[tilespmem:$0x8810] =	vst v63  }
0x34: {  	s25 =	simm.s32 $0xC00  }
0x35: {  	[tilespmem:s25], [sflag:$0x1] =	stream.indirect.gather [hbm4b:s6+s22], $0x1, s2, s22, $0xb8;
	[tilespmem:$0x8810] =	vst v63  }
0x36: {  	s25 =	simm.s32 $0xE00  }
0x37: {  	[tilespmem:s25], [sflag:$0x1] =	stream.indirect.gather [hbm4b:s5+s22], $0x1, s2, s22, $0xb8;
	[tilespmem:$0x8810] =	vst v63  }
0x38: {  	s25 =	simm.s32 $0x1000  }
0x39: {  	[tilespmem:s25], [sflag:$0x1] =	stream.indirect.gather [hbm4b:s7+s22], $0x1, s2, s22, $0xb8;
	[tilespmem:$0x8810] =	vst v63  }
0x3a: {  	s25 =	simm.s32 $0x1200  }
0x3b: {  	[tilespmem:s25], [sflag:$0x1] =	stream.indirect.gather [hbm4b:s8+s22], $0x1, s2, s22, $0xb8;
	[tilespmem:$0x8810] =	vst v63  }
0x3c: {  	s25 =	simm.s32 $0x1400  }
0x3d: {  	[tilespmem:s25], [sflag:$0x1] =	stream.indirect.gather [hbm4b:s9+s22], $0x1, s2, s22, $0xb8;
	[tilespmem:$0x8810] =	vst v63  }
0x3e: {  	s25 =	simm.s32 $0x1600  }
0x3f: {  	[tilespmem:s25], [sflag:$0x1] =	stream.indirect.gather [hbm4b:s10+s22], $0x1, s2, s22, $0xb8;
	[tilespmem:$0x8810] =	vst v63  }
0x40: {  	s25 =	simm.s32 $0x1800  }
0x41: {  	[tilespmem:s25], [sflag:$0x1] =	stream.indirect.gather [hbm4b:s3+s22], $0x1, s22, s22, $0xb8;
	[tilespmem:$0x8810] =	vst v63  }
0x42: {  	s25 =	simm.s32 $0x1A00  }
0x43: {  	[tilespmem:s25], [sflag:$0x1] =	stream.indirect.gather [hbm4b:s4+s22], $0x1, s22, s22, $0xb8;
	[tilespmem:$0x8810] =	vst v63  }
0x44: {  	s25 =	simm.s32 $0x1C00  }
0x45: {  	[tilespmem:s25], [sflag:$0x1] =	stream.indirect.gather [hbm4b:s6+s22], $0x1, s22, s22, $0xb8;
	[tilespmem:$0x8810] =	vst v63  }
0x46: {  	s25 =	simm.s32 $0x1E00  }
0x47: {  	[tilespmem:s25], [sflag:$0x1] =	stream.indirect.gather [hbm4b:s5+s22], $0x1, s22, s22, $0xb8;
	[tilespmem:$0x8810] =	vst v63  }
0x48: {  	s25 =	simm.s32 $0x2000  }
0x49: {  	[tilespmem:s25], [sflag:$0x1] =	stream.indirect.gather [hbm4b:s7+s22], $0x1, s22, s22, $0xb8;
	[tilespmem:$0x8810] =	vst v63  }
0x4a: {  	s25 =	simm.s32 $0x2200  }
0x4b: {  	[tilespmem:s25], [sflag:$0x1] =	stream.indirect.gather [hbm4b:s8+s22], $0x1, s22, s22, $0xb8;
	[tilespmem:$0x8810] =	vst v63  }
0x4c: {  	s25 =	simm.s32 $0x2400  }
0x4d: {  	[tilespmem:s25], [sflag:$0x1] =	stream.indirect.gather [hbm4b:s9+s22], $0x1, s22, s22, $0xb8;
	[tilespmem:$0x8810] =	vst v63  }
0x4e: {  	s25 =	simm.s32 $0x2600  }
0x4f: {  	[tilespmem:s25], [sflag:$0x1] =	stream.indirect.gather [hbm4b:s10+s22], $0x1, s22, s22, $0xb8;
	[tilespmem:$0x8810] =	vst v63  }
0x50: {  	s25 =	simm.s32 $0x2800  }
0x51: {  	[tilespmem:s25], [sflag:$0x1] =	stream.indirect.gather [hbm4b:s3+s22], $0x1, s23, s22, $0xb8;
	[tilespmem:$0x8810] =	vst v63  }
0x52: {  	s25 =	simm.s32 $0x2A00  }
0x53: {  	[tilespmem:s25], [sflag:$0x1] =	stream.indirect.gather [hbm4b:s4+s22], $0x1, s23, s22, $0xb8;
	[tilespmem:$0x8810] =	vst v63  }
0x54: {  	s25 =	simm.s32 $0x2C00  }
0x55: {  	[tilespmem:s25], [sflag:$0x1] =	stream.indirect.gather [hbm4b:s6+s22], $0x1, s23, s22, $0xb8;
	[tilespmem:$0x8810] =	vst v63  }
0x56: {  	s25 =	simm.s32 $0x2E00  }
0x57: {  	[tilespmem:s25], [sflag:$0x1] =	stream.indirect.gather [hbm4b:s5+s22], $0x1, s23, s22, $0xb8;
	[tilespmem:$0x8810] =	vst v63  }
0x58: {  	s25 =	simm.s32 $0x3000  }
0x59: {  	[tilespmem:s25], [sflag:$0x1] =	stream.indirect.gather [hbm4b:s7+s22], $0x1, s23, s22, $0xb8;
	[tilespmem:$0x8810] =	vst v63  }
0x5a: {  	s25 =	simm.s32 $0x3200  }
0x5b: {  	[tilespmem:s25], [sflag:$0x1] =	stream.indirect.gather [hbm4b:s8+s22], $0x1, s23, s22, $0xb8;
	[tilespmem:$0x8810] =	vst v63  }
0x5c: {  	s25 =	simm.s32 $0x3400  }
0x5d: {  	[tilespmem:s25], [sflag:$0x1] =	stream.indirect.gather [hbm4b:s9+s22], $0x1, s23, s22, $0xb8;
	[tilespmem:$0x8810] =	vst v63  }
0x5e: {  	s25 =	simm.s32 $0x3600  }
0x5f: {  	[tilespmem:s25], [sflag:$0x1] =	stream.indirect.gather [hbm4b:s10+s22], $0x1, s23, s22, $0xb8;
	[tilespmem:$0x8810] =	vst v63  }
0x60: {  	s25 =	simm.s32 $0x3800  }
0x61: {  	[tilespmem:s25], [sflag:$0x1] =	stream.indirect.gather [hbm4b:s3+s22], $0x1, s24, s22, $0xb8;
	[tilespmem:$0x8810] =	vst v63  }
0x62: {  	s25 =	simm.s32 $0x3A00  }
0x63: {  	[tilespmem:s25], [sflag:$0x1] =	stream.indirect.gather [hbm4b:s4+s22], $0x1, s24, s22, $0xb8;
	[tilespmem:$0x8810] =	vst v63  }
0x64: {  	s25 =	simm.s32 $0x3C00  }
0x65: {  	[tilespmem:s25], [sflag:$0x1] =	stream.indirect.gather [hbm4b:s6+s22], $0x1, s24, s22, $0xb8;
	[tilespmem:$0x8810] =	vst v63  }
0x66: {  	s25 =	simm.s32 $0x3E00  }
0x67: {  	[tilespmem:s25], [sflag:$0x1] =	stream.indirect.gather [hbm4b:s5+s22], $0x1, s24, s22, $0xb8;
	[tilespmem:$0x8810] =	vst v63  }
0x68: {  	s25 =	simm.s32 $0x4000  }
0x69: {  	[tilespmem:s25], [sflag:$0x1] =	stream.indirect.gather [hbm4b:s7+s22], $0x1, s24, s22, $0xb8;
	[tilespmem:$0x8810] =	vst v63  }
0x6a: {  	_ = 	snop  }
0x6b: {  	[tilespmem:s26], [sflag:$0x1] =	stream.indirect.gather [hbm4b:s8+s22], $0x1, s24, s22, $0xb8;
	[tilespmem:$0x8810] =	vst v63  }
0x6c: {  	_ = 	snop  }
0x6d: {  	[tilespmem:s28], [sflag:$0x1] =	stream.indirect.gather [hbm4b:s9+s22], $0x1, s24, s22, $0xb8;
	[tilespmem:$0x8810] =	vst v63  }
0x6e: {  	_ = 	snop  }
0x6f: {  	[tilespmem:s29], [sflag:$0x1] =	stream.indirect.gather [hbm4b:s10+s22], $0x1, s24, s22, $0xb8;
	[tilespmem:$0x8810] =	vst v63  }
0x70: {  	_ =	swait.ge [sflag:s30], $0x200  }
0x71: {  	[sflag:s30] =	ssyncset.done $0x0  }
0x72: {  	[sflag:s30] =	ssyncadd.s32 $0xFFFFFE00  }
0x73: {  	_ =	swait.ge [sflag:s30], $0x200  }
0x74: {  	[sflag:s30] =	ssyncset.done $0x0  }
0x75: {  	[sflag:s30] =	ssyncadd.s32 $0xFFFFFE00  }
0x76: {  	_ =	swait.ge [sflag:s30], $0x200  }
0x77: {  	[sflag:s30] =	ssyncset.done $0x0  }
0x78: {  	[sflag:s30] =	ssyncadd.s32 $0xFFFFFE00  }
0x79: {  	_ =	swait.ge [sflag:s30], $0x200  }
0x7a: {  	[sflag:s30] =	ssyncset.done $0x0  }
0x7b: {  	[sflag:s30] =	ssyncadd.s32 $0xFFFFFE00  }
0x7c: {  	_ =	swait.ge [sflag:s30], $0x200  }
0x7d: {  	[sflag:s30] =	ssyncset.done $0x0  }
0x7e: {  	[sflag:s30] =	ssyncadd.s32 $0xFFFFFE00  }
0x7f: {  	_ =	swait.ge [sflag:s30], $0x200  }
0x80: {  	[sflag:s30] =	ssyncset.done $0x0  }
0x81: {  	[sflag:s30] =	ssyncadd.s32 $0xFFFFFE00  }
0x82: {  	_ =	swait.ge [sflag:s30], $0x200  }
0x83: {  	[sflag:s30] =	ssyncset.done $0x0  }
0x84: {  	[sflag:s30] =	ssyncadd.s32 $0xFFFFFE00  }
0x85: {  	_ =	swait.ge [sflag:s30], $0x200  }
0x86: {  	[sflag:s30] =	ssyncset.done $0x0  }
0x87: {  	[sflag:s30] =	ssyncadd.s32 $0xFFFFFE00  }
0x88: {  	_ =	swait.ge [sflag:s30], $0x200  }
0x89: {  	[sflag:s30] =	ssyncset.done $0x0  }
0x8a: {  	[sflag:s30] =	ssyncadd.s32 $0xFFFFFE00  }
0x8b: {  	_ =	swait.ge [sflag:s30], $0x200  }
0x8c: {  	[sflag:s30] =	ssyncset.done $0x0  }
0x8d: {  	[sflag:s30] =	ssyncadd.s32 $0xFFFFFE00  }
0x8e: {  	_ =	swait.ge [sflag:s30], $0x200  }
0x8f: {  	[sflag:s30] =	ssyncset.done $0x0  }
0x90: {  	[sflag:s30] =	ssyncadd.s32 $0xFFFFFE00  }
0x91: {  	_ =	swait.ge [sflag:s30], $0x200  }
0x92: {  	[sflag:s30] =	ssyncset.done $0x0  }
0x93: {  	[sflag:s30] =	ssyncadd.s32 $0xFFFFFE00  }
0x94: {  	_ =	swait.ge [sflag:s30], $0x200  }
0x95: {  	[sflag:s30] =	ssyncset.done $0x0  }
0x96: {  	[sflag:s30] =	ssyncadd.s32 $0xFFFFFE00  }
0x97: {  	_ =	swait.ge [sflag:s30], $0x200  }
0x98: {  	[sflag:s30] =	ssyncset.done $0x0  }
0x99: {  	[sflag:s30] =	ssyncadd.s32 $0xFFFFFE00  }
0x9a: {  	_ =	swait.ge [sflag:s30], $0x200  }
0x9b: {  	[sflag:s30] =	ssyncset.done $0x0  }
0x9c: {  	[sflag:s30] =	ssyncadd.s32 $0xFFFFFE00  }
0x9d: {  	_ =	swait.ge [sflag:s30], $0x200  }
0x9e: {  	[sflag:s30] =	ssyncset.done $0x0  }
0x9f: {  	[sflag:s30] =	ssyncadd.s32 $0xFFFFFE00  }
0xa0: {  	_ =	swait.ge [sflag:s30], $0x200  }
0xa1: {  	[sflag:s30] =	ssyncset.done $0x0  }
0xa2: {  	[sflag:s30] =	ssyncadd.s32 $0xFFFFFE00  }
0xa3: {  	_ =	swait.ge [sflag:s30], $0x200  }
0xa4: {  	[sflag:s30] =	ssyncset.done $0x0  }
0xa5: {  	[sflag:s30] =	ssyncadd.s32 $0xFFFFFE00  }
0xa6: {  	_ =	swait.ge [sflag:s30], $0x200  }
0xa7: {  	[sflag:s30] =	ssyncset.done $0x0  }
0xa8: {  	[sflag:s30] =	ssyncadd.s32 $0xFFFFFE00  }
0xa9: {  	_ =	swait.ge [sflag:s30], $0x200  }
0xaa: {  	[sflag:s30] =	ssyncset.done $0x0  }
0xab: {  	[sflag:s30] =	ssyncadd.s32 $0xFFFFFE00  }
0xac: {  	_ =	swait.ge [sflag:s30], $0x200  }
0xad: {  	[sflag:s30] =	ssyncset.done $0x0  }
0xae: {  	[sflag:s30] =	ssyncadd.s32 $0xFFFFFE00  }
0xaf: {  	_ =	swait.ge [sflag:s30], $0x200  }
0xb0: {  	[sflag:s30] =	ssyncset.done $0x0  }
0xb1: {  	[sflag:s30] =	ssyncadd.s32 $0xFFFFFE00  }
0xb2: {  	_ =	swait.ge [sflag:s30], $0x200  }
0xb3: {  	[sflag:s30] =	ssyncset.done $0x0  }
0xb4: {  	[sflag:s30] =	ssyncadd.s32 $0xFFFFFE00  }
0xb5: {  	_ =	swait.ge [sflag:s30], $0x200  }
0xb6: {  	[sflag:s30] =	ssyncset.done $0x0  }
0xb7: {  	[sflag:s30] =	ssyncadd.s32 $0xFFFFFE00  }
0xb8: {  	_ =	swait.ge [sflag:s30], $0x200  }
0xb9: {  	[sflag:s30] =	ssyncset.done $0x0  }
0xba: {  	[sflag:s30] =	ssyncadd.s32 $0xFFFFFE00  }
0xbb: {  	_ =	swait.ge [sflag:s30], $0x200  }
0xbc: {  	[sflag:s30] =	ssyncset.done $0x0  }
0xbd: {  	[sflag:s30] =	ssyncadd.s32 $0xFFFFFE00  }
0xbe: {  	_ =	swait.ge [sflag:s30], $0x200  }
0xbf: {  	[sflag:s30] =	ssyncset.done $0x0  }
0xc0: {  	[sflag:s30] =	ssyncadd.s32 $0xFFFFFE00  }
0xc1: {  	_ =	swait.ge [sflag:s30], $0x200  }
0xc2: {  	[sflag:s30] =	ssyncset.done $0x0  }
0xc3: {  	[sflag:s30] =	ssyncadd.s32 $0xFFFFFE00  }
0xc4: {  	_ =	swait.ge [sflag:s30], $0x200  }
0xc5: {  	[sflag:s30] =	ssyncset.done $0x0  }
0xc6: {  	[sflag:s30] =	ssyncadd.s32 $0xFFFFFE00  }
0xc7: {  	_ =	swait.ge [sflag:s30], $0x200  }
0xc8: {  	[sflag:s30] =	ssyncset.done $0x0  }
0xc9: {  	[sflag:s30] =	ssyncadd.s32 $0xFFFFFE00  }
0xca: {  	_ =	swait.ge [sflag:s30], $0x200  }
0xcb: {  	[sflag:s30] =	ssyncset.done $0x0  }
0xcc: {  	[sflag:s30] =	ssyncadd.s32 $0xFFFFFE00  }
0xcd: {  	_ =	swait.ge [sflag:s30], $0x200  }
0xce: {  	[sflag:s30] =	ssyncset.done $0x0  }
0xcf: {  	s25 =	simm.s32 $0x0;
	[sflag:s30] =	ssyncadd.s32 $0xFFFFFE00  }
0xd0: {  	v1 =	vld [tilespmem:s25+$0x5600]  }
0xd1: {  	v10 =	vld [tilespmem:s25+$0x7600]  }
0xd2: {  	v3 =	vld [tilespmem:s25+$0x1600]  }
0xd3: {  	v4 =	vld [tilespmem:s25+$0x2600]  }
0xd4: {  	v5 =	vld [tilespmem:s25+$0x3600]  }
0xd5: {  	v6 =	vld [tilespmem:s25+$0x4600]  }
0xd6: {  	v7 =	vld [tilespmem:s25+$0x1400]  }
0xd7: {  	v9 =	vld [tilespmem:s25+$0x2400]  }
0xd8: {  	v11 =	vld [tilespmem:s25+$0x3400]  }
0xd9: {  	v12 =	vld [tilespmem:s25+$0x4400]  }
0xda: {  	v14 =	vld [tilespmem:s25+$0x1200]  }
0xdb: {  	v15 =	vld [tilespmem:s25+$0x2200]  }
0xdc: {  	v16 =	vld [tilespmem:s25+$0x3200]  }
0xdd: {  	v17 =	vld [tilespmem:s25+$0x4200]  }
0xde: {  	v18 =	vld [tilespmem:s25+$0x1000]  }
0xdf: {  	v19 =	vld [tilespmem:s25+$0x2000]  }
0xe0: {  	v20 =	vld [tilespmem:s25+$0x3000]  }
0xe1: {  	v21 =	vld [tilespmem:s25+$0x4000]  }
0xe2: {  	v8 =	vld [tilespmem:s25+$0x4A00];
	v2 =	vand.u32 $0xFFFF0000, v1;
	v0 =	vand.u32 $0xFFFF0000, v10;
	v22 =	vand.u32 $0xFFFF0000, v3  }
0xe3: {  	v25 =	vld [tilespmem:s25+$0xE00];
	v23 =	vand.u32 $0xFFFF0000, v4;
	v24 =	vand.u32 $0xFFFF0000, v5;
	v26 =	vand.u32 $0xFFFF0000, v6  }
0xe4: {  	v27 =	vld [tilespmem:s25+$0x1E00];
	v3 =	vshll.u32 v3, $0x10;
	v4 =	vshll.u32 v4, $0x10;
	v5 =	vshll.u32 v5, $0x10  }
0xe5: {  	v13 =	vld [tilespmem:s25+$0x6A00];
	v28 =	vand.u32 $0xFFFF0000, v7;
	v6 =	vshll.u32 v6, $0x10;
	v29 =	vand.u32 $0xFFFF0000, v9  }
0xe6: {  	v32 =	vld [tilespmem:s25+$0x2E00];
	v30 =	vand.u32 $0xFFFF0000, v11;
	v31 =	vand.u32 $0xFFFF0000, v12;
	v33 =	vshll.u32 v7, $0x10  }
0xe7: {  	v35 =	vld [tilespmem:s25+$0x3E00];
	v34 =	vshll.u32 v9, $0x10;
	v11 =	vshll.u32 v11, $0x10;
	v12 =	vshll.u32 v12, $0x10  }
0xe8: {  	v38 =	vld [tilespmem:s25+$0x4800];
	v36 =	vand.u32 $0xFFFF0000, v14;
	v37 =	vand.u32 $0xFFFF0000, v15;
	v39 =	vand.u32 $0xFFFF0000, v16  }
0xe9: {  	v42 =	vld [tilespmem:s25+$0xC00];
	v40 =	vand.u32 $0xFFFF0000, v17;
	v41 =	vshll.u32 v14, $0x10;
	v15 =	vshll.u32 v15, $0x10  }
0xea: {  	v44 =	vld [tilespmem:s25+$0x1C00];
	v43 =	vshll.u32 v16, $0x10;
	v17 =	vshll.u32 v17, $0x10;
	v45 =	vand.u32 $0xFFFF0000, v18  }
0xeb: {  	v48 =	vld [tilespmem:s25+$0x6800];
	v46 =	vand.u32 $0xFFFF0000, v19;
	v47 =	vand.u32 $0xFFFF0000, v20;
	v49 =	vand.u32 $0xFFFF0000, v21  }
0xec: {  	v50 =	vld [tilespmem:s25+$0x2C00];
	v18 =	vshll.u32 v18, $0x10;
	v19 =	vshll.u32 v19, $0x10;
	v20 =	vshll.u32 v20, $0x10  }
0xed: {  	v52 =	vld [tilespmem:s25+$0x3C00];
	v21 =	vshll.u32 v21, $0x10;
	v51 =	vand.u32 $0xFFFF0000, v25;
	v53 =	vand.u32 $0xFFFF0000, v27  }
0xee: {  	v54 =	vand.u32 $0xFFFF0000, v32;
	v55 =	vand.u32 $0xFFFF0000, v35;
	v7 =	vshll.u32 v8, $0x10  }
0xef: {  	v57 =	vld [tilespmem:s25+$0x1A00];
	v25 =	vshll.u32 v25, $0x10;
	v27 =	vshll.u32 v27, $0x10;
	v9 =	vshll.u32 v13, $0x10  }
0xf0: {  	v60 =	vld [tilespmem:s25+$0x2A00];
	v32 =	vshll.u32 v32, $0x10;
	v16 =	vand.u32 $0xFFFF0000, v38;
	v35 =	vshll.u32 v35, $0x10  }
0xf1: {  	v61 =	vld [tilespmem:s25+$0x3A00];
	v58 =	vand.u32 $0xFFFF0000, v42;
	v59 =	vand.u32 $0xFFFF0000, v44;
	v14 =	vand.u32 $0xFFFF0000, v48  }
0xf2: {  	v56 =	vld [tilespmem:s25+$0xA00];
	v62 =	vand.u32 $0xFFFF0000, v50;
	v63 =	vand.u32 $0xFFFF0000, v52;
	v44 =	vshll.u32 v44, $0x10  }
0xf3: {  	v48 =	vshll.u32 v48, $0x10;
	v50 =	vshll.u32 v50, $0x10;
	v52 =	vshll.u32 v52, $0x10  }
0xf4: {  	[tilespmem:$0x1FCC0] =	vst v0;
	v0 =	vshll.u32 v1, $0x10;
	v1 =	vshll.u32 v38, $0x10;
	v22 =	vsub.f32 v22, v23  }
0xf5: {  	v23 =	vsub.f32 v24, v26;
	v3 =	vsub.f32 v3, v4;
	v24 =	vand.u32 $0xFFFF0000, v57  }
0xf6: {  	v4 =	vsub.f32 v28, v29;
	v26 =	vand.u32 $0xFFFF0000, v60;
	v28 =	vand.u32 $0xFFFF0000, v61;
	[tilespmem:$0x1FC60] =	vst v22  }
0xf7: {  	v29 =	vshll.u32 v56, $0x10;
	v51 =	vsub.f32 v51, v53;
	[tilespmem:$0x1FC70] =	vst v3;
	v3 =	vsub.f32 v5, v6  }
0xf8: {  	v22 =	vand.u32 $0xFFFF0000, v56;
	[tilespmem:$0x1FCB0] =	vst v4;
	v4 =	vsub.f32 v30, v31;
	v56 =	vsub.f32 v33, v34  }
0xf9: {  	v30 =	vshll.u32 v57, $0x10;
	v57 =	vsub.f32 v11, v12;
	v31 =	vshll.u32 v60, $0x10  }
0xfa: {  	[tilespmem:$0x1FD20] =	vst v0;
	v33 =	vshll.u32 v61, $0x10;
	v61 =	vsub.f32 v36, v37;
	v60 =	vsub.f32 v39, v40  }
0xfb: {  	v53 =	vmul.f32 v9, v9;
	[tilespmem:$0x1FCA0] =	vst v23;
	v6 =	vsub.f32 v41, v15;
	v11 =	vsub.f32 v47, v49  }
0xfc: {  	v0 =	vshll.u32 v42, $0x10;
	v23 =	vld [tilespmem:s25+$0x800];
	v12 =	vsub.f32 v20, v21;
	v15 =	vsub.f32 v26, v28;
	[tilespmem:$0x1FBF0] =	vst v3  }
0xfd: {  	v5 =	vld [tilespmem:s25+$0x3800];
	v26 =	vmul.f32 v48, v48;
	v22 =	vsub.f32 v22, v24;
	v24 =	vmul.f32 v16, v16;
	[tilespmem:$0x1FC00] =	vst v4  }
0xfe: {  	v34 =	vld [tilespmem:s25+$0x5A00];
	v28 =	vsub.f32 v29, v30;
	v30 =	vsub.f32 v31, v33;
	v31 =	vmul.f32 v14, v14;
	[tilespmem:$0x1FC10] =	vst v6  }
0xff: {  	v37 =	vld [tilespmem:s25+$0x7A00];
	v6 =	vsub.f32 v43, v17;
	[tilespmem:$0x1FC50] =	vst v12;
	v12 =	vsub.f32 v0, v44;
	v0 =	vmul.f32 v1, v1  }
0x100: {  	v38 =	vshll.u32 v10, $0x10;
	v3 =	vld [tilespmem:s25+$0x1800];
	[tilespmem:$0x1FC40] =	vst v11;
	v11 =	vsub.f32 v18, v19;
	v26 =	vadd.f32 v31, v26  }
0x101: {  	v49 =	vmul.f32 v7, v7;
	v4 =	vld [tilespmem:s25+$0x2800];
	[tilespmem:$0x1FC20] =	vst v6;
	v6 =	vsub.f32 v45, v46;
	v24 =	vadd.f32 v24, v0  }
0x102: {  	v45 =	vand.u32 $0xFFFF0000, v8;
	v36 =	vand.u32 $0xFFFF0000, v23;
	v18 =	vand.u32 $0xFFFF0000, v5  }
0x103: {  	[tilespmem:$0x1FEF0] =	vst v11;
	v11 =	vld [tilespmem:s25+$0x7800];
	v19 =	vshll.u32 v23, $0x10;
	v23 =	vshll.u32 v5, $0x10;
	v40 =	vshll.u32 v34, $0x10  }
0x104: {  	v41 =	vshll.u32 v37, $0x10;
	v5 =	vsub.f32 v62, v63;
	v26 =	vadd.f32 v53, v26  }
0x105: {  	v62 =	vmul.f32 v40, v40;
	v24 =	vadd.f32 v49, v24;
	v49 =	vmul.f32 v41, v41  }
0x106: {  	v17 =	vand.u32 $0xFFFF0000, v3;
	v39 =	vand.u32 $0xFFFF0000, v4;
	v20 =	vshll.u32 v3, $0x10  }
0x107: {  	v21 =	vshll.u32 v4, $0x10;
	v3 =	vsub.f32 v54, v55;
	v4 =	vsub.f32 v32, v35  }
0x108: {  	v53 =	vld [tilespmem:s25+$0x6C00];
	v17 =	vsub.f32 v36, v17;
	v18 =	vsub.f32 v39, v18;
	v35 =	vand.u32 $0xFFFF0000, v11  }
0x109: {  	[tilespmem:$0x1FC30] =	vst v6;
	v6 =	vld [tilespmem:s25+$0x5800];
	v19 =	vsub.f32 v19, v20;
	v32 =	vshll.u32 v11, $0x10;
	v29 =	vmul.f32 v35, v14  }
0x10a: {  	v21 =	vsub.f32 v21, v23;
	v23 =	vmul.f32 v32, v32;
	v31 =	vmul.f32 v32, v48  }
0x10b: {  	[tilespmem:$0x1FD50] =	vst v3;
	v3 =	vsub.f32 v25, v27;
	v63 =	vmul.f32 v19, v19;
	v0 =	vmul.f32 v17, v17  }
0x10c: {  	v11 =	vsub.f32 v50, v52;
	v50 =	vmul.f32 v21, v21;
	v52 =	vmul.f32 v48, v21  }
0x10d: {  	v21 =	vmul.f32 v32, v21;
	v10 =	vand.u32 $0xFFFF0000, v53;
	v32 =	vshll.u32 v53, $0x10  }
0x10e: {  	v14 =	vmul.f32 v14, v18;
	v53 =	vmul.f32 v45, v22;
	v25 =	vshll.u32 v6, $0x10  }
0x10f: {  	v27 =	vand.u32 $0xFFFF0000, v6;
	v6 =	vsub.f32 v58, v59;
	v59 =	vmul.f32 v35, v35  }
0x110: {  	v34 =	vand.u32 $0xFFFF0000, v34;
	v54 =	vmul.f32 v27, v16;
	v55 =	vmul.f32 v25, v1  }
0x111: {  	v37 =	vand.u32 $0xFFFF0000, v37;
	v58 =	vmul.f32 v25, v25;
	v20 =	vmul.f32 v27, v27  }
0x112: {  	v1 =	vmul.f32 v1, v19;
	v31 =	vadd.f32 $0.0e+00, v31;
	v19 =	vmul.f32 v25, v19  }
0x113: {  	v39 =	vadd.f32 v0, v63;
	v16 =	vmul.f32 v16, v17;
	v17 =	vmul.f32 v27, v17  }
0x114: {  	v27 =	vmul.f32 v41, v9;
	v21 =	vadd.f32 $0.0e+00, v21;
	v23 =	vadd.f32 v59, v23  }
0x115: {  	v9 =	vmul.f32 v9, v30;
	v20 =	vadd.f32 v20, v58;
	v33 =	vadd.f32 $0.0e+00, v55  }
0x116: {  	v29 =	vadd.f32 v31, v29;
	v31 =	vmul.f32 v18, v18;
	v58 =	vadd.f32 $0.0e+00, v1  }
0x117: {  	v25 =	vld [tilespmem:s25+$0x5400];
	v19 =	vadd.f32 $0.0e+00, v19;
	v18 =	vmul.f32 v35, v18;
	v23 =	vadd.f32 v49, v23  }
0x118: {  	v33 =	vadd.f32 v33, v54;
	v54 =	vand.u32 $0xFFFF0000, v13;
	v31 =	vadd.f32 v31, v50  }
0x119: {  	v13 =	vmul.f32 v45, v45;
	v20 =	vadd.f32 v62, v20;
	v27 =	vadd.f32 v27, v29  }
0x11a: {  	v63 =	vld [tilespmem:s25+$0x7C00];
	v29 =	vmul.f32 v28, v28;
	v62 =	vmul.f32 v30, v30;
	v17 =	vadd.f32 v19, v17  }
0x11b: {  	v19 =	vmul.f32 v37, v37;
	v18 =	vadd.f32 v21, v18;
	v21 =	vmul.f32 v32, v32  }
0x11c: {  	v0 =	vld [tilespmem:s25+$0x4C00];
	v50 =	vmul.f32 v15, v15;
	v55 =	vmul.f32 v54, v54;
	v8 =	vand.u32 $0xFFFF0000, v25  }
0x11d: {  	v59 =	vld [tilespmem:s25+$0x5C00];
	v42 =	vshll.u32 v25, $0x10;
	v25 =	vmul.f32 v40, v7;
	v48 =	vmul.f32 v37, v54  }
0x11e: {  	v16 =	vadd.f32 v58, v16;
	v7 =	vmul.f32 v7, v28;
	v28 =	vmul.f32 v40, v28  }
0x11f: {  	v54 =	vmul.f32 v54, v15;
	v15 =	vmul.f32 v37, v15;
	v35 =	vand.u32 $0xFFFF0000, v63  }
0x120: {  	v40 =	vmul.f32 v5, v5;
	v24 =	vadd.f32 v24, v13;
	v29 =	vadd.f32 v29, v39  }
0x121: {  	v49 =	vld [tilespmem:s25+$0x7400];
	v13 =	vand.u32 $0xFFFF0000, v0;
	v31 =	vadd.f32 v62, v31;
	v19 =	vadd.f32 v23, v19  }
0x122: {  	v23 =	vmul.f32 v34, v45;
	v36 =	vand.u32 $0xFFFF0000, v59;
	v26 =	vadd.f32 v26, v55  }
0x123: {  	v25 =	vadd.f32 v25, v33;
	v33 =	vshll.u32 v0, $0x10;
	v0 =	vadd.f32 $0.0e+00, v52  }
0x124: {  	v62 =	vmul.f32 v6, v6;
	v27 =	vadd.f32 v27, v48;
	v7 =	vadd.f32 v7, v16  }
0x125: {  	v16 =	vmul.f32 v13, v13;
	v17 =	vadd.f32 v28, v17;
	v55 =	vmul.f32 v36, v36  }
0x126: {  	v46 =	vmul.f32 v33, v33;
	v43 =	vshll.u32 v49, $0x10;
	v14 =	vadd.f32 v0, v14  }
0x127: {  	v0 =	vmul.f32 v34, v34;
	v21 =	vadd.f32 v21, v26;
	v26 =	vshll.u32 v63, $0x10  }
0x128: {  	v23 =	vadd.f32 v25, v23;
	v25 =	vmul.f32 v22, v22;
	v7 =	vadd.f32 v7, v53  }
0x129: {  	v22 =	vmul.f32 v34, v22;
	v24 =	vadd.f32 v46, v24;
	v20 =	vadd.f32 v20, v0  }
0x12a: {  	v0 =	vshll.u32 v59, $0x10;
	v25 =	vadd.f32 v29, v25;
	v29 =	vmul.f32 v41, v30  }
0x12b: {  	v9 =	vadd.f32 v9, v14;
	v14 =	vadd.f32 v31, v50;
	v31 =	vmul.f32 v26, v26  }
0x12c: {  	v17 =	vadd.f32 v17, v22;
	v59 =	vmul.f32 v35, v10;
	v52 =	vmul.f32 v0, v0  }
0x12d: {  	v30 =	vld [tilespmem:s25+$0x5200];
	v16 =	vadd.f32 v24, v16;
	v18 =	vadd.f32 v29, v18;
	v29 =	vmul.f32 v10, v10  }
0x12e: {  	v22 =	vld [tilespmem:s25+$0x5E00];
	v19 =	vadd.f32 v31, v19;
	v31 =	vmul.f32 v0, v33;
	v33 =	vmul.f32 v33, v12  }
0x12f: {  	v63 =	vld [tilespmem:s25+$0x5000];
	v9 =	vadd.f32 v9, v54;
	v10 =	vmul.f32 v10, v5;
	v5 =	vmul.f32 v35, v5  }
0x130: {  	v28 =	vld [tilespmem:s25+$0x4E00];
	v20 =	vadd.f32 v52, v20;
	v21 =	vadd.f32 v21, v29;
	v29 =	vmul.f32 v26, v32  }
0x131: {  	v24 =	vld [tilespmem:s25+$0x6E00];
	v23 =	vadd.f32 v31, v23;
	v31 =	vmul.f32 v12, v12;
	v15 =	vadd.f32 v18, v15  }
0x132: {  	v18 =	vmul.f32 v35, v35;
	v12 =	vmul.f32 v0, v12;
	v7 =	vadd.f32 v33, v7  }
0x133: {  	v45 =	vand.u32 $0xFFFF0000, v30;
	v20 =	vadd.f32 v20, v55;
	v0 =	vshll.u32 v22, $0x10  }
0x134: {  	v48 =	vshll.u32 v30, $0x10;
	v55 =	vshll.u32 v63, $0x10;
	v27 =	vadd.f32 v29, v27  }
0x135: {  	v29 =	vand.u32 $0xFFFF0000, v28;
	v28 =	vshll.u32 v28, $0x10;
	v25 =	vadd.f32 v31, v25  }
0x136: {  	v1 =	vshll.u32 v24, $0x10;
	v31 =	vmul.f32 v11, v11;
	v24 =	vand.u32 $0xFFFF0000, v24  }
0x137: {  	v18 =	vadd.f32 v19, v18;
	v12 =	vadd.f32 v12, v17;
	v58 =	vmul.f32 v1, v1  }
0x138: {  	v19 =	vld [tilespmem:s25+$0x7E00];
	v54 =	vmul.f32 v29, v29;
	v14 =	vadd.f32 v31, v14;
	v31 =	vmul.f32 v28, v28  }
0x139: {  	v30 =	vmul.f32 v24, v24;
	v27 =	vadd.f32 v27, v59;
	v25 =	vadd.f32 v25, v62  }
0x13a: {  	v21 =	vadd.f32 v58, v21;
	v16 =	vadd.f32 v31, v16;
	v31 =	vmul.f32 v36, v13  }
0x13b: {  	v14 =	vadd.f32 v14, v40;
	v13 =	vmul.f32 v13, v6;
	v6 =	vmul.f32 v36, v6  }
0x13c: {  	v23 =	vadd.f32 v23, v31;
	v31 =	vmul.f32 v32, v11;
	v11 =	vmul.f32 v26, v11  }
0x13d: {  	v47 =	vshll.u32 v19, $0x10;
	v21 =	vadd.f32 v21, v30;
	v59 =	vand.u32 $0xFFFF0000, v19  }
0x13e: {  	v19 =	vmul.f32 v3, v3;
	v11 =	vadd.f32 v11, v15;
	v15 =	vmul.f32 v47, v47  }
0x13f: {  	v39 =	vld [tilespmem:s25+$0x7200];
	v16 =	vadd.f32 v16, v54;
	v9 =	vadd.f32 v31, v9;
	v31 =	vmul.f32 v0, v0  }
0x140: {  	v26 =	vld [tilespmem:s25+$0x6600];
	v30 =	vmul.f32 v47, v1;
	v15 =	vadd.f32 v15, v18;
	v18 =	vmul.f32 v0, v28  }
0x141: {  	v17 =	vld [tilespmem:s25+$0x7000];
	v12 =	vadd.f32 v12, v6;
	v6 =	vmul.f32 v59, v59;
	v20 =	vadd.f32 v31, v20  }
0x142: {  	v31 =	vld [tilespmem:$0x1FC60];
	v18 =	vadd.f32 v18, v23;
	v23 =	vadd.f32 v7, v13;
	v7 =	vmul.f32 v4, v4  }
0x143: {  	v36 =	vadd.f32 v30, v27;
	v5 =	vadd.f32 v11, v5;
	v11 =	vmul.f32 v28, v3;
	v28 =	vld [tilespmem:$0x1FCA0]  }
0x144: {  	v30 =	vadd.f32 v9, v10;
	v35 =	vadd.f32 v7, v14;
	v14 =	vmul.f32 v1, v4;
	v1 =	vld [tilespmem:$0x1FCC0]  }
0x145: {  	v10 =	vld [tilespmem:s25+$0x6400];
	v32 =	vand.u32 $0xFFFF0000, v26;
	v13 =	vmul.f32 v55, v55;
	v6 =	vadd.f32 v15, v6  }
0x146: {  	v41 =	vand.u32 $0xFFFF0000, v49;
	v33 =	vld [tilespmem:$0x1FCB0];
	v49 =	vadd.f32 v19, v25;
	v7 =	vmul.f32 v32, v2  }
0x147: {  	v19 =	vld [tilespmem:s25+$0x8600];
	[tilespmem:$0x1FFD0] =	vst v6;
	v6 =	vadd.f32 v13, v16;
	v16 =	vmul.f32 v0, v3;
	v0 =	vmul.f32 v2, v31  }
0x148: {  	v53 =	vmul.f32 v2, v2;
	v34 =	vshll.u32 v17, $0x10;
	v25 =	vld [tilespmem:$0x1FC70];
	[tilespmem:$0x1FC80] =	vst v7  }
0x149: {  	v2 =	vld [tilespmem:$0x1FD20];
	v7 =	vmul.f32 v34, v34;
	[tilespmem:$0x1FCD0] =	vst v0;
	v0 =	vmul.f32 v1, v28  }
0x14a: {  	v3 =	vld [tilespmem:s25+$0x8400];
	v40 =	vand.u32 $0xFFFF0000, v10  }
0x14b: {  	v7 =	vadd.f32 v7, v21;
	v21 =	vmul.f32 v47, v4;
	v4 =	vld [tilespmem:s25+$0x6200];
	[tilespmem:$0x1FCE0] =	vst v0;
	v0 =	vmul.f32 v40, v8  }
0x14c: {  	v37 =	vand.u32 $0xFFFF0000, v19;
	v13 =	vld [tilespmem:s25+$0x8200]  }
0x14d: {  	v44 =	vand.u32 $0xFFFF0000, v39;
	v47 =	vmul.f32 v37, v1;
	[tilespmem:$0x1FCF0] =	vst v0;
	v0 =	vmul.f32 v8, v8  }
0x14e: {  	v58 =	vand.u32 $0xFFFF0000, v22;
	[tilespmem:$0x1FD60] =	vst v59;
	v54 =	vmul.f32 v1, v1;
	v1 =	vmul.f32 v2, v2  }
0x14f: {  	v50 =	vshll.u32 v10, $0x10;
	v46 =	vand.u32 $0xFFFF0000, v3;
	[tilespmem:$0x1FD00] =	vst v0;
	v0 =	vmul.f32 v8, v33  }
0x150: {  	v10 =	vmul.f32 v46, v41;
	[tilespmem:$0x1FD30] =	vst v1;
	v1 =	vmul.f32 v2, v25;
	v62 =	vand.u32 $0xFFFF0000, v4  }
0x151: {  	v8 =	vmul.f32 v59, v24;
	v59 =	vand.u32 $0xFFFF0000, v13;
	[tilespmem:$0x1FD10] =	vst v0;
	v0 =	vand.u32 $0xFFFF0000, v63  }
0x152: {  	[tilespmem:$0x1FD80] =	vst v10;
	v63 =	vand.u32 $0xFFFF0000, v17;
	v17 =	vshll.u32 v4, $0x10;
	v4 =	vmul.f32 v59, v44  }
0x153: {  	v9 =	vmul.f32 v58, v58;
	v10 =	vmul.f32 v41, v41;
	[tilespmem:$0x1FD40] =	vst v1  }
0x154: {  	[tilespmem:$0x1FE00] =	vst v4;
	v4 =	vmul.f32 v44, v44  }
0x155: {  	v20 =	vadd.f32 v20, v9;
	v9 =	vmul.f32 v58, v29;
	[tilespmem:$0x1FD90] =	vst v10;
	v10 =	vmul.f32 v50, v42  }
0x156: {  	[tilespmem:$0x1FE10] =	vst v4;
	v4 =	vmul.f32 v17, v48  }
0x157: {  	v9 =	vadd.f32 v18, v9;
	[tilespmem:$0x1FDA0] =	vst v10;
	v10 =	vmul.f32 v42, v42  }
0x158: {  	v18 =	vmovc v51;
	v1 =	vmul.f32 v29, v51;
	v51 =	vshll.u32 v3, $0x10;
	v3 =	vld [tilespmem:s25+$0x6000];
	[tilespmem:$0x1FE20] =	vst v4;
	v4 =	vmul.f32 v48, v48  }
0x159: {  	v52 =	vshll.u32 v39, $0x10;
	v27 =	vshll.u32 v13, $0x10;
	v29 =	vshll.u32 v19, $0x10;
	v19 =	vld [tilespmem:$0x1FD50];
	[tilespmem:$0x1FDB0] =	vst v10  }
0x15a: {  	v10 =	vld [tilespmem:s25+$0x8000];
	[tilespmem:$0x1FE30] =	vst v4;
	v4 =	vmul.f32 v27, v52;
	_ =	sdelay $0x1  }
0x15b: {  	[tilespmem:$0x1FE40] =	vst v4;
	v4 =	vmul.f32 v52, v52  }
0x15c: {  	v39 =	vshll.u32 v26, $0x10;
	[tilespmem:$0x1FE70] =	vst v0;
	v26 =	vand.u32 $0xFFFF0000, v3  }
0x15d: {  	[tilespmem:$0x1FE50] =	vst v4;
	v4 =	vmul.f32 v26, v0;
	v0 =	vmul.f32 v0, v0  }
0x15e: {  	v22 =	vmovc v55;
	v55 =	vmul.f32 v39, v2;
	v2 =	vmul.f32 v24, v19;
	v24 =	vand.u32 $0xFFFF0000, v10  }
0x15f: {  	[tilespmem:$0x1FE80] =	vst v0;
	v0 =	vmul.f32 v24, v63;
	_ =	sdelay $0x1  }
0x160: {  	[tilespmem:$0x1FE90] =	vst v0;
	v0 =	vmul.f32 v63, v63  }
0x161: {  	v3 =	vshll.u32 v3, $0x10  }
0x162: {  	[tilespmem:$0x1FEA0] =	vst v0;
	v0 =	vmul.f32 v3, v22;
	_ =	sdelay $0x1  }
0x163: {  	[tilespmem:$0x1FEB0] =	vst v0;
	v0 =	vmul.f32 v32, v32  }
0x164: {  	[tilespmem:$0x1FE60] =	vst v4;
	v4 =	vshll.u32 v10, $0x10  }
0x165: {  	[tilespmem:$0x1FEC0] =	vst v0;
	v0 =	vmul.f32 v4, v34;
	_ =	sdelay $0x1  }
0x166: {  	[tilespmem:$0x1FEE0] =	vst v0;
	v0 =	vmul.f32 v37, v37;
	_ =	sdelay $0x1  }
0x167: {  	[tilespmem:$0x1FF00] =	vst v0;
	v0 =	vmul.f32 v39, v39;
	_ =	sdelay $0x1  }
0x168: {  	[tilespmem:$0x1FF10] =	vst v0;
	v0 =	vmul.f32 v29, v29;
	_ =	sdelay $0x1  }
0x169: {  	[tilespmem:$0x1FF20] =	vst v0;
	v0 =	vmul.f32 v40, v40;
	_ =	sdelay $0x1  }
0x16a: {  	[tilespmem:$0x1FF30] =	vst v0;
	v0 =	vmul.f32 v46, v46;
	_ =	sdelay $0x1  }
0x16b: {  	[tilespmem:$0x1FF40] =	vst v0;
	v0 =	vmul.f32 v50, v50  }
0x16c: {  	v15 =	vmul.f32 v38, v38  }
0x16d: {  	[tilespmem:$0x1FF50] =	vst v0;
	v0 =	vmul.f32 v51, v51  }
0x16e: {  	[tilespmem:$0x1FD70] =	vst v15;
	v15 =	vmul.f32 v51, v43  }
0x16f: {  	[tilespmem:$0x1FF60] =	vst v0;
	v0 =	vmul.f32 v62, v62  }
0x170: {  	[tilespmem:$0x1FDC0] =	vst v15;
	v15 =	vmul.f32 v43, v43  }
0x171: {  	[tilespmem:$0x1FF70] =	vst v0;
	v0 =	vmul.f32 v59, v59  }
0x172: {  	[tilespmem:$0x1FDD0] =	vst v15;
	v15 =	vmul.f32 v62, v45  }
0x173: {  	[tilespmem:$0x1FF90] =	vst v0;
	v0 =	vmul.f32 v17, v17  }
0x174: {  	[tilespmem:$0x1FDE0] =	vst v15;
	v15 =	vmul.f32 v45, v45  }
0x175: {  	[tilespmem:$0x1FFB0] =	vst v0;
	v0 =	vmul.f32 v27, v27  }
0x176: {  	[tilespmem:$0x1FDF0] =	vst v15  }
0x177: {  	v15 =	vmul.f32 v18, v18;
	[tilespmem:$0x1FFC0] =	vst v0;
	v0 =	vld [tilespmem:$0x1FFD0];
	_ =	sdelay $0x1  }
0x178: {  	v10 =	vadd.f32 v11, v23;
	v11 =	vadd.f32 v49, v15;
	v15 =	vmul.f32 v19, v19  }
0x179: {  	v21 =	vadd.f32 v21, v5;
	v5 =	vmul.f32 v4, v4  }
0x17a: {  	[tilespmem:$0x1FC90] =	vst v58;
	v23 =	vld [tilespmem:$0x1FEF0];
	v15 =	vadd.f32 v35, v15;
	v35 =	vmov v24  }
0x17b: {  	[tilespmem:$0x1FED0] =	vst v34;
	v24 =	vadd.f32 v5, v0;
	v0 =	vmul.f32 v35, v35  }
0x17c: {  	v16 =	vadd.f32 v16, v12;
	[tilespmem:$0x1FF80] =	vst v3;
	v12 =	vmul.f32 v3, v3  }
0x17d: {  	v14 =	vadd.f32 v14, v30;
	v58 =	vmul.f32 v29, v38;
	[tilespmem:$0x1FFE0] =	vst v0;
	v0 =	vmul.f32 v25, v25  }
0x17e: {  	v13 =	vmov v22;
	v8 =	vadd.f32 v36, v8;
	[tilespmem:$0x1FFA0] =	vst v4;
	v22 =	vadd.f32 v12, v20  }
0x17f: {  	s0 =	simm.s32 $0x40;
	v30 =	vmovc v17;
	v36 =	vmovc v26;
	v12 =	vmul.f32 v26, v26;
	v26 =	vmul.f32 v23, v23;
	v34 =	vimm.f32 $0.0e+00;
	[tilespmem:$0x1FFF0] =	vst v0  }
.LBB2_2:
0x180: {  	v0 =	vld [tilespmem:$0x1FE80];
	_ =	sdelay $0x4  }
0x181: {  	v6 =	vadd.f32 v6, v0;
	v0 =	vld [tilespmem:$0x1FEA0];
	_ =	sdelay $0x4  }
0x182: {  	v7 =	vadd.f32 v7, v0;
	v0 =	vld [tilespmem:$0x1FC90];
	_ =	sdelay $0x4  }
0x183: {  	v18 =	vmul.f32 v0, v18;
	v0 =	vld [tilespmem:$0x1FEB0];
	_ =	sdelay $0x4  }
0x184: {  	v9 =	vadd.f32 v0, v9;
	v0 =	vld [tilespmem:$0x1FEE0];
	_ =	sdelay $0x4  }
0x185: {  	v8 =	vadd.f32 v0, v8;
	v0 =	vld [tilespmem:$0x1FD60];
	_ =	sdelay $0x2  }
0x186: {  	v4 =	vld [tilespmem:$0x1FC50];
	_ =	sdelay $0x1  }
0x187: {  	v1 =	vadd.f32 v10, v1;
	v10 =	vadd.f32 v26, v11;
	v11 =	vmul.f32 v0, v19;
	v0 =	vld [tilespmem:$0x1FED0];
	_ =	sdelay $0x2  }
0x188: {  	v17 =	vmul.f32 v4, v4  }
0x189: {  	v2 =	vadd.f32 v14, v2  }
0x18a: {  	v14 =	vadd.f32 v17, v15;
	v15 =	vadd.f32 v16, v18;
	v18 =	vmul.f32 v0, v4;
	v0 =	vld [tilespmem:$0x1FFE0];
	_ =	sdelay $0x4  }
0x18b: {  	v5 =	vadd.f32 v24, v0;
	v0 =	vld [tilespmem:$0x1FE30];
	_ =	sdelay $0x4  }
0x18c: {  	v6 =	vadd.f32 v0, v6;
	v0 =	vld [tilespmem:$0x1FE50];
	_ =	sdelay $0x4  }
0x18d: {  	v7 =	vadd.f32 v0, v7;
	v0 =	vld [tilespmem:$0x1FF80];
	_ =	sdelay $0x4  }
0x18e: {  	v3 =	vmul.f32 v0, v23;
	v0 =	vld [tilespmem:$0x1FE60];
	_ =	sdelay $0x4  }
0x18f: {  	v9 =	vadd.f32 v9, v0;
	v0 =	vld [tilespmem:$0x1FE90];
	_ =	sdelay $0x4  }
0x190: {  	v8 =	vadd.f32 v8, v0;
	v0 =	vld [tilespmem:$0x1FFA0];
	_ =	sdelay $0x2  }
0x191: {  	v20 =	vld [tilespmem:$0x1FC30];
	_ =	sdelay $0x1  }
0x192: {  	v4 =	vmul.f32 v0, v4;
	v0 =	vld [tilespmem:$0x1FE70];
	_ =	sdelay $0x2  }
0x193: {  	v16 =	vmul.f32 v20, v20;
	_ =	sdelay $0x1  }
0x194: {  	v10 =	vadd.f32 v10, v16;
	v16 =	vmul.f32 v0, v20;
	v0 =	vld [tilespmem:$0x1FFB0];
	_ =	sdelay $0x2  }
0x195: {  	v17 =	vadd.f32 v22, v12;
	v11 =	vadd.f32 v21, v11;
	_ =	sdelay $0x1  }
0x196: {  	v4 =	vadd.f32 v4, v11;
	v11 =	vadd.f32 v0, v17;
	v0 =	vld [tilespmem:$0x1FFC0];
	_ =	sdelay $0x4  }
0x197: {  	v5 =	vadd.f32 v0, v5;
	v0 =	vld [tilespmem:$0x1FDF0];
	_ =	sdelay $0x2  }
0x198: {  	v19 =	vmul.f32 v13, v23;
	v13 =	vld [tilespmem:$0x1FC40];
	_ =	sdelay $0x1  }
0x199: {  	v6 =	vadd.f32 v6, v0;
	v0 =	vld [tilespmem:$0x1FC20];
	_ =	sdelay $0x2  }
0x19a: {  	v1 =	vadd.f32 v19, v1;
	v19 =	vld [tilespmem:$0x1FE10];
	v21 =	vmul.f32 v13, v13  }
0x19b: {  	v12 =	vld [tilespmem:$0x1FC10]  }
0x19c: {  	v2 =	vadd.f32 v18, v2;
	v14 =	vadd.f32 v14, v21;
	v18 =	vmul.f32 v0, v0;
	_ =	sdelay $0x1  }
0x19d: {  	v14 =	vadd.f32 v18, v14;
	v18 =	vld [tilespmem:$0x1FDD0]  }
0x19e: {  	v7 =	vadd.f32 v7, v19  }
0x19f: {  	v19 =	vmul.f32 v36, v20;
	v3 =	vadd.f32 v3, v15;
	v15 =	vmul.f32 v12, v12;
	v20 =	vld [tilespmem:$0x1FE20];
	_ =	sdelay $0x1  }
0x1a0: {  	v10 =	vadd.f32 v15, v10  }
0x1a1: {  	v15 =	vmul.f32 v48, v12;
	v7 =	vadd.f32 v18, v7;
	v18 =	vmul.f32 v30, v12;
	v12 =	vld [tilespmem:$0x1FDE0]  }
0x1a2: {  	v17 =	vmul.f32 v63, v13;
	v13 =	vmul.f32 v35, v13  }
0x1a3: {  	v9 =	vadd.f32 v20, v9;
	v20 =	vld [tilespmem:$0x1FE40]  }
0x1a4: {  	v4 =	vadd.f32 v4, v13;
	v13 =	vld [tilespmem:$0x1FF70];
	_ =	sdelay $0x1  }
0x1a5: {  	v1 =	vadd.f32 v1, v16;
	v9 =	vadd.f32 v9, v12;
	v12 =	vld [tilespmem:$0x1FE00];
	_ =	sdelay $0x1  }
0x1a6: {  	v1 =	vadd.f32 v15, v1;
	v8 =	vadd.f32 v20, v8  }
0x1a7: {  	v11 =	vadd.f32 v11, v13;
	v13 =	vmul.f32 v52, v0;
	v15 =	vmul.f32 v27, v0;
	v0 =	vld [tilespmem:$0x1FF50];
	_ =	sdelay $0x1  }
0x1a8: {  	v8 =	vadd.f32 v8, v12;
	v12 =	vld [tilespmem:$0x1FF30]  }
0x1a9: {  	v2 =	vadd.f32 v2, v17;
	v17 =	vld [tilespmem:$0x1FF90];
	_ =	sdelay $0x1  }
0x1aa: {  	v11 =	vadd.f32 v0, v11;
	v0 =	vld [tilespmem:$0x1FF60];
	_ =	sdelay $0x1  }
0x1ab: {  	v11 =	vadd.f32 v11, v12;
	v12 =	vld [tilespmem:$0x1FF40]  }
0x1ac: {  	v5 =	vadd.f32 v5, v17;
	v17 =	vld [tilespmem:$0x1FDB0];
	_ =	sdelay $0x1  }
0x1ad: {  	v5 =	vadd.f32 v0, v5;
	v0 =	vld [tilespmem:$0x1FD00];
	_ =	sdelay $0x1  }
0x1ae: {  	v5 =	vadd.f32 v5, v12;
	v12 =	vld [tilespmem:$0x1FD30]  }
0x1af: {  	v6 =	vadd.f32 v17, v6;
	_ =	sdelay $0x1  }
0x1b0: {  	v6 =	vadd.f32 v6, v0;
	v0 =	vld [tilespmem:$0x1FD90];
	_ =	sdelay $0x1  }
0x1b1: {  	v6 =	vadd.f32 v12, v6;
	v12 =	vld [tilespmem:$0x1FD70];
	_ =	sdelay $0x2  }
0x1b2: {  	v7 =	vadd.f32 v7, v0;
	v0 =	vld [tilespmem:$0x1FDA0];
	_ =	sdelay $0x1  }
0x1b3: {  	v7 =	vadd.f32 v12, v7;
	v12 =	vld [tilespmem:$0x1FCF0];
	_ =	sdelay $0x2  }
0x1b4: {  	v9 =	vadd.f32 v0, v9;
	v0 =	vld [tilespmem:$0x1FDC0];
	_ =	sdelay $0x1  }
0x1b5: {  	v9 =	vadd.f32 v9, v12;
	v12 =	vld [tilespmem:$0x1FD80];
	_ =	sdelay $0x2  }
0x1b6: {  	v16 =	vmul.f32 v61, v61;
	v8 =	vadd.f32 v0, v8;
	_ =	sdelay $0x1  }
0x1b7: {  	v10 =	vadd.f32 v10, v16;
	v16 =	vmul.f32 v45, v61;
	v8 =	vadd.f32 v8, v12;
	v12 =	vld [tilespmem:$0x1FF10]  }
0x1b8: {  	v17 =	vmul.f32 v60, v60  }
0x1b9: {  	v1 =	vadd.f32 v1, v16  }
0x1ba: {  	v2 =	vadd.f32 v13, v2;
	v13 =	vadd.f32 v14, v17;
	v14 =	vmul.f32 v56, v56;
	v0 =	vld [tilespmem:$0x1FC00]  }
0x1bb: {  	v16 =	vmul.f32 v42, v56;
	v4 =	vadd.f32 v15, v4;
	v15 =	vmul.f32 v44, v60  }
0x1bc: {  	v10 =	vadd.f32 v14, v10;
	v14 =	vmul.f32 v59, v60;
	v11 =	vadd.f32 v12, v11;
	v12 =	vld [tilespmem:$0x1FF20]  }
0x1bd: {  	v3 =	vadd.f32 v3, v19;
	v1 =	vadd.f32 v16, v1;
	v17 =	vmul.f32 v57, v57  }
0x1be: {  	v22 =	vmul.f32 v51, v57;
	v2 =	vadd.f32 v2, v15;
	v4 =	vadd.f32 v4, v14  }
0x1bf: {  	v27 =	vld [tilespmem:$0x1FBF0];
	v13 =	vadd.f32 v17, v13;
	v17 =	vmul.f32 v33, v33;
	v15 =	vmul.f32 v41, v0  }
0x1c0: {  	v4 =	vadd.f32 v22, v4;
	v16 =	vmul.f32 v0, v0;
	v22 =	vmul.f32 v46, v0;
	v0 =	vld [tilespmem:$0x1FF00]  }
0x1c1: {  	s25 =	sshra.s32 s0, $0x2;
	v3 =	vadd.f32 v18, v3;
	v18 =	vmul.f32 v62, v61;
	v5 =	vadd.f32 v12, v5;
	v12 =	vld [tilespmem:$0x1FEC0]  }
0x1c2: {  	v19 =	vmul.f32 v43, v57;
	v10 =	vadd.f32 v10, v17;
	v17 =	vld [tilespmem:s25+$0x5400]  }
0x1c3: {  	v21 =	vmul.f32 v50, v56;
	v3 =	vadd.f32 v3, v18  }
0x1c4: {  	v2 =	vadd.f32 v19, v2  }
0x1c5: {  	v3 =	vadd.f32 v21, v3;
	v21 =	vmul.f32 v40, v33;
	v5 =	vadd.f32 v5, v0;
	v0 =	vld [tilespmem:$0x1FD10]  }
0x1c6: {  	v14 =	vmul.f32 v27, v27;
	v62 =	vmul.f32 v28, v28;
	v11 =	vadd.f32 v11, v12  }
0x1c7: {  	v44 =	vand.u32 $0xFFFF0000, v17;
	v3 =	vadd.f32 v3, v21;
	v13 =	vadd.f32 v13, v16  }
0x1c8: {  	v6 =	vadd.f32 v6, v53;
	v4 =	vadd.f32 v4, v22;
	(erf) = vrcp.f32 v11  }
0x1c9: {  	v2 =	vadd.f32 v2, v15;
	v13 =	vadd.f32 v14, v13;
	v12 =	vld [tilespmem:$0x1FFF0];
	(erf) = vrcp.f32 v5  }
0x1ca: {  	v26 =	vld [tilespmem:$0x1FC80];
	v7 =	vadd.f32 v7, v54;
	v0 =	vadd.f32 v1, v0;
	v1 =	vmul.f32 v39, v25  }
0x1cb: {  	v21 =	vmul.f32 v29, v27;
	v13 =	vadd.f32 v13, v62;
	v9 =	vadd.f32 v55, v9;
	v11 =	vld [tilespmem:s25+$0x7200]  }
0x1cc: {  	v63 =	vld [tilespmem:$0x1FCE0];
	v8 =	vadd.f32 v58, v8;
	v25 =	vmul.f32 v32, v31;
	v1 =	vadd.f32 v1, v3  }
0x1cd: {  	v15 =	vld [tilespmem:s25+$0x2400];
	v3 =	vadd.f32 v21, v4;
	v4 =	vmul.f32 v37, v28;
	v21 =	vmul.f32 v31, v31  }
0x1ce: {  	v10 =	vadd.f32 v12, v10;
	v1 =	vadd.f32 v1, v25;
	v25 =	vmul.f32 v38, v27;
	v27 =	vld [tilespmem:$0x1FD40]  }
0x1cf: {  	v50 =	vshll.u32 v17, $0x10;
	v9 =	vadd.f32 v9, v26;
	v12 =	vld [tilespmem:s25+$0x4600];
	v3 =	vadd.f32 v3, v4  }
0x1d0: {  	v8 =	vadd.f32 v8, v47;
	v31 =	vld [tilespmem:$0x1FCD0];
	v10 =	vadd.f32 v10, v21;
	v52 =	vand.u32 $0xFFFF0000, v11  }
0x1d1: {  	v4 =	vld [tilespmem:s25+$0x3400];
	v48 =	vshll.u32 v11, $0x10;
	v2 =	vadd.f32 v25, v2;
	v25 =	vmul.f32 v3, v3;
	v29 =	vpop (erf)  }
0x1d2: {  	v28 =	vmul.f32 v1, v1;
	v1 =	vadd.f32 v1, v1;
	v3 =	vadd.f32 v3, v3;
	v21 =	vpop (erf)  }
0x1d3: {  	v2 =	vadd.f32 v2, v63;
	v0 =	vadd.f32 v27, v0;
	v27 =	vld [tilespmem:s25+$0x4400];
	v25 =	vmul.f32 v21, v25  }
0x1d4: {  	v16 =	vld [tilespmem:s25+$0x5200];
	v1 =	vmul.f32 v1, v9;
	v11 =	vshll.u32 v12, $0x10;
	v28 =	vmul.f32 v29, v28  }
0x1d5: {  	v5 =	vld [tilespmem:s25+$0x3600];
	v3 =	vmul.f32 v3, v8;
	[tilespmem:$0x1F350] =	vst v11;
	v11 =	vand.u32 $0xFFFF0000, v15;
	v13 =	vsub.f32 v13, v25  }
0x1d6: {  	v17 =	vand.u32 $0xFFFF0000, v4;
	[tilespmem:$0x1F370] =	vst v11;
	v0 =	vadd.f32 v0, v31;
	v10 =	vsub.f32 v10, v28  }
0x1d7: {  	v23 =	vld [tilespmem:s25+$0x1600];
	v4 =	vshll.u32 v4, $0x10;
	v2 =	vadd.f32 v2, v2;
	[tilespmem:$0x1F380] =	vst v17;
	v7 =	vadd.f32 v13, v7  }
0x1d8: {  	v18 =	vld [tilespmem:s25+$0x5600];
	[tilespmem:$0x1F3C0] =	vst v4;
	v0 =	vadd.f32 v0, v0;
	v6 =	vadd.f32 v10, v6;
	v17 =	vand.u32 $0xFFFF0000, v27  }
0x1d9: {  	v14 =	vld [tilespmem:s25+$0x1400];
	v1 =	vmul.f32 v1, v29;
	[tilespmem:$0x1F390] =	vst v17;
	v2 =	vadd.f32 v7, v2;
	v7 =	vand.u32 $0xFFFF0000, v16  }
0x1da: {  	v24 =	vld [tilespmem:s25+$0x2600];
	v3 =	vmul.f32 v3, v21;
	v0 =	vadd.f32 v6, v0;
	[tilespmem:$0x1F7E0] =	vst v7;
	v7 =	vand.u32 $0xFFFF0000, v5  }
0x1db: {  	v5 =	vshll.u32 v5, $0x10;
	[tilespmem:$0x1F300] =	vst v7  }
0x1dc: {  	v0 =	vsub.f32 v0, v1;
	v1 =	vsub.f32 v3, v2;
	v3 =	vand.u32 $0xFFFF0000, v23;
	[tilespmem:$0x1F340] =	vst v5  }
0x1dd: {  	v54 =	vand.u32 $0xFFFF0000, v18;
	v58 =	vshll.u32 v18, $0x10;
	v18 =	vld [tilespmem:s25+$0x2200];
	v7 =	vand.u32 $0xFFFF0000, v12;
	[tilespmem:$0x1F2E0] =	vst v3  }
0x1de: {  	v8 =	vld [tilespmem:s25+$0x3200];
	v5 =	vand.u32 $0xFFFF0000, v14;
	[tilespmem:$0x1F310] =	vst v7  }
0x1df: {  	v10 =	vld [tilespmem:s25+$0x4200];
	v3 =	vand.u32 $0xFFFF0000, v24;
	[tilespmem:$0x1F360] =	vst v5  }
0x1e0: {  	v2 =	vld [tilespmem:s25+$0x4C00];
	v7 =	vshll.u32 v23, $0x10;
	[tilespmem:$0x1F2F0] =	vst v3  }
0x1e1: {  	v11 =	vld [tilespmem:s25+$0x4000];
	[tilespmem:$0x1F320] =	vst v7;
	v7 =	vshll.u32 v24, $0x10  }
0x1e2: {  	v0 =	vadd.f32 v1, v0;
	[tilespmem:$0x1F330] =	vst v7;
	v7 =	vshll.u32 v18, $0x10  }
0x1e3: {  	v3 =	vld [tilespmem:s25+$0x1000];
	[tilespmem:$0x1F430] =	vst v7;
	v7 =	vshll.u32 v8, $0x10  }
0x1e4: {  	v0 =	vadd.f32 $1.000000000e+00, v0;
	[tilespmem:$0x1F440] =	vst v7;
	v7 =	vshll.u32 v10, $0x10  }
0x1e5: {  	v56 =	vand.u32 $0xFFFF0000, v2;
	v2 =	vshll.u32 v2, $0x10;
	[tilespmem:$0x1F450] =	vst v7  }
0x1e6: {  	v19 =	vld [tilespmem:s25+$0x7400];
	v0 =	vmax.f32 v0, $0.0e+00;
	[tilespmem:$0x1F960] =	vst v2;
	v2 =	vand.u32 $0xFFFF0000, v11  }
0x1e7: {  	v1 =	vld [tilespmem:s25+$0x2000];
	v34 =	vadd.f32 v0, v34;
	v0 =	vshll.u32 v14, $0x10;
	[tilespmem:$0x1F490] =	vst v2  }
0x1e8: {  	v33 =	vld [tilespmem:s25+$0x1200];
	v7 =	vand.u32 $0xFFFF0000, v3;
	[tilespmem:$0x1F3A0] =	vst v0  }
0x1e9: {  	v26 =	vld [tilespmem:s25+$0x7000];
	[tilespmem:$0x1F460] =	vst v7  }
0x1ea: {  	v5 =	vld [tilespmem:s25+$0x3000];
	v0 =	vshll.u32 v15, $0x10;
	[tilespmem:$0x1F8A0] =	vst v34  }
0x1eb: {  	v20 =	vld [tilespmem:s25+$0x7600];
	v15 =	vshll.u32 v27, $0x10;
	[tilespmem:$0x1F3B0] =	vst v0  }
0x1ec: {  	v30 =	vld [tilespmem:s25+$0x6600];
	v7 =	vand.u32 $0xFFFF0000, v1;
	[tilespmem:$0x1F3D0] =	vst v15  }
0x1ed: {  	v49 =	vshll.u32 v19, $0x10;
	v41 =	vand.u32 $0xFFFF0000, v19;
	v19 =	vld [tilespmem:s25+$0x6A00];
	v1 =	vshll.u32 v1, $0x10;
	[tilespmem:$0x1F470] =	vst v7  }
0x1ee: {  	v59 =	vand.u32 $0xFFFF0000, v26;
	v35 =	vshll.u32 v26, $0x10;
	v26 =	vld [tilespmem:s25+$0xC00];
	v15 =	vand.u32 $0xFFFF0000, v33;
	[tilespmem:$0x1F4B0] =	vst v1  }
0x1ef: {  	v14 =	vld [tilespmem:s25+$0x4A00];
	v1 =	vshll.u32 v5, $0x10;
	[tilespmem:$0x1F3E0] =	vst v15  }
0x1f0: {  	v4 =	vld [tilespmem:s25+$0xE00];
	v15 =	vand.u32 $0xFFFF0000, v18;
	[tilespmem:$0x1F4C0] =	vst v1  }
0x1f1: {  	v13 =	vld [tilespmem:s25+$0x8400];
	v1 =	vshll.u32 v11, $0x10;
	[tilespmem:$0x1F3F0] =	vst v15  }
0x1f2: {  	v17 =	vld [tilespmem:s25+$0x1E00];
	v15 =	vand.u32 $0xFFFF0000, v8;
	[tilespmem:$0x1F4D0] =	vst v1  }
0x1f3: {  	v0 =	vld [tilespmem:s25+$0x8200];
	[tilespmem:$0x1F400] =	vst v15;
	v15 =	vand.u32 $0xFFFF0000, v10  }
0x1f4: {  	v21 =	vld [tilespmem:s25+$0x2E00];
	v1 =	vand.u32 $0xFFFF0000, v14;
	[tilespmem:$0x1F410] =	vst v15  }
0x1f5: {  	v32 =	vld [tilespmem:s25+$0x4E00];
	v15 =	vshll.u32 v33, $0x10;
	[tilespmem:$0x1F8C0] =	vst v1  }
0x1f6: {  	v28 =	vshll.u32 v13, $0x10;
	v18 =	vld [tilespmem:s25+$0x3E00];
	v1 =	vand.u32 $0xFFFF0000, v4;
	[tilespmem:$0x1F420] =	vst v15  }
0x1f7: {  	v9 =	vld [tilespmem:s25+$0x6E00];
	v24 =	vand.u32 $0xFFFF0000, v13;
	v2 =	vshll.u32 v3, $0x10;
	[tilespmem:$0x1F4E0] =	vst v1;
	v1 =	vand.u32 $0xFFFF0000, v17  }
0x1f8: {  	v10 =	vld [tilespmem:s25+$0x4800];
	v13 =	vand.u32 $0xFFFF0000, v0;
	v3 =	vshll.u32 v0, $0x10;
	v0 =	vshll.u32 v4, $0x10;
	[tilespmem:$0x1F4F0] =	vst v1  }
0x1f9: {  	v12 =	vld [tilespmem:s25+$0x6200];
	v1 =	vand.u32 $0xFFFF0000, v21;
	[tilespmem:$0x1F530] =	vst v0  }
0x1fa: {  	v45 =	vshll.u32 v20, $0x10;
	v57 =	vand.u32 $0xFFFF0000, v20;
	v29 =	vld [tilespmem:s25+$0x1C00];
	v0 =	vshll.u32 v17, $0x10;
	[tilespmem:$0x1F510] =	vst v1  }
0x1fb: {  	v20 =	vand.u32 $0xFFFF0000, v30;
	v25 =	vshll.u32 v30, $0x10;
	v30 =	vld [tilespmem:s25+$0x6800];
	v1 =	vand.u32 $0xFFFF0000, v18;
	[tilespmem:$0x1F540] =	vst v0  }
0x1fc: {  	v11 =	vld [tilespmem:s25+$0x2C00];
	[tilespmem:$0x1F520] =	vst v1;
	v1 =	vshll.u32 v21, $0x10  }
0x1fd: {  	v40 =	vand.u32 $0xFFFF0000, v9;
	v42 =	vshll.u32 v9, $0x10;
	v33 =	vld [tilespmem:s25+$0x5E00];
	[tilespmem:$0x1F560] =	vst v1;
	v1 =	vand.u32 $0xFFFF0000, v10  }
0x1fe: {  	v9 =	vshll.u32 v12, $0x10;
	v15 =	vand.u32 $0xFFFF0000, v12;
	v12 =	vld [tilespmem:s25+$0x3C00];
	[tilespmem:$0x1F500] =	vst v1;
	v1 =	vshll.u32 v18, $0x10  }
0x1ff: {  	v0 =	vld [tilespmem:s25+$0x7E00];
	[tilespmem:$0x1F570] =	vst v1;
	v1 =	vand.u32 $0xFFFF0000, v26  }
0x200: {  	v55 =	vshll.u32 v14, $0x10;
	v14 =	vld [tilespmem:s25+$0xA00];
	[tilespmem:$0x1F580] =	vst v1;
	v1 =	vand.u32 $0xFFFF0000, v29  }
0x201: {  	v61 =	vand.u32 $0xFFFF0000, v19;
	v17 =	vld [tilespmem:s25+$0x1A00];
	[tilespmem:$0x1F590] =	vst v1;
	v1 =	vand.u32 $0xFFFF0000, v30  }
0x202: {  	v38 =	vand.u32 $0xFFFF0000, v32;
	v43 =	vshll.u32 v32, $0x10;
	v18 =	vld [tilespmem:s25+$0x2A00];
	[tilespmem:$0x1F550] =	vst v1;
	v1 =	vand.u32 $0xFFFF0000, v11  }
0x203: {  	v32 =	vshll.u32 v19, $0x10;
	v19 =	vld [tilespmem:s25+$0x3A00];
	v21 =	vand.u32 $0xFFFF0000, v33;
	[tilespmem:$0x1F5A0] =	vst v1;
	v1 =	vand.u32 $0xFFFF0000, v12  }
0x204: {  	v34 =	vshll.u32 v33, $0x10;
	v7 =	vand.u32 $0xFFFF0000, v0;
	[tilespmem:$0x1F5B0] =	vst v1;
	v1 =	vshll.u32 v26, $0x10  }
0x205: {  	v33 =	vshll.u32 v0, $0x10;
	v0 =	vshll.u32 v14, $0x10;
	[tilespmem:$0x1F5C0] =	vst v1;
	v1 =	vshll.u32 v29, $0x10;
	v29 =	vld [tilespmem:s25+$0x800]  }
0x206: {  	[tilespmem:$0x1F640] =	vst v0;
	v0 =	vshll.u32 v17, $0x10  }
0x207: {  	[tilespmem:$0x1F650] =	vst v0;
	v0 =	vshll.u32 v18, $0x10  }
0x208: {  	[tilespmem:$0x1F660] =	vst v0;
	v0 =	vshll.u32 v19, $0x10  }
0x209: {  	v31 =	vld [tilespmem:s25+$0x8600];
	[tilespmem:$0x1F670] =	vst v0  }
0x20a: {  	[tilespmem:$0x1F5D0] =	vst v1;
	v1 =	vshll.u32 v11, $0x10;
	v11 =	vld [tilespmem:s25+$0x1800];
	v0 =	vand.u32 $0xFFFF0000, v29  }
0x20b: {  	[tilespmem:$0x1F680] =	vst v0;
	v0 =	vmul.f32 v20, v54;
	_ =	sdelay $0x1  }
0x20c: {  	[tilespmem:$0x1FC80] =	vst v0;
	v0 =	vmul.f32 v54, v54;
	_ =	sdelay $0x1  }
0x20d: {  	v62 =	vand.u32 $0xFFFF0000, v31;
	[tilespmem:$0x1FB80] =	vst v0;
	v0 =	vand.u32 $0xFFFF0000, v11  }
0x20e: {  	[tilespmem:$0x1F690] =	vst v0;
	v0 =	vmul.f32 v62, v57;
	_ =	sdelay $0x1  }
0x20f: {  	[tilespmem:$0x1F780] =	vst v0;
	v0 =	vmul.f32 v57, v57  }
0x210: {  	[tilespmem:$0x1F5E0] =	vst v1;
	v1 =	vshll.u32 v12, $0x10;
	v12 =	vld [tilespmem:s25+$0x2800]  }
0x211: {  	[tilespmem:$0x1F750] =	vst v0;
	v0 =	vmul.f32 v25, v58;
	_ =	sdelay $0x1  }
0x212: {  	[tilespmem:$0x1FAC0] =	vst v0;
	v0 =	vmul.f32 v58, v58  }
0x213: {  	v6 =	vld [tilespmem:s25+$0x6400]  }
0x214: {  	v60 =	vshll.u32 v31, $0x10;
	[tilespmem:$0x1FD30] =	vst v0;
	v0 =	vand.u32 $0xFFFF0000, v12  }
0x215: {  	[tilespmem:$0x1F6A0] =	vst v0;
	v0 =	vmul.f32 v60, v45;
	_ =	sdelay $0x1  }
0x216: {  	[tilespmem:$0x1F850] =	vst v0;
	v0 =	vmul.f32 v45, v45  }
0x217: {  	v63 =	vand.u32 $0xFFFF0000, v6;
	[tilespmem:$0x1F5F0] =	vst v1;
	v1 =	vand.u32 $0xFFFF0000, v14;
	v14 =	vld [tilespmem:s25+$0x3800]  }
0x218: {  	[tilespmem:$0x1FD70] =	vst v0;
	v0 =	vmul.f32 v63, v44;
	_ =	sdelay $0x1  }
0x219: {  	[tilespmem:$0x1FCF0] =	vst v0;
	v0 =	vmul.f32 v44, v44;
	_ =	sdelay $0x1  }
0x21a: {  	[tilespmem:$0x1FD00] =	vst v0;
	v0 =	vand.u32 $0xFFFF0000, v14  }
0x21b: {  	[tilespmem:$0x1F6B0] =	vst v0;
	v0 =	vmul.f32 v24, v41;
	_ =	sdelay $0x1  }
0x21c: {  	[tilespmem:$0x1FD80] =	vst v0;
	v0 =	vmul.f32 v41, v41;
	_ =	sdelay $0x1  }
0x21d: {  	v31 =	vshll.u32 v6, $0x10;
	[tilespmem:$0x1FD90] =	vst v0;
	v0 =	vshll.u32 v29, $0x10  }
0x21e: {  	[tilespmem:$0x1F6C0] =	vst v0;
	v0 =	vmul.f32 v31, v50;
	_ =	sdelay $0x1  }
0x21f: {  	[tilespmem:$0x1FDA0] =	vst v0;
	v0 =	vmul.f32 v50, v50;
	_ =	sdelay $0x1  }
0x220: {  	[tilespmem:$0x1FDB0] =	vst v0;
	v0 =	vshll.u32 v11, $0x10;
	v11 =	vld [tilespmem:$0x1F7E0]  }
0x221: {  	[tilespmem:$0x1F6D0] =	vst v0;
	v0 =	vmul.f32 v28, v49;
	_ =	sdelay $0x1  }
0x222: {  	[tilespmem:$0x1FDC0] =	vst v0;
	v0 =	vmul.f32 v49, v49;
	_ =	sdelay $0x1  }
0x223: {  	[tilespmem:$0x1FDD0] =	vst v0;
	v0 =	vmul.f32 v15, v11;
	_ =	sdelay $0x1  }
0x224: {  	[tilespmem:$0x1FDE0] =	vst v0;
	v0 =	vmul.f32 v11, v11;
	_ =	sdelay $0x1  }
0x225: {  	[tilespmem:$0x1FDF0] =	vst v0;
	v0 =	vshll.u32 v12, $0x10  }
0x226: {  	[tilespmem:$0x1F720] =	vst v0;
	v0 =	vmul.f32 v13, v52  }
0x227: {  	v22 =	vld [tilespmem:s25+$0x5000]  }
0x228: {  	[tilespmem:$0x1FE00] =	vst v0;
	v0 =	vmul.f32 v52, v52  }
0x229: {  	v37 =	vshll.u32 v16, $0x10  }
0x22a: {  	[tilespmem:$0x1FE10] =	vst v0;
	v0 =	vmul.f32 v9, v37;
	_ =	sdelay $0x1  }
0x22b: {  	v36 =	vshll.u32 v22, $0x10;
	v23 =	vand.u32 $0xFFFF0000, v22;
	v22 =	vld [tilespmem:s25+$0x6000];
	[tilespmem:$0x1FE20] =	vst v0;
	v0 =	vmul.f32 v37, v37;
	_ =	sdelay $0x1  }
0x22c: {  	[tilespmem:$0x1FE30] =	vst v0;
	v0 =	vmul.f32 v3, v48;
	_ =	sdelay $0x1  }
0x22d: {  	v8 =	vld [tilespmem:s25+$0x8000];
	[tilespmem:$0x1FE40] =	vst v0;
	v0 =	vmul.f32 v48, v48  }
0x22e: {  	v27 =	vand.u32 $0xFFFF0000, v22  }
0x22f: {  	[tilespmem:$0x1FE50] =	vst v0;
	v0 =	vmul.f32 v27, v23;
	_ =	sdelay $0x1  }
0x230: {  	[tilespmem:$0x1FE60] =	vst v0;
	v0 =	vmul.f32 v23, v23  }
0x231: {  	v6 =	vand.u32 $0xFFFF0000, v5;
	v5 =	vand.u32 $0xFFFF0000, v8  }
0x232: {  	[tilespmem:$0x1FE80] =	vst v0;
	v0 =	vmul.f32 v5, v59;
	_ =	sdelay $0x1  }
0x233: {  	[tilespmem:$0x1FE90] =	vst v0;
	v0 =	vmul.f32 v59, v59  }
0x234: {  	v22 =	vshll.u32 v22, $0x10  }
0x235: {  	[tilespmem:$0x1FEA0] =	vst v0;
	v0 =	vmul.f32 v22, v36;
	_ =	sdelay $0x1  }
0x236: {  	[tilespmem:$0x1FEB0] =	vst v0;
	v0 =	vmul.f32 v36, v36;
	_ =	sdelay $0x1  }
0x237: {  	[tilespmem:$0x1FB20] =	vst v0;
	v0 =	vmul.f32 v20, v20  }
0x238: {  	v39 =	vshll.u32 v8, $0x10  }
0x239: {  	[tilespmem:$0x1FEC0] =	vst v0;
	v0 =	vmul.f32 v39, v35;
	_ =	sdelay $0x1  }
0x23a: {  	[tilespmem:$0x1FEE0] =	vst v0;
	v0 =	vmul.f32 v35, v35;
	_ =	sdelay $0x1  }
0x23b: {  	[tilespmem:$0x1FB30] =	vst v0;
	v0 =	vmul.f32 v62, v62  }
0x23c: {  	[tilespmem:$0x1F600] =	vst v1  }
0x23d: {  	v1 =	vand.u32 $0xFFFF0000, v17;
	[tilespmem:$0x1FF00] =	vst v0;
	v0 =	vmul.f32 v21, v38  }
0x23e: {  	[tilespmem:$0x1F610] =	vst v1  }
0x23f: {  	v1 =	vand.u32 $0xFFFF0000, v18;
	[tilespmem:$0x1FB50] =	vst v0;
	v0 =	vmul.f32 v38, v38  }
0x240: {  	[tilespmem:$0x1F620] =	vst v1  }
0x241: {  	v1 =	vand.u32 $0xFFFF0000, v19;
	[tilespmem:$0x1FA50] =	vst v0;
	v0 =	vmul.f32 v25, v25  }
0x242: {  	[tilespmem:$0x1F630] =	vst v1;
	v1 =	vld [tilespmem:$0x1F2F0]  }
0x243: {  	[tilespmem:$0x1FF10] =	vst v0;
	v0 =	vld [tilespmem:$0x1F2E0];
	_ =	sdelay $0x3  }
0x244: {  	[tilespmem:$0x1FA00] =	vst v13  }
0x245: {  	[tilespmem:$0x1F8B0] =	vst v5;
	v12 =	vmovc v13;
	v13 =	vmov v5;
	v5 =	vsub.f32 v0, v1;
	v0 =	vmul.f32 v7, v40;
	_ =	sdelay $0x1  }
0x246: {  	[tilespmem:$0x1FB60] =	vst v0;
	v0 =	vmul.f32 v40, v40;
	_ =	sdelay $0x1  }
0x247: {  	[tilespmem:$0x1FA60] =	vst v0;
	v0 =	vmul.f32 v60, v60  }
0x248: {  	v1 =	vld [tilespmem:$0x1F310]  }
0x249: {  	[tilespmem:$0x1FF20] =	vst v0;
	v0 =	vld [tilespmem:$0x1F300];
	_ =	sdelay $0x4  }
0x24a: {  	[tilespmem:$0x1F700] =	vst v44;
	v44 =	vsub.f32 v0, v1;
	v0 =	vmul.f32 v34, v43;
	_ =	sdelay $0x1  }
0x24b: {  	[tilespmem:$0x1FA90] =	vst v0;
	v0 =	vmul.f32 v43, v43  }
0x24c: {  	v1 =	vld [tilespmem:$0x1F330]  }
0x24d: {  	[tilespmem:$0x1F990] =	vst v0;
	v0 =	vld [tilespmem:$0x1F320];
	_ =	sdelay $0x4  }
0x24e: {  	v1 =	vsub.f32 v0, v1;
	v0 =	vmul.f32 v63, v63  }
0x24f: {  	[tilespmem:$0x1F4A0] =	vst v2  }
0x250: {  	v2 =	vld [tilespmem:$0x1F350];
	[tilespmem:$0x1FF30] =	vst v0;
	v0 =	vmul.f32 v33, v42  }
0x251: {  	v47 =	vshll.u32 v10, $0x10;
	v10 =	vld [tilespmem:s25+$0x5C00]  }
0x252: {  	[tilespmem:$0x1FAA0] =	vst v0;
	v0 =	vld [tilespmem:$0x1F340];
	_ =	sdelay $0x3  }
0x253: {  	[tilespmem:$0x1F6F0] =	vst v57  }
0x254: {  	[tilespmem:$0x1F480] =	vst v6;
	v6 =	vand.u32 $0xFFFF0000, v10;
	v57 =	vshll.u32 v10, $0x10;
	v10 =	vld [tilespmem:s25+$0x5A00];
	v0 =	vsub.f32 v0, v2  }
0x255: {  	v2 =	vld [tilespmem:$0x1F370]  }
0x256: {  	[tilespmem:$0x1FBF0] =	vst v0;
	v0 =	vld [tilespmem:$0x1F360];
	_ =	sdelay $0x3  }
0x257: {  	v29 =	vand.u32 $0xFFFF0000, v10  }
0x258: {  	[tilespmem:$0x1F790] =	vst v50;
	v50 =	vshll.u32 v10, $0x10;
	v10 =	vsub.f32 v0, v2;
	v0 =	vmul.f32 v42, v42;
	_ =	sdelay $0x1  }
0x259: {  	[tilespmem:$0x1F9A0] =	vst v0;
	v0 =	vmul.f32 v24, v24;
	_ =	sdelay $0x1  }
0x25a: {  	[tilespmem:$0x1FF40] =	vst v0;
	v0 =	vmul.f32 v6, v56;
	_ =	sdelay $0x1  }
0x25b: {  	[tilespmem:$0x1F9D0] =	vst v0;
	v0 =	vmul.f32 v56, v56  }
0x25c: {  	v2 =	vld [tilespmem:$0x1F390]  }
0x25d: {  	[tilespmem:$0x1F8F0] =	vst v0;
	v0 =	vld [tilespmem:$0x1F380];
	_ =	sdelay $0x4  }
0x25e: {  	v0 =	vsub.f32 v0, v2  }
0x25f: {  	v2 =	vld [tilespmem:$0x1F3B0]  }
0x260: {  	[tilespmem:$0x1FC00] =	vst v0;
	v0 =	vld [tilespmem:$0x1F3A0];
	_ =	sdelay $0x1  }
0x261: {  	v16 =	vld [tilespmem:s25+$0x6C00]  }
0x262: {  	v8 =	vld [tilespmem:s25+$0x7C00];
	_ =	sdelay $0x1  }
0x263: {  	v0 =	vsub.f32 v0, v2;
	_ =	sdelay $0x1  }
0x264: {  	[tilespmem:$0x1F760] =	vst v0;
	v0 =	vmul.f32 v31, v31  }
0x265: {  	v51 =	vand.u32 $0xFFFF0000, v16;
	v18 =	vand.u32 $0xFFFF0000, v8  }
0x266: {  	[tilespmem:$0x1FF50] =	vst v0;
	v0 =	vmul.f32 v18, v51;
	_ =	sdelay $0x1  }
0x267: {  	[tilespmem:$0x1F9E0] =	vst v0;
	v0 =	vmul.f32 v51, v51  }
0x268: {  	v2 =	vld [tilespmem:$0x1F3D0]  }
0x269: {  	[tilespmem:$0x1F900] =	vst v0;
	v0 =	vld [tilespmem:$0x1F3C0];
	_ =	sdelay $0x4  }
0x26a: {  	v0 =	vsub.f32 v0, v2;
	_ =	sdelay $0x1  }
0x26b: {  	[tilespmem:$0x1F7A0] =	vst v0;
	v0 =	vmul.f32 v28, v28;
	_ =	sdelay $0x1  }
0x26c: {  	[tilespmem:$0x1FF60] =	vst v0;
	v0 =	vld [tilespmem:$0x1F960];
	_ =	sdelay $0x4  }
0x26d: {  	v2 =	vmul.f32 v57, v0;
	v0 =	vmul.f32 v0, v0;
	_ =	sdelay $0x1  }
0x26e: {  	[tilespmem:$0x1F830] =	vst v0;
	v0 =	vld [tilespmem:$0x1F3E0]  }
0x26f: {  	[tilespmem:$0x1F930] =	vst v2;
	v2 =	vld [tilespmem:$0x1F3F0];
	_ =	sdelay $0x3  }
0x270: {  	[tilespmem:$0x1F7B0] =	vst v45;
	v53 =	vshll.u32 v16, $0x10;
	v45 =	vshll.u32 v8, $0x10  }
0x271: {  	v16 =	vsub.f32 v0, v2;
	v0 =	vmul.f32 v45, v53  }
0x272: {  	v2 =	vld [tilespmem:$0x1F410]  }
0x273: {  	[tilespmem:$0x1F940] =	vst v0;
	v0 =	vld [tilespmem:$0x1F400];
	_ =	sdelay $0x4  }
0x274: {  	v0 =	vsub.f32 v0, v2  }
0x275: {  	v2 =	vld [tilespmem:$0x1F430]  }
0x276: {  	[tilespmem:$0x1F7C0] =	vst v0;
	v0 =	vld [tilespmem:$0x1F420];
	_ =	sdelay $0x1  }
0x277: {  	v4 =	vmov v15  }
0x278: {  	v4 =	vmul.f32 v4, v4;
	_ =	sdelay $0x1  }
0x279: {  	[tilespmem:$0x1FF70] =	vst v4;
	v4 =	vsub.f32 v0, v2;
	v0 =	vmul.f32 v53, v53;
	_ =	sdelay $0x1  }
0x27a: {  	[tilespmem:$0x1F840] =	vst v0;
	v0 =	vld [tilespmem:$0x1F8C0];
	_ =	sdelay $0x4  }
0x27b: {  	v2 =	vmul.f32 v29, v0;
	v0 =	vmul.f32 v0, v0;
	_ =	sdelay $0x1  }
0x27c: {  	[tilespmem:$0x1F770] =	vst v0;
	v0 =	vld [tilespmem:$0x1F440]  }
0x27d: {  	[tilespmem:$0x1F870] =	vst v2;
	v2 =	vld [tilespmem:$0x1F450];
	_ =	sdelay $0x2  }
0x27e: {  	[tilespmem:$0x1FC10] =	vst v4;
	v4 =	vmul.f32 v12, v12  }
0x27f: {  	v8 =	vld [tilespmem:s25+$0x7A00]  }
0x280: {  	[tilespmem:$0x1FF90] =	vst v4;
	v4 =	vsub.f32 v0, v2;
	v0 =	vld [tilespmem:$0x1F460]  }
0x281: {  	v2 =	vld [tilespmem:$0x1F470];
	_ =	sdelay $0x3  }
0x282: {  	v46 =	vshll.u32 v30, $0x10;
	v30 =	vand.u32 $0xFFFF0000, v8  }
0x283: {  	[tilespmem:$0x1FC20] =	vst v4;
	v4 =	vsub.f32 v0, v2;
	v0 =	vmul.f32 v30, v61  }
0x284: {  	v2 =	vld [tilespmem:$0x1F490]  }
0x285: {  	[tilespmem:$0x1F880] =	vst v0;
	v0 =	vld [tilespmem:$0x1F480];
	_ =	sdelay $0x4  }
0x286: {  	[tilespmem:$0x1FC30] =	vst v4;
	v4 =	vsub.f32 v0, v2;
	v0 =	vld [tilespmem:$0x1F4A0]  }
0x287: {  	v2 =	vld [tilespmem:$0x1F4B0];
	_ =	sdelay $0x4  }
0x288: {  	v0 =	vsub.f32 v0, v2;
	_ =	sdelay $0x1  }
0x289: {  	[tilespmem:$0x1FEF0] =	vst v0;
	v0 =	vmul.f32 v27, v27  }
0x28a: {  	v2 =	vld [tilespmem:$0x1F4D0]  }
0x28b: {  	[tilespmem:$0x1FBA0] =	vst v0;
	v0 =	vld [tilespmem:$0x1F4C0];
	_ =	sdelay $0x4  }
0x28c: {  	[tilespmem:$0x1FC40] =	vst v4;
	v4 =	vsub.f32 v0, v2;
	v0 =	vld [tilespmem:$0x1F4E0]  }
0x28d: {  	v2 =	vld [tilespmem:$0x1F4F0];
	_ =	sdelay $0x1  }
0x28e: {  	[tilespmem:$0x1F7F0] =	vst v3;
	v17 =	vmov v3;
	v3 =	vmul.f32 v9, v9;
	_ =	sdelay $0x1  }
0x28f: {  	[tilespmem:$0x1FFB0] =	vst v3;
	v3 =	vmul.f32 v17, v17  }
0x290: {  	v11 =	vld [tilespmem:s25+$0x5800];
	v0 =	vsub.f32 v0, v2  }
0x291: {  	[tilespmem:$0x1FFC0] =	vst v3;
	v3 =	vmul.f32 v13, v13;
	v2 =	vld [tilespmem:$0x1F520]  }
0x292: {  	[tilespmem:$0x1FAE0] =	vst v0;
	v0 =	vld [tilespmem:$0x1F510]  }
0x293: {  	[tilespmem:$0x1FFE0] =	vst v3;
	v3 =	vld [tilespmem:$0x1F500];
	_ =	sdelay $0x2  }
0x294: {  	[tilespmem:$0x1FBB0] =	vst v36  }
0x295: {  	[tilespmem:$0x1F8E0] =	vst v63;
	v36 =	vand.u32 $0xFFFF0000, v11;
	v2 =	vsub.f32 v0, v2  }
0x296: {  	[tilespmem:$0x1FA10] =	vst v56;
	v63 =	vmul.f32 v36, v3;
	v56 =	vmul.f32 v3, v3;
	v0 =	vmov v3;
	v3 =	vld [tilespmem:$0x1F540]  }
0x297: {  	[tilespmem:$0x1FD50] =	vst v2;
	v2 =	vld [tilespmem:$0x1F530];
	_ =	sdelay $0x4  }
0x298: {  	[tilespmem:$0x1F950] =	vst v9;
	v9 =	vsub.f32 v2, v3;
	v2 =	vmul.f32 v22, v22  }
0x299: {  	[tilespmem:$0x1FC50] =	vst v4;
	v4 =	vld [tilespmem:$0x1F570]  }
0x29a: {  	[tilespmem:$0x1FBC0] =	vst v2;
	v2 =	vld [tilespmem:$0x1F560];
	_ =	sdelay $0x2  }
0x29b: {  	[tilespmem:$0x1F820] =	vst v15;
	v15 =	vshll.u32 v14, $0x10;
	v14 =	vld [tilespmem:s25+$0x7800]  }
0x29c: {  	[tilespmem:$0x1F810] =	vst v20;
	v3 =	vld [tilespmem:$0x1F550]  }
0x29d: {  	[tilespmem:$0x1F970] =	vst v53;
	v53 =	vsub.f32 v2, v4;
	v2 =	vld [tilespmem:$0x1F580]  }
0x29e: {  	[tilespmem:$0x1FA80] =	vst v37;
	v4 =	vld [tilespmem:$0x1F590]  }
0x29f: {  	[tilespmem:$0x1F730] =	vst v48  }
0x2a0: {  	[tilespmem:$0x1F920] =	vst v25  }
0x2a1: {  	[tilespmem:$0x1FB40] =	vst v34;
	v37 =	vshll.u32 v8, $0x10;
	v8 =	vand.u32 $0xFFFF0000, v14  }
0x2a2: {  	[tilespmem:$0x1FAB0] =	vst v18;
	v20 =	vmov v34;
	v34 =	vmov v18;
	v25 =	vmul.f32 v8, v3  }
0x2a3: {  	v18 =	vmul.f32 v3, v3;
	v48 =	vsub.f32 v2, v4;
	v2 =	vmovc v3;
	v3 =	vmul.f32 v39, v39;
	_ =	sdelay $0x1  }
0x2a4: {  	[tilespmem:$0x1FBE0] =	vst v3;
	v3 =	vmul.f32 v21, v21  }
0x2a5: {  	v4 =	vld [tilespmem:$0x1F5B0]  }
0x2a6: {  	[tilespmem:$0x1FAF0] =	vst v3;
	v3 =	vld [tilespmem:$0x1F5A0];
	_ =	sdelay $0x2  }
0x2a7: {  	[tilespmem:$0x1FB90] =	vst v38  }
0x2a8: {  	[tilespmem:$0x1FA30] =	vst v51  }
0x2a9: {  	v26 =	vmovc v55;
	v38 =	vmul.f32 v50, v55;
	v51 =	vmul.f32 v55, v55;
	v55 =	vsub.f32 v3, v4;
	v3 =	vld [tilespmem:$0x1F5C0]  }
0x2aa: {  	v4 =	vld [tilespmem:$0x1F5D0];
	_ =	sdelay $0x4  }
0x2ab: {  	[tilespmem:$0x1F9C0] =	vst v41;
	v41 =	vsub.f32 v3, v4;
	v3 =	vmul.f32 v7, v7;
	_ =	sdelay $0x1  }
0x2ac: {  	[tilespmem:$0x1FB10] =	vst v3;
	v3 =	vmul.f32 v20, v20  }
0x2ad: {  	v4 =	vld [tilespmem:$0x1F5F0]  }
0x2ae: {  	[tilespmem:$0x1FA20] =	vst v3;
	v3 =	vld [tilespmem:$0x1F5E0];
	_ =	sdelay $0x3  }
0x2af: {  	[tilespmem:$0x1F6E0] =	vst v54;
	v54 =	vshll.u32 v14, $0x10;
	v14 =	vmov v33  }
0x2b0: {  	[tilespmem:$0x1F740] =	vst v59;
	v59 =	vsub.f32 v3, v4;
	v3 =	vmul.f32 v14, v14  }
0x2b1: {  	v4 =	vld [tilespmem:$0x1F610]  }
0x2b2: {  	[tilespmem:$0x1FA40] =	vst v3;
	v3 =	vld [tilespmem:$0x1F600];
	_ =	sdelay $0x4  }
0x2b3: {  	[tilespmem:$0x1FFA0] =	vst v39;
	v39 =	vsub.f32 v3, v4;
	v3 =	vmul.f32 v34, v34  }
0x2b4: {  	v4 =	vld [tilespmem:$0x1F630]  }
0x2b5: {  	[tilespmem:$0x1F980] =	vst v3;
	v3 =	vld [tilespmem:$0x1F620];
	_ =	sdelay $0x1  }
0x2b6: {  	[tilespmem:$0x1FF80] =	vst v22  }
0x2b7: {  	[tilespmem:$0x1FA70] =	vst v6;
	v22 =	vmul.f32 v6, v6;
	v6 =	vld [tilespmem:$0x1F6A0]  }
0x2b8: {  	[tilespmem:$0x1FD60] =	vst v7;
	v7 =	vld [tilespmem:$0x1F6B0]  }
0x2b9: {  	[tilespmem:$0x1F860] =	vst v31;
	v31 =	vsub.f32 v3, v4;
	v3 =	vld [tilespmem:$0x1F640]  }
0x2ba: {  	v4 =	vld [tilespmem:$0x1F650];
	_ =	sdelay $0x2  }
0x2bb: {  	[tilespmem:$0x1F7D0] =	vst v52;
	v52 =	vshll.u32 v11, $0x10;
	v11 =	vmov v27;
	v27 =	vsub.f32 v6, v7;
	v6 =	vld [tilespmem:$0x1F6C0]  }
0x2bc: {  	v7 =	vld [tilespmem:$0x1F6D0]  }
0x2bd: {  	[tilespmem:$0x1F710] =	vst v58;
	v58 =	vsub.f32 v3, v4;
	v3 =	vld [tilespmem:$0x1F660]  }
0x2be: {  	v4 =	vld [tilespmem:$0x1F670];
	_ =	sdelay $0x2  }
0x2bf: {  	[tilespmem:$0x1FBD0] =	vst v40  }
0x2c0: {  	[tilespmem:$0x1F9F0] =	vst v45;
	v40 =	vmul.f32 v45, v45;
	v45 =	vsub.f32 v6, v7;
	v6 =	vld [tilespmem:$0x1F6E0]  }
0x2c1: {  	v34 =	vsub.f32 v3, v4;
	v3 =	vld [tilespmem:$0x1F680]  }
0x2c2: {  	v4 =	vld [tilespmem:$0x1F690];
	_ =	sdelay $0x1  }
0x2c3: {  	v13 =	vmul.f32 v47, v47;
	_ =	sdelay $0x1  }
0x2c4: {  	[tilespmem:$0x1FC90] =	vst v21;
	v13 =	vadd.f32 v56, v13;
	v12 =	vmul.f32 v8, v8;
	v21 =	vmul.f32 v6, v5;
	v6 =	vld [tilespmem:$0x1F6F0]  }
0x2c5: {  	[tilespmem:$0x1F9B0] =	vst v57;
	v14 =	vmul.f32 v57, v57;
	v57 =	vsub.f32 v3, v4;
	v4 =	vmul.f32 v54, v54;
	_ =	sdelay $0x1  }
0x2c6: {  	v4 =	vadd.f32 v12, v4;
	v12 =	vadd.f32 v51, v13;
	v51 =	vmovc v28;
	v28 =	vmul.f32 v0, v57;
	v0 =	vld [tilespmem:$0x1F770];
	_ =	sdelay $0x1  }
0x2c7: {  	[tilespmem:$0x1FCD0] =	vst v21;
	v21 =	vmul.f32 v6, v44;
	v6 =	vld [tilespmem:$0x1F700];
	_ =	sdelay $0x2  }
0x2c8: {  	v12 =	vadd.f32 v12, v0;
	v0 =	vld [tilespmem:$0x1F830];
	_ =	sdelay $0x1  }
0x2c9: {  	v17 =	vmul.f32 v46, v46;
	[tilespmem:$0x1FCE0] =	vst v21;
	v21 =	vmul.f32 v6, v10;
	v6 =	vld [tilespmem:$0x1F710]  }
0x2ca: {  	[tilespmem:$0x1F8D0] =	vst v61  }
0x2cb: {  	[tilespmem:$0x1FB00] =	vst v42;
	v42 =	vmul.f32 v61, v61;
	v61 =	vmul.f32 v32, v32;
	v17 =	vadd.f32 v18, v17  }
0x2cc: {  	v12 =	vadd.f32 v0, v12;
	v0 =	vld [tilespmem:$0x1F840]  }
0x2cd: {  	v17 =	vadd.f32 v61, v17  }
0x2ce: {  	v19 =	vmul.f32 v52, v47;
	[tilespmem:$0x1FD10] =	vst v21;
	v21 =	vmul.f32 v6, v1;
	v6 =	vld [tilespmem:$0x1F720]  }
0x2cf: {  	v17 =	vadd.f32 v17, v42  }
0x2d0: {  	v19 =	vadd.f32 $0.0e+00, v19  }
0x2d1: {  	[tilespmem:$0x1FB70] =	vst v33;
	v33 =	vmul.f32 v54, v46;
	v7 =	vadd.f32 v0, v17;
	v0 =	vld [tilespmem:$0x1F870]  }
0x2d2: {  	v19 =	vadd.f32 v19, v63  }
0x2d3: {  	[tilespmem:$0x1F910] =	vst v60;
	v33 =	vadd.f32 $0.0e+00, v33;
	v15 =	vsub.f32 v6, v15  }
0x2d4: {  	[tilespmem:$0x1FE70] =	vst v23;
	v23 =	vmul.f32 v37, v37;
	v60 =	vmul.f32 v37, v32;
	v19 =	vadd.f32 v38, v19  }
0x2d5: {  	[tilespmem:$0x1FED0] =	vst v35;
	v25 =	vadd.f32 v33, v25;
	v35 =	vmul.f32 v46, v15;
	v3 =	vmul.f32 v36, v36  }
0x2d6: {  	v4 =	vadd.f32 v23, v4;
	v23 =	vmul.f32 v36, v57;
	v36 =	vmovc v11;
	v11 =	vadd.f32 v19, v0;
	v0 =	vld [tilespmem:$0x1F880]  }
0x2d7: {  	[tilespmem:$0x1FAD0] =	vst v43;
	v33 =	vadd.f32 $0.0e+00, v35  }
0x2d8: {  	v43 =	vmul.f32 v52, v52;
	v25 =	vadd.f32 v60, v25;
	[tilespmem:$0x1FD40] =	vst v21;
	v21 =	vmul.f32 v1, v1  }
0x2d9: {  	v6 =	vmul.f32 v2, v27  }
0x2da: {  	[tilespmem:$0x1FFF0] =	vst v21;
	v21 =	vmul.f32 v47, v45;
	v3 =	vadd.f32 v3, v43  }
0x2db: {  	v20 =	vmul.f32 v50, v50;
	v6 =	vadd.f32 v33, v6;
	v33 =	vmovc v10;
	v10 =	vadd.f32 v25, v0;
	v0 =	vld [tilespmem:$0x1F8C0]  }
0x2dc: {  	v21 =	vadd.f32 $0.0e+00, v21;
	v25 =	vmov v1;
	v1 =	vld [tilespmem:$0x1F8D0]  }
0x2dd: {  	[tilespmem:$0x1F800] =	vst v49;
	v49 =	vmov v32;
	v32 =	vmul.f32 v29, v29;
	v3 =	vadd.f32 v20, v3  }
0x2de: {  	v46 =	vmov v24;
	v24 =	vmul.f32 v26, v58;
	v21 =	vadd.f32 v21, v28  }
0x2df: {  	v3 =	vadd.f32 v3, v32  }
0x2e0: {  	v8 =	vmul.f32 v8, v27;
	v17 =	vadd.f32 v24, v21  }
0x2e1: {  	v21 =	vmul.f32 v0, v39;
	v0 =	vadd.f32 v14, v3;
	v3 =	vmul.f32 v1, v31;
	v1 =	vld [tilespmem:$0x1F8F0]  }
0x2e2: {  	v18 =	vmul.f32 v45, v45;
	v45 =	vmul.f32 v52, v45  }
0x2e3: {  	v56 =	vmul.f32 v15, v15;
	v47 =	vmul.f32 v57, v57  }
0x2e4: {  	v15 =	vmul.f32 v54, v15;
	v13 =	vmul.f32 v27, v27  }
0x2e5: {  	v35 =	vmul.f32 v58, v58;
	v43 =	vadd.f32 $0.0e+00, v45;
	v18 =	vadd.f32 v47, v18  }
0x2e6: {  	v13 =	vadd.f32 v13, v56;
	v20 =	vmul.f32 v34, v34;
	v12 =	vadd.f32 v12, v1;
	v1 =	vld [tilespmem:$0x1F900]  }
0x2e7: {  	v2 =	vmul.f32 v49, v34;
	v15 =	vadd.f32 $0.0e+00, v15;
	v18 =	vadd.f32 v35, v18  }
0x2e8: {  	v13 =	vadd.f32 v20, v13;
	v20 =	vadd.f32 v43, v23;
	v23 =	vmul.f32 v39, v39  }
0x2e9: {  	v8 =	vadd.f32 v15, v8;
	v15 =	vmul.f32 v31, v31  }
0x2ea: {  	v2 =	vadd.f32 v2, v6;
	v18 =	vadd.f32 v18, v23  }
0x2eb: {  	v6 =	vadd.f32 v13, v15;
	v15 =	vmul.f32 v41, v41;
	v7 =	vadd.f32 v7, v1;
	v1 =	vld [tilespmem:$0x1F930];
	_ =	sdelay $0x1  }
0x2ec: {  	v15 =	vadd.f32 v15, v18;
	v18 =	vmul.f32 v30, v31;
	v31 =	vmov v5;
	v5 =	vld [tilespmem:$0x1F9D0];
	_ =	sdelay $0x2  }
0x2ed: {  	v11 =	vadd.f32 v1, v11;
	v1 =	vld [tilespmem:$0x1F940];
	_ =	sdelay $0x1  }
0x2ee: {  	v11 =	vadd.f32 v11, v5;
	v5 =	vld [tilespmem:$0x1F9E0];
	_ =	sdelay $0x2  }
0x2ef: {  	v61 =	vmov v16;
	v16 =	vmul.f32 v50, v58;
	v10 =	vadd.f32 v1, v10  }
0x2f0: {  	v19 =	vmul.f32 v37, v34  }
0x2f1: {  	v13 =	vadd.f32 v16, v20;
	v10 =	vadd.f32 v10, v5;
	v5 =	vld [tilespmem:$0x1F9F0]  }
0x2f2: {  	v16 =	vmul.f32 v59, v59;
	v8 =	vadd.f32 v19, v8;
	v19 =	vmul.f32 v29, v39  }
0x2f3: {  	v2 =	vadd.f32 v2, v3  }
0x2f4: {  	v3 =	vadd.f32 v16, v6;
	v6 =	vadd.f32 v13, v19;
	v13 =	vmul.f32 v48, v48;
	_ =	sdelay $0x1  }
0x2f5: {  	v13 =	vadd.f32 v15, v13;
	v15 =	vmul.f32 v5, v59;
	v5 =	vld [tilespmem:$0x1FA10];
	_ =	sdelay $0x2  }
0x2f6: {  	v1 =	vld [tilespmem:$0x1F960];
	_ =	sdelay $0x1  }
0x2f7: {  	v8 =	vadd.f32 v8, v18;
	v18 =	vmul.f32 v5, v48;
	v5 =	vld [tilespmem:$0x1FA20];
	_ =	sdelay $0x2  }
0x2f8: {  	v0 =	vadd.f32 v0, v22;
	v20 =	vmul.f32 v1, v41;
	v1 =	vld [tilespmem:$0x1F970];
	_ =	sdelay $0x1  }
0x2f9: {  	v0 =	vadd.f32 v5, v0;
	v5 =	vld [tilespmem:$0x1FA30];
	_ =	sdelay $0x1  }
0x2fa: {  	[tilespmem:$0x1F890] =	vst v62;
	v62 =	vmul.f32 v30, v30  }
0x2fb: {  	v14 =	vmul.f32 v55, v55;
	v16 =	vmul.f32 v1, v59;
	v1 =	vld [tilespmem:$0x1F980]  }
0x2fc: {  	v4 =	vadd.f32 v4, v62  }
0x2fd: {  	v3 =	vadd.f32 v3, v14;
	v14 =	vmul.f32 v5, v55;
	v5 =	vld [tilespmem:$0x1FA40]  }
0x2fe: {  	v4 =	vadd.f32 v40, v4;
	_ =	sdelay $0x1  }
0x2ff: {  	v4 =	vadd.f32 v4, v1;
	v1 =	vld [tilespmem:$0x1F990];
	_ =	sdelay $0x1  }
0x300: {  	v4 =	vadd.f32 v5, v4;
	v5 =	vld [tilespmem:$0x1FA50];
	_ =	sdelay $0x2  }
0x301: {  	v12 =	vadd.f32 v1, v12;
	v1 =	vld [tilespmem:$0x1F9A0];
	_ =	sdelay $0x1  }
0x302: {  	v12 =	vadd.f32 v12, v5;
	v5 =	vld [tilespmem:$0x1FA60];
	_ =	sdelay $0x2  }
0x303: {  	v7 =	vadd.f32 v1, v7;
	_ =	sdelay $0x1  }
0x304: {  	v7 =	vadd.f32 v7, v5;
	v5 =	vld [tilespmem:$0x1FA70];
	_ =	sdelay $0x4  }
0x305: {  	v2 =	vadd.f32 v16, v2;
	v16 =	vmul.f32 v5, v48;
	v5 =	vld [tilespmem:$0x1FA90];
	_ =	sdelay $0x4  }
0x306: {  	v11 =	vadd.f32 v5, v11;
	v5 =	vld [tilespmem:$0x1FAA0]  }
0x307: {  	v1 =	vld [tilespmem:$0x1F9B0];
	_ =	sdelay $0x3  }
0x308: {  	v10 =	vadd.f32 v5, v10;
	v5 =	vld [tilespmem:$0x1FAB0]  }
0x309: {  	v1 =	vmul.f32 v1, v41;
	_ =	sdelay $0x1  }
0x30a: {  	v1 =	vadd.f32 v1, v6;
	v6 =	vmul.f32 v9, v9;
	_ =	sdelay $0x1  }
0x30b: {  	v13 =	vadd.f32 v6, v13;
	v6 =	vmul.f32 v5, v55;
	v5 =	vld [tilespmem:$0x1FAD0]  }
0x30c: {  	v17 =	vadd.f32 v17, v21;
	_ =	sdelay $0x1  }
0x30d: {  	v17 =	vadd.f32 v20, v17;
	_ =	sdelay $0x1  }
0x30e: {  	v17 =	vadd.f32 v17, v18;
	v18 =	vmul.f32 v5, v9;
	v5 =	vld [tilespmem:$0x1FAF0];
	_ =	sdelay $0x4  }
0x30f: {  	v0 =	vadd.f32 v0, v5;
	v5 =	vld [tilespmem:$0x1FB00];
	_ =	sdelay $0x2  }
0x310: {  	v63 =	vld [tilespmem:$0x1F740]  }
0x311: {  	v38 =	vld [tilespmem:$0x1F7B0]  }
0x312: {  	v2 =	vadd.f32 v2, v14;
	v14 =	vmul.f32 v5, v53;
	v5 =	vld [tilespmem:$0x1FB10]  }
0x313: {  	v60 =	vld [tilespmem:$0x1F7C0]  }
0x314: {  	v42 =	vld [tilespmem:$0x1F790]  }
0x315: {  	v50 =	vld [tilespmem:$0x1F860]  }
0x316: {  	v52 =	vld [tilespmem:$0x1F730]  }
0x317: {  	v4 =	vadd.f32 v4, v5;
	v5 =	vld [tilespmem:$0x1FB20]  }
0x318: {  	v54 =	vld [tilespmem:$0x1F750]  }
0x319: {  	v58 =	vld [tilespmem:$0x1F850]  }
0x31a: {  	v45 =	vld [tilespmem:$0x1F7E0];
	v8 =	vadd.f32 v15, v8  }
0x31b: {  	v27 =	vld [tilespmem:$0x1F7F0]  }
0x31c: {  	v19 =	vadd.f32 v8, v6;
	v6 =	vadd.f32 v5, v12;
	v5 =	vld [tilespmem:$0x1FB30]  }
0x31d: {  	v56 =	vld [tilespmem:$0x1F760]  }
0x31e: {  	v47 =	vld [tilespmem:$0x1F780]  }
0x31f: {  	v57 =	vld [tilespmem:$0x1F7A0]  }
0x320: {  	v28 =	vmov v44;
	v44 =	vld [tilespmem:$0x1F7D0]  }
0x321: {  	v7 =	vadd.f32 v5, v7;
	v5 =	vld [tilespmem:$0x1FB40]  }
0x322: {  	v43 =	vld [tilespmem:$0x1F800];
	v15 =	vmul.f32 v53, v53  }
0x323: {  	v32 =	vld [tilespmem:$0x1F810]  }
0x324: {  	v3 =	vadd.f32 v15, v3;
	v15 =	vld [tilespmem:$0x1FAE0]  }
0x325: {  	v62 =	vld [tilespmem:$0x1F820]  }
0x326: {  	v20 =	vmul.f32 v5, v9;
	v5 =	vld [tilespmem:$0x1FB50]  }
0x327: {  	v35 =	vld [tilespmem:$0x1F8B0]  }
0x328: {  	v23 =	vld [tilespmem:$0x1FEF0]  }
0x329: {  	v40 =	vld [tilespmem:$0x1F8E0];
	v16 =	vadd.f32 v1, v16;
	v1 =	vmul.f32 v15, v15  }
0x32a: {  	v30 =	vld [tilespmem:$0x1F950]  }
0x32b: {  	v9 =	vadd.f32 v11, v5;
	v11 =	vadd.f32 v13, v1;
	v1 =	vld [tilespmem:$0x1FB70]  }
0x32c: {  	v22 =	vld [tilespmem:$0x1FD50]  }
0x32d: {  	v14 =	vadd.f32 v14, v2;
	v2 =	vld [tilespmem:$0x1FBC0]  }
0x32e: {  	v37 =	vld [tilespmem:$0x1F890]  }
0x32f: {  	v34 =	vld [tilespmem:$0x1F8A0]  }
0x330: {  	v29 =	vld [tilespmem:$0x1F910];
	v13 =	vmul.f32 v1, v53  }
0x331: {  	v39 =	vld [tilespmem:$0x1F920]  }
0x332: {  	v12 =	vmul.f32 v22, v22;
	v21 =	vadd.f32 v13, v19;
	v19 =	vmovc v22;
	v22 =	vadd.f32 v2, v0;
	v0 =	vld [tilespmem:$0x1FBD0]  }
0x333: {  	v59 =	vld [tilespmem:$0x1FA00]  }
0x334: {  	v41 =	vld [tilespmem:$0x1F9C0]  }
0x335: {  	v5 =	vld [tilespmem:$0x1FB60]  }
0x336: {  	v1 =	vld [tilespmem:$0x1FB90]  }
0x337: {  	p0 =	sne.s32 s0, $0x7C0;
	v2 =	vmul.f32 v0, v19;
	v0 =	vld [tilespmem:$0x1FBE0]  }
.Ltmp0:
0x338: {  	v48 =	vld [tilespmem:$0x1FA80];
	(pc) =	sbr.rel @p0 .LBB2_2-.Ltmp0, $4  }
0x339: {  	v55 =	vld [tilespmem:$0x1FAC0]  }
0x33a: {  	v16 =	vadd.f32 v20, v16;
	v53 =	vld [tilespmem:$0x1FB80]  }
0x33b: {  	v26 =	vmul.f32 v23, v23;
	v8 =	vadd.f32 v10, v5;
	v10 =	vadd.f32 v18, v17;
	v13 =	vld [tilespmem:$0x1FBB0]  }
0x33c: {  	s0 =	sadd.s32 $0x40, s0;
	v18 =	vmovc v15;
	v1 =	vmul.f32 v1, v15;
	v15 =	vadd.f32 v3, v12;
	v12 =	vld [tilespmem:$0x1FBA0];
	v24 =	vadd.f32 v0, v4  }
0x33d: {  	v0 =	vld [tilespmem:$0x1FE80]  }
0x33e: {  	v3 =	vld [tilespmem:$0x1FEA0]  }
0x33f: {  	v5 =	vld [tilespmem:$0x1FEB0]  }
0x340: {  	v17 =	vld [tilespmem:$0x1FC50]  }
0x341: {  	v4 =	vld [tilespmem:$0x1FC90]  }
0x342: {  	v20 =	vld [tilespmem:$0x1FEE0];
	_ =	sdelay $0x1  }
0x343: {  	v0 =	vadd.f32 v6, v0;
	v6 =	vadd.f32 v5, v9  }
0x344: {  	v49 =	vmul.f32 v17, v17;
	v9 =	vadd.f32 v26, v11;
	v11 =	vadd.f32 v22, v12;
	v22 =	vld [tilespmem:$0x1FFE0]  }
0x345: {  	v1 =	vadd.f32 v10, v1;
	v3 =	vadd.f32 v7, v3;
	v4 =	vmul.f32 v4, v18;
	v18 =	vld [tilespmem:$0x1FD60]  }
0x346: {  	v7 =	vadd.f32 v20, v8;
	v26 =	vld [tilespmem:$0x1FE50];
	v8 =	vadd.f32 v49, v15;
	v49 =	vmul.f32 v13, v23  }
0x347: {  	v4 =	vadd.f32 v16, v4;
	v16 =	vld [tilespmem:$0x1FC30]  }
0x348: {  	v1 =	vadd.f32 v49, v1;
	v49 =	vld [tilespmem:$0x1FFA0]  }
0x349: {  	v5 =	vadd.f32 v24, v22;
	v24 =	vld [tilespmem:$0x1FE30]  }
0x34a: {  	v22 =	vld [tilespmem:$0x1FED0]  }
0x34b: {  	v20 =	vmul.f32 v18, v19;
	v18 =	vld [tilespmem:$0x1FC40]  }
0x34c: {  	v19 =	vld [tilespmem:$0x1FFC0]  }
0x34d: {  	v10 =	vadd.f32 v21, v20;
	v20 =	vld [tilespmem:$0x1FF80]  }
0x34e: {  	v21 =	vld [tilespmem:$0x1FE60]  }
0x34f: {  	v15 =	vmul.f32 v49, v17;
	v49 =	vld [tilespmem:$0x1FE40]  }
0x350: {  	v0 =	vadd.f32 v24, v0;
	v24 =	vld [tilespmem:$0x1FE90]  }
0x351: {  	v2 =	vadd.f32 v14, v2;
	v14 =	vmul.f32 v22, v17;
	v17 =	vld [tilespmem:$0x1FFB0]  }
0x352: {  	v22 =	vld [tilespmem:$0x1FE70]  }
0x353: {  	v3 =	vadd.f32 v26, v3;
	v26 =	vmul.f32 v18, v18;
	v13 =	vmul.f32 v20, v23;
	v20 =	vld [tilespmem:$0x1FDF0]  }
0x354: {  	v6 =	vadd.f32 v6, v21;
	v23 =	vmul.f32 v16, v16;
	v21 =	vld [tilespmem:$0x1FE10]  }
0x355: {  	v8 =	vadd.f32 v8, v26;
	v26 =	vmul.f32 v63, v18;
	v63 =	vld [tilespmem:$0x1FC20]  }
0x356: {  	v9 =	vadd.f32 v9, v23;
	v7 =	vadd.f32 v7, v24;
	v24 =	vld [tilespmem:$0x1FE20]  }
0x357: {  	v4 =	vadd.f32 v13, v4;
	v23 =	vmul.f32 v36, v16;
	v11 =	vadd.f32 v17, v11;
	v17 =	vld [tilespmem:$0x1FC10]  }
0x358: {  	v5 =	vadd.f32 v19, v5;
	v2 =	vadd.f32 v14, v2;
	v12 =	vmul.f32 v22, v16;
	v22 =	vld [tilespmem:$0x1FF90]  }
0x359: {  	v10 =	vadd.f32 v15, v10;
	v4 =	vadd.f32 v4, v23;
	v23 =	vld [tilespmem:$0x1FDB0]  }
0x35a: {  	v2 =	vadd.f32 v2, v26;
	v3 =	vadd.f32 v3, v21;
	v19 =	vmul.f32 v63, v63;
	v21 =	vld [tilespmem:$0x1FF70]  }
0x35b: {  	v0 =	vadd.f32 v0, v20;
	v7 =	vadd.f32 v49, v7;
	v20 =	vmul.f32 v35, v18;
	v35 =	vld [tilespmem:$0x1FDE0]  }
0x35c: {  	v1 =	vadd.f32 v1, v12;
	v49 =	vld [tilespmem:$0x1FE00];
	v8 =	vadd.f32 v19, v8  }
0x35d: {  	v18 =	vld [tilespmem:$0x1FF50];
	v10 =	vadd.f32 v10, v20;
	v6 =	vadd.f32 v24, v6;
	v36 =	vmul.f32 v17, v17  }
0x35e: {  	v19 =	vld [tilespmem:$0x1FF60];
	v5 =	vadd.f32 v5, v22;
	v26 =	vmul.f32 v48, v17;
	v30 =	vmul.f32 v30, v17  }
0x35f: {  	v20 =	vld [tilespmem:$0x1FD00];
	v48 =	vmul.f32 v61, v61;
	v22 =	vmul.f32 v45, v61;
	v0 =	vadd.f32 v23, v0  }
0x360: {  	v24 =	vld [tilespmem:$0x1FDD0];
	v23 =	vmul.f32 v62, v61;
	v62 =	vmul.f32 v43, v57;
	v9 =	vadd.f32 v36, v9  }
0x361: {  	v45 =	vld [tilespmem:$0x1FF40];
	v11 =	vadd.f32 v11, v21;
	v6 =	vadd.f32 v6, v35;
	v36 =	vmul.f32 v52, v63  }
0x362: {  	v61 =	vld [tilespmem:$0x1FD80];
	v7 =	vadd.f32 v7, v49;
	v1 =	vadd.f32 v26, v1;
	v52 =	vmul.f32 v60, v60  }
0x363: {  	v43 =	vld [tilespmem:$0x1FFF0];
	v63 =	vmul.f32 v27, v63;
	v4 =	vadd.f32 v30, v4;
	v9 =	vadd.f32 v9, v48  }
0x364: {  	v21 =	vld [tilespmem:$0x1FD90];
	v2 =	vadd.f32 v36, v2;
	v8 =	vadd.f32 v8, v52  }
0x365: {  	v26 =	vmul.f32 v56, v56;
	v30 =	vld [tilespmem:$0x1FDC0];
	v10 =	vadd.f32 v63, v10;
	v11 =	vadd.f32 v18, v11  }
0x366: {  	v27 =	vmul.f32 v44, v60;
	v44 =	vld [tilespmem:$0x1FF30];
	v5 =	vadd.f32 v19, v5;
	v0 =	vadd.f32 v0, v20  }
0x367: {  	v35 =	vmul.f32 v57, v57;
	v1 =	vadd.f32 v1, v22;
	v3 =	vadd.f32 v24, v3;
	v24 =	vld [tilespmem:$0x1FDA0]  }
0x368: {  	v36 =	vmul.f32 v59, v60;
	v4 =	vadd.f32 v4, v23;
	v48 =	vld [tilespmem:$0x1FD30];
	v9 =	vadd.f32 v26, v9  }
0x369: {  	v49 =	vmul.f32 v42, v56;
	v52 =	vld [tilespmem:$0x1FD70];
	v2 =	vadd.f32 v2, v27;
	v8 =	vadd.f32 v35, v8  }
0x36a: {  	v63 =	vld [tilespmem:$0x1FC00];
	v10 =	vadd.f32 v10, v36;
	v5 =	vadd.f32 v5, v45  }
0x36b: {  	v59 =	vmul.f32 v33, v33;
	v22 =	vld [tilespmem:$0x1FF10];
	v1 =	vadd.f32 v49, v1;
	v3 =	vadd.f32 v3, v21  }
0x36c: {  	v23 =	vmul.f32 v51, v57;
	v7 =	vadd.f32 v30, v7;
	v6 =	vadd.f32 v24, v6;
	v24 =	vld [tilespmem:$0x1FF20]  }
0x36d: {  	v39 =	vmul.f32 v39, v25;
	v27 =	vld [tilespmem:$0x1FEC0];
	v11 =	vadd.f32 v11, v44;
	v9 =	vadd.f32 v9, v59  }
0x36e: {  	v26 =	vmul.f32 v40, v33;
	v30 =	vld [tilespmem:$0x1FF00];
	v2 =	vadd.f32 v62, v2;
	v10 =	vadd.f32 v23, v10  }
0x36f: {  	v21 =	vmul.f32 v50, v56;
	v0 =	vadd.f32 v48, v0;
	v3 =	vadd.f32 v52, v3  }
0x370: {  	v60 =	vld [tilespmem:$0x1FCF0];
	v44 =	vmul.f32 v32, v31;
	v7 =	vadd.f32 v7, v61;
	v11 =	vadd.f32 v22, v11  }
0x371: {  	v40 =	vld [tilespmem:$0x1FD10];
	v20 =	vmul.f32 v63, v63;
	v4 =	vadd.f32 v21, v4;
	v5 =	vadd.f32 v24, v5  }
0x372: {  	v33 =	vmul.f32 v41, v63;
	v41 =	vld [tilespmem:$0x1FBF0];
	v9 =	vadd.f32 v43, v9;
	v11 =	vadd.f32 v11, v27  }
0x373: {  	v35 =	vmul.f32 v46, v63;
	v8 =	vadd.f32 v8, v20;
	v5 =	vadd.f32 v5, v30  }
0x374: {  	v57 =	vld [tilespmem:$0x1FD40];
	v0 =	vadd.f32 v0, v53;
	v3 =	vadd.f32 v3, v54;
	(erf) = vrcp.f32 v11  }
0x375: {  	v36 =	vadd.f32 v58, v7;
	v4 =	vadd.f32 v4, v26;
	(erf) = vrcp.f32 v5  }
0x376: {  	v50 =	vmul.f32 v31, v31;
	v1 =	vadd.f32 v1, v40;
	v10 =	vadd.f32 v10, v35  }
0x377: {  	v51 =	vld [tilespmem:$0x1FC80];
	v2 =	vadd.f32 v2, v33;
	v6 =	vadd.f32 v6, v60;
	v42 =	vmul.f32 v29, v41  }
0x378: {  	v46 =	vmul.f32 v37, v28;
	v9 =	vadd.f32 v9, v50;
	v60 =	vld [tilespmem:$0x1FCD0];
	v4 =	vadd.f32 v39, v4  }
0x379: {  	v1 =	vadd.f32 v57, v1;
	v45 =	vmul.f32 v41, v41;
	v10 =	vadd.f32 v42, v10  }
0x37a: {  	v61 =	vld [tilespmem:$0x1FCE0];
	v6 =	vadd.f32 v55, v6;
	v52 =	vmul.f32 v38, v41;
	v4 =	vadd.f32 v4, v44  }
0x37b: {  	v48 =	vadd.f32 v45, v8;
	v49 =	vadd.f32 v10, v46  }
0x37c: {  	v54 =	vmul.f32 v28, v28;
	v6 =	vadd.f32 v6, v51;
	v2 =	vadd.f32 v52, v2  }
0x37d: {  	v53 =	vmul.f32 v4, v4;
	v1 =	vadd.f32 v1, v60;
	v55 =	vmul.f32 v49, v49;
	v56 =	vpop (erf)  }
0x37e: {  	v4 =	vadd.f32 v4, v4;
	v7 =	vadd.f32 v48, v54;
	v58 =	vpop (erf)  }
0x37f: {  	v2 =	vadd.f32 v2, v61;
	v12 =	vmul.f32 v56, v53;
	v59 =	vmul.f32 v58, v55  }
0x380: {  	v5 =	vadd.f32 v36, v47;
	v8 =	vadd.f32 v49, v49  }
0x381: {  	v9 =	vsub.f32 v9, v12;
	v7 =	vsub.f32 v7, v59  }
0x382: {  	v4 =	vmul.f32 v4, v6;
	v1 =	vadd.f32 v1, v1;
	v2 =	vadd.f32 v2, v2  }
0x383: {  	v5 =	vmul.f32 v8, v5;
	v0 =	vadd.f32 v9, v0;
	v3 =	vadd.f32 v7, v3  }
0x384: {  	v4 =	vmul.f32 v4, v56  }
0x385: {  	v0 =	vadd.f32 v0, v1;
	v63 =	vmul.f32 v5, v58;
	v62 =	vadd.f32 v3, v2;
	_ =	sdelay $0x1  }
0x386: {  	v0 =	vsub.f32 v0, v4;
	v1 =	vsub.f32 v63, v62;
	_ =	sdelay $0x1  }
0x387: {  	v0 =	vadd.f32 v1, v0;
	_ =	sdelay $0x1  }
0x388: {  	v0 =	vadd.f32 $1.000000000e+00, v0;
	_ =	sdelay $0x1  }
0x389: {  	v0 =	vmax.f32 v0, $0.0e+00  }
0x38a: {  	s1 =	sadd.s32 $0x1, s1;
	v0 =	vadd.f32 v0, v34  }
0x38b: {  	p0 =	sne.s32 s1, s20  }
.Ltmp1:
0x38c: {  	[tilespmem:$0x8800] =	vst v0;
	(pc) =	sbr.rel @p0 .LBB2_1-.Ltmp1, $4  }
0x38d: {  	[hbm4b:s19+s2] =	stream.linear.scatter [tilespmem:s31], [sflag:$0x2], $0x10, $0x38;
	[tilespmem:$0x8810] =	vst v63  }
0x38e: {  	_ =	swait.ge [sflag:s21], $0x10  }
0x38f: {  	[sflag:s21] =	ssyncset.done $0x0  }
0x390: {  	[sflag:s21] =	ssyncadd.s32 $0xFFFFFFF0  }
0x391: {  	_ =	sfence.sel $0x180000  }
0x392: {  	[bflag:$0x0] =	sbarrier.arrive $0xFFFF  }
0x393: {  	_ =	strace $0x9000004A  }
0x394: {  	s0 =	stileid.u32;
	[bflag:$0x2] =	sbarrier.arrive $0xFFFF  }
0x395: {  	p0 =	sne.s32 s0, $0x0;
	s0 =	rddreg [dreg:$0x1]  }
0x396: {  	s0 =	sadd.s32 @!p0 $0x100000, s0  }
0x397: {  	[sflag:s0] =	ssyncadd.tile.s32 @!p0 $0x1;
	_ =	shalt  }
.Lfunc_end2:
_tile_overlayer_lowered:
.L_overlay_start_2:
0x398: {  	(tag) =	ssettag $0x2  }
0x399: {  	s0 =	rddreg [dreg:$0x0];
	s2 =	stileid.u32  }
0x39a: {  	s1 =	rddreg [dreg:$0x1];
	p0 =	sne.s32 s2, $0x0  }
0x39b: {  	s3 =	rddreg [dreg:$0x2];
	[bflag:$0x3] =	sbarrier.arrive $0xFFFF;
	s2 =	simm.s32 @!p0 $0x1C02  }
0x39c: {  	[timem:s3], [sflag:s2] =	dma.local @!p0 [hbm:s0], s1  }
0x39d: {  	s0 =	simm.s32 @!p0 $0x2  }
0x39e: {  	_ =	swait.ge @!p0 [sflag:s0], s1  }
0x39f: {  	s1 =	ssub.s32 @!p0 $0x0, s1;
	[sflag:s0] =	ssyncset.done @!p0 $0x0  }
0x3a0: {  	[sflag:s0] =	ssyncadd.s32 @!p0 s1  }
0x3a1: {  	[bflag:$0x3] =	sbarrier.arrive $0xFFFF  }
0x3a2: {  	_ =	shalt  }

</sc_bundles>
